<compile_context>
chip_gen: v7x
topology: tpu7x:2x2x1
jax: 0.10.2.dev20260603
libtpu: 0.0.44.dev20260713+nightly
codegen_flags: <defaults>
</compile_context>

<pallas_src>
import functools

import jax
import jax.numpy as jnp
from jax import lax
from jax.experimental import pallas as pl
from jax.experimental.pallas import tpu as pltpu
from jax.experimental.pallas import tpu_sc as plsc

NITEMS = 100000
NHOP = 3
DIM = 64
BATCH = 4096
NNEG = 32
ROWW = NHOP * DIM
PADW = 256
DECAY = 1e-4

NC = 2
NS = 16
NW = NC * NS
RPW = BATCH // NW
CH = 2
NCH = RPW // CH
CHN = CH * NNEG
NQ = DIM // 16

_mesh = plsc.VectorSubcoreMesh(core_axis_name="c", subcore_axis_name="s")


def _padT_body(in_ref, out_ref):
    out_ref[:, 0:ROWW] = in_ref[...].T


_padT = pl.pallas_call(
    _padT_body,
    grid=(13,),
    in_specs=[pl.BlockSpec((ROWW, 8192), lambda i: (0, i))],
    out_specs=pl.BlockSpec((8192, PADW), lambda i: (i, 0)),
    out_shape=jax.ShapeDtypeStruct((NITEMS, PADW), jnp.float32),
)


@functools.partial(
    pl.kernel,
    out_type=[
        jax.ShapeDtypeStruct((BATCH,), jnp.float32),
        jax.ShapeDtypeStruct((BATCH,), jnp.float32),
        jax.ShapeDtypeStruct((BATCH,), jnp.float32),
    ],
    mesh=_mesh,
    compiler_params=pltpu.CompilerParams(needs_layout_passes=False,
                                         use_tc_tiling_on_sc=True),
    scratch_types=[
        pltpu.VMEM((RPW,), jnp.int32),
        pltpu.VMEM((NCH, CHN), jnp.int32),
        pltpu.VMEM((RPW + 16,), jnp.float32),
        pltpu.VMEM((RPW, PADW), jnp.float32),
        pltpu.VMEM((RPW, PADW), jnp.float32),
        pltpu.VMEM((2 * CHN, PADW), jnp.float32),
        pltpu.VMEM((RPW,), jnp.float32),
        pltpu.VMEM((RPW,), jnp.float32),
        pltpu.VMEM((RPW,), jnp.float32),
        pltpu.SemaphoreType.DMA,
        pltpu.SemaphoreType.DMA,
        pltpu.SemaphoreType.DMA,
        pltpu.SemaphoreType.DMA,
    ],
)
def _sc_main(itp_hbm, s_hbm, seeds_hbm, pos_hbm, negs_hbm,
             pos_out, neg_out, reg_out,
             pos_v, negs_v, seeds_v, u_rows, p_rows, nbuf,
             outp_v, outn_v, outr_v, sem_u, sem_p, sem_n0, sem_n1):
    wid = lax.axis_index("s") * NC + lax.axis_index("c")
    base = wid * RPW
    lane = lax.iota(jnp.int32, 16)
    third = jnp.float32(1.0 / 3.0)

    pltpu.sync_copy(pos_hbm.at[pl.ds(base, RPW)], pos_v)
    pltpu.sync_copy(negs_hbm.at[pl.ds(wid * NCH, NCH)], negs_v)
    pltpu.sync_copy(seeds_hbm.at[pl.ds(base, RPW)], seeds_v.at[pl.ds(0, RPW)])

    cp_u = pltpu.async_copy(s_hbm.at[pl.ds(base, RPW)], u_rows, sem_u)
    cp_p = pltpu.async_copy(itp_hbm.at[pos_v], p_rows, sem_p)
    pltpu.async_copy(itp_hbm.at[negs_v.at[0]],
                     nbuf.at[pl.ds(0, CHN)], sem_n0)
    cp_u.wait()
    cp_p.wait()

    def hsum(vs):
        acc = vs[0]
        for v in vs[1:]:
            acc = acc + v
        return jnp.sum(acc)

    def row_body(r, carry):
        accp, accn, accr = carry
        g = r // CH
        i = r % CH

        @pl.when((i == 0) & (g + 1 < NCH) & (g % 2 == 0))
        def _():
            pltpu.async_copy(itp_hbm.at[negs_v.at[g + 1]],
                             nbuf.at[pl.ds(CHN, CHN)], sem_n1)

        @pl.when((i == 0) & (g + 1 < NCH) & (g % 2 == 1))
        def _():
            pltpu.async_copy(itp_hbm.at[negs_v.at[g + 1]],
                             nbuf.at[pl.ds(0, CHN)], sem_n0)

        @pl.when((i == 0) & (g % 2 == 0))
        def _():
            pltpu.make_async_copy(itp_hbm.at[negs_v.at[g]],
                                  nbuf.at[pl.ds(0, CHN)], sem_n0).wait()

        @pl.when((i == 0) & (g % 2 == 1))
        def _():
            pltpu.make_async_copy(itp_hbm.at[negs_v.at[g]],
                                  nbuf.at[pl.ds(CHN, CHN)], sem_n1).wait()

        s = [[u_rows[r, pl.ds(h * DIM + q * 16, 16)] for q in range(NQ)]
             for h in range(NHOP)]
        p = [[p_rows[r, pl.ds(h * DIM + q * 16, 16)] for q in range(NQ)]
             for h in range(NHOP)]
        seed = seeds_v[pl.ds(r, 16)][0]
        om = jnp.float32(1.0) - seed

        u_q = [(s[0][q] + s[1][q] + s[2][q]) * third for q in range(NQ)]
        pe_q = [(p[0][q] + p[1][q] + p[2][q]) * third for q in range(NQ)]
        pos_sc = hsum([u_q[q] * pe_q[q] for q in range(NQ)])
        reg_u = hsum([u_q[q] * u_q[q] for q in range(NQ)])
        reg_p = hsum([pe_q[q] * pe_q[q] for q in range(NQ)])
        sp = [hsum([s[h][q] * p[h][q] for q in range(NQ)]) for h in range(NHOP)]

        nbase = (g % 2) * CHN + i * NNEG
        best_s = [jnp.float32(-jnp.inf)] * NHOP
        best_j = [jnp.int32(0)] * NHOP
        for j in range(NNEG):
            for h in range(NHOP):
                nv = [nbuf[nbase + j, pl.ds(h * DIM + q * 16, 16)]
                      for q in range(NQ)]
                sn = hsum([s[h][q] * nv[q] for q in range(NQ)])
                sc = seed * sp[h] + om * sn
                upd = sc > best_s[h]
                best_s[h] = jnp.where(upd, sc, best_s[h])
                best_j[h] = jnp.where(upd, jnp.int32(j), best_j[h])

        ne_q = []
        for q in range(NQ):
            acc = None
            for h in range(NHOP):
                nb = nbuf[nbase + best_j[h], pl.ds(h * DIM + q * 16, 16)]
                ch = seed * p[h][q] + om * nb
                acc = ch if acc is None else acc + ch
            ne_q.append(acc * third)
        neg_sc = hsum([u_q[q] * ne_q[q] for q in range(NQ)])
        reg_n = hsum([ne_q[q] * ne_q[q] for q in range(NQ)])

        sel = lane == (r % 16)
        accp = jnp.where(sel, pos_sc, accp)
        accn = jnp.where(sel, neg_sc, accn)
        accr = jnp.where(sel, reg_u + reg_p + reg_n, accr)

        @pl.when(r % 16 == 15)
        def _():
            outp_v[pl.ds(r - 15, 16)] = accp
            outn_v[pl.ds(r - 15, 16)] = accn
            outr_v[pl.ds(r - 15, 16)] = accr

        return (accp, accn, accr)

    zeros = jnp.zeros((16,), jnp.float32)
    lax.fori_loop(0, RPW, row_body, (zeros, zeros, zeros))

    pltpu.sync_copy(outp_v, pos_out.at[pl.ds(base, RPW)])
    pltpu.sync_copy(outn_v, neg_out.at[pl.ds(base, RPW)])
    pltpu.sync_copy(outr_v, reg_out.at[pl.ds(base, RPW)])


def _finish_body(pos_ref, neg_ref, reg_ref, out_ref):
    d = neg_ref[...] - pos_ref[...]
    mf = jnp.mean(jnp.log(1.0 + jnp.exp(d)))
    regularize = jnp.sum(reg_ref[...]) / 2.0
    emb = DECAY * regularize / BATCH
    out_ref[0] = mf + emb
    out_ref[1] = mf
    out_ref[2] = emb


_finish = pl.pallas_call(
    _finish_body,
    out_shape=jax.ShapeDtypeStruct((3,), jnp.float32),
    out_specs=pl.BlockSpec(memory_space=pltpu.SMEM),
)


def kernel(user_gcn_emb, item_gcn_emb, seed_embed, users, pos_items, neg_items):
    itp = _padT(item_gcn_emb.reshape(NITEMS, ROWW).T)
    s_pre = jnp.take(user_gcn_emb, users, axis=0).reshape(BATCH, ROWW)
    s_pad = jnp.pad(s_pre, ((0, 0), (0, PADW - ROWW)))
    seeds = seed_embed.reshape(BATCH)
    negs2 = neg_items.reshape(BATCH * NNEG // CHN, CHN)
    pos_s, neg_s, reg = _sc_main(itp, s_pad, seeds, pos_items, negs2)
    out = _finish(pos_s.reshape(NW, RPW), neg_s.reshape(NW, RPW),
                  reg.reshape(NW, RPW))
    return (out[0], out[1], out[2])

# --- scband reference (transcript-rebuilt; emitter-appended) ---
"""Pipeline reference for scband-mix-gcf-39470749450557 (READ-ONLY COPY).

The authoritative reference and input builder live on the scoring server;
editing this copy changes nothing except your own understanding.
"""

import jax, jax.numpy as jnp
import numpy as np

N_USERS = 100000
N_ITEMS = 100000
N_HOPS_P1 = 3
DIM = 64
B = 4096
N_NEGS = 32
K = 1
DECAY = 1e-4


def setup_inputs(seed: int = 0):
    key = jax.random.key(seed)
    k0, k1, k2, k3, k4, k5 = jax.random.split(key, 6)
    return {
        "user_gcn_emb": jax.random.normal(k0, (N_USERS, N_HOPS_P1, DIM), dtype=jnp.float32) * 0.1,
        "item_gcn_emb": jax.random.normal(k1, (N_ITEMS, N_HOPS_P1, DIM), dtype=jnp.float32) * 0.1,
        "seed_embed": jax.random.normal(k2, (B, 1), dtype=jnp.float32),
        "users": jax.random.randint(k3, (B,), 0, N_USERS, dtype=jnp.int32),
        "pos_items": jax.random.randint(k4, (B,), 0, N_ITEMS, dtype=jnp.int32),
        "neg_items": jax.random.randint(k5, (B, K * N_NEGS), 0, N_ITEMS, dtype=jnp.int32),
    }


def _negative_sampling(user_gcn_emb, item_gcn_emb, seed_embed, users, pos_items, neg_cand):
    # positive mixing + hop mixing (MixGCF)
    s_e = jnp.take(user_gcn_emb, users, axis=0)          # [B, H, C]
    p_e = jnp.take(item_gcn_emb, pos_items, axis=0)      # [B, H, C]
    seed = seed_embed[:, :, None, None]                   # [B, 1, 1, 1]
    n_e = jnp.take(item_gcn_emb, neg_cand, axis=0)        # [B, n_negs, H, C]
    n_e_ = seed * p_e[:, None, :, :] + (1.0 - seed) * n_e # [B, n_negs, H, C]
    scores = jnp.sum(s_e[:, None, :, :] * n_e_, axis=-1)  # [B, n_negs, H]
    indices = jax.lax.stop_gradient(jnp.argmax(scores, axis=1))  # [B, H] (detached)
    neg_perm = jnp.transpose(n_e_, (0, 2, 1, 3))           # [B, H, n_negs, C]
    chosen = jnp.take_along_axis(neg_perm, indices[:, :, None, None], axis=2)
    return jnp.squeeze(chosen, axis=2)                     # [B, H, C]


def reference(user_gcn_emb, item_gcn_emb, seed_embed, users, pos_items, neg_items):
    negs = []
    for k in range(K):
        negs.append(_negative_sampling(user_gcn_emb, item_gcn_emb, seed_embed,
                                       users, pos_items,
                                       neg_items[:, k * N_NEGS:(k + 1) * N_NEGS]))
    neg_gcn_embs = jnp.stack(negs, axis=1)                 # [B, K, H, C]

    u_all = jnp.take(user_gcn_emb, users, axis=0)          # [B, H, C]
    p_all = jnp.take(item_gcn_emb, pos_items, axis=0)      # [B, H, C]

    u_e = jnp.mean(u_all, axis=1)                          # [B, C] (mean pooling over hops)
    pos_e = jnp.mean(p_all, axis=1)                        # [B, C]
    neg_e = jnp.mean(neg_gcn_embs, axis=2)                 # [B, K, C]

    pos_scores = jnp.sum(u_e * pos_e, axis=1)              # [B]
    neg_scores = jnp.sum(u_e[:, None, :] * neg_e, axis=-1) # [B, K]

    mf_loss = jnp.mean(jnp.log(1.0 + jnp.sum(jnp.exp(neg_scores - pos_scores[:, None]), axis=1)))
    regularize = (jnp.sum(u_e ** 2) + jnp.sum(pos_e ** 2) + jnp.sum(neg_e ** 2)) / 2.0
    emb_loss = DECAY * regularize / B
    return (mf_loss + emb_loss, mf_loss, emb_loss)

if __name__ == "__main__":
    import jax
    _d = setup_inputs()
    print(jax.jit(kernel)(*tuple(_d.values())))

</pallas_src>

<mosaic_0001>
#map = affine_map<(d0, d1) -> (0, 0)>
#map1 = affine_map<(d0, d1) -> (0)>
module attributes {stable_mosaic.version = 14 : i64} {
  func.func @_sc_main(%arg0: i32, %arg1: i32, %arg2: memref<100000x256xf32, #tpu.memory_space<hbm>>, %arg3: memref<4096x256xf32, #tpu.memory_space<hbm>>, %arg4: memref<4096xf32, #tpu.memory_space<hbm>>, %arg5: memref<4096xi32, #tpu.memory_space<hbm>>, %arg6: memref<2048x64xi32, #tpu.memory_space<hbm>>, %arg7: memref<4096xf32, #tpu.memory_space<hbm>>, %arg8: memref<4096xf32, #tpu.memory_space<hbm>>, %arg9: memref<4096xf32, #tpu.memory_space<hbm>>, %arg10: memref<128xi32, #tpu.memory_space<vmem>>, %arg11: memref<64x64xi32, #tpu.memory_space<vmem>>, %arg12: memref<144xf32, #tpu.memory_space<vmem>>, %arg13: memref<128x256xf32, #tpu.memory_space<vmem>>, %arg14: memref<128x256xf32, #tpu.memory_space<vmem>>, %arg15: memref<128x256xf32, #tpu.memory_space<vmem>>, %arg16: memref<128xf32, #tpu.memory_space<vmem>>, %arg17: memref<128xf32, #tpu.memory_space<vmem>>, %arg18: memref<128xf32, #tpu.memory_space<vmem>>, %arg19: memref<!tpu.dma_semaphore, #tpu.memory_space<semaphore_mem>>, %arg20: memref<!tpu.dma_semaphore, #tpu.memory_space<semaphore_mem>>, %arg21: memref<!tpu.dma_semaphore, #tpu.memory_space<semaphore_mem>>, %arg22: memref<!tpu.dma_semaphore, #tpu.memory_space<semaphore_mem>>) attributes {dimension_semantics = [#tpu.dimension_semantics<core_parallel>, #tpu.dimension_semantics<subcore_parallel>], iteration_bounds = array<i64: 2, 16>, scalar_prefetch = 0 : i64, scratch_operands = 13 : i64, tpu.core_type = #tpu.core_type<sc_vector_subcore>, window_params = [{transform_indices = #map}, {transform_indices = #map}, {transform_indices = #map1}, {transform_indices = #map1}, {transform_indices = #map}, {transform_indices = #map1}, {transform_indices = #map1}, {transform_indices = #map1}]} {
    %mul3A = arith.constant 2 : i32
    %mul3A_0 = arith.muli %arg1, %mul3A : i32
    %add3A = arith.addi %mul3A_0, %arg0 : i32
    %mul3A_1 = arith.constant 128 : i32
    %mul3A_2 = arith.muli %add3A, %mul3A_1 : i32
    %iota3A = tpu.iota {dimensions = array<i32: 0>} : vector<16xi32>
    "tpu.region"() ({
      %run_scoped3A = tpu.sem_alloc : memref<!tpu.dma_semaphore, #tpu.memory_space<semaphore_mem>>
      %dma_start3A_34 = tpu.memref_slice %arg5[%mul3A_2] : memref<4096xi32, #tpu.memory_space<hbm>> -> memref<128xi32, #tpu.memory_space<hbm>>
      %dma_start3A_35 = tpu.memref_slice %arg5[%mul3A_2] : memref<4096xi32, #tpu.memory_space<hbm>> -> memref<128xi32, #tpu.memory_space<hbm>>
      tpu.enqueue_dma source(%dma_start3A_35 : memref<128xi32, #tpu.memory_space<hbm>>) target(%arg10 : memref<128xi32, #tpu.memory_space<vmem>>) target_semaphore(%run_scoped3A : memref<!tpu.dma_semaphore, #tpu.memory_space<semaphore_mem>>)
      %dma_wait3A_36 = tpu.memref_slice %arg5[%mul3A_2] : memref<4096xi32, #tpu.memory_space<hbm>> -> memref<128xi32, #tpu.memory_space<hbm>>
      %dma_wait3A_37 = tpu.memref_slice %arg5[%mul3A_2] : memref<4096xi32, #tpu.memory_space<hbm>> -> memref<128xi32, #tpu.memory_space<hbm>>
      tpu.wait_dma2 semaphore(%run_scoped3A : memref<!tpu.dma_semaphore, #tpu.memory_space<semaphore_mem>>) src(%dma_wait3A_37 : memref<128xi32, #tpu.memory_space<hbm>>) dst(%arg10 : memref<128xi32, #tpu.memory_space<vmem>>)
      tpu.yield
    }) : () -> ()
    %mul3A_3 = arith.constant 64 : i32
    %mul3A_4 = arith.muli %add3A, %mul3A_3 : i32
    "tpu.region"() ({
      %run_scoped3A = tpu.sem_alloc : memref<!tpu.dma_semaphore, #tpu.memory_space<semaphore_mem>>
      %dma_start3A_34 = arith.constant 0 : i32
      %dma_start3A_35 = tpu.memref_slice %arg6[%mul3A_4, %dma_start3A_34] : memref<2048x64xi32, #tpu.memory_space<hbm>> -> memref<64x64xi32, #tpu.memory_space<hbm>>
      %dma_start3A_36 = arith.constant 0 : i32
      %dma_start3A_37 = tpu.memref_slice %arg6[%mul3A_4, %dma_start3A_36] : memref<2048x64xi32, #tpu.memory_space<hbm>> -> memref<64x64xi32, #tpu.memory_space<hbm>>
      tpu.enqueue_dma source(%dma_start3A_37 : memref<64x64xi32, #tpu.memory_space<hbm>>) target(%arg11 : memref<64x64xi32, #tpu.memory_space<vmem>>) target_semaphore(%run_scoped3A : memref<!tpu.dma_semaphore, #tpu.memory_space<semaphore_mem>>)
      %dma_wait3A_38 = arith.constant 0 : i32
      %dma_wait3A_39 = tpu.memref_slice %arg6[%mul3A_4, %dma_wait3A_38] : memref<2048x64xi32, #tpu.memory_space<hbm>> -> memref<64x64xi32, #tpu.memory_space<hbm>>
      %dma_wait3A_40 = arith.constant 0 : i32
      %dma_wait3A_41 = tpu.memref_slice %arg6[%mul3A_4, %dma_wait3A_40] : memref<2048x64xi32, #tpu.memory_space<hbm>> -> memref<64x64xi32, #tpu.memory_space<hbm>>
      tpu.wait_dma2 semaphore(%run_scoped3A : memref<!tpu.dma_semaphore, #tpu.memory_space<semaphore_mem>>) src(%dma_wait3A_41 : memref<64x64xi32, #tpu.memory_space<hbm>>) dst(%arg11 : memref<64x64xi32, #tpu.memory_space<vmem>>)
      tpu.yield
    }) : () -> ()
    "tpu.region"() ({
      %run_scoped3A = tpu.sem_alloc : memref<!tpu.dma_semaphore, #tpu.memory_space<semaphore_mem>>
      %dma_start3A_34 = arith.constant 0 : i32
      %dma_start3A_35 = tpu.memref_slice %arg12[%dma_start3A_34] : memref<144xf32, #tpu.memory_space<vmem>> -> memref<128xf32, #tpu.memory_space<vmem>>
      %dma_start3A_36 = tpu.memref_slice %arg4[%mul3A_2] : memref<4096xf32, #tpu.memory_space<hbm>> -> memref<128xf32, #tpu.memory_space<hbm>>
      %dma_start3A_37 = arith.constant 0 : i32
      %dma_start3A_38 = tpu.memref_slice %arg12[%dma_start3A_37] : memref<144xf32, #tpu.memory_space<vmem>> -> memref<128xf32, #tpu.memory_space<vmem>>
      %dma_start3A_39 = tpu.memref_slice %arg4[%mul3A_2] : memref<4096xf32, #tpu.memory_space<hbm>> -> memref<128xf32, #tpu.memory_space<hbm>>
      tpu.enqueue_dma source(%dma_start3A_39 : memref<128xf32, #tpu.memory_space<hbm>>) target(%dma_start3A_38 : memref<128xf32, #tpu.memory_space<vmem>>) target_semaphore(%run_scoped3A : memref<!tpu.dma_semaphore, #tpu.memory_space<semaphore_mem>>)
      %dma_wait3A_40 = arith.constant 0 : i32
      %dma_wait3A_41 = tpu.memref_slice %arg12[%dma_wait3A_40] : memref<144xf32, #tpu.memory_space<vmem>> -> memref<128xf32, #tpu.memory_space<vmem>>
      %dma_wait3A_42 = tpu.memref_slice %arg4[%mul3A_2] : memref<4096xf32, #tpu.memory_space<hbm>> -> memref<128xf32, #tpu.memory_space<hbm>>
      %dma_wait3A_43 = arith.constant 0 : i32
      %dma_wait3A_44 = tpu.memref_slice %arg12[%dma_wait3A_43] : memref<144xf32, #tpu.memory_space<vmem>> -> memref<128xf32, #tpu.memory_space<vmem>>
      %dma_wait3A_45 = tpu.memref_slice %arg4[%mul3A_2] : memref<4096xf32, #tpu.memory_space<hbm>> -> memref<128xf32, #tpu.memory_space<hbm>>
      tpu.wait_dma2 semaphore(%run_scoped3A : memref<!tpu.dma_semaphore, #tpu.memory_space<semaphore_mem>>) src(%dma_wait3A_45 : memref<128xf32, #tpu.memory_space<hbm>>) dst(%dma_wait3A_44 : memref<128xf32, #tpu.memory_space<vmem>>)
      tpu.yield
    }) : () -> ()
    %dma_start3A = arith.constant 0 : i32
    %dma_start3A_5 = tpu.memref_slice %arg3[%mul3A_2, %dma_start3A] : memref<4096x256xf32, #tpu.memory_space<hbm>> -> memref<128x256xf32, #tpu.memory_space<hbm>>
    %dma_start3A_6 = arith.constant 0 : i32
    %dma_start3A_7 = tpu.memref_slice %arg3[%mul3A_2, %dma_start3A_6] : memref<4096x256xf32, #tpu.memory_space<hbm>> -> memref<128x256xf32, #tpu.memory_space<hbm>>
    tpu.enqueue_dma source(%dma_start3A_7 : memref<128x256xf32, #tpu.memory_space<hbm>>) target(%arg13 : memref<128x256xf32, #tpu.memory_space<vmem>>) target_semaphore(%arg19 : memref<!tpu.dma_semaphore, #tpu.memory_space<semaphore_mem>>)
    %dma_start3A_8 = arith.constant 0 : i32
    %dma_start3A_9 = arith.constant 0 : i32
    %dma_start3A_10 = tpu.memref_slice %arg2[%dma_start3A_8, %dma_start3A_9] : memref<100000x256xf32, #tpu.memory_space<hbm>> -> memref<100000x256xf32, #tpu.memory_space<hbm>>
    tpu.enqueue_indirect_dma source(%dma_start3A_10 : memref<100000x256xf32, #tpu.memory_space<hbm>>) target(%arg14 : memref<128x256xf32, #tpu.memory_space<vmem>>) offsets(%arg10 : memref<128xi32, #tpu.memory_space<vmem>>) semaphore(%arg20 : memref<!tpu.dma_semaphore, #tpu.memory_space<semaphore_mem>>)
    %dma_start3A_11 = arith.constant 0 : i32
    %dma_start3A_12 = arith.constant 0 : i32
    %dma_start3A_13 = arith.constant 0 : i32
    %dma_start3A_14 = tpu.memref_slice %arg15[%dma_start3A_12, %dma_start3A_13] : memref<128x256xf32, #tpu.memory_space<vmem>> -> memref<64x256xf32, #tpu.memory_space<vmem>>
    %dma_start3A_15 = arith.constant 0 : i32
    %dma_start3A_16 = tpu.memref_slice %arg11[%dma_start3A_11, %dma_start3A_15] : memref<64x64xi32, #tpu.memory_space<vmem>> -> memref<1x64xi32, #tpu.memory_space<vmem>>
    %dma_start3A_17 = tpu.memref_squeeze %dma_start3A_16 : memref<1x64xi32, #tpu.memory_space<vmem>> -> memref<64xi32, #tpu.memory_space<vmem>>
    %dma_start3A_18 = arith.constant 0 : i32
    %dma_start3A_19 = arith.constant 0 : i32
    %dma_start3A_20 = tpu.memref_slice %arg2[%dma_start3A_18, %dma_start3A_19] : memref<100000x256xf32, #tpu.memory_space<hbm>> -> memref<100000x256xf32, #tpu.memory_space<hbm>>
    tpu.enqueue_indirect_dma source(%dma_start3A_20 : memref<100000x256xf32, #tpu.memory_space<hbm>>) target(%dma_start3A_14 : memref<64x256xf32, #tpu.memory_space<vmem>>) offsets(%dma_start3A_17 : memref<64xi32, #tpu.memory_space<vmem>>) semaphore(%arg21 : memref<!tpu.dma_semaphore, #tpu.memory_space<semaphore_mem>>)
    %dma_wait3A = arith.constant 0 : i32
    %dma_wait3A_21 = tpu.memref_slice %arg3[%mul3A_2, %dma_wait3A] : memref<4096x256xf32, #tpu.memory_space<hbm>> -> memref<128x256xf32, #tpu.memory_space<hbm>>
    %dma_wait3A_22 = arith.constant 0 : i32
    %dma_wait3A_23 = tpu.memref_slice %arg3[%mul3A_2, %dma_wait3A_22] : memref<4096x256xf32, #tpu.memory_space<hbm>> -> memref<128x256xf32, #tpu.memory_space<hbm>>
    tpu.wait_dma2 semaphore(%arg19 : memref<!tpu.dma_semaphore, #tpu.memory_space<semaphore_mem>>) src(%dma_wait3A_23 : memref<128x256xf32, #tpu.memory_space<hbm>>) dst(%arg13 : memref<128x256xf32, #tpu.memory_space<vmem>>)
    %dma_wait3A_24 = arith.constant 0 : i32
    %dma_wait3A_25 = arith.constant 0 : i32
    %dma_wait3A_26 = tpu.memref_slice %arg2[%dma_wait3A_24, %dma_wait3A_25] : memref<100000x256xf32, #tpu.memory_space<hbm>> -> memref<100000x256xf32, #tpu.memory_space<hbm>>
    tpu.wait_indirect_dma semaphore(%arg20 : memref<!tpu.dma_semaphore, #tpu.memory_space<semaphore_mem>>) src(%dma_wait3A_26 : memref<100000x256xf32, #tpu.memory_space<hbm>>) dst(%arg14 : memref<128x256xf32, #tpu.memory_space<vmem>>)
    %broadcast_in_dim3A = arith.constant 0.000000e+00 : f32
    %broadcast_in_dim3A_27 = vector.broadcast %broadcast_in_dim3A : f32 to vector<16xf32>
    %scan3A = arith.constant 0.333333343 : f32
    %scan3A_28 = arith.constant 0 : i32
    %scan3A_29 = arith.constant 128 : i32
    %scan3A_30 = arith.addi %scan3A_28, %scan3A_29 : i32
    %scan3A_31 = arith.constant 1 : i32
    %scan3A_32:3 = scf.for %scan3A_34 = %scan3A_28 to %scan3A_30 step %scan3A_31 iter_args(%scan3A_35 = %broadcast_in_dim3A_27, %scan3A_36 = %broadcast_in_dim3A_27, %scan3A_37 = %broadcast_in_dim3A_27) -> (vector<16xf32>, vector<16xf32>, vector<16xf32>)  : i32 {
      %jit3A = arith.constant 2 : i32
      %div3A = arith.divsi %scan3A_34, %jit3A : i32
      %sign3A = arith.constant 0 : i32
      %sign3A_38 = arith.cmpi sgt, %scan3A_34, %sign3A : i32
      %sign3A_39 = arith.extui %sign3A_38 : i1 to i32
      %sign3A_40 = arith.constant 0 : i32
      %sign3A_41 = arith.cmpi slt, %scan3A_34, %sign3A_40 : i32
      %sign3A_42 = arith.extui %sign3A_41 : i1 to i32
      %sign3A_43 = arith.subi %sign3A_39, %sign3A_42 : i32
      %sign3A_44 = arith.constant 0 : i32
      %sign3A_45 = arith.cmpi sgt, %jit3A, %sign3A_44 : i32
      %sign3A_46 = arith.extui %sign3A_45 : i1 to i32
      %sign3A_47 = arith.constant 0 : i32
      %sign3A_48 = arith.cmpi slt, %jit3A, %sign3A_47 : i32
      %sign3A_49 = arith.extui %sign3A_48 : i1 to i32
      %sign3A_50 = arith.subi %sign3A_46, %sign3A_49 : i32
      %ne3A = arith.cmpi ne, %sign3A_43, %sign3A_50 : i32
      %rem3A = arith.remsi %scan3A_34, %jit3A : i32
      %ne3A_51 = arith.constant 0 : i32
      %ne3A_52 = arith.cmpi ne, %rem3A, %ne3A_51 : i32
      %and3A = arith.andi %ne3A, %ne3A_52 : i1
      %sub3A = arith.constant 1 : i32
      %sub3A_53 = arith.subi %div3A, %sub3A : i32
      %select_n3A = arith.select %and3A, %sub3A_53, %div3A : i32
      %jit3A_54 = arith.constant 2 : i32
      %eq3A = arith.constant 0 : i32
      %eq3A_55 = arith.cmpi eq, %jit3A_54, %eq3A : i32
      %jit3A_56 = arith.constant 1 : i32
      %select_n3A_57 = arith.select %eq3A_55, %jit3A_56, %jit3A_54 : i32
      %rem3A_58 = arith.remsi %scan3A_34, %select_n3A_57 : i32
      %ne3A_59 = arith.constant 0 : i32
      %ne3A_60 = arith.cmpi ne, %rem3A_58, %ne3A_59 : i32
      %lt3A = arith.constant 0 : i32
      %lt3A_61 = arith.cmpi slt, %rem3A_58, %lt3A : i32
      %lt3A_62 = arith.constant 0 : i32
      %lt3A_63 = arith.cmpi slt, %select_n3A_57, %lt3A_62 : i32
      %ne3A_64 = arith.xori %lt3A_61, %lt3A_63 : i1
      %and3A_65 = arith.andi %ne3A_64, %ne3A_60 : i1
      %add3A_66 = arith.addi %rem3A_58, %select_n3A_57 : i32
      %select_n3A_67 = arith.select %and3A_65, %add3A_66, %rem3A_58 : i32
      %eq3A_68 = arith.constant 0 : i32
      %eq3A_69 = arith.cmpi eq, %select_n3A_67, %eq3A_68 : i32
      %add3A_70 = arith.constant 1 : i32
      %add3A_71 = arith.addi %select_n3A, %add3A_70 : i32
      %lt3A_72 = arith.constant 64 : i32
      %lt3A_73 = arith.cmpi slt, %add3A_71, %lt3A_72 : i32
      %and3A_74 = arith.andi %eq3A_69, %lt3A_73 : i1
      %jit3A_75 = arith.constant 2 : i32
      %eq3A_76 = arith.constant 0 : i32
      %eq3A_77 = arith.cmpi eq, %jit3A_75, %eq3A_76 : i32
      %jit3A_78 = arith.constant 1 : i32
      %select_n3A_79 = arith.select %eq3A_77, %jit3A_78, %jit3A_75 : i32
      %rem3A_80 = arith.remsi %select_n3A, %select_n3A_79 : i32
      %ne3A_81 = arith.constant 0 : i32
      %ne3A_82 = arith.cmpi ne, %rem3A_80, %ne3A_81 : i32
      %lt3A_83 = arith.constant 0 : i32
      %lt3A_84 = arith.cmpi slt, %rem3A_80, %lt3A_83 : i32
      %lt3A_85 = arith.constant 0 : i32
      %lt3A_86 = arith.cmpi slt, %select_n3A_79, %lt3A_85 : i32
      %ne3A_87 = arith.xori %lt3A_84, %lt3A_86 : i1
      %and3A_88 = arith.andi %ne3A_87, %ne3A_82 : i1
      %add3A_89 = arith.addi %rem3A_80, %select_n3A_79 : i32
      %select_n3A_90 = arith.select %and3A_88, %add3A_89, %rem3A_80 : i32
      %eq3A_91 = arith.constant 0 : i32
      %eq3A_92 = arith.cmpi eq, %select_n3A_90, %eq3A_91 : i32
      %and3A_93 = arith.andi %and3A_74, %eq3A_92 : i1
      %convert_element_type3A = arith.extui %and3A_93 : i1 to i32
      %cond3A = arith.constant 0 : i32
      %cond3A_94 = arith.cmpi ne, %convert_element_type3A, %cond3A : i32
      scf.if %cond3A_94 {
        %add3A_4214 = arith.constant 1 : i32
        %add3A_4215 = arith.addi %select_n3A, %add3A_4214 : i32
        %dma_start3A_4216 = arith.constant 64 : i32
        %dma_start3A_4217 = arith.constant 0 : i32
        %dma_start3A_4218 = tpu.memref_slice %arg15[%dma_start3A_4216, %dma_start3A_4217] : memref<128x256xf32, #tpu.memory_space<vmem>> -> memref<64x256xf32, #tpu.memory_space<vmem>>
        %dma_start3A_4219 = arith.constant 0 : i32
        %dma_start3A_4220 = tpu.memref_slice %arg11[%add3A_4215, %dma_start3A_4219] : memref<64x64xi32, #tpu.memory_space<vmem>> -> memref<1x64xi32, #tpu.memory_space<vmem>>
        %dma_start3A_4221 = tpu.memref_squeeze %dma_start3A_4220 : memref<1x64xi32, #tpu.memory_space<vmem>> -> memref<64xi32, #tpu.memory_space<vmem>>
        %dma_start3A_4222 = arith.constant 0 : i32
        %dma_start3A_4223 = arith.constant 0 : i32
        %dma_start3A_4224 = tpu.memref_slice %arg2[%dma_start3A_4222, %dma_start3A_4223] : memref<100000x256xf32, #tpu.memory_space<hbm>> -> memref<100000x256xf32, #tpu.memory_space<hbm>>
        tpu.enqueue_indirect_dma source(%dma_start3A_4224 : memref<100000x256xf32, #tpu.memory_space<hbm>>) target(%dma_start3A_4218 : memref<64x256xf32, #tpu.memory_space<vmem>>) offsets(%dma_start3A_4221 : memref<64xi32, #tpu.memory_space<vmem>>) semaphore(%arg22 : memref<!tpu.dma_semaphore, #tpu.memory_space<semaphore_mem>>)
      } else {
      }
      %eq3A_95 = arith.constant 0 : i32
      %eq3A_96 = arith.cmpi eq, %select_n3A_67, %eq3A_95 : i32
      %add3A_97 = arith.constant 1 : i32
      %add3A_98 = arith.addi %select_n3A, %add3A_97 : i32
      %lt3A_99 = arith.constant 64 : i32
      %lt3A_100 = arith.cmpi slt, %add3A_98, %lt3A_99 : i32
      %and3A_101 = arith.andi %eq3A_96, %lt3A_100 : i1
      %jit3A_102 = arith.constant 2 : i32
      %eq3A_103 = arith.constant 0 : i32
      %eq3A_104 = arith.cmpi eq, %jit3A_102, %eq3A_103 : i32
      %jit3A_105 = arith.constant 1 : i32
      %select_n3A_106 = arith.select %eq3A_104, %jit3A_105, %jit3A_102 : i32
      %rem3A_107 = arith.remsi %select_n3A, %select_n3A_106 : i32
      %ne3A_108 = arith.constant 0 : i32
      %ne3A_109 = arith.cmpi ne, %rem3A_107, %ne3A_108 : i32
      %lt3A_110 = arith.constant 0 : i32
      %lt3A_111 = arith.cmpi slt, %rem3A_107, %lt3A_110 : i32
      %lt3A_112 = arith.constant 0 : i32
      %lt3A_113 = arith.cmpi slt, %select_n3A_106, %lt3A_112 : i32
      %ne3A_114 = arith.xori %lt3A_111, %lt3A_113 : i1
      %and3A_115 = arith.andi %ne3A_114, %ne3A_109 : i1
      %add3A_116 = arith.addi %rem3A_107, %select_n3A_106 : i32
      %select_n3A_117 = arith.select %and3A_115, %add3A_116, %rem3A_107 : i32
      %eq3A_118 = arith.constant 1 : i32
      %eq3A_119 = arith.cmpi eq, %select_n3A_117, %eq3A_118 : i32
      %and3A_120 = arith.andi %and3A_101, %eq3A_119 : i1
      %convert_element_type3A_121 = arith.extui %and3A_120 : i1 to i32
      %cond3A_122 = arith.constant 0 : i32
      %cond3A_123 = arith.cmpi ne, %convert_element_type3A_121, %cond3A_122 : i32
      scf.if %cond3A_123 {
        %add3A_4214 = arith.constant 1 : i32
        %add3A_4215 = arith.addi %select_n3A, %add3A_4214 : i32
        %dma_start3A_4216 = arith.constant 0 : i32
        %dma_start3A_4217 = arith.constant 0 : i32
        %dma_start3A_4218 = tpu.memref_slice %arg15[%dma_start3A_4216, %dma_start3A_4217] : memref<128x256xf32, #tpu.memory_space<vmem>> -> memref<64x256xf32, #tpu.memory_space<vmem>>
        %dma_start3A_4219 = arith.constant 0 : i32
        %dma_start3A_4220 = tpu.memref_slice %arg11[%add3A_4215, %dma_start3A_4219] : memref<64x64xi32, #tpu.memory_space<vmem>> -> memref<1x64xi32, #tpu.memory_space<vmem>>
        %dma_start3A_4221 = tpu.memref_squeeze %dma_start3A_4220 : memref<1x64xi32, #tpu.memory_space<vmem>> -> memref<64xi32, #tpu.memory_space<vmem>>
        %dma_start3A_4222 = arith.constant 0 : i32
        %dma_start3A_4223 = arith.constant 0 : i32
        %dma_start3A_4224 = tpu.memref_slice %arg2[%dma_start3A_4222, %dma_start3A_4223] : memref<100000x256xf32, #tpu.memory_space<hbm>> -> memref<100000x256xf32, #tpu.memory_space<hbm>>
        tpu.enqueue_indirect_dma source(%dma_start3A_4224 : memref<100000x256xf32, #tpu.memory_space<hbm>>) target(%dma_start3A_4218 : memref<64x256xf32, #tpu.memory_space<vmem>>) offsets(%dma_start3A_4221 : memref<64xi32, #tpu.memory_space<vmem>>) semaphore(%arg21 : memref<!tpu.dma_semaphore, #tpu.memory_space<semaphore_mem>>)
      } else {
      }
      %eq3A_124 = arith.constant 0 : i32
      %eq3A_125 = arith.cmpi eq, %select_n3A_67, %eq3A_124 : i32
      %jit3A_126 = arith.constant 2 : i32
      %eq3A_127 = arith.constant 0 : i32
      %eq3A_128 = arith.cmpi eq, %jit3A_126, %eq3A_127 : i32
      %jit3A_129 = arith.constant 1 : i32
      %select_n3A_130 = arith.select %eq3A_128, %jit3A_129, %jit3A_126 : i32
      %rem3A_131 = arith.remsi %select_n3A, %select_n3A_130 : i32
      %ne3A_132 = arith.constant 0 : i32
      %ne3A_133 = arith.cmpi ne, %rem3A_131, %ne3A_132 : i32
      %lt3A_134 = arith.constant 0 : i32
      %lt3A_135 = arith.cmpi slt, %rem3A_131, %lt3A_134 : i32
      %lt3A_136 = arith.constant 0 : i32
      %lt3A_137 = arith.cmpi slt, %select_n3A_130, %lt3A_136 : i32
      %ne3A_138 = arith.xori %lt3A_135, %lt3A_137 : i1
      %and3A_139 = arith.andi %ne3A_138, %ne3A_133 : i1
      %add3A_140 = arith.addi %rem3A_131, %select_n3A_130 : i32
      %select_n3A_141 = arith.select %and3A_139, %add3A_140, %rem3A_131 : i32
      %eq3A_142 = arith.constant 0 : i32
      %eq3A_143 = arith.cmpi eq, %select_n3A_141, %eq3A_142 : i32
      %and3A_144 = arith.andi %eq3A_125, %eq3A_143 : i1
      %convert_element_type3A_145 = arith.extui %and3A_144 : i1 to i32
      %cond3A_146 = arith.constant 0 : i32
      %cond3A_147 = arith.cmpi ne, %convert_element_type3A_145, %cond3A_146 : i32
      scf.if %cond3A_147 {
        %dma_wait3A_4214 = arith.constant 0 : i32
        %dma_wait3A_4215 = arith.constant 0 : i32
        %dma_wait3A_4216 = tpu.memref_slice %arg15[%dma_wait3A_4214, %dma_wait3A_4215] : memref<128x256xf32, #tpu.memory_space<vmem>> -> memref<64x256xf32, #tpu.memory_space<vmem>>
        %dma_wait3A_4217 = arith.constant 0 : i32
        %dma_wait3A_4218 = tpu.memref_slice %arg11[%select_n3A, %dma_wait3A_4217] : memref<64x64xi32, #tpu.memory_space<vmem>> -> memref<1x64xi32, #tpu.memory_space<vmem>>
        %dma_wait3A_4219 = tpu.memref_squeeze %dma_wait3A_4218 : memref<1x64xi32, #tpu.memory_space<vmem>> -> memref<64xi32, #tpu.memory_space<vmem>>
        %dma_wait3A_4220 = arith.constant 0 : i32
        %dma_wait3A_4221 = arith.constant 0 : i32
        %dma_wait3A_4222 = tpu.memref_slice %arg2[%dma_wait3A_4220, %dma_wait3A_4221] : memref<100000x256xf32, #tpu.memory_space<hbm>> -> memref<100000x256xf32, #tpu.memory_space<hbm>>
        tpu.wait_indirect_dma semaphore(%arg21 : memref<!tpu.dma_semaphore, #tpu.memory_space<semaphore_mem>>) src(%dma_wait3A_4222 : memref<100000x256xf32, #tpu.memory_space<hbm>>) dst(%dma_wait3A_4216 : memref<64x256xf32, #tpu.memory_space<vmem>>)
      } else {
      }
      %eq3A_148 = arith.constant 0 : i32
      %eq3A_149 = arith.cmpi eq, %select_n3A_67, %eq3A_148 : i32
      %jit3A_150 = arith.constant 2 : i32
      %eq3A_151 = arith.constant 0 : i32
      %eq3A_152 = arith.cmpi eq, %jit3A_150, %eq3A_151 : i32
      %jit3A_153 = arith.constant 1 : i32
      %select_n3A_154 = arith.select %eq3A_152, %jit3A_153, %jit3A_150 : i32
      %rem3A_155 = arith.remsi %select_n3A, %select_n3A_154 : i32
      %ne3A_156 = arith.constant 0 : i32
      %ne3A_157 = arith.cmpi ne, %rem3A_155, %ne3A_156 : i32
      %lt3A_158 = arith.constant 0 : i32
      %lt3A_159 = arith.cmpi slt, %rem3A_155, %lt3A_158 : i32
      %lt3A_160 = arith.constant 0 : i32
      %lt3A_161 = arith.cmpi slt, %select_n3A_154, %lt3A_160 : i32
      %ne3A_162 = arith.xori %lt3A_159, %lt3A_161 : i1
      %and3A_163 = arith.andi %ne3A_162, %ne3A_157 : i1
      %add3A_164 = arith.addi %rem3A_155, %select_n3A_154 : i32
      %select_n3A_165 = arith.select %and3A_163, %add3A_164, %rem3A_155 : i32
      %eq3A_166 = arith.constant 1 : i32
      %eq3A_167 = arith.cmpi eq, %select_n3A_165, %eq3A_166 : i32
      %and3A_168 = arith.andi %eq3A_149, %eq3A_167 : i1
      %convert_element_type3A_169 = arith.extui %and3A_168 : i1 to i32
      %cond3A_170 = arith.constant 0 : i32
      %cond3A_171 = arith.cmpi ne, %convert_element_type3A_169, %cond3A_170 : i32
      scf.if %cond3A_171 {
        %dma_wait3A_4214 = arith.constant 64 : i32
        %dma_wait3A_4215 = arith.constant 0 : i32
        %dma_wait3A_4216 = tpu.memref_slice %arg15[%dma_wait3A_4214, %dma_wait3A_4215] : memref<128x256xf32, #tpu.memory_space<vmem>> -> memref<64x256xf32, #tpu.memory_space<vmem>>
        %dma_wait3A_4217 = arith.constant 0 : i32
        %dma_wait3A_4218 = tpu.memref_slice %arg11[%select_n3A, %dma_wait3A_4217] : memref<64x64xi32, #tpu.memory_space<vmem>> -> memref<1x64xi32, #tpu.memory_space<vmem>>
        %dma_wait3A_4219 = tpu.memref_squeeze %dma_wait3A_4218 : memref<1x64xi32, #tpu.memory_space<vmem>> -> memref<64xi32, #tpu.memory_space<vmem>>
        %dma_wait3A_4220 = arith.constant 0 : i32
        %dma_wait3A_4221 = arith.constant 0 : i32
        %dma_wait3A_4222 = tpu.memref_slice %arg2[%dma_wait3A_4220, %dma_wait3A_4221] : memref<100000x256xf32, #tpu.memory_space<hbm>> -> memref<100000x256xf32, #tpu.memory_space<hbm>>
        tpu.wait_indirect_dma semaphore(%arg22 : memref<!tpu.dma_semaphore, #tpu.memory_space<semaphore_mem>>) src(%dma_wait3A_4222 : memref<100000x256xf32, #tpu.memory_space<hbm>>) dst(%dma_wait3A_4216 : memref<64x256xf32, #tpu.memory_space<vmem>>)
      } else {
      }
      %get3A = arith.index_cast %scan3A_34 : i32 to index
      %get3A_172 = arith.constant 0 : index
      %get3A_173 = tpu.vector_load %arg13[%get3A, %get3A_172] {strides = array<i32>} : memref<128x256xf32, #tpu.memory_space<vmem>>, vector<16xf32>,
      %get3A_174 = arith.index_cast %scan3A_34 : i32 to index
      %get3A_175 = arith.constant 16 : index
      %get3A_176 = tpu.vector_load %arg13[%get3A_174, %get3A_175] {strides = array<i32>} : memref<128x256xf32, #tpu.memory_space<vmem>>, vector<16xf32>,
      %get3A_177 = arith.index_cast %scan3A_34 : i32 to index
      %get3A_178 = arith.constant 32 : index
      %get3A_179 = tpu.vector_load %arg13[%get3A_177, %get3A_178] {strides = array<i32>} : memref<128x256xf32, #tpu.memory_space<vmem>>, vector<16xf32>,
      %get3A_180 = arith.index_cast %scan3A_34 : i32 to index
      %get3A_181 = arith.constant 48 : index
      %get3A_182 = tpu.vector_load %arg13[%get3A_180, %get3A_181] {strides = array<i32>} : memref<128x256xf32, #tpu.memory_space<vmem>>, vector<16xf32>,
      %get3A_183 = arith.index_cast %scan3A_34 : i32 to index
      %get3A_184 = arith.constant 64 : index
      %get3A_185 = tpu.vector_load %arg13[%get3A_183, %get3A_184] {strides = array<i32>} : memref<128x256xf32, #tpu.memory_space<vmem>>, vector<16xf32>,
      %get3A_186 = arith.index_cast %scan3A_34 : i32 to index
      %get3A_187 = arith.constant 80 : index
      %get3A_188 = tpu.vector_load %arg13[%get3A_186, %get3A_187] {strides = array<i32>} : memref<128x256xf32, #tpu.memory_space<vmem>>, vector<16xf32>,
      %get3A_189 = arith.index_cast %scan3A_34 : i32 to index
      %get3A_190 = arith.constant 96 : index
      %get3A_191 = tpu.vector_load %arg13[%get3A_189, %get3A_190] {strides = array<i32>} : memref<128x256xf32, #tpu.memory_space<vmem>>, vector<16xf32>,
      %get3A_192 = arith.index_cast %scan3A_34 : i32 to index
      %get3A_193 = arith.constant 112 : index
      %get3A_194 = tpu.vector_load %arg13[%get3A_192, %get3A_193] {strides = array<i32>} : memref<128x256xf32, #tpu.memory_space<vmem>>, vector<16xf32>,
      %get3A_195 = arith.index_cast %scan3A_34 : i32 to index
      %get3A_196 = arith.constant 128 : index
      %get3A_197 = tpu.vector_load %arg13[%get3A_195, %get3A_196] {strides = array<i32>} : memref<128x256xf32, #tpu.memory_space<vmem>>, vector<16xf32>,
      %get3A_198 = arith.index_cast %scan3A_34 : i32 to index
      %get3A_199 = arith.constant 144 : index
      %get3A_200 = tpu.vector_load %arg13[%get3A_198, %get3A_199] {strides = array<i32>} : memref<128x256xf32, #tpu.memory_space<vmem>>, vector<16xf32>,
      %get3A_201 = arith.index_cast %scan3A_34 : i32 to index
      %get3A_202 = arith.constant 160 : index
      %get3A_203 = tpu.vector_load %arg13[%get3A_201, %get3A_202] {strides = array<i32>} : memref<128x256xf32, #tpu.memory_space<vmem>>, vector<16xf32>,
      %get3A_204 = arith.index_cast %scan3A_34 : i32 to index
      %get3A_205 = arith.constant 176 : index
      %get3A_206 = tpu.vector_load %arg13[%get3A_204, %get3A_205] {strides = array<i32>} : memref<128x256xf32, #tpu.memory_space<vmem>>, vector<16xf32>,
      %get3A_207 = arith.index_cast %scan3A_34 : i32 to index
      %get3A_208 = arith.constant 0 : index
      %get3A_209 = tpu.vector_load %arg14[%get3A_207, %get3A_208] {strides = array<i32>} : memref<128x256xf32, #tpu.memory_space<vmem>>, vector<16xf32>,
      %get3A_210 = arith.index_cast %scan3A_34 : i32 to index
      %get3A_211 = arith.constant 16 : index
      %get3A_212 = tpu.vector_load %arg14[%get3A_210, %get3A_211] {strides = array<i32>} : memref<128x256xf32, #tpu.memory_space<vmem>>, vector<16xf32>,
      %get3A_213 = arith.index_cast %scan3A_34 : i32 to index
      %get3A_214 = arith.constant 32 : index
      %get3A_215 = tpu.vector_load %arg14[%get3A_213, %get3A_214] {strides = array<i32>} : memref<128x256xf32, #tpu.memory_space<vmem>>, vector<16xf32>,
      %get3A_216 = arith.index_cast %scan3A_34 : i32 to index
      %get3A_217 = arith.constant 48 : index
      %get3A_218 = tpu.vector_load %arg14[%get3A_216, %get3A_217] {strides = array<i32>} : memref<128x256xf32, #tpu.memory_space<vmem>>, vector<16xf32>,
      %get3A_219 = arith.index_cast %scan3A_34 : i32 to index
      %get3A_220 = arith.constant 64 : index
      %get3A_221 = tpu.vector_load %arg14[%get3A_219, %get3A_220] {strides = array<i32>} : memref<128x256xf32, #tpu.memory_space<vmem>>, vector<16xf32>,
      %get3A_222 = arith.index_cast %scan3A_34 : i32 to index
      %get3A_223 = arith.constant 80 : index
      %get3A_224 = tpu.vector_load %arg14[%get3A_222, %get3A_223] {strides = array<i32>} : memref<128x256xf32, #tpu.memory_space<vmem>>, vector<16xf32>,
      %get3A_225 = arith.index_cast %scan3A_34 : i32 to index
      %get3A_226 = arith.constant 96 : index
      %get3A_227 = tpu.vector_load %arg14[%get3A_225, %get3A_226] {strides = array<i32>} : memref<128x256xf32, #tpu.memory_space<vmem>>, vector<16xf32>,
      %get3A_228 = arith.index_cast %scan3A_34 : i32 to index
      %get3A_229 = arith.constant 112 : index
      %get3A_230 = tpu.vector_load %arg14[%get3A_228, %get3A_229] {strides = array<i32>} : memref<128x256xf32, #tpu.memory_space<vmem>>, vector<16xf32>,
      %get3A_231 = arith.index_cast %scan3A_34 : i32 to index
      %get3A_232 = arith.constant 128 : index
      %get3A_233 = tpu.vector_load %arg14[%get3A_231, %get3A_232] {strides = array<i32>} : memref<128x256xf32, #tpu.memory_space<vmem>>, vector<16xf32>,
      %get3A_234 = arith.index_cast %scan3A_34 : i32 to index
      %get3A_235 = arith.constant 144 : index
      %get3A_236 = tpu.vector_load %arg14[%get3A_234, %get3A_235] {strides = array<i32>} : memref<128x256xf32, #tpu.memory_space<vmem>>, vector<16xf32>,
      %get3A_237 = arith.index_cast %scan3A_34 : i32 to index
      %get3A_238 = arith.constant 160 : index
      %get3A_239 = tpu.vector_load %arg14[%get3A_237, %get3A_238] {strides = array<i32>} : memref<128x256xf32, #tpu.memory_space<vmem>>, vector<16xf32>,
      %get3A_240 = arith.index_cast %scan3A_34 : i32 to index
      %get3A_241 = arith.constant 176 : index
      %get3A_242 = tpu.vector_load %arg14[%get3A_240, %get3A_241] {strides = array<i32>} : memref<128x256xf32, #tpu.memory_space<vmem>>, vector<16xf32>,
      %get3A_243 = arith.index_cast %scan3A_34 : i32 to index
      %get3A_244 = tpu.vector_load %arg12[%get3A_243] {strides = array<i32>} : memref<144xf32, #tpu.memory_space<vmem>>, vector<16xf32>,
      %slice3A = vector.extract_strided_slice %get3A_244 {offsets = [0], sizes = [1], strides = [1]} : vector<16xf32> to vector<1xf32>
      %squeeze3A = vector.extract %slice3A[0] : f32 from vector<1xf32>
      %sub3A_245 = arith.constant 1.000000e+00 : f32
      %sub3A_246 = arith.subf %sub3A_245, %squeeze3A : f32
      %add3A_247 = arith.addf %get3A_173, %get3A_185 : vector<16xf32>
      %add3A_248 = arith.addf %add3A_247, %get3A_197 : vector<16xf32>
      %mul3A_249 = vector.broadcast %scan3A : f32 to vector<16xf32>
      %mul3A_250 = arith.mulf %add3A_248, %mul3A_249 : vector<16xf32>
      %add3A_251 = arith.addf %get3A_176, %get3A_188 : vector<16xf32>
      %add3A_252 = arith.addf %add3A_251, %get3A_200 : vector<16xf32>
      %mul3A_253 = vector.broadcast %scan3A : f32 to vector<16xf32>
      %mul3A_254 = arith.mulf %add3A_252, %mul3A_253 : vector<16xf32>
      %add3A_255 = arith.addf %get3A_179, %get3A_191 : vector<16xf32>
      %add3A_256 = arith.addf %add3A_255, %get3A_203 : vector<16xf32>
      %mul3A_257 = vector.broadcast %scan3A : f32 to vector<16xf32>
      %mul3A_258 = arith.mulf %add3A_256, %mul3A_257 : vector<16xf32>
      %add3A_259 = arith.addf %get3A_182, %get3A_194 : vector<16xf32>
      %add3A_260 = arith.addf %add3A_259, %get3A_206 : vector<16xf32>
      %mul3A_261 = vector.broadcast %scan3A : f32 to vector<16xf32>
      %mul3A_262 = arith.mulf %add3A_260, %mul3A_261 : vector<16xf32>
      %add3A_263 = arith.addf %get3A_209, %get3A_221 : vector<16xf32>
      %add3A_264 = arith.addf %add3A_263, %get3A_233 : vector<16xf32>
      %mul3A_265 = vector.broadcast %scan3A : f32 to vector<16xf32>
      %mul3A_266 = arith.mulf %add3A_264, %mul3A_265 : vector<16xf32>
      %add3A_267 = arith.addf %get3A_212, %get3A_224 : vector<16xf32>
      %add3A_268 = arith.addf %add3A_267, %get3A_236 : vector<16xf32>
      %mul3A_269 = vector.broadcast %scan3A : f32 to vector<16xf32>
      %mul3A_270 = arith.mulf %add3A_268, %mul3A_269 : vector<16xf32>
      %add3A_271 = arith.addf %get3A_215, %get3A_227 : vector<16xf32>
      %add3A_272 = arith.addf %add3A_271, %get3A_239 : vector<16xf32>
      %mul3A_273 = vector.broadcast %scan3A : f32 to vector<16xf32>
      %mul3A_274 = arith.mulf %add3A_272, %mul3A_273 : vector<16xf32>
      %add3A_275 = arith.addf %get3A_218, %get3A_230 : vector<16xf32>
      %add3A_276 = arith.addf %add3A_275, %get3A_242 : vector<16xf32>
      %mul3A_277 = vector.broadcast %scan3A : f32 to vector<16xf32>
      %mul3A_278 = arith.mulf %add3A_276, %mul3A_277 : vector<16xf32>
      %mul3A_279 = arith.mulf %mul3A_250, %mul3A_266 : vector<16xf32>
      %mul3A_280 = arith.mulf %mul3A_254, %mul3A_270 : vector<16xf32>
      %mul3A_281 = arith.mulf %mul3A_258, %mul3A_274 : vector<16xf32>
      %mul3A_282 = arith.mulf %mul3A_262, %mul3A_278 : vector<16xf32>
      %add3A_283 = arith.addf %mul3A_279, %mul3A_280 : vector<16xf32>
      %add3A_284 = arith.addf %add3A_283, %mul3A_281 : vector<16xf32>
      %add3A_285 = arith.addf %add3A_284, %mul3A_282 : vector<16xf32>
      %reduce_sum3A = arith.constant true
      %reduce_sum3A_286 = vector.broadcast %reduce_sum3A : i1 to vector<16xi1>
      %reduce_sum3A_287 = tpu.scan <sum>, %add3A_285 masked %reduce_sum3A_286 : vector<16xf32>, vector<16xi1> -> vector<16xf32>
      %reduce_sum3A_288 = vector.extract %reduce_sum3A_287[15] : f32 from vector<16xf32>
      %mul3A_289 = arith.mulf %mul3A_250, %mul3A_250 : vector<16xf32>
      %mul3A_290 = arith.mulf %mul3A_254, %mul3A_254 : vector<16xf32>
      %mul3A_291 = arith.mulf %mul3A_258, %mul3A_258 : vector<16xf32>
      %mul3A_292 = arith.mulf %mul3A_262, %mul3A_262 : vector<16xf32>
      %add3A_293 = arith.addf %mul3A_289, %mul3A_290 : vector<16xf32>
      %add3A_294 = arith.addf %add3A_293, %mul3A_291 : vector<16xf32>
      %add3A_295 = arith.addf %add3A_294, %mul3A_292 : vector<16xf32>
      %reduce_sum3A_296 = arith.constant true
      %reduce_sum3A_297 = vector.broadcast %reduce_sum3A_296 : i1 to vector<16xi1>
      %reduce_sum3A_298 = tpu.scan <sum>, %add3A_295 masked %reduce_sum3A_297 : vector<16xf32>, vector<16xi1> -> vector<16xf32>
      %reduce_sum3A_299 = vector.extract %reduce_sum3A_298[15] : f32 from vector<16xf32>
      %mul3A_300 = arith.mulf %mul3A_266, %mul3A_266 : vector<16xf32>
      %mul3A_301 = arith.mulf %mul3A_270, %mul3A_270 : vector<16xf32>
      %mul3A_302 = arith.mulf %mul3A_274, %mul3A_274 : vector<16xf32>
      %mul3A_303 = arith.mulf %mul3A_278, %mul3A_278 : vector<16xf32>
      %add3A_304 = arith.addf %mul3A_300, %mul3A_301 : vector<16xf32>
      %add3A_305 = arith.addf %add3A_304, %mul3A_302 : vector<16xf32>
      %add3A_306 = arith.addf %add3A_305, %mul3A_303 : vector<16xf32>
      %reduce_sum3A_307 = arith.constant true
      %reduce_sum3A_308 = vector.broadcast %reduce_sum3A_307 : i1 to vector<16xi1>
      %reduce_sum3A_309 = tpu.scan <sum>, %add3A_306 masked %reduce_sum3A_308 : vector<16xf32>, vector<16xi1> -> vector<16xf32>
      %reduce_sum3A_310 = vector.extract %reduce_sum3A_309[15] : f32 from vector<16xf32>
      %mul3A_311 = arith.mulf %get3A_173, %get3A_209 : vector<16xf32>
      %mul3A_312 = arith.mulf %get3A_176, %get3A_212 : vector<16xf32>
      %mul3A_313 = arith.mulf %get3A_179, %get3A_215 : vector<16xf32>
      %mul3A_314 = arith.mulf %get3A_182, %get3A_218 : vector<16xf32>
      %add3A_315 = arith.addf %mul3A_311, %mul3A_312 : vector<16xf32>
      %add3A_316 = arith.addf %add3A_315, %mul3A_313 : vector<16xf32>
      %add3A_317 = arith.addf %add3A_316, %mul3A_314 : vector<16xf32>
      %reduce_sum3A_318 = arith.constant true
      %reduce_sum3A_319 = vector.broadcast %reduce_sum3A_318 : i1 to vector<16xi1>
      %reduce_sum3A_320 = tpu.scan <sum>, %add3A_317 masked %reduce_sum3A_319 : vector<16xf32>, vector<16xi1> -> vector<16xf32>
      %reduce_sum3A_321 = vector.extract %reduce_sum3A_320[15] : f32 from vector<16xf32>
      %mul3A_322 = arith.mulf %get3A_185, %get3A_221 : vector<16xf32>
      %mul3A_323 = arith.mulf %get3A_188, %get3A_224 : vector<16xf32>
      %mul3A_324 = arith.mulf %get3A_191, %get3A_227 : vector<16xf32>
      %mul3A_325 = arith.mulf %get3A_194, %get3A_230 : vector<16xf32>
      %add3A_326 = arith.addf %mul3A_322, %mul3A_323 : vector<16xf32>
      %add3A_327 = arith.addf %add3A_326, %mul3A_324 : vector<16xf32>
      %add3A_328 = arith.addf %add3A_327, %mul3A_325 : vector<16xf32>
      %reduce_sum3A_329 = arith.constant true
      %reduce_sum3A_330 = vector.broadcast %reduce_sum3A_329 : i1 to vector<16xi1>
      %reduce_sum3A_331 = tpu.scan <sum>, %add3A_328 masked %reduce_sum3A_330 : vector<16xf32>, vector<16xi1> -> vector<16xf32>
      %reduce_sum3A_332 = vector.extract %reduce_sum3A_331[15] : f32 from vector<16xf32>
      %mul3A_333 = arith.mulf %get3A_197, %get3A_233 : vector<16xf32>
      %mul3A_334 = arith.mulf %get3A_200, %get3A_236 : vector<16xf32>
      %mul3A_335 = arith.mulf %get3A_203, %get3A_239 : vector<16xf32>
      %mul3A_336 = arith.mulf %get3A_206, %get3A_242 : vector<16xf32>
      %add3A_337 = arith.addf %mul3A_333, %mul3A_334 : vector<16xf32>
      %add3A_338 = arith.addf %add3A_337, %mul3A_335 : vector<16xf32>
      %add3A_339 = arith.addf %add3A_338, %mul3A_336 : vector<16xf32>
      %reduce_sum3A_340 = arith.constant true
      %reduce_sum3A_341 = vector.broadcast %reduce_sum3A_340 : i1 to vector<16xi1>
      %reduce_sum3A_342 = tpu.scan <sum>, %add3A_339 masked %reduce_sum3A_341 : vector<16xf32>, vector<16xi1> -> vector<16xf32>
      %reduce_sum3A_343 = vector.extract %reduce_sum3A_342[15] : f32 from vector<16xf32>
      %jit3A_344 = arith.constant 2 : i32
      %eq3A_345 = arith.constant 0 : i32
      %eq3A_346 = arith.cmpi eq, %jit3A_344, %eq3A_345 : i32
      %jit3A_347 = arith.constant 1 : i32
      %select_n3A_348 = arith.select %eq3A_346, %jit3A_347, %jit3A_344 : i32
      %rem3A_349 = arith.remsi %select_n3A, %select_n3A_348 : i32
      %ne3A_350 = arith.constant 0 : i32
      %ne3A_351 = arith.cmpi ne, %rem3A_349, %ne3A_350 : i32
      %lt3A_352 = arith.constant 0 : i32
      %lt3A_353 = arith.cmpi slt, %rem3A_349, %lt3A_352 : i32
      %lt3A_354 = arith.constant 0 : i32
      %lt3A_355 = arith.cmpi slt, %select_n3A_348, %lt3A_354 : i32
      %ne3A_356 = arith.xori %lt3A_353, %lt3A_355 : i1
      %and3A_357 = arith.andi %ne3A_356, %ne3A_351 : i1
      %add3A_358 = arith.addi %rem3A_349, %select_n3A_348 : i32
      %select_n3A_359 = arith.select %and3A_357, %add3A_358, %rem3A_349 : i32
      %mul3A_360 = arith.constant 64 : i32
      %mul3A_361 = arith.muli %select_n3A_359, %mul3A_360 : i32
      %mul3A_362 = arith.constant 32 : i32
      %mul3A_363 = arith.muli %select_n3A_67, %mul3A_362 : i32
      %add3A_364 = arith.addi %mul3A_361, %mul3A_363 : i32
      %add3A_365 = arith.constant 0 : i32
      %add3A_366 = arith.addi %add3A_364, %add3A_365 : i32
      %get3A_367 = arith.index_cast %add3A_366 : i32 to index
      %get3A_368 = arith.constant 0 : index
      %get3A_369 = tpu.vector_load %arg15[%get3A_367, %get3A_368] {strides = array<i32>} : memref<128x256xf32, #tpu.memory_space<vmem>>, vector<16xf32>,
      %add3A_370 = arith.constant 0 : i32
      %add3A_371 = arith.addi %add3A_364, %add3A_370 : i32
      %get3A_372 = arith.index_cast %add3A_371 : i32 to index
      %get3A_373 = arith.constant 16 : index
      %get3A_374 = tpu.vector_load %arg15[%get3A_372, %get3A_373] {strides = array<i32>} : memref<128x256xf32, #tpu.memory_space<vmem>>, vector<16xf32>,
      %add3A_375 = arith.constant 0 : i32
      %add3A_376 = arith.addi %add3A_364, %add3A_375 : i32
      %get3A_377 = arith.index_cast %add3A_376 : i32 to index
      %get3A_378 = arith.constant 32 : index
      %get3A_379 = tpu.vector_load %arg15[%get3A_377, %get3A_378] {strides = array<i32>} : memref<128x256xf32, #tpu.memory_space<vmem>>, vector<16xf32>,
      %add3A_380 = arith.constant 0 : i32
      %add3A_381 = arith.addi %add3A_364, %add3A_380 : i32
      %get3A_382 = arith.index_cast %add3A_381 : i32 to index
      %get3A_383 = arith.constant 48 : index
      %get3A_384 = tpu.vector_load %arg15[%get3A_382, %get3A_383] {strides = array<i32>} : memref<128x256xf32, #tpu.memory_space<vmem>>, vector<16xf32>,
      %mul3A_385 = arith.mulf %get3A_173, %get3A_369 : vector<16xf32>
      %mul3A_386 = arith.mulf %get3A_176, %get3A_374 : vector<16xf32>
      %mul3A_387 = arith.mulf %get3A_179, %get3A_379 : vector<16xf32>
      %mul3A_388 = arith.mulf %get3A_182, %get3A_384 : vector<16xf32>
      %add3A_389 = arith.addf %mul3A_385, %mul3A_386 : vector<16xf32>
      %add3A_390 = arith.addf %add3A_389, %mul3A_387 : vector<16xf32>
      %add3A_391 = arith.addf %add3A_390, %mul3A_388 : vector<16xf32>
      %reduce_sum3A_392 = arith.constant true
      %reduce_sum3A_393 = vector.broadcast %reduce_sum3A_392 : i1 to vector<16xi1>
      %reduce_sum3A_394 = tpu.scan <sum>, %add3A_391 masked %reduce_sum3A_393 : vector<16xf32>, vector<16xi1> -> vector<16xf32>
      %reduce_sum3A_395 = vector.extract %reduce_sum3A_394[15] : f32 from vector<16xf32>
      %mul3A_396 = arith.mulf %squeeze3A, %reduce_sum3A_321 : f32
      %mul3A_397 = arith.mulf %sub3A_246, %reduce_sum3A_395 : f32
      %add3A_398 = arith.addf %mul3A_396, %mul3A_397 : f32
      %gt3A = arith.constant 0xFF800000 : f32
      %gt3A_399 = arith.cmpf ogt, %add3A_398, %gt3A : f32
      %jit3A_400 = arith.constant 0xFF800000 : f32
      %select_n3A_401 = arith.select %gt3A_399, %add3A_398, %jit3A_400 : f32
      %jit3A_402 = arith.constant 0 : i32
      %jit3A_403 = arith.constant 0 : i32
      %select_n3A_404 = arith.select %gt3A_399, %jit3A_402, %jit3A_403 : i32
      %add3A_405 = arith.constant 0 : i32
      %add3A_406 = arith.addi %add3A_364, %add3A_405 : i32
      %get3A_407 = arith.index_cast %add3A_406 : i32 to index
      %get3A_408 = arith.constant 64 : index
      %get3A_409 = tpu.vector_load %arg15[%get3A_407, %get3A_408] {strides = array<i32>} : memref<128x256xf32, #tpu.memory_space<vmem>>, vector<16xf32>,
      %add3A_410 = arith.constant 0 : i32
      %add3A_411 = arith.addi %add3A_364, %add3A_410 : i32
      %get3A_412 = arith.index_cast %add3A_411 : i32 to index
      %get3A_413 = arith.constant 80 : index
      %get3A_414 = tpu.vector_load %arg15[%get3A_412, %get3A_413] {strides = array<i32>} : memref<128x256xf32, #tpu.memory_space<vmem>>, vector<16xf32>,
      %add3A_415 = arith.constant 0 : i32
      %add3A_416 = arith.addi %add3A_364, %add3A_415 : i32
      %get3A_417 = arith.index_cast %add3A_416 : i32 to index
      %get3A_418 = arith.constant 96 : index
      %get3A_419 = tpu.vector_load %arg15[%get3A_417, %get3A_418] {strides = array<i32>} : memref<128x256xf32, #tpu.memory_space<vmem>>, vector<16xf32>,
      %add3A_420 = arith.constant 0 : i32
      %add3A_421 = arith.addi %add3A_364, %add3A_420 : i32
      %get3A_422 = arith.index_cast %add3A_421 : i32 to index
      %get3A_423 = arith.constant 112 : index
      %get3A_424 = tpu.vector_load %arg15[%get3A_422, %get3A_423] {strides = array<i32>} : memref<128x256xf32, #tpu.memory_space<vmem>>, vector<16xf32>,
      %mul3A_425 = arith.mulf %get3A_185, %get3A_409 : vector<16xf32>
      %mul3A_426 = arith.mulf %get3A_188, %get3A_414 : vector<16xf32>
      %mul3A_427 = arith.mulf %get3A_191, %get3A_419 : vector<16xf32>
      %mul3A_428 = arith.mulf %get3A_194, %get3A_424 : vector<16xf32>
      %add3A_429 = arith.addf %mul3A_425, %mul3A_426 : vector<16xf32>
      %add3A_430 = arith.addf %add3A_429, %mul3A_427 : vector<16xf32>
      %add3A_431 = arith.addf %add3A_430, %mul3A_428 : vector<16xf32>
      %reduce_sum3A_432 = arith.constant true
      %reduce_sum3A_433 = vector.broadcast %reduce_sum3A_432 : i1 to vector<16xi1>
      %reduce_sum3A_434 = tpu.scan <sum>, %add3A_431 masked %reduce_sum3A_433 : vector<16xf32>, vector<16xi1> -> vector<16xf32>
      %reduce_sum3A_435 = vector.extract %reduce_sum3A_434[15] : f32 from vector<16xf32>
      %mul3A_436 = arith.mulf %squeeze3A, %reduce_sum3A_332 : f32
      %mul3A_437 = arith.mulf %sub3A_246, %reduce_sum3A_435 : f32
      %add3A_438 = arith.addf %mul3A_436, %mul3A_437 : f32
      %gt3A_439 = arith.constant 0xFF800000 : f32
      %gt3A_440 = arith.cmpf ogt, %add3A_438, %gt3A_439 : f32
      %jit3A_441 = arith.constant 0xFF800000 : f32
      %select_n3A_442 = arith.select %gt3A_440, %add3A_438, %jit3A_441 : f32
      %jit3A_443 = arith.constant 0 : i32
      %jit3A_444 = arith.constant 0 : i32
      %select_n3A_445 = arith.select %gt3A_440, %jit3A_443, %jit3A_444 : i32
      %add3A_446 = arith.constant 0 : i32
      %add3A_447 = arith.addi %add3A_364, %add3A_446 : i32
      %get3A_448 = arith.index_cast %add3A_447 : i32 to index
      %get3A_449 = arith.constant 128 : index
      %get3A_450 = tpu.vector_load %arg15[%get3A_448, %get3A_449] {strides = array<i32>} : memref<128x256xf32, #tpu.memory_space<vmem>>, vector<16xf32>,
      %add3A_451 = arith.constant 0 : i32
      %add3A_452 = arith.addi %add3A_364, %add3A_451 : i32
      %get3A_453 = arith.index_cast %add3A_452 : i32 to index
      %get3A_454 = arith.constant 144 : index
      %get3A_455 = tpu.vector_load %arg15[%get3A_453, %get3A_454] {strides = array<i32>} : memref<128x256xf32, #tpu.memory_space<vmem>>, vector<16xf32>,
      %add3A_456 = arith.constant 0 : i32
      %add3A_457 = arith.addi %add3A_364, %add3A_456 : i32
      %get3A_458 = arith.index_cast %add3A_457 : i32 to index
      %get3A_459 = arith.constant 160 : index
      %get3A_460 = tpu.vector_load %arg15[%get3A_458, %get3A_459] {strides = array<i32>} : memref<128x256xf32, #tpu.memory_space<vmem>>, vector<16xf32>,
      %add3A_461 = arith.constant 0 : i32
      %add3A_462 = arith.addi %add3A_364, %add3A_461 : i32
      %get3A_463 = arith.index_cast %add3A_462 : i32 to index
      %get3A_464 = arith.constant 176 : index
      %get3A_465 = tpu.vector_load %arg15[%get3A_463, %get3A_464] {strides = array<i32>} : memref<128x256xf32, #tpu.memory_space<vmem>>, vector<16xf32>,
      %mul3A_466 = arith.mulf %get3A_197, %get3A_450 : vector<16xf32>
      %mul3A_467 = arith.mulf %get3A_200, %get3A_455 : vector<16xf32>
      %mul3A_468 = arith.mulf %get3A_203, %get3A_460 : vector<16xf32>
      %mul3A_469 = arith.mulf %get3A_206, %get3A_465 : vector<16xf32>
      %add3A_470 = arith.addf %mul3A_466, %mul3A_467 : vector<16xf32>
      %add3A_471 = arith.addf %add3A_470, %mul3A_468 : vector<16xf32>
      %add3A_472 = arith.addf %add3A_471, %mul3A_469 : vector<16xf32>
      %reduce_sum3A_473 = arith.constant true
      %reduce_sum3A_474 = vector.broadcast %reduce_sum3A_473 : i1 to vector<16xi1>
      %reduce_sum3A_475 = tpu.scan <sum>, %add3A_472 masked %reduce_sum3A_474 : vector<16xf32>, vector<16xi1> -> vector<16xf32>
      %reduce_sum3A_476 = vector.extract %reduce_sum3A_475[15] : f32 from vector<16xf32>
      %mul3A_477 = arith.mulf %squeeze3A, %reduce_sum3A_343 : f32
      %mul3A_478 = arith.mulf %sub3A_246, %reduce_sum3A_476 : f32
      %add3A_479 = arith.addf %mul3A_477, %mul3A_478 : f32
      %gt3A_480 = arith.constant 0xFF800000 : f32
      %gt3A_481 = arith.cmpf ogt, %add3A_479, %gt3A_480 : f32
      %jit3A_482 = arith.constant 0xFF800000 : f32
      %select_n3A_483 = arith.select %gt3A_481, %add3A_479, %jit3A_482 : f32
      %jit3A_484 = arith.constant 0 : i32
      %jit3A_485 = arith.constant 0 : i32
      %select_n3A_486 = arith.select %gt3A_481, %jit3A_484, %jit3A_485 : i32
      %add3A_487 = arith.constant 1 : i32
      %add3A_488 = arith.addi %add3A_364, %add3A_487 : i32
      %get3A_489 = arith.index_cast %add3A_488 : i32 to index
      %get3A_490 = arith.constant 0 : index
      %get3A_491 = tpu.vector_load %arg15[%get3A_489, %get3A_490] {strides = array<i32>} : memref<128x256xf32, #tpu.memory_space<vmem>>, vector<16xf32>,
      %add3A_492 = arith.constant 1 : i32
      %add3A_493 = arith.addi %add3A_364, %add3A_492 : i32
      %get3A_494 = arith.index_cast %add3A_493 : i32 to index
      %get3A_495 = arith.constant 16 : index
      %get3A_496 = tpu.vector_load %arg15[%get3A_494, %get3A_495] {strides = array<i32>} : memref<128x256xf32, #tpu.memory_space<vmem>>, vector<16xf32>,
      %add3A_497 = arith.constant 1 : i32
      %add3A_498 = arith.addi %add3A_364, %add3A_497 : i32
      %get3A_499 = arith.index_cast %add3A_498 : i32 to index
      %get3A_500 = arith.constant 32 : index
      %get3A_501 = tpu.vector_load %arg15[%get3A_499, %get3A_500] {strides = array<i32>} : memref<128x256xf32, #tpu.memory_space<vmem>>, vector<16xf32>,
      %add3A_502 = arith.constant 1 : i32
      %add3A_503 = arith.addi %add3A_364, %add3A_502 : i32
      %get3A_504 = arith.index_cast %add3A_503 : i32 to index
      %get3A_505 = arith.constant 48 : index
      %get3A_506 = tpu.vector_load %arg15[%get3A_504, %get3A_505] {strides = array<i32>} : memref<128x256xf32, #tpu.memory_space<vmem>>, vector<16xf32>,
      %mul3A_507 = arith.mulf %get3A_173, %get3A_491 : vector<16xf32>
      %mul3A_508 = arith.mulf %get3A_176, %get3A_496 : vector<16xf32>
      %mul3A_509 = arith.mulf %get3A_179, %get3A_501 : vector<16xf32>
      %mul3A_510 = arith.mulf %get3A_182, %get3A_506 : vector<16xf32>
      %add3A_511 = arith.addf %mul3A_507, %mul3A_508 : vector<16xf32>
      %add3A_512 = arith.addf %add3A_511, %mul3A_509 : vector<16xf32>
      %add3A_513 = arith.addf %add3A_512, %mul3A_510 : vector<16xf32>
      %reduce_sum3A_514 = arith.constant true
      %reduce_sum3A_515 = vector.broadcast %reduce_sum3A_514 : i1 to vector<16xi1>
      %reduce_sum3A_516 = tpu.scan <sum>, %add3A_513 masked %reduce_sum3A_515 : vector<16xf32>, vector<16xi1> -> vector<16xf32>
      %reduce_sum3A_517 = vector.extract %reduce_sum3A_516[15] : f32 from vector<16xf32>
      %mul3A_518 = arith.mulf %squeeze3A, %reduce_sum3A_321 : f32
      %mul3A_519 = arith.mulf %sub3A_246, %reduce_sum3A_517 : f32
      %add3A_520 = arith.addf %mul3A_518, %mul3A_519 : f32
      %gt3A_521 = arith.cmpf ogt, %add3A_520, %select_n3A_401 : f32
      %select_n3A_522 = arith.select %gt3A_521, %add3A_520, %select_n3A_401 : f32
      %jit3A_523 = arith.constant 1 : i32
      %select_n3A_524 = arith.select %gt3A_521, %jit3A_523, %select_n3A_404 : i32
      %add3A_525 = arith.constant 1 : i32
      %add3A_526 = arith.addi %add3A_364, %add3A_525 : i32
      %get3A_527 = arith.index_cast %add3A_526 : i32 to index
      %get3A_528 = arith.constant 64 : index
      %get3A_529 = tpu.vector_load %arg15[%get3A_527, %get3A_528] {strides = array<i32>} : memref<128x256xf32, #tpu.memory_space<vmem>>, vector<16xf32>,
      %add3A_530 = arith.constant 1 : i32
      %add3A_531 = arith.addi %add3A_364, %add3A_530 : i32
      %get3A_532 = arith.index_cast %add3A_531 : i32 to index
      %get3A_533 = arith.constant 80 : index
      %get3A_534 = tpu.vector_load %arg15[%get3A_532, %get3A_533] {strides = array<i32>} : memref<128x256xf32, #tpu.memory_space<vmem>>, vector<16xf32>,
      %add3A_535 = arith.constant 1 : i32
      %add3A_536 = arith.addi %add3A_364, %add3A_535 : i32
      %get3A_537 = arith.index_cast %add3A_536 : i32 to index
      %get3A_538 = arith.constant 96 : index
      %get3A_539 = tpu.vector_load %arg15[%get3A_537, %get3A_538] {strides = array<i32>} : memref<128x256xf32, #tpu.memory_space<vmem>>, vector<16xf32>,
      %add3A_540 = arith.constant 1 : i32
      %add3A_541 = arith.addi %add3A_364, %add3A_540 : i32
      %get3A_542 = arith.index_cast %add3A_541 : i32 to index
      %get3A_543 = arith.constant 112 : index
      %get3A_544 = tpu.vector_load %arg15[%get3A_542, %get3A_543] {strides = array<i32>} : memref<128x256xf32, #tpu.memory_space<vmem>>, vector<16xf32>,
      %mul3A_545 = arith.mulf %get3A_185, %get3A_529 : vector<16xf32>
      %mul3A_546 = arith.mulf %get3A_188, %get3A_534 : vector<16xf32>
      %mul3A_547 = arith.mulf %get3A_191, %get3A_539 : vector<16xf32>
      %mul3A_548 = arith.mulf %get3A_194, %get3A_544 : vector<16xf32>
      %add3A_549 = arith.addf %mul3A_545, %mul3A_546 : vector<16xf32>
      %add3A_550 = arith.addf %add3A_549, %mul3A_547 : vector<16xf32>
      %add3A_551 = arith.addf %add3A_550, %mul3A_548 : vector<16xf32>
      %reduce_sum3A_552 = arith.constant true
      %reduce_sum3A_553 = vector.broadcast %reduce_sum3A_552 : i1 to vector<16xi1>
      %reduce_sum3A_554 = tpu.scan <sum>, %add3A_551 masked %reduce_sum3A_553 : vector<16xf32>, vector<16xi1> -> vector<16xf32>
      %reduce_sum3A_555 = vector.extract %reduce_sum3A_554[15] : f32 from vector<16xf32>
      %mul3A_556 = arith.mulf %squeeze3A, %reduce_sum3A_332 : f32
      %mul3A_557 = arith.mulf %sub3A_246, %reduce_sum3A_555 : f32
      %add3A_558 = arith.addf %mul3A_556, %mul3A_557 : f32
      %gt3A_559 = arith.cmpf ogt, %add3A_558, %select_n3A_442 : f32
      %select_n3A_560 = arith.select %gt3A_559, %add3A_558, %select_n3A_442 : f32
      %jit3A_561 = arith.constant 1 : i32
      %select_n3A_562 = arith.select %gt3A_559, %jit3A_561, %select_n3A_445 : i32
      %add3A_563 = arith.constant 1 : i32
      %add3A_564 = arith.addi %add3A_364, %add3A_563 : i32
      %get3A_565 = arith.index_cast %add3A_564 : i32 to index
      %get3A_566 = arith.constant 128 : index
      %get3A_567 = tpu.vector_load %arg15[%get3A_565, %get3A_566] {strides = array<i32>} : memref<128x256xf32, #tpu.memory_space<vmem>>, vector<16xf32>,
      %add3A_568 = arith.constant 1 : i32
      %add3A_569 = arith.addi %add3A_364, %add3A_568 : i32
      %get3A_570 = arith.index_cast %add3A_569 : i32 to index
      %get3A_571 = arith.constant 144 : index
      %get3A_572 = tpu.vector_load %arg15[%get3A_570, %get3A_571] {strides = array<i32>} : memref<128x256xf32, #tpu.memory_space<vmem>>, vector<16xf32>,
      %add3A_573 = arith.constant 1 : i32
      %add3A_574 = arith.addi %add3A_364, %add3A_573 : i32
      %get3A_575 = arith.index_cast %add3A_574 : i32 to index
      %get3A_576 = arith.constant 160 : index
      %get3A_577 = tpu.vector_load %arg15[%get3A_575, %get3A_576] {strides = array<i32>} : memref<128x256xf32, #tpu.memory_space<vmem>>, vector<16xf32>,
      %add3A_578 = arith.constant 1 : i32
      %add3A_579 = arith.addi %add3A_364, %add3A_578 : i32
      %get3A_580 = arith.index_cast %add3A_579 : i32 to index
      %get3A_581 = arith.constant 176 : index
      %get3A_582 = tpu.vector_load %arg15[%get3A_580, %get3A_581] {strides = array<i32>} : memref<128x256xf32, #tpu.memory_space<vmem>>, vector<16xf32>,
      %mul3A_583 = arith.mulf %get3A_197, %get3A_567 : vector<16xf32>
      %mul3A_584 = arith.mulf %get3A_200, %get3A_572 : vector<16xf32>
      %mul3A_585 = arith.mulf %get3A_203, %get3A_577 : vector<16xf32>
      %mul3A_586 = arith.mulf %get3A_206, %get3A_582 : vector<16xf32>
      %add3A_587 = arith.addf %mul3A_583, %mul3A_584 : vector<16xf32>
      %add3A_588 = arith.addf %add3A_587, %mul3A_585 : vector<16xf32>
      %add3A_589 = arith.addf %add3A_588, %mul3A_586 : vector<16xf32>
      %reduce_sum3A_590 = arith.constant true
      %reduce_sum3A_591 = vector.broadcast %reduce_sum3A_590 : i1 to vector<16xi1>
      %reduce_sum3A_592 = tpu.scan <sum>, %add3A_589 masked %reduce_sum3A_591 : vector<16xf32>, vector<16xi1> -> vector<16xf32>
      %reduce_sum3A_593 = vector.extract %reduce_sum3A_592[15] : f32 from vector<16xf32>
      %mul3A_594 = arith.mulf %squeeze3A, %reduce_sum3A_343 : f32
      %mul3A_595 = arith.mulf %sub3A_246, %reduce_sum3A_593 : f32
      %add3A_596 = arith.addf %mul3A_594, %mul3A_595 : f32
      %gt3A_597 = arith.cmpf ogt, %add3A_596, %select_n3A_483 : f32
      %select_n3A_598 = arith.select %gt3A_597, %add3A_596, %select_n3A_483 : f32
      %jit3A_599 = arith.constant 1 : i32
      %select_n3A_600 = arith.select %gt3A_597, %jit3A_599, %select_n3A_486 : i32
      %add3A_601 = arith.constant 2 : i32
      %add3A_602 = arith.addi %add3A_364, %add3A_601 : i32
      %get3A_603 = arith.index_cast %add3A_602 : i32 to index
      %get3A_604 = arith.constant 0 : index
      %get3A_605 = tpu.vector_load %arg15[%get3A_603, %get3A_604] {strides = array<i32>} : memref<128x256xf32, #tpu.memory_space<vmem>>, vector<16xf32>,
      %add3A_606 = arith.constant 2 : i32
      %add3A_607 = arith.addi %add3A_364, %add3A_606 : i32
      %get3A_608 = arith.index_cast %add3A_607 : i32 to index
      %get3A_609 = arith.constant 16 : index
      %get3A_610 = tpu.vector_load %arg15[%get3A_608, %get3A_609] {strides = array<i32>} : memref<128x256xf32, #tpu.memory_space<vmem>>, vector<16xf32>,
      %add3A_611 = arith.constant 2 : i32
      %add3A_612 = arith.addi %add3A_364, %add3A_611 : i32
      %get3A_613 = arith.index_cast %add3A_612 : i32 to index
      %get3A_614 = arith.constant 32 : index
      %get3A_615 = tpu.vector_load %arg15[%get3A_613, %get3A_614] {strides = array<i32>} : memref<128x256xf32, #tpu.memory_space<vmem>>, vector<16xf32>,
      %add3A_616 = arith.constant 2 : i32
      %add3A_617 = arith.addi %add3A_364, %add3A_616 : i32
      %get3A_618 = arith.index_cast %add3A_617 : i32 to index
      %get3A_619 = arith.constant 48 : index
      %get3A_620 = tpu.vector_load %arg15[%get3A_618, %get3A_619] {strides = array<i32>} : memref<128x256xf32, #tpu.memory_space<vmem>>, vector<16xf32>,
      %mul3A_621 = arith.mulf %get3A_173, %get3A_605 : vector<16xf32>
      %mul3A_622 = arith.mulf %get3A_176, %get3A_610 : vector<16xf32>
      %mul3A_623 = arith.mulf %get3A_179, %get3A_615 : vector<16xf32>
      %mul3A_624 = arith.mulf %get3A_182, %get3A_620 : vector<16xf32>
      %add3A_625 = arith.addf %mul3A_621, %mul3A_622 : vector<16xf32>
      %add3A_626 = arith.addf %add3A_625, %mul3A_623 : vector<16xf32>
      %add3A_627 = arith.addf %add3A_626, %mul3A_624 : vector<16xf32>
      %reduce_sum3A_628 = arith.constant true
      %reduce_sum3A_629 = vector.broadcast %reduce_sum3A_628 : i1 to vector<16xi1>
      %reduce_sum3A_630 = tpu.scan <sum>, %add3A_627 masked %reduce_sum3A_629 : vector<16xf32>, vector<16xi1> -> vector<16xf32>
      %reduce_sum3A_631 = vector.extract %reduce_sum3A_630[15] : f32 from vector<16xf32>
      %mul3A_632 = arith.mulf %squeeze3A, %reduce_sum3A_321 : f32
      %mul3A_633 = arith.mulf %sub3A_246, %reduce_sum3A_631 : f32
      %add3A_634 = arith.addf %mul3A_632, %mul3A_633 : f32
      %gt3A_635 = arith.cmpf ogt, %add3A_634, %select_n3A_522 : f32
      %select_n3A_636 = arith.select %gt3A_635, %add3A_634, %select_n3A_522 : f32
      %jit3A_637 = arith.constant 2 : i32
      %select_n3A_638 = arith.select %gt3A_635, %jit3A_637, %select_n3A_524 : i32
      %add3A_639 = arith.constant 2 : i32
      %add3A_640 = arith.addi %add3A_364, %add3A_639 : i32
      %get3A_641 = arith.index_cast %add3A_640 : i32 to index
      %get3A_642 = arith.constant 64 : index
      %get3A_643 = tpu.vector_load %arg15[%get3A_641, %get3A_642] {strides = array<i32>} : memref<128x256xf32, #tpu.memory_space<vmem>>, vector<16xf32>,
      %add3A_644 = arith.constant 2 : i32
      %add3A_645 = arith.addi %add3A_364, %add3A_644 : i32
      %get3A_646 = arith.index_cast %add3A_645 : i32 to index
      %get3A_647 = arith.constant 80 : index
      %get3A_648 = tpu.vector_load %arg15[%get3A_646, %get3A_647] {strides = array<i32>} : memref<128x256xf32, #tpu.memory_space<vmem>>, vector<16xf32>,
      %add3A_649 = arith.constant 2 : i32
      %add3A_650 = arith.addi %add3A_364, %add3A_649 : i32
      %get3A_651 = arith.index_cast %add3A_650 : i32 to index
      %get3A_652 = arith.constant 96 : index
      %get3A_653 = tpu.vector_load %arg15[%get3A_651, %get3A_652] {strides = array<i32>} : memref<128x256xf32, #tpu.memory_space<vmem>>, vector<16xf32>,
      %add3A_654 = arith.constant 2 : i32
      %add3A_655 = arith.addi %add3A_364, %add3A_654 : i32
      %get3A_656 = arith.index_cast %add3A_655 : i32 to index
      %get3A_657 = arith.constant 112 : index
      %get3A_658 = tpu.vector_load %arg15[%get3A_656, %get3A_657] {strides = array<i32>} : memref<128x256xf32, #tpu.memory_space<vmem>>, vector<16xf32>,
      %mul3A_659 = arith.mulf %get3A_185, %get3A_643 : vector<16xf32>
      %mul3A_660 = arith.mulf %get3A_188, %get3A_648 : vector<16xf32>
      %mul3A_661 = arith.mulf %get3A_191, %get3A_653 : vector<16xf32>
      %mul3A_662 = arith.mulf %get3A_194, %get3A_658 : vector<16xf32>
      %add3A_663 = arith.addf %mul3A_659, %mul3A_660 : vector<16xf32>
      %add3A_664 = arith.addf %add3A_663, %mul3A_661 : vector<16xf32>
      %add3A_665 = arith.addf %add3A_664, %mul3A_662 : vector<16xf32>
      %reduce_sum3A_666 = arith.constant true
      %reduce_sum3A_667 = vector.broadcast %reduce_sum3A_666 : i1 to vector<16xi1>
      %reduce_sum3A_668 = tpu.scan <sum>, %add3A_665 masked %reduce_sum3A_667 : vector<16xf32>, vector<16xi1> -> vector<16xf32>
      %reduce_sum3A_669 = vector.extract %reduce_sum3A_668[15] : f32 from vector<16xf32>
      %mul3A_670 = arith.mulf %squeeze3A, %reduce_sum3A_332 : f32
      %mul3A_671 = arith.mulf %sub3A_246, %reduce_sum3A_669 : f32
      %add3A_672 = arith.addf %mul3A_670, %mul3A_671 : f32
      %gt3A_673 = arith.cmpf ogt, %add3A_672, %select_n3A_560 : f32
      %select_n3A_674 = arith.select %gt3A_673, %add3A_672, %select_n3A_560 : f32
      %jit3A_675 = arith.constant 2 : i32
      %select_n3A_676 = arith.select %gt3A_673, %jit3A_675, %select_n3A_562 : i32
      %add3A_677 = arith.constant 2 : i32
      %add3A_678 = arith.addi %add3A_364, %add3A_677 : i32
      %get3A_679 = arith.index_cast %add3A_678 : i32 to index
      %get3A_680 = arith.constant 128 : index
      %get3A_681 = tpu.vector_load %arg15[%get3A_679, %get3A_680] {strides = array<i32>} : memref<128x256xf32, #tpu.memory_space<vmem>>, vector<16xf32>,
      %add3A_682 = arith.constant 2 : i32
      %add3A_683 = arith.addi %add3A_364, %add3A_682 : i32
      %get3A_684 = arith.index_cast %add3A_683 : i32 to index
      %get3A_685 = arith.constant 144 : index
      %get3A_686 = tpu.vector_load %arg15[%get3A_684, %get3A_685] {strides = array<i32>} : memref<128x256xf32, #tpu.memory_space<vmem>>, vector<16xf32>,
      %add3A_687 = arith.constant 2 : i32
      %add3A_688 = arith.addi %add3A_364, %add3A_687 : i32
      %get3A_689 = arith.index_cast %add3A_688 : i32 to index
      %get3A_690 = arith.constant 160 : index
      %get3A_691 = tpu.vector_load %arg15[%get3A_689, %get3A_690] {strides = array<i32>} : memref<128x256xf32, #tpu.memory_space<vmem>>, vector<16xf32>,
      %add3A_692 = arith.constant 2 : i32
      %add3A_693 = arith.addi %add3A_364, %add3A_692 : i32
      %get3A_694 = arith.index_cast %add3A_693 : i32 to index
      %get3A_695 = arith.constant 176 : index
      %get3A_696 = tpu.vector_load %arg15[%get3A_694, %get3A_695] {strides = array<i32>} : memref<128x256xf32, #tpu.memory_space<vmem>>, vector<16xf32>,
      %mul3A_697 = arith.mulf %get3A_197, %get3A_681 : vector<16xf32>
      %mul3A_698 = arith.mulf %get3A_200, %get3A_686 : vector<16xf32>
      %mul3A_699 = arith.mulf %get3A_203, %get3A_691 : vector<16xf32>
      %mul3A_700 = arith.mulf %get3A_206, %get3A_696 : vector<16xf32>
      %add3A_701 = arith.addf %mul3A_697, %mul3A_698 : vector<16xf32>
      %add3A_702 = arith.addf %add3A_701, %mul3A_699 : vector<16xf32>
      %add3A_703 = arith.addf %add3A_702, %mul3A_700 : vector<16xf32>
      %reduce_sum3A_704 = arith.constant true
      %reduce_sum3A_705 = vector.broadcast %reduce_sum3A_704 : i1 to vector<16xi1>
      %reduce_sum3A_706 = tpu.scan <sum>, %add3A_703 masked %reduce_sum3A_705 : vector<16xf32>, vector<16xi1> -> vector<16xf32>
      %reduce_sum3A_707 = vector.extract %reduce_sum3A_706[15] : f32 from vector<16xf32>
      %mul3A_708 = arith.mulf %squeeze3A, %reduce_sum3A_343 : f32
      %mul3A_709 = arith.mulf %sub3A_246, %reduce_sum3A_707 : f32
      %add3A_710 = arith.addf %mul3A_708, %mul3A_709 : f32
      %gt3A_711 = arith.cmpf ogt, %add3A_710, %select_n3A_598 : f32
      %select_n3A_712 = arith.select %gt3A_711, %add3A_710, %select_n3A_598 : f32
      %jit3A_713 = arith.constant 2 : i32
      %select_n3A_714 = arith.select %gt3A_711, %jit3A_713, %select_n3A_600 : i32
      %add3A_715 = arith.constant 3 : i32
      %add3A_716 = arith.addi %add3A_364, %add3A_715 : i32
      %get3A_717 = arith.index_cast %add3A_716 : i32 to index
      %get3A_718 = arith.constant 0 : index
      %get3A_719 = tpu.vector_load %arg15[%get3A_717, %get3A_718] {strides = array<i32>} : memref<128x256xf32, #tpu.memory_space<vmem>>, vector<16xf32>,
      %add3A_720 = arith.constant 3 : i32
      %add3A_721 = arith.addi %add3A_364, %add3A_720 : i32
      %get3A_722 = arith.index_cast %add3A_721 : i32 to index
      %get3A_723 = arith.constant 16 : index
      %get3A_724 = tpu.vector_load %arg15[%get3A_722, %get3A_723] {strides = array<i32>} : memref<128x256xf32, #tpu.memory_space<vmem>>, vector<16xf32>,
      %add3A_725 = arith.constant 3 : i32
      %add3A_726 = arith.addi %add3A_364, %add3A_725 : i32
      %get3A_727 = arith.index_cast %add3A_726 : i32 to index
      %get3A_728 = arith.constant 32 : index
      %get3A_729 = tpu.vector_load %arg15[%get3A_727, %get3A_728] {strides = array<i32>} : memref<128x256xf32, #tpu.memory_space<vmem>>, vector<16xf32>,
      %add3A_730 = arith.constant 3 : i32
      %add3A_731 = arith.addi %add3A_364, %add3A_730 : i32
      %get3A_732 = arith.index_cast %add3A_731 : i32 to index
      %get3A_733 = arith.constant 48 : index
      %get3A_734 = tpu.vector_load %arg15[%get3A_732, %get3A_733] {strides = array<i32>} : memref<128x256xf32, #tpu.memory_space<vmem>>, vector<16xf32>,
      %mul3A_735 = arith.mulf %get3A_173, %get3A_719 : vector<16xf32>
      %mul3A_736 = arith.mulf %get3A_176, %get3A_724 : vector<16xf32>
      %mul3A_737 = arith.mulf %get3A_179, %get3A_729 : vector<16xf32>
      %mul3A_738 = arith.mulf %get3A_182, %get3A_734 : vector<16xf32>
      %add3A_739 = arith.addf %mul3A_735, %mul3A_736 : vector<16xf32>
      %add3A_740 = arith.addf %add3A_739, %mul3A_737 : vector<16xf32>
      %add3A_741 = arith.addf %add3A_740, %mul3A_738 : vector<16xf32>
      %reduce_sum3A_742 = arith.constant true
      %reduce_sum3A_743 = vector.broadcast %reduce_sum3A_742 : i1 to vector<16xi1>
      %reduce_sum3A_744 = tpu.scan <sum>, %add3A_741 masked %reduce_sum3A_743 : vector<16xf32>, vector<16xi1> -> vector<16xf32>
      %reduce_sum3A_745 = vector.extract %reduce_sum3A_744[15] : f32 from vector<16xf32>
      %mul3A_746 = arith.mulf %squeeze3A, %reduce_sum3A_321 : f32
      %mul3A_747 = arith.mulf %sub3A_246, %reduce_sum3A_745 : f32
      %add3A_748 = arith.addf %mul3A_746, %mul3A_747 : f32
      %gt3A_749 = arith.cmpf ogt, %add3A_748, %select_n3A_636 : f32
      %select_n3A_750 = arith.select %gt3A_749, %add3A_748, %select_n3A_636 : f32
      %jit3A_751 = arith.constant 3 : i32
      %select_n3A_752 = arith.select %gt3A_749, %jit3A_751, %select_n3A_638 : i32
      %add3A_753 = arith.constant 3 : i32
      %add3A_754 = arith.addi %add3A_364, %add3A_753 : i32
      %get3A_755 = arith.index_cast %add3A_754 : i32 to index
      %get3A_756 = arith.constant 64 : index
      %get3A_757 = tpu.vector_load %arg15[%get3A_755, %get3A_756] {strides = array<i32>} : memref<128x256xf32, #tpu.memory_space<vmem>>, vector<16xf32>,
      %add3A_758 = arith.constant 3 : i32
      %add3A_759 = arith.addi %add3A_364, %add3A_758 : i32
      %get3A_760 = arith.index_cast %add3A_759 : i32 to index
      %get3A_761 = arith.constant 80 : index
      %get3A_762 = tpu.vector_load %arg15[%get3A_760, %get3A_761] {strides = array<i32>} : memref<128x256xf32, #tpu.memory_space<vmem>>, vector<16xf32>,
      %add3A_763 = arith.constant 3 : i32
      %add3A_764 = arith.addi %add3A_364, %add3A_763 : i32
      %get3A_765 = arith.index_cast %add3A_764 : i32 to index
      %get3A_766 = arith.constant 96 : index
      %get3A_767 = tpu.vector_load %arg15[%get3A_765, %get3A_766] {strides = array<i32>} : memref<128x256xf32, #tpu.memory_space<vmem>>, vector<16xf32>,
      %add3A_768 = arith.constant 3 : i32
      %add3A_769 = arith.addi %add3A_364, %add3A_768 : i32
      %get3A_770 = arith.index_cast %add3A_769 : i32 to index
      %get3A_771 = arith.constant 112 : index
      %get3A_772 = tpu.vector_load %arg15[%get3A_770, %get3A_771] {strides = array<i32>} : memref<128x256xf32, #tpu.memory_space<vmem>>, vector<16xf32>,
      %mul3A_773 = arith.mulf %get3A_185, %get3A_757 : vector<16xf32>
      %mul3A_774 = arith.mulf %get3A_188, %get3A_762 : vector<16xf32>
      %mul3A_775 = arith.mulf %get3A_191, %get3A_767 : vector<16xf32>
      %mul3A_776 = arith.mulf %get3A_194, %get3A_772 : vector<16xf32>
      %add3A_777 = arith.addf %mul3A_773, %mul3A_774 : vector<16xf32>
      %add3A_778 = arith.addf %add3A_777, %mul3A_775 : vector<16xf32>
      %add3A_779 = arith.addf %add3A_778, %mul3A_776 : vector<16xf32>
      %reduce_sum3A_780 = arith.constant true
      %reduce_sum3A_781 = vector.broadcast %reduce_sum3A_780 : i1 to vector<16xi1>
      %reduce_sum3A_782 = tpu.scan <sum>, %add3A_779 masked %reduce_sum3A_781 : vector<16xf32>, vector<16xi1> -> vector<16xf32>
      %reduce_sum3A_783 = vector.extract %reduce_sum3A_782[15] : f32 from vector<16xf32>
      %mul3A_784 = arith.mulf %squeeze3A, %reduce_sum3A_332 : f32
      %mul3A_785 = arith.mulf %sub3A_246, %reduce_sum3A_783 : f32
      %add3A_786 = arith.addf %mul3A_784, %mul3A_785 : f32
      %gt3A_787 = arith.cmpf ogt, %add3A_786, %select_n3A_674 : f32
      %select_n3A_788 = arith.select %gt3A_787, %add3A_786, %select_n3A_674 : f32
      %jit3A_789 = arith.constant 3 : i32
      %select_n3A_790 = arith.select %gt3A_787, %jit3A_789, %select_n3A_676 : i32
      %add3A_791 = arith.constant 3 : i32
      %add3A_792 = arith.addi %add3A_364, %add3A_791 : i32
      %get3A_793 = arith.index_cast %add3A_792 : i32 to index
      %get3A_794 = arith.constant 128 : index
      %get3A_795 = tpu.vector_load %arg15[%get3A_793, %get3A_794] {strides = array<i32>} : memref<128x256xf32, #tpu.memory_space<vmem>>, vector<16xf32>,
      %add3A_796 = arith.constant 3 : i32
      %add3A_797 = arith.addi %add3A_364, %add3A_796 : i32
      %get3A_798 = arith.index_cast %add3A_797 : i32 to index
      %get3A_799 = arith.constant 144 : index
      %get3A_800 = tpu.vector_load %arg15[%get3A_798, %get3A_799] {strides = array<i32>} : memref<128x256xf32, #tpu.memory_space<vmem>>, vector<16xf32>,
      %add3A_801 = arith.constant 3 : i32
      %add3A_802 = arith.addi %add3A_364, %add3A_801 : i32
      %get3A_803 = arith.index_cast %add3A_802 : i32 to index
      %get3A_804 = arith.constant 160 : index
      %get3A_805 = tpu.vector_load %arg15[%get3A_803, %get3A_804] {strides = array<i32>} : memref<128x256xf32, #tpu.memory_space<vmem>>, vector<16xf32>,
      %add3A_806 = arith.constant 3 : i32
      %add3A_807 = arith.addi %add3A_364, %add3A_806 : i32
      %get3A_808 = arith.index_cast %add3A_807 : i32 to index
      %get3A_809 = arith.constant 176 : index
      %get3A_810 = tpu.vector_load %arg15[%get3A_808, %get3A_809] {strides = array<i32>} : memref<128x256xf32, #tpu.memory_space<vmem>>, vector<16xf32>,
      %mul3A_811 = arith.mulf %get3A_197, %get3A_795 : vector<16xf32>
      %mul3A_812 = arith.mulf %get3A_200, %get3A_800 : vector<16xf32>
      %mul3A_813 = arith.mulf %get3A_203, %get3A_805 : vector<16xf32>
      %mul3A_814 = arith.mulf %get3A_206, %get3A_810 : vector<16xf32>
      %add3A_815 = arith.addf %mul3A_811, %mul3A_812 : vector<16xf32>
      %add3A_816 = arith.addf %add3A_815, %mul3A_813 : vector<16xf32>
      %add3A_817 = arith.addf %add3A_816, %mul3A_814 : vector<16xf32>
      %reduce_sum3A_818 = arith.constant true
      %reduce_sum3A_819 = vector.broadcast %reduce_sum3A_818 : i1 to vector<16xi1>
      %reduce_sum3A_820 = tpu.scan <sum>, %add3A_817 masked %reduce_sum3A_819 : vector<16xf32>, vector<16xi1> -> vector<16xf32>
      %reduce_sum3A_821 = vector.extract %reduce_sum3A_820[15] : f32 from vector<16xf32>
      %mul3A_822 = arith.mulf %squeeze3A, %reduce_sum3A_343 : f32
      %mul3A_823 = arith.mulf %sub3A_246, %reduce_sum3A_821 : f32
      %add3A_824 = arith.addf %mul3A_822, %mul3A_823 : f32
      %gt3A_825 = arith.cmpf ogt, %add3A_824, %select_n3A_712 : f32
      %select_n3A_826 = arith.select %gt3A_825, %add3A_824, %select_n3A_712 : f32
      %jit3A_827 = arith.constant 3 : i32
      %select_n3A_828 = arith.select %gt3A_825, %jit3A_827, %select_n3A_714 : i32
      %add3A_829 = arith.constant 4 : i32
      %add3A_830 = arith.addi %add3A_364, %add3A_829 : i32
      %get3A_831 = arith.index_cast %add3A_830 : i32 to index
      %get3A_832 = arith.constant 0 : index
      %get3A_833 = tpu.vector_load %arg15[%get3A_831, %get3A_832] {strides = array<i32>} : memref<128x256xf32, #tpu.memory_space<vmem>>, vector<16xf32>,
      %add3A_834 = arith.constant 4 : i32
      %add3A_835 = arith.addi %add3A_364, %add3A_834 : i32
      %get3A_836 = arith.index_cast %add3A_835 : i32 to index
      %get3A_837 = arith.constant 16 : index
      %get3A_838 = tpu.vector_load %arg15[%get3A_836, %get3A_837] {strides = array<i32>} : memref<128x256xf32, #tpu.memory_space<vmem>>, vector<16xf32>,
      %add3A_839 = arith.constant 4 : i32
      %add3A_840 = arith.addi %add3A_364, %add3A_839 : i32
      %get3A_841 = arith.index_cast %add3A_840 : i32 to index
      %get3A_842 = arith.constant 32 : index
      %get3A_843 = tpu.vector_load %arg15[%get3A_841, %get3A_842] {strides = array<i32>} : memref<128x256xf32, #tpu.memory_space<vmem>>, vector<16xf32>,
      %add3A_844 = arith.constant 4 : i32
      %add3A_845 = arith.addi %add3A_364, %add3A_844 : i32
      %get3A_846 = arith.index_cast %add3A_845 : i32 to index
      %get3A_847 = arith.constant 48 : index
      %get3A_848 = tpu.vector_load %arg15[%get3A_846, %get3A_847] {strides = array<i32>} : memref<128x256xf32, #tpu.memory_space<vmem>>, vector<16xf32>,
      %mul3A_849 = arith.mulf %get3A_173, %get3A_833 : vector<16xf32>
      %mul3A_850 = arith.mulf %get3A_176, %get3A_838 : vector<16xf32>
      %mul3A_851 = arith.mulf %get3A_179, %get3A_843 : vector<16xf32>
      %mul3A_852 = arith.mulf %get3A_182, %get3A_848 : vector<16xf32>
      %add3A_853 = arith.addf %mul3A_849, %mul3A_850 : vector<16xf32>
      %add3A_854 = arith.addf %add3A_853, %mul3A_851 : vector<16xf32>
      %add3A_855 = arith.addf %add3A_854, %mul3A_852 : vector<16xf32>
      %reduce_sum3A_856 = arith.constant true
      %reduce_sum3A_857 = vector.broadcast %reduce_sum3A_856 : i1 to vector<16xi1>
      %reduce_sum3A_858 = tpu.scan <sum>, %add3A_855 masked %reduce_sum3A_857 : vector<16xf32>, vector<16xi1> -> vector<16xf32>
      %reduce_sum3A_859 = vector.extract %reduce_sum3A_858[15] : f32 from vector<16xf32>
      %mul3A_860 = arith.mulf %squeeze3A, %reduce_sum3A_321 : f32
      %mul3A_861 = arith.mulf %sub3A_246, %reduce_sum3A_859 : f32
      %add3A_862 = arith.addf %mul3A_860, %mul3A_861 : f32
      %gt3A_863 = arith.cmpf ogt, %add3A_862, %select_n3A_750 : f32
      %select_n3A_864 = arith.select %gt3A_863, %add3A_862, %select_n3A_750 : f32
      %jit3A_865 = arith.constant 4 : i32
      %select_n3A_866 = arith.select %gt3A_863, %jit3A_865, %select_n3A_752 : i32
      %add3A_867 = arith.constant 4 : i32
      %add3A_868 = arith.addi %add3A_364, %add3A_867 : i32
      %get3A_869 = arith.index_cast %add3A_868 : i32 to index
      %get3A_870 = arith.constant 64 : index
      %get3A_871 = tpu.vector_load %arg15[%get3A_869, %get3A_870] {strides = array<i32>} : memref<128x256xf32, #tpu.memory_space<vmem>>, vector<16xf32>,
      %add3A_872 = arith.constant 4 : i32
      %add3A_873 = arith.addi %add3A_364, %add3A_872 : i32
      %get3A_874 = arith.index_cast %add3A_873 : i32 to index
      %get3A_875 = arith.constant 80 : index
      %get3A_876 = tpu.vector_load %arg15[%get3A_874, %get3A_875] {strides = array<i32>} : memref<128x256xf32, #tpu.memory_space<vmem>>, vector<16xf32>,
      %add3A_877 = arith.constant 4 : i32
      %add3A_878 = arith.addi %add3A_364, %add3A_877 : i32
      %get3A_879 = arith.index_cast %add3A_878 : i32 to index
      %get3A_880 = arith.constant 96 : index
      %get3A_881 = tpu.vector_load %arg15[%get3A_879, %get3A_880] {strides = array<i32>} : memref<128x256xf32, #tpu.memory_space<vmem>>, vector<16xf32>,
      %add3A_882 = arith.constant 4 : i32
      %add3A_883 = arith.addi %add3A_364, %add3A_882 : i32
      %get3A_884 = arith.index_cast %add3A_883 : i32 to index
      %get3A_885 = arith.constant 112 : index
      %get3A_886 = tpu.vector_load %arg15[%get3A_884, %get3A_885] {strides = array<i32>} : memref<128x256xf32, #tpu.memory_space<vmem>>, vector<16xf32>,
      %mul3A_887 = arith.mulf %get3A_185, %get3A_871 : vector<16xf32>
      %mul3A_888 = arith.mulf %get3A_188, %get3A_876 : vector<16xf32>
      %mul3A_889 = arith.mulf %get3A_191, %get3A_881 : vector<16xf32>
      %mul3A_890 = arith.mulf %get3A_194, %get3A_886 : vector<16xf32>
      %add3A_891 = arith.addf %mul3A_887, %mul3A_888 : vector<16xf32>
      %add3A_892 = arith.addf %add3A_891, %mul3A_889 : vector<16xf32>
      %add3A_893 = arith.addf %add3A_892, %mul3A_890 : vector<16xf32>
      %reduce_sum3A_894 = arith.constant true
      %reduce_sum3A_895 = vector.broadcast %reduce_sum3A_894 : i1 to vector<16xi1>
      %reduce_sum3A_896 = tpu.scan <sum>, %add3A_893 masked %reduce_sum3A_895 : vector<16xf32>, vector<16xi1> -> vector<16xf32>
      %reduce_sum3A_897 = vector.extract %reduce_sum3A_896[15] : f32 from vector<16xf32>
      %mul3A_898 = arith.mulf %squeeze3A, %reduce_sum3A_332 : f32
      %mul3A_899 = arith.mulf %sub3A_246, %reduce_sum3A_897 : f32
      %add3A_900 = arith.addf %mul3A_898, %mul3A_899 : f32
      %gt3A_901 = arith.cmpf ogt, %add3A_900, %select_n3A_788 : f32
      %select_n3A_902 = arith.select %gt3A_901, %add3A_900, %select_n3A_788 : f32
      %jit3A_903 = arith.constant 4 : i32
      %select_n3A_904 = arith.select %gt3A_901, %jit3A_903, %select_n3A_790 : i32
      %add3A_905 = arith.constant 4 : i32
      %add3A_906 = arith.addi %add3A_364, %add3A_905 : i32
      %get3A_907 = arith.index_cast %add3A_906 : i32 to index
      %get3A_908 = arith.constant 128 : index
      %get3A_909 = tpu.vector_load %arg15[%get3A_907, %get3A_908] {strides = array<i32>} : memref<128x256xf32, #tpu.memory_space<vmem>>, vector<16xf32>,
      %add3A_910 = arith.constant 4 : i32
      %add3A_911 = arith.addi %add3A_364, %add3A_910 : i32
      %get3A_912 = arith.index_cast %add3A_911 : i32 to index
      %get3A_913 = arith.constant 144 : index
      %get3A_914 = tpu.vector_load %arg15[%get3A_912, %get3A_913] {strides = array<i32>} : memref<128x256xf32, #tpu.memory_space<vmem>>, vector<16xf32>,
      %add3A_915 = arith.constant 4 : i32
      %add3A_916 = arith.addi %add3A_364, %add3A_915 : i32
      %get3A_917 = arith.index_cast %add3A_916 : i32 to index
      %get3A_918 = arith.constant 160 : index
      %get3A_919 = tpu.vector_load %arg15[%get3A_917, %get3A_918] {strides = array<i32>} : memref<128x256xf32, #tpu.memory_space<vmem>>, vector<16xf32>,
      %add3A_920 = arith.constant 4 : i32
      %add3A_921 = arith.addi %add3A_364, %add3A_920 : i32
      %get3A_922 = arith.index_cast %add3A_921 : i32 to index
      %get3A_923 = arith.constant 176 : index
      %get3A_924 = tpu.vector_load %arg15[%get3A_922, %get3A_923] {strides = array<i32>} : memref<128x256xf32, #tpu.memory_space<vmem>>, vector<16xf32>,
      %mul3A_925 = arith.mulf %get3A_197, %get3A_909 : vector<16xf32>
      %mul3A_926 = arith.mulf %get3A_200, %get3A_914 : vector<16xf32>
      %mul3A_927 = arith.mulf %get3A_203, %get3A_919 : vector<16xf32>
      %mul3A_928 = arith.mulf %get3A_206, %get3A_924 : vector<16xf32>
      %add3A_929 = arith.addf %mul3A_925, %mul3A_926 : vector<16xf32>
      %add3A_930 = arith.addf %add3A_929, %mul3A_927 : vector<16xf32>
      %add3A_931 = arith.addf %add3A_930, %mul3A_928 : vector<16xf32>
      %reduce_sum3A_932 = arith.constant true
      %reduce_sum3A_933 = vector.broadcast %reduce_sum3A_932 : i1 to vector<16xi1>
      %reduce_sum3A_934 = tpu.scan <sum>, %add3A_931 masked %reduce_sum3A_933 : vector<16xf32>, vector<16xi1> -> vector<16xf32>
      %reduce_sum3A_935 = vector.extract %reduce_sum3A_934[15] : f32 from vector<16xf32>
      %mul3A_936 = arith.mulf %squeeze3A, %reduce_sum3A_343 : f32
      %mul3A_937 = arith.mulf %sub3A_246, %reduce_sum3A_935 : f32
      %add3A_938 = arith.addf %mul3A_936, %mul3A_937 : f32
      %gt3A_939 = arith.cmpf ogt, %add3A_938, %select_n3A_826 : f32
      %select_n3A_940 = arith.select %gt3A_939, %add3A_938, %select_n3A_826 : f32
      %jit3A_941 = arith.constant 4 : i32
      %select_n3A_942 = arith.select %gt3A_939, %jit3A_941, %select_n3A_828 : i32
      %add3A_943 = arith.constant 5 : i32
      %add3A_944 = arith.addi %add3A_364, %add3A_943 : i32
      %get3A_945 = arith.index_cast %add3A_944 : i32 to index
      %get3A_946 = arith.constant 0 : index
      %get3A_947 = tpu.vector_load %arg15[%get3A_945, %get3A_946] {strides = array<i32>} : memref<128x256xf32, #tpu.memory_space<vmem>>, vector<16xf32>,
      %add3A_948 = arith.constant 5 : i32
      %add3A_949 = arith.addi %add3A_364, %add3A_948 : i32
      %get3A_950 = arith.index_cast %add3A_949 : i32 to index
      %get3A_951 = arith.constant 16 : index
      %get3A_952 = tpu.vector_load %arg15[%get3A_950, %get3A_951] {strides = array<i32>} : memref<128x256xf32, #tpu.memory_space<vmem>>, vector<16xf32>,
      %add3A_953 = arith.constant 5 : i32
      %add3A_954 = arith.addi %add3A_364, %add3A_953 : i32
      %get3A_955 = arith.index_cast %add3A_954 : i32 to index
      %get3A_956 = arith.constant 32 : index
      %get3A_957 = tpu.vector_load %arg15[%get3A_955, %get3A_956] {strides = array<i32>} : memref<128x256xf32, #tpu.memory_space<vmem>>, vector<16xf32>,
      %add3A_958 = arith.constant 5 : i32
      %add3A_959 = arith.addi %add3A_364, %add3A_958 : i32
      %get3A_960 = arith.index_cast %add3A_959 : i32 to index
      %get3A_961 = arith.constant 48 : index
      %get3A_962 = tpu.vector_load %arg15[%get3A_960, %get3A_961] {strides = array<i32>} : memref<128x256xf32, #tpu.memory_space<vmem>>, vector<16xf32>,
      %mul3A_963 = arith.mulf %get3A_173, %get3A_947 : vector<16xf32>
      %mul3A_964 = arith.mulf %get3A_176, %get3A_952 : vector<16xf32>
      %mul3A_965 = arith.mulf %get3A_179, %get3A_957 : vector<16xf32>
      %mul3A_966 = arith.mulf %get3A_182, %get3A_962 : vector<16xf32>
      %add3A_967 = arith.addf %mul3A_963, %mul3A_964 : vector<16xf32>
      %add3A_968 = arith.addf %add3A_967, %mul3A_965 : vector<16xf32>
      %add3A_969 = arith.addf %add3A_968, %mul3A_966 : vector<16xf32>
      %reduce_sum3A_970 = arith.constant true
      %reduce_sum3A_971 = vector.broadcast %reduce_sum3A_970 : i1 to vector<16xi1>
      %reduce_sum3A_972 = tpu.scan <sum>, %add3A_969 masked %reduce_sum3A_971 : vector<16xf32>, vector<16xi1> -> vector<16xf32>
      %reduce_sum3A_973 = vector.extract %reduce_sum3A_972[15] : f32 from vector<16xf32>
      %mul3A_974 = arith.mulf %squeeze3A, %reduce_sum3A_321 : f32
      %mul3A_975 = arith.mulf %sub3A_246, %reduce_sum3A_973 : f32
      %add3A_976 = arith.addf %mul3A_974, %mul3A_975 : f32
      %gt3A_977 = arith.cmpf ogt, %add3A_976, %select_n3A_864 : f32
      %select_n3A_978 = arith.select %gt3A_977, %add3A_976, %select_n3A_864 : f32
      %jit3A_979 = arith.constant 5 : i32
      %select_n3A_980 = arith.select %gt3A_977, %jit3A_979, %select_n3A_866 : i32
      %add3A_981 = arith.constant 5 : i32
      %add3A_982 = arith.addi %add3A_364, %add3A_981 : i32
      %get3A_983 = arith.index_cast %add3A_982 : i32 to index
      %get3A_984 = arith.constant 64 : index
      %get3A_985 = tpu.vector_load %arg15[%get3A_983, %get3A_984] {strides = array<i32>} : memref<128x256xf32, #tpu.memory_space<vmem>>, vector<16xf32>,
      %add3A_986 = arith.constant 5 : i32
      %add3A_987 = arith.addi %add3A_364, %add3A_986 : i32
      %get3A_988 = arith.index_cast %add3A_987 : i32 to index
      %get3A_989 = arith.constant 80 : index
      %get3A_990 = tpu.vector_load %arg15[%get3A_988, %get3A_989] {strides = array<i32>} : memref<128x256xf32, #tpu.memory_space<vmem>>, vector<16xf32>,
      %add3A_991 = arith.constant 5 : i32
      %add3A_992 = arith.addi %add3A_364, %add3A_991 : i32
      %get3A_993 = arith.index_cast %add3A_992 : i32 to index
      %get3A_994 = arith.constant 96 : index
      %get3A_995 = tpu.vector_load %arg15[%get3A_993, %get3A_994] {strides = array<i32>} : memref<128x256xf32, #tpu.memory_space<vmem>>, vector<16xf32>,
      %add3A_996 = arith.constant 5 : i32
      %add3A_997 = arith.addi %add3A_364, %add3A_996 : i32
      %get3A_998 = arith.index_cast %add3A_997 : i32 to index
      %get3A_999 = arith.constant 112 : index
      %get3A_1000 = tpu.vector_load %arg15[%get3A_998, %get3A_999] {strides = array<i32>} : memref<128x256xf32, #tpu.memory_space<vmem>>, vector<16xf32>,
      %mul3A_1001 = arith.mulf %get3A_185, %get3A_985 : vector<16xf32>
      %mul3A_1002 = arith.mulf %get3A_188, %get3A_990 : vector<16xf32>
      %mul3A_1003 = arith.mulf %get3A_191, %get3A_995 : vector<16xf32>
      %mul3A_1004 = arith.mulf %get3A_194, %get3A_1000 : vector<16xf32>
      %add3A_1005 = arith.addf %mul3A_1001, %mul3A_1002 : vector<16xf32>
      %add3A_1006 = arith.addf %add3A_1005, %mul3A_1003 : vector<16xf32>
      %add3A_1007 = arith.addf %add3A_1006, %mul3A_1004 : vector<16xf32>
      %reduce_sum3A_1008 = arith.constant true
      %reduce_sum3A_1009 = vector.broadcast %reduce_sum3A_1008 : i1 to vector<16xi1>
      %reduce_sum3A_1010 = tpu.scan <sum>, %add3A_1007 masked %reduce_sum3A_1009 : vector<16xf32>, vector<16xi1> -> vector<16xf32>
      %reduce_sum3A_1011 = vector.extract %reduce_sum3A_1010[15] : f32 from vector<16xf32>
      %mul3A_1012 = arith.mulf %squeeze3A, %reduce_sum3A_332 : f32
      %mul3A_1013 = arith.mulf %sub3A_246, %reduce_sum3A_1011 : f32
      %add3A_1014 = arith.addf %mul3A_1012, %mul3A_1013 : f32
      %gt3A_1015 = arith.cmpf ogt, %add3A_1014, %select_n3A_902 : f32
      %select_n3A_1016 = arith.select %gt3A_1015, %add3A_1014, %select_n3A_902 : f32
      %jit3A_1017 = arith.constant 5 : i32
      %select_n3A_1018 = arith.select %gt3A_1015, %jit3A_1017, %select_n3A_904 : i32
      %add3A_1019 = arith.constant 5 : i32
      %add3A_1020 = arith.addi %add3A_364, %add3A_1019 : i32
      %get3A_1021 = arith.index_cast %add3A_1020 : i32 to index
      %get3A_1022 = arith.constant 128 : index
      %get3A_1023 = tpu.vector_load %arg15[%get3A_1021, %get3A_1022] {strides = array<i32>} : memref<128x256xf32, #tpu.memory_space<vmem>>, vector<16xf32>,
      %add3A_1024 = arith.constant 5 : i32
      %add3A_1025 = arith.addi %add3A_364, %add3A_1024 : i32
      %get3A_1026 = arith.index_cast %add3A_1025 : i32 to index
      %get3A_1027 = arith.constant 144 : index
      %get3A_1028 = tpu.vector_load %arg15[%get3A_1026, %get3A_1027] {strides = array<i32>} : memref<128x256xf32, #tpu.memory_space<vmem>>, vector<16xf32>,
      %add3A_1029 = arith.constant 5 : i32
      %add3A_1030 = arith.addi %add3A_364, %add3A_1029 : i32
      %get3A_1031 = arith.index_cast %add3A_1030 : i32 to index
      %get3A_1032 = arith.constant 160 : index
      %get3A_1033 = tpu.vector_load %arg15[%get3A_1031, %get3A_1032] {strides = array<i32>} : memref<128x256xf32, #tpu.memory_space<vmem>>, vector<16xf32>,
      %add3A_1034 = arith.constant 5 : i32
      %add3A_1035 = arith.addi %add3A_364, %add3A_1034 : i32
      %get3A_1036 = arith.index_cast %add3A_1035 : i32 to index
      %get3A_1037 = arith.constant 176 : index
      %get3A_1038 = tpu.vector_load %arg15[%get3A_1036, %get3A_1037] {strides = array<i32>} : memref<128x256xf32, #tpu.memory_space<vmem>>, vector<16xf32>,
      %mul3A_1039 = arith.mulf %get3A_197, %get3A_1023 : vector<16xf32>
      %mul3A_1040 = arith.mulf %get3A_200, %get3A_1028 : vector<16xf32>
      %mul3A_1041 = arith.mulf %get3A_203, %get3A_1033 : vector<16xf32>
      %mul3A_1042 = arith.mulf %get3A_206, %get3A_1038 : vector<16xf32>
      %add3A_1043 = arith.addf %mul3A_1039, %mul3A_1040 : vector<16xf32>
      %add3A_1044 = arith.addf %add3A_1043, %mul3A_1041 : vector<16xf32>
      %add3A_1045 = arith.addf %add3A_1044, %mul3A_1042 : vector<16xf32>
      %reduce_sum3A_1046 = arith.constant true
      %reduce_sum3A_1047 = vector.broadcast %reduce_sum3A_1046 : i1 to vector<16xi1>
      %reduce_sum3A_1048 = tpu.scan <sum>, %add3A_1045 masked %reduce_sum3A_1047 : vector<16xf32>, vector<16xi1> -> vector<16xf32>
      %reduce_sum3A_1049 = vector.extract %reduce_sum3A_1048[15] : f32 from vector<16xf32>
      %mul3A_1050 = arith.mulf %squeeze3A, %reduce_sum3A_343 : f32
      %mul3A_1051 = arith.mulf %sub3A_246, %reduce_sum3A_1049 : f32
      %add3A_1052 = arith.addf %mul3A_1050, %mul3A_1051 : f32
      %gt3A_1053 = arith.cmpf ogt, %add3A_1052, %select_n3A_940 : f32
      %select_n3A_1054 = arith.select %gt3A_1053, %add3A_1052, %select_n3A_940 : f32
      %jit3A_1055 = arith.constant 5 : i32
      %select_n3A_1056 = arith.select %gt3A_1053, %jit3A_1055, %select_n3A_942 : i32
      %add3A_1057 = arith.constant 6 : i32
      %add3A_1058 = arith.addi %add3A_364, %add3A_1057 : i32
      %get3A_1059 = arith.index_cast %add3A_1058 : i32 to index
      %get3A_1060 = arith.constant 0 : index
      %get3A_1061 = tpu.vector_load %arg15[%get3A_1059, %get3A_1060] {strides = array<i32>} : memref<128x256xf32, #tpu.memory_space<vmem>>, vector<16xf32>,
      %add3A_1062 = arith.constant 6 : i32
      %add3A_1063 = arith.addi %add3A_364, %add3A_1062 : i32
      %get3A_1064 = arith.index_cast %add3A_1063 : i32 to index
      %get3A_1065 = arith.constant 16 : index
      %get3A_1066 = tpu.vector_load %arg15[%get3A_1064, %get3A_1065] {strides = array<i32>} : memref<128x256xf32, #tpu.memory_space<vmem>>, vector<16xf32>,
      %add3A_1067 = arith.constant 6 : i32
      %add3A_1068 = arith.addi %add3A_364, %add3A_1067 : i32
      %get3A_1069 = arith.index_cast %add3A_1068 : i32 to index
      %get3A_1070 = arith.constant 32 : index
      %get3A_1071 = tpu.vector_load %arg15[%get3A_1069, %get3A_1070] {strides = array<i32>} : memref<128x256xf32, #tpu.memory_space<vmem>>, vector<16xf32>,
      %add3A_1072 = arith.constant 6 : i32
      %add3A_1073 = arith.addi %add3A_364, %add3A_1072 : i32
      %get3A_1074 = arith.index_cast %add3A_1073 : i32 to index
      %get3A_1075 = arith.constant 48 : index
      %get3A_1076 = tpu.vector_load %arg15[%get3A_1074, %get3A_1075] {strides = array<i32>} : memref<128x256xf32, #tpu.memory_space<vmem>>, vector<16xf32>,
      %mul3A_1077 = arith.mulf %get3A_173, %get3A_1061 : vector<16xf32>
      %mul3A_1078 = arith.mulf %get3A_176, %get3A_1066 : vector<16xf32>
      %mul3A_1079 = arith.mulf %get3A_179, %get3A_1071 : vector<16xf32>
      %mul3A_1080 = arith.mulf %get3A_182, %get3A_1076 : vector<16xf32>
      %add3A_1081 = arith.addf %mul3A_1077, %mul3A_1078 : vector<16xf32>
      %add3A_1082 = arith.addf %add3A_1081, %mul3A_1079 : vector<16xf32>
      %add3A_1083 = arith.addf %add3A_1082, %mul3A_1080 : vector<16xf32>
      %reduce_sum3A_1084 = arith.constant true
      %reduce_sum3A_1085 = vector.broadcast %reduce_sum3A_1084 : i1 to vector<16xi1>
      %reduce_sum3A_1086 = tpu.scan <sum>, %add3A_1083 masked %reduce_sum3A_1085 : vector<16xf32>, vector<16xi1> -> vector<16xf32>
      %reduce_sum3A_1087 = vector.extract %reduce_sum3A_1086[15] : f32 from vector<16xf32>
      %mul3A_1088 = arith.mulf %squeeze3A, %reduce_sum3A_321 : f32
      %mul3A_1089 = arith.mulf %sub3A_246, %reduce_sum3A_1087 : f32
      %add3A_1090 = arith.addf %mul3A_1088, %mul3A_1089 : f32
      %gt3A_1091 = arith.cmpf ogt, %add3A_1090, %select_n3A_978 : f32
      %select_n3A_1092 = arith.select %gt3A_1091, %add3A_1090, %select_n3A_978 : f32
      %jit3A_1093 = arith.constant 6 : i32
      %select_n3A_1094 = arith.select %gt3A_1091, %jit3A_1093, %select_n3A_980 : i32
      %add3A_1095 = arith.constant 6 : i32
      %add3A_1096 = arith.addi %add3A_364, %add3A_1095 : i32
      %get3A_1097 = arith.index_cast %add3A_1096 : i32 to index
      %get3A_1098 = arith.constant 64 : index
      %get3A_1099 = tpu.vector_load %arg15[%get3A_1097, %get3A_1098] {strides = array<i32>} : memref<128x256xf32, #tpu.memory_space<vmem>>, vector<16xf32>,
      %add3A_1100 = arith.constant 6 : i32
      %add3A_1101 = arith.addi %add3A_364, %add3A_1100 : i32
      %get3A_1102 = arith.index_cast %add3A_1101 : i32 to index
      %get3A_1103 = arith.constant 80 : index
      %get3A_1104 = tpu.vector_load %arg15[%get3A_1102, %get3A_1103] {strides = array<i32>} : memref<128x256xf32, #tpu.memory_space<vmem>>, vector<16xf32>,
      %add3A_1105 = arith.constant 6 : i32
      %add3A_1106 = arith.addi %add3A_364, %add3A_1105 : i32
      %get3A_1107 = arith.index_cast %add3A_1106 : i32 to index
      %get3A_1108 = arith.constant 96 : index
      %get3A_1109 = tpu.vector_load %arg15[%get3A_1107, %get3A_1108] {strides = array<i32>} : memref<128x256xf32, #tpu.memory_space<vmem>>, vector<16xf32>,
      %add3A_1110 = arith.constant 6 : i32
      %add3A_1111 = arith.addi %add3A_364, %add3A_1110 : i32
      %get3A_1112 = arith.index_cast %add3A_1111 : i32 to index
      %get3A_1113 = arith.constant 112 : index
      %get3A_1114 = tpu.vector_load %arg15[%get3A_1112, %get3A_1113] {strides = array<i32>} : memref<128x256xf32, #tpu.memory_space<vmem>>, vector<16xf32>,
      %mul3A_1115 = arith.mulf %get3A_185, %get3A_1099 : vector<16xf32>
      %mul3A_1116 = arith.mulf %get3A_188, %get3A_1104 : vector<16xf32>
      %mul3A_1117 = arith.mulf %get3A_191, %get3A_1109 : vector<16xf32>
      %mul3A_1118 = arith.mulf %get3A_194, %get3A_1114 : vector<16xf32>
      %add3A_1119 = arith.addf %mul3A_1115, %mul3A_1116 : vector<16xf32>
      %add3A_1120 = arith.addf %add3A_1119, %mul3A_1117 : vector<16xf32>
      %add3A_1121 = arith.addf %add3A_1120, %mul3A_1118 : vector<16xf32>
      %reduce_sum3A_1122 = arith.constant true
      %reduce_sum3A_1123 = vector.broadcast %reduce_sum3A_1122 : i1 to vector<16xi1>
      %reduce_sum3A_1124 = tpu.scan <sum>, %add3A_1121 masked %reduce_sum3A_1123 : vector<16xf32>, vector<16xi1> -> vector<16xf32>
      %reduce_sum3A_1125 = vector.extract %reduce_sum3A_1124[15] : f32 from vector<16xf32>
      %mul3A_1126 = arith.mulf %squeeze3A, %reduce_sum3A_332 : f32
      %mul3A_1127 = arith.mulf %sub3A_246, %reduce_sum3A_1125 : f32
      %add3A_1128 = arith.addf %mul3A_1126, %mul3A_1127 : f32
      %gt3A_1129 = arith.cmpf ogt, %add3A_1128, %select_n3A_1016 : f32
      %select_n3A_1130 = arith.select %gt3A_1129, %add3A_1128, %select_n3A_1016 : f32
      %jit3A_1131 = arith.constant 6 : i32
      %select_n3A_1132 = arith.select %gt3A_1129, %jit3A_1131, %select_n3A_1018 : i32
      %add3A_1133 = arith.constant 6 : i32
      %add3A_1134 = arith.addi %add3A_364, %add3A_1133 : i32
      %get3A_1135 = arith.index_cast %add3A_1134 : i32 to index
      %get3A_1136 = arith.constant 128 : index
      %get3A_1137 = tpu.vector_load %arg15[%get3A_1135, %get3A_1136] {strides = array<i32>} : memref<128x256xf32, #tpu.memory_space<vmem>>, vector<16xf32>,
      %add3A_1138 = arith.constant 6 : i32
      %add3A_1139 = arith.addi %add3A_364, %add3A_1138 : i32
      %get3A_1140 = arith.index_cast %add3A_1139 : i32 to index
      %get3A_1141 = arith.constant 144 : index
      %get3A_1142 = tpu.vector_load %arg15[%get3A_1140, %get3A_1141] {strides = array<i32>} : memref<128x256xf32, #tpu.memory_space<vmem>>, vector<16xf32>,
      %add3A_1143 = arith.constant 6 : i32
      %add3A_1144 = arith.addi %add3A_364, %add3A_1143 : i32
      %get3A_1145 = arith.index_cast %add3A_1144 : i32 to index
      %get3A_1146 = arith.constant 160 : index
      %get3A_1147 = tpu.vector_load %arg15[%get3A_1145, %get3A_1146] {strides = array<i32>} : memref<128x256xf32, #tpu.memory_space<vmem>>, vector<16xf32>,
      %add3A_1148 = arith.constant 6 : i32
      %add3A_1149 = arith.addi %add3A_364, %add3A_1148 : i32
      %get3A_1150 = arith.index_cast %add3A_1149 : i32 to index
      %get3A_1151 = arith.constant 176 : index
      %get3A_1152 = tpu.vector_load %arg15[%get3A_1150, %get3A_1151] {strides = array<i32>} : memref<128x256xf32, #tpu.memory_space<vmem>>, vector<16xf32>,
      %mul3A_1153 = arith.mulf %get3A_197, %get3A_1137 : vector<16xf32>
      %mul3A_1154 = arith.mulf %get3A_200, %get3A_1142 : vector<16xf32>
      %mul3A_1155 = arith.mulf %get3A_203, %get3A_1147 : vector<16xf32>
      %mul3A_1156 = arith.mulf %get3A_206, %get3A_1152 : vector<16xf32>
      %add3A_1157 = arith.addf %mul3A_1153, %mul3A_1154 : vector<16xf32>
      %add3A_1158 = arith.addf %add3A_1157, %mul3A_1155 : vector<16xf32>
      %add3A_1159 = arith.addf %add3A_1158, %mul3A_1156 : vector<16xf32>
      %reduce_sum3A_1160 = arith.constant true
      %reduce_sum3A_1161 = vector.broadcast %reduce_sum3A_1160 : i1 to vector<16xi1>
      %reduce_sum3A_1162 = tpu.scan <sum>, %add3A_1159 masked %reduce_sum3A_1161 : vector<16xf32>, vector<16xi1> -> vector<16xf32>
      %reduce_sum3A_1163 = vector.extract %reduce_sum3A_1162[15] : f32 from vector<16xf32>
      %mul3A_1164 = arith.mulf %squeeze3A, %reduce_sum3A_343 : f32
      %mul3A_1165 = arith.mulf %sub3A_246, %reduce_sum3A_1163 : f32
      %add3A_1166 = arith.addf %mul3A_1164, %mul3A_1165 : f32
      %gt3A_1167 = arith.cmpf ogt, %add3A_1166, %select_n3A_1054 : f32
      %select_n3A_1168 = arith.select %gt3A_1167, %add3A_1166, %select_n3A_1054 : f32
      %jit3A_1169 = arith.constant 6 : i32
      %select_n3A_1170 = arith.select %gt3A_1167, %jit3A_1169, %select_n3A_1056 : i32
      %add3A_1171 = arith.constant 7 : i32
      %add3A_1172 = arith.addi %add3A_364, %add3A_1171 : i32
      %get3A_1173 = arith.index_cast %add3A_1172 : i32 to index
      %get3A_1174 = arith.constant 0 : index
      %get3A_1175 = tpu.vector_load %arg15[%get3A_1173, %get3A_1174] {strides = array<i32>} : memref<128x256xf32, #tpu.memory_space<vmem>>, vector<16xf32>,
      %add3A_1176 = arith.constant 7 : i32
      %add3A_1177 = arith.addi %add3A_364, %add3A_1176 : i32
      %get3A_1178 = arith.index_cast %add3A_1177 : i32 to index
      %get3A_1179 = arith.constant 16 : index
      %get3A_1180 = tpu.vector_load %arg15[%get3A_1178, %get3A_1179] {strides = array<i32>} : memref<128x256xf32, #tpu.memory_space<vmem>>, vector<16xf32>,
      %add3A_1181 = arith.constant 7 : i32
      %add3A_1182 = arith.addi %add3A_364, %add3A_1181 : i32
      %get3A_1183 = arith.index_cast %add3A_1182 : i32 to index
      %get3A_1184 = arith.constant 32 : index
      %get3A_1185 = tpu.vector_load %arg15[%get3A_1183, %get3A_1184] {strides = array<i32>} : memref<128x256xf32, #tpu.memory_space<vmem>>, vector<16xf32>,
      %add3A_1186 = arith.constant 7 : i32
      %add3A_1187 = arith.addi %add3A_364, %add3A_1186 : i32
      %get3A_1188 = arith.index_cast %add3A_1187 : i32 to index
      %get3A_1189 = arith.constant 48 : index
      %get3A_1190 = tpu.vector_load %arg15[%get3A_1188, %get3A_1189] {strides = array<i32>} : memref<128x256xf32, #tpu.memory_space<vmem>>, vector<16xf32>,
      %mul3A_1191 = arith.mulf %get3A_173, %get3A_1175 : vector<16xf32>
      %mul3A_1192 = arith.mulf %get3A_176, %get3A_1180 : vector<16xf32>
      %mul3A_1193 = arith.mulf %get3A_179, %get3A_1185 : vector<16xf32>
      %mul3A_1194 = arith.mulf %get3A_182, %get3A_1190 : vector<16xf32>
      %add3A_1195 = arith.addf %mul3A_1191, %mul3A_1192 : vector<16xf32>
      %add3A_1196 = arith.addf %add3A_1195, %mul3A_1193 : vector<16xf32>
      %add3A_1197 = arith.addf %add3A_1196, %mul3A_1194 : vector<16xf32>
      %reduce_sum3A_1198 = arith.constant true
      %reduce_sum3A_1199 = vector.broadcast %reduce_sum3A_1198 : i1 to vector<16xi1>
      %reduce_sum3A_1200 = tpu.scan <sum>, %add3A_1197 masked %reduce_sum3A_1199 : vector<16xf32>, vector<16xi1> -> vector<16xf32>
      %reduce_sum3A_1201 = vector.extract %reduce_sum3A_1200[15] : f32 from vector<16xf32>
      %mul3A_1202 = arith.mulf %squeeze3A, %reduce_sum3A_321 : f32
      %mul3A_1203 = arith.mulf %sub3A_246, %reduce_sum3A_1201 : f32
      %add3A_1204 = arith.addf %mul3A_1202, %mul3A_1203 : f32
      %gt3A_1205 = arith.cmpf ogt, %add3A_1204, %select_n3A_1092 : f32
      %select_n3A_1206 = arith.select %gt3A_1205, %add3A_1204, %select_n3A_1092 : f32
      %jit3A_1207 = arith.constant 7 : i32
      %select_n3A_1208 = arith.select %gt3A_1205, %jit3A_1207, %select_n3A_1094 : i32
      %add3A_1209 = arith.constant 7 : i32
      %add3A_1210 = arith.addi %add3A_364, %add3A_1209 : i32
      %get3A_1211 = arith.index_cast %add3A_1210 : i32 to index
      %get3A_1212 = arith.constant 64 : index
      %get3A_1213 = tpu.vector_load %arg15[%get3A_1211, %get3A_1212] {strides = array<i32>} : memref<128x256xf32, #tpu.memory_space<vmem>>, vector<16xf32>,
      %add3A_1214 = arith.constant 7 : i32
      %add3A_1215 = arith.addi %add3A_364, %add3A_1214 : i32
      %get3A_1216 = arith.index_cast %add3A_1215 : i32 to index
      %get3A_1217 = arith.constant 80 : index
      %get3A_1218 = tpu.vector_load %arg15[%get3A_1216, %get3A_1217] {strides = array<i32>} : memref<128x256xf32, #tpu.memory_space<vmem>>, vector<16xf32>,
      %add3A_1219 = arith.constant 7 : i32
      %add3A_1220 = arith.addi %add3A_364, %add3A_1219 : i32
      %get3A_1221 = arith.index_cast %add3A_1220 : i32 to index
      %get3A_1222 = arith.constant 96 : index
      %get3A_1223 = tpu.vector_load %arg15[%get3A_1221, %get3A_1222] {strides = array<i32>} : memref<128x256xf32, #tpu.memory_space<vmem>>, vector<16xf32>,
      %add3A_1224 = arith.constant 7 : i32
      %add3A_1225 = arith.addi %add3A_364, %add3A_1224 : i32
      %get3A_1226 = arith.index_cast %add3A_1225 : i32 to index
      %get3A_1227 = arith.constant 112 : index
      %get3A_1228 = tpu.vector_load %arg15[%get3A_1226, %get3A_1227] {strides = array<i32>} : memref<128x256xf32, #tpu.memory_space<vmem>>, vector<16xf32>,
      %mul3A_1229 = arith.mulf %get3A_185, %get3A_1213 : vector<16xf32>
      %mul3A_1230 = arith.mulf %get3A_188, %get3A_1218 : vector<16xf32>
      %mul3A_1231 = arith.mulf %get3A_191, %get3A_1223 : vector<16xf32>
      %mul3A_1232 = arith.mulf %get3A_194, %get3A_1228 : vector<16xf32>
      %add3A_1233 = arith.addf %mul3A_1229, %mul3A_1230 : vector<16xf32>
      %add3A_1234 = arith.addf %add3A_1233, %mul3A_1231 : vector<16xf32>
      %add3A_1235 = arith.addf %add3A_1234, %mul3A_1232 : vector<16xf32>
      %reduce_sum3A_1236 = arith.constant true
      %reduce_sum3A_1237 = vector.broadcast %reduce_sum3A_1236 : i1 to vector<16xi1>
      %reduce_sum3A_1238 = tpu.scan <sum>, %add3A_1235 masked %reduce_sum3A_1237 : vector<16xf32>, vector<16xi1> -> vector<16xf32>
      %reduce_sum3A_1239 = vector.extract %reduce_sum3A_1238[15] : f32 from vector<16xf32>
      %mul3A_1240 = arith.mulf %squeeze3A, %reduce_sum3A_332 : f32
      %mul3A_1241 = arith.mulf %sub3A_246, %reduce_sum3A_1239 : f32
      %add3A_1242 = arith.addf %mul3A_1240, %mul3A_1241 : f32
      %gt3A_1243 = arith.cmpf ogt, %add3A_1242, %select_n3A_1130 : f32
      %select_n3A_1244 = arith.select %gt3A_1243, %add3A_1242, %select_n3A_1130 : f32
      %jit3A_1245 = arith.constant 7 : i32
      %select_n3A_1246 = arith.select %gt3A_1243, %jit3A_1245, %select_n3A_1132 : i32
      %add3A_1247 = arith.constant 7 : i32
      %add3A_1248 = arith.addi %add3A_364, %add3A_1247 : i32
      %get3A_1249 = arith.index_cast %add3A_1248 : i32 to index
      %get3A_1250 = arith.constant 128 : index
      %get3A_1251 = tpu.vector_load %arg15[%get3A_1249, %get3A_1250] {strides = array<i32>} : memref<128x256xf32, #tpu.memory_space<vmem>>, vector<16xf32>,
      %add3A_1252 = arith.constant 7 : i32
      %add3A_1253 = arith.addi %add3A_364, %add3A_1252 : i32
      %get3A_1254 = arith.index_cast %add3A_1253 : i32 to index
      %get3A_1255 = arith.constant 144 : index
      %get3A_1256 = tpu.vector_load %arg15[%get3A_1254, %get3A_1255] {strides = array<i32>} : memref<128x256xf32, #tpu.memory_space<vmem>>, vector<16xf32>,
      %add3A_1257 = arith.constant 7 : i32
      %add3A_1258 = arith.addi %add3A_364, %add3A_1257 : i32
      %get3A_1259 = arith.index_cast %add3A_1258 : i32 to index
      %get3A_1260 = arith.constant 160 : index
      %get3A_1261 = tpu.vector_load %arg15[%get3A_1259, %get3A_1260] {strides = array<i32>} : memref<128x256xf32, #tpu.memory_space<vmem>>, vector<16xf32>,
      %add3A_1262 = arith.constant 7 : i32
      %add3A_1263 = arith.addi %add3A_364, %add3A_1262 : i32
      %get3A_1264 = arith.index_cast %add3A_1263 : i32 to index
      %get3A_1265 = arith.constant 176 : index
      %get3A_1266 = tpu.vector_load %arg15[%get3A_1264, %get3A_1265] {strides = array<i32>} : memref<128x256xf32, #tpu.memory_space<vmem>>, vector<16xf32>,
      %mul3A_1267 = arith.mulf %get3A_197, %get3A_1251 : vector<16xf32>
      %mul3A_1268 = arith.mulf %get3A_200, %get3A_1256 : vector<16xf32>
      %mul3A_1269 = arith.mulf %get3A_203, %get3A_1261 : vector<16xf32>
      %mul3A_1270 = arith.mulf %get3A_206, %get3A_1266 : vector<16xf32>
      %add3A_1271 = arith.addf %mul3A_1267, %mul3A_1268 : vector<16xf32>
      %add3A_1272 = arith.addf %add3A_1271, %mul3A_1269 : vector<16xf32>
      %add3A_1273 = arith.addf %add3A_1272, %mul3A_1270 : vector<16xf32>
      %reduce_sum3A_1274 = arith.constant true
      %reduce_sum3A_1275 = vector.broadcast %reduce_sum3A_1274 : i1 to vector<16xi1>
      %reduce_sum3A_1276 = tpu.scan <sum>, %add3A_1273 masked %reduce_sum3A_1275 : vector<16xf32>, vector<16xi1> -> vector<16xf32>
      %reduce_sum3A_1277 = vector.extract %reduce_sum3A_1276[15] : f32 from vector<16xf32>
      %mul3A_1278 = arith.mulf %squeeze3A, %reduce_sum3A_343 : f32
      %mul3A_1279 = arith.mulf %sub3A_246, %reduce_sum3A_1277 : f32
      %add3A_1280 = arith.addf %mul3A_1278, %mul3A_1279 : f32
      %gt3A_1281 = arith.cmpf ogt, %add3A_1280, %select_n3A_1168 : f32
      %select_n3A_1282 = arith.select %gt3A_1281, %add3A_1280, %select_n3A_1168 : f32
      %jit3A_1283 = arith.constant 7 : i32
      %select_n3A_1284 = arith.select %gt3A_1281, %jit3A_1283, %select_n3A_1170 : i32
      %add3A_1285 = arith.constant 8 : i32
      %add3A_1286 = arith.addi %add3A_364, %add3A_1285 : i32
      %get3A_1287 = arith.index_cast %add3A_1286 : i32 to index
      %get3A_1288 = arith.constant 0 : index
      %get3A_1289 = tpu.vector_load %arg15[%get3A_1287, %get3A_1288] {strides = array<i32>} : memref<128x256xf32, #tpu.memory_space<vmem>>, vector<16xf32>,
      %add3A_1290 = arith.constant 8 : i32
      %add3A_1291 = arith.addi %add3A_364, %add3A_1290 : i32
      %get3A_1292 = arith.index_cast %add3A_1291 : i32 to index
      %get3A_1293 = arith.constant 16 : index
      %get3A_1294 = tpu.vector_load %arg15[%get3A_1292, %get3A_1293] {strides = array<i32>} : memref<128x256xf32, #tpu.memory_space<vmem>>, vector<16xf32>,
      %add3A_1295 = arith.constant 8 : i32
      %add3A_1296 = arith.addi %add3A_364, %add3A_1295 : i32
      %get3A_1297 = arith.index_cast %add3A_1296 : i32 to index
      %get3A_1298 = arith.constant 32 : index
      %get3A_1299 = tpu.vector_load %arg15[%get3A_1297, %get3A_1298] {strides = array<i32>} : memref<128x256xf32, #tpu.memory_space<vmem>>, vector<16xf32>,
      %add3A_1300 = arith.constant 8 : i32
      %add3A_1301 = arith.addi %add3A_364, %add3A_1300 : i32
      %get3A_1302 = arith.index_cast %add3A_1301 : i32 to index
      %get3A_1303 = arith.constant 48 : index
      %get3A_1304 = tpu.vector_load %arg15[%get3A_1302, %get3A_1303] {strides = array<i32>} : memref<128x256xf32, #tpu.memory_space<vmem>>, vector<16xf32>,
      %mul3A_1305 = arith.mulf %get3A_173, %get3A_1289 : vector<16xf32>
      %mul3A_1306 = arith.mulf %get3A_176, %get3A_1294 : vector<16xf32>
      %mul3A_1307 = arith.mulf %get3A_179, %get3A_1299 : vector<16xf32>
      %mul3A_1308 = arith.mulf %get3A_182, %get3A_1304 : vector<16xf32>
      %add3A_1309 = arith.addf %mul3A_1305, %mul3A_1306 : vector<16xf32>
      %add3A_1310 = arith.addf %add3A_1309, %mul3A_1307 : vector<16xf32>
      %add3A_1311 = arith.addf %add3A_1310, %mul3A_1308 : vector<16xf32>
      %reduce_sum3A_1312 = arith.constant true
      %reduce_sum3A_1313 = vector.broadcast %reduce_sum3A_1312 : i1 to vector<16xi1>
      %reduce_sum3A_1314 = tpu.scan <sum>, %add3A_1311 masked %reduce_sum3A_1313 : vector<16xf32>, vector<16xi1> -> vector<16xf32>
      %reduce_sum3A_1315 = vector.extract %reduce_sum3A_1314[15] : f32 from vector<16xf32>
      %mul3A_1316 = arith.mulf %squeeze3A, %reduce_sum3A_321 : f32
      %mul3A_1317 = arith.mulf %sub3A_246, %reduce_sum3A_1315 : f32
      %add3A_1318 = arith.addf %mul3A_1316, %mul3A_1317 : f32
      %gt3A_1319 = arith.cmpf ogt, %add3A_1318, %select_n3A_1206 : f32
      %select_n3A_1320 = arith.select %gt3A_1319, %add3A_1318, %select_n3A_1206 : f32
      %jit3A_1321 = arith.constant 8 : i32
      %select_n3A_1322 = arith.select %gt3A_1319, %jit3A_1321, %select_n3A_1208 : i32
      %add3A_1323 = arith.constant 8 : i32
      %add3A_1324 = arith.addi %add3A_364, %add3A_1323 : i32
      %get3A_1325 = arith.index_cast %add3A_1324 : i32 to index
      %get3A_1326 = arith.constant 64 : index
      %get3A_1327 = tpu.vector_load %arg15[%get3A_1325, %get3A_1326] {strides = array<i32>} : memref<128x256xf32, #tpu.memory_space<vmem>>, vector<16xf32>,
      %add3A_1328 = arith.constant 8 : i32
      %add3A_1329 = arith.addi %add3A_364, %add3A_1328 : i32
      %get3A_1330 = arith.index_cast %add3A_1329 : i32 to index
      %get3A_1331 = arith.constant 80 : index
      %get3A_1332 = tpu.vector_load %arg15[%get3A_1330, %get3A_1331] {strides = array<i32>} : memref<128x256xf32, #tpu.memory_space<vmem>>, vector<16xf32>,
      %add3A_1333 = arith.constant 8 : i32
      %add3A_1334 = arith.addi %add3A_364, %add3A_1333 : i32
      %get3A_1335 = arith.index_cast %add3A_1334 : i32 to index
      %get3A_1336 = arith.constant 96 : index
      %get3A_1337 = tpu.vector_load %arg15[%get3A_1335, %get3A_1336] {strides = array<i32>} : memref<128x256xf32, #tpu.memory_space<vmem>>, vector<16xf32>,
      %add3A_1338 = arith.constant 8 : i32
      %add3A_1339 = arith.addi %add3A_364, %add3A_1338 : i32
      %get3A_1340 = arith.index_cast %add3A_1339 : i32 to index
      %get3A_1341 = arith.constant 112 : index
      %get3A_1342 = tpu.vector_load %arg15[%get3A_1340, %get3A_1341] {strides = array<i32>} : memref<128x256xf32, #tpu.memory_space<vmem>>, vector<16xf32>,
      %mul3A_1343 = arith.mulf %get3A_185, %get3A_1327 : vector<16xf32>
      %mul3A_1344 = arith.mulf %get3A_188, %get3A_1332 : vector<16xf32>
      %mul3A_1345 = arith.mulf %get3A_191, %get3A_1337 : vector<16xf32>
      %mul3A_1346 = arith.mulf %get3A_194, %get3A_1342 : vector<16xf32>
      %add3A_1347 = arith.addf %mul3A_1343, %mul3A_1344 : vector<16xf32>
      %add3A_1348 = arith.addf %add3A_1347, %mul3A_1345 : vector<16xf32>
      %add3A_1349 = arith.addf %add3A_1348, %mul3A_1346 : vector<16xf32>
      %reduce_sum3A_1350 = arith.constant true
      %reduce_sum3A_1351 = vector.broadcast %reduce_sum3A_1350 : i1 to vector<16xi1>
      %reduce_sum3A_1352 = tpu.scan <sum>, %add3A_1349 masked %reduce_sum3A_1351 : vector<16xf32>, vector<16xi1> -> vector<16xf32>
      %reduce_sum3A_1353 = vector.extract %reduce_sum3A_1352[15] : f32 from vector<16xf32>
      %mul3A_1354 = arith.mulf %squeeze3A, %reduce_sum3A_332 : f32
      %mul3A_1355 = arith.mulf %sub3A_246, %reduce_sum3A_1353 : f32
      %add3A_1356 = arith.addf %mul3A_1354, %mul3A_1355 : f32
      %gt3A_1357 = arith.cmpf ogt, %add3A_1356, %select_n3A_1244 : f32
      %select_n3A_1358 = arith.select %gt3A_1357, %add3A_1356, %select_n3A_1244 : f32
      %jit3A_1359 = arith.constant 8 : i32
      %select_n3A_1360 = arith.select %gt3A_1357, %jit3A_1359, %select_n3A_1246 : i32
      %add3A_1361 = arith.constant 8 : i32
      %add3A_1362 = arith.addi %add3A_364, %add3A_1361 : i32
      %get3A_1363 = arith.index_cast %add3A_1362 : i32 to index
      %get3A_1364 = arith.constant 128 : index
      %get3A_1365 = tpu.vector_load %arg15[%get3A_1363, %get3A_1364] {strides = array<i32>} : memref<128x256xf32, #tpu.memory_space<vmem>>, vector<16xf32>,
      %add3A_1366 = arith.constant 8 : i32
      %add3A_1367 = arith.addi %add3A_364, %add3A_1366 : i32
      %get3A_1368 = arith.index_cast %add3A_1367 : i32 to index
      %get3A_1369 = arith.constant 144 : index
      %get3A_1370 = tpu.vector_load %arg15[%get3A_1368, %get3A_1369] {strides = array<i32>} : memref<128x256xf32, #tpu.memory_space<vmem>>, vector<16xf32>,
      %add3A_1371 = arith.constant 8 : i32
      %add3A_1372 = arith.addi %add3A_364, %add3A_1371 : i32
      %get3A_1373 = arith.index_cast %add3A_1372 : i32 to index
      %get3A_1374 = arith.constant 160 : index
      %get3A_1375 = tpu.vector_load %arg15[%get3A_1373, %get3A_1374] {strides = array<i32>} : memref<128x256xf32, #tpu.memory_space<vmem>>, vector<16xf32>,
      %add3A_1376 = arith.constant 8 : i32
      %add3A_1377 = arith.addi %add3A_364, %add3A_1376 : i32
      %get3A_1378 = arith.index_cast %add3A_1377 : i32 to index
      %get3A_1379 = arith.constant 176 : index
      %get3A_1380 = tpu.vector_load %arg15[%get3A_1378, %get3A_1379] {strides = array<i32>} : memref<128x256xf32, #tpu.memory_space<vmem>>, vector<16xf32>,
      %mul3A_1381 = arith.mulf %get3A_197, %get3A_1365 : vector<16xf32>
      %mul3A_1382 = arith.mulf %get3A_200, %get3A_1370 : vector<16xf32>
      %mul3A_1383 = arith.mulf %get3A_203, %get3A_1375 : vector<16xf32>
      %mul3A_1384 = arith.mulf %get3A_206, %get3A_1380 : vector<16xf32>
      %add3A_1385 = arith.addf %mul3A_1381, %mul3A_1382 : vector<16xf32>
      %add3A_1386 = arith.addf %add3A_1385, %mul3A_1383 : vector<16xf32>
      %add3A_1387 = arith.addf %add3A_1386, %mul3A_1384 : vector<16xf32>
      %reduce_sum3A_1388 = arith.constant true
      %reduce_sum3A_1389 = vector.broadcast %reduce_sum3A_1388 : i1 to vector<16xi1>
      %reduce_sum3A_1390 = tpu.scan <sum>, %add3A_1387 masked %reduce_sum3A_1389 : vector<16xf32>, vector<16xi1> -> vector<16xf32>
      %reduce_sum3A_1391 = vector.extract %reduce_sum3A_1390[15] : f32 from vector<16xf32>
      %mul3A_1392 = arith.mulf %squeeze3A, %reduce_sum3A_343 : f32
      %mul3A_1393 = arith.mulf %sub3A_246, %reduce_sum3A_1391 : f32
      %add3A_1394 = arith.addf %mul3A_1392, %mul3A_1393 : f32
      %gt3A_1395 = arith.cmpf ogt, %add3A_1394, %select_n3A_1282 : f32
      %select_n3A_1396 = arith.select %gt3A_1395, %add3A_1394, %select_n3A_1282 : f32
      %jit3A_1397 = arith.constant 8 : i32
      %select_n3A_1398 = arith.select %gt3A_1395, %jit3A_1397, %select_n3A_1284 : i32
      %add3A_1399 = arith.constant 9 : i32
      %add3A_1400 = arith.addi %add3A_364, %add3A_1399 : i32
      %get3A_1401 = arith.index_cast %add3A_1400 : i32 to index
      %get3A_1402 = arith.constant 0 : index
      %get3A_1403 = tpu.vector_load %arg15[%get3A_1401, %get3A_1402] {strides = array<i32>} : memref<128x256xf32, #tpu.memory_space<vmem>>, vector<16xf32>,
      %add3A_1404 = arith.constant 9 : i32
      %add3A_1405 = arith.addi %add3A_364, %add3A_1404 : i32
      %get3A_1406 = arith.index_cast %add3A_1405 : i32 to index
      %get3A_1407 = arith.constant 16 : index
      %get3A_1408 = tpu.vector_load %arg15[%get3A_1406, %get3A_1407] {strides = array<i32>} : memref<128x256xf32, #tpu.memory_space<vmem>>, vector<16xf32>,
      %add3A_1409 = arith.constant 9 : i32
      %add3A_1410 = arith.addi %add3A_364, %add3A_1409 : i32
      %get3A_1411 = arith.index_cast %add3A_1410 : i32 to index
      %get3A_1412 = arith.constant 32 : index
      %get3A_1413 = tpu.vector_load %arg15[%get3A_1411, %get3A_1412] {strides = array<i32>} : memref<128x256xf32, #tpu.memory_space<vmem>>, vector<16xf32>,
      %add3A_1414 = arith.constant 9 : i32
      %add3A_1415 = arith.addi %add3A_364, %add3A_1414 : i32
      %get3A_1416 = arith.index_cast %add3A_1415 : i32 to index
      %get3A_1417 = arith.constant 48 : index
      %get3A_1418 = tpu.vector_load %arg15[%get3A_1416, %get3A_1417] {strides = array<i32>} : memref<128x256xf32, #tpu.memory_space<vmem>>, vector<16xf32>,
      %mul3A_1419 = arith.mulf %get3A_173, %get3A_1403 : vector<16xf32>
      %mul3A_1420 = arith.mulf %get3A_176, %get3A_1408 : vector<16xf32>
      %mul3A_1421 = arith.mulf %get3A_179, %get3A_1413 : vector<16xf32>
      %mul3A_1422 = arith.mulf %get3A_182, %get3A_1418 : vector<16xf32>
      %add3A_1423 = arith.addf %mul3A_1419, %mul3A_1420 : vector<16xf32>
      %add3A_1424 = arith.addf %add3A_1423, %mul3A_1421 : vector<16xf32>
      %add3A_1425 = arith.addf %add3A_1424, %mul3A_1422 : vector<16xf32>
      %reduce_sum3A_1426 = arith.constant true
      %reduce_sum3A_1427 = vector.broadcast %reduce_sum3A_1426 : i1 to vector<16xi1>
      %reduce_sum3A_1428 = tpu.scan <sum>, %add3A_1425 masked %reduce_sum3A_1427 : vector<16xf32>, vector<16xi1> -> vector<16xf32>
      %reduce_sum3A_1429 = vector.extract %reduce_sum3A_1428[15] : f32 from vector<16xf32>
      %mul3A_1430 = arith.mulf %squeeze3A, %reduce_sum3A_321 : f32
      %mul3A_1431 = arith.mulf %sub3A_246, %reduce_sum3A_1429 : f32
      %add3A_1432 = arith.addf %mul3A_1430, %mul3A_1431 : f32
      %gt3A_1433 = arith.cmpf ogt, %add3A_1432, %select_n3A_1320 : f32
      %select_n3A_1434 = arith.select %gt3A_1433, %add3A_1432, %select_n3A_1320 : f32
      %jit3A_1435 = arith.constant 9 : i32
      %select_n3A_1436 = arith.select %gt3A_1433, %jit3A_1435, %select_n3A_1322 : i32
      %add3A_1437 = arith.constant 9 : i32
      %add3A_1438 = arith.addi %add3A_364, %add3A_1437 : i32
      %get3A_1439 = arith.index_cast %add3A_1438 : i32 to index
      %get3A_1440 = arith.constant 64 : index
      %get3A_1441 = tpu.vector_load %arg15[%get3A_1439, %get3A_1440] {strides = array<i32>} : memref<128x256xf32, #tpu.memory_space<vmem>>, vector<16xf32>,
      %add3A_1442 = arith.constant 9 : i32
      %add3A_1443 = arith.addi %add3A_364, %add3A_1442 : i32
      %get3A_1444 = arith.index_cast %add3A_1443 : i32 to index
      %get3A_1445 = arith.constant 80 : index
      %get3A_1446 = tpu.vector_load %arg15[%get3A_1444, %get3A_1445] {strides = array<i32>} : memref<128x256xf32, #tpu.memory_space<vmem>>, vector<16xf32>,
      %add3A_1447 = arith.constant 9 : i32
      %add3A_1448 = arith.addi %add3A_364, %add3A_1447 : i32
      %get3A_1449 = arith.index_cast %add3A_1448 : i32 to index
      %get3A_1450 = arith.constant 96 : index
      %get3A_1451 = tpu.vector_load %arg15[%get3A_1449, %get3A_1450] {strides = array<i32>} : memref<128x256xf32, #tpu.memory_space<vmem>>, vector<16xf32>,
      %add3A_1452 = arith.constant 9 : i32
      %add3A_1453 = arith.addi %add3A_364, %add3A_1452 : i32
      %get3A_1454 = arith.index_cast %add3A_1453 : i32 to index
      %get3A_1455 = arith.constant 112 : index
      %get3A_1456 = tpu.vector_load %arg15[%get3A_1454, %get3A_1455] {strides = array<i32>} : memref<128x256xf32, #tpu.memory_space<vmem>>, vector<16xf32>,
      %mul3A_1457 = arith.mulf %get3A_185, %get3A_1441 : vector<16xf32>
      %mul3A_1458 = arith.mulf %get3A_188, %get3A_1446 : vector<16xf32>
      %mul3A_1459 = arith.mulf %get3A_191, %get3A_1451 : vector<16xf32>
      %mul3A_1460 = arith.mulf %get3A_194, %get3A_1456 : vector<16xf32>
      %add3A_1461 = arith.addf %mul3A_1457, %mul3A_1458 : vector<16xf32>
      %add3A_1462 = arith.addf %add3A_1461, %mul3A_1459 : vector<16xf32>
      %add3A_1463 = arith.addf %add3A_1462, %mul3A_1460 : vector<16xf32>
      %reduce_sum3A_1464 = arith.constant true
      %reduce_sum3A_1465 = vector.broadcast %reduce_sum3A_1464 : i1 to vector<16xi1>
      %reduce_sum3A_1466 = tpu.scan <sum>, %add3A_1463 masked %reduce_sum3A_1465 : vector<16xf32>, vector<16xi1> -> vector<16xf32>
      %reduce_sum3A_1467 = vector.extract %reduce_sum3A_1466[15] : f32 from vector<16xf32>
      %mul3A_1468 = arith.mulf %squeeze3A, %reduce_sum3A_332 : f32
      %mul3A_1469 = arith.mulf %sub3A_246, %reduce_sum3A_1467 : f32
      %add3A_1470 = arith.addf %mul3A_1468, %mul3A_1469 : f32
      %gt3A_1471 = arith.cmpf ogt, %add3A_1470, %select_n3A_1358 : f32
      %select_n3A_1472 = arith.select %gt3A_1471, %add3A_1470, %select_n3A_1358 : f32
      %jit3A_1473 = arith.constant 9 : i32
      %select_n3A_1474 = arith.select %gt3A_1471, %jit3A_1473, %select_n3A_1360 : i32
      %add3A_1475 = arith.constant 9 : i32
      %add3A_1476 = arith.addi %add3A_364, %add3A_1475 : i32
      %get3A_1477 = arith.index_cast %add3A_1476 : i32 to index
      %get3A_1478 = arith.constant 128 : index
      %get3A_1479 = tpu.vector_load %arg15[%get3A_1477, %get3A_1478] {strides = array<i32>} : memref<128x256xf32, #tpu.memory_space<vmem>>, vector<16xf32>,
      %add3A_1480 = arith.constant 9 : i32
      %add3A_1481 = arith.addi %add3A_364, %add3A_1480 : i32
      %get3A_1482 = arith.index_cast %add3A_1481 : i32 to index
      %get3A_1483 = arith.constant 144 : index
      %get3A_1484 = tpu.vector_load %arg15[%get3A_1482, %get3A_1483] {strides = array<i32>} : memref<128x256xf32, #tpu.memory_space<vmem>>, vector<16xf32>,
      %add3A_1485 = arith.constant 9 : i32
      %add3A_1486 = arith.addi %add3A_364, %add3A_1485 : i32
      %get3A_1487 = arith.index_cast %add3A_1486 : i32 to index
      %get3A_1488 = arith.constant 160 : index
      %get3A_1489 = tpu.vector_load %arg15[%get3A_1487, %get3A_1488] {strides = array<i32>} : memref<128x256xf32, #tpu.memory_space<vmem>>, vector<16xf32>,
      %add3A_1490 = arith.constant 9 : i32
      %add3A_1491 = arith.addi %add3A_364, %add3A_1490 : i32
      %get3A_1492 = arith.index_cast %add3A_1491 : i32 to index
      %get3A_1493 = arith.constant 176 : index
      %get3A_1494 = tpu.vector_load %arg15[%get3A_1492, %get3A_1493] {strides = array<i32>} : memref<128x256xf32, #tpu.memory_space<vmem>>, vector<16xf32>,
      %mul3A_1495 = arith.mulf %get3A_197, %get3A_1479 : vector<16xf32>
      %mul3A_1496 = arith.mulf %get3A_200, %get3A_1484 : vector<16xf32>
      %mul3A_1497 = arith.mulf %get3A_203, %get3A_1489 : vector<16xf32>
      %mul3A_1498 = arith.mulf %get3A_206, %get3A_1494 : vector<16xf32>
      %add3A_1499 = arith.addf %mul3A_1495, %mul3A_1496 : vector<16xf32>
      %add3A_1500 = arith.addf %add3A_1499, %mul3A_1497 : vector<16xf32>
      %add3A_1501 = arith.addf %add3A_1500, %mul3A_1498 : vector<16xf32>
      %reduce_sum3A_1502 = arith.constant true
      %reduce_sum3A_1503 = vector.broadcast %reduce_sum3A_1502 : i1 to vector<16xi1>
      %reduce_sum3A_1504 = tpu.scan <sum>, %add3A_1501 masked %reduce_sum3A_1503 : vector<16xf32>, vector<16xi1> -> vector<16xf32>
      %reduce_sum3A_1505 = vector.extract %reduce_sum3A_1504[15] : f32 from vector<16xf32>
      %mul3A_1506 = arith.mulf %squeeze3A, %reduce_sum3A_343 : f32
      %mul3A_1507 = arith.mulf %sub3A_246, %reduce_sum3A_1505 : f32
      %add3A_1508 = arith.addf %mul3A_1506, %mul3A_1507 : f32
      %gt3A_1509 = arith.cmpf ogt, %add3A_1508, %select_n3A_1396 : f32
      %select_n3A_1510 = arith.select %gt3A_1509, %add3A_1508, %select_n3A_1396 : f32
      %jit3A_1511 = arith.constant 9 : i32
      %select_n3A_1512 = arith.select %gt3A_1509, %jit3A_1511, %select_n3A_1398 : i32
      %add3A_1513 = arith.constant 10 : i32
      %add3A_1514 = arith.addi %add3A_364, %add3A_1513 : i32
      %get3A_1515 = arith.index_cast %add3A_1514 : i32 to index
      %get3A_1516 = arith.constant 0 : index
      %get3A_1517 = tpu.vector_load %arg15[%get3A_1515, %get3A_1516] {strides = array<i32>} : memref<128x256xf32, #tpu.memory_space<vmem>>, vector<16xf32>,
      %add3A_1518 = arith.constant 10 : i32
      %add3A_1519 = arith.addi %add3A_364, %add3A_1518 : i32
      %get3A_1520 = arith.index_cast %add3A_1519 : i32 to index
      %get3A_1521 = arith.constant 16 : index
      %get3A_1522 = tpu.vector_load %arg15[%get3A_1520, %get3A_1521] {strides = array<i32>} : memref<128x256xf32, #tpu.memory_space<vmem>>, vector<16xf32>,
      %add3A_1523 = arith.constant 10 : i32
      %add3A_1524 = arith.addi %add3A_364, %add3A_1523 : i32
      %get3A_1525 = arith.index_cast %add3A_1524 : i32 to index
      %get3A_1526 = arith.constant 32 : index
      %get3A_1527 = tpu.vector_load %arg15[%get3A_1525, %get3A_1526] {strides = array<i32>} : memref<128x256xf32, #tpu.memory_space<vmem>>, vector<16xf32>,
      %add3A_1528 = arith.constant 10 : i32
      %add3A_1529 = arith.addi %add3A_364, %add3A_1528 : i32
      %get3A_1530 = arith.index_cast %add3A_1529 : i32 to index
      %get3A_1531 = arith.constant 48 : index
      %get3A_1532 = tpu.vector_load %arg15[%get3A_1530, %get3A_1531] {strides = array<i32>} : memref<128x256xf32, #tpu.memory_space<vmem>>, vector<16xf32>,
      %mul3A_1533 = arith.mulf %get3A_173, %get3A_1517 : vector<16xf32>
      %mul3A_1534 = arith.mulf %get3A_176, %get3A_1522 : vector<16xf32>
      %mul3A_1535 = arith.mulf %get3A_179, %get3A_1527 : vector<16xf32>
      %mul3A_1536 = arith.mulf %get3A_182, %get3A_1532 : vector<16xf32>
      %add3A_1537 = arith.addf %mul3A_1533, %mul3A_1534 : vector<16xf32>
      %add3A_1538 = arith.addf %add3A_1537, %mul3A_1535 : vector<16xf32>
      %add3A_1539 = arith.addf %add3A_1538, %mul3A_1536 : vector<16xf32>
      %reduce_sum3A_1540 = arith.constant true
      %reduce_sum3A_1541 = vector.broadcast %reduce_sum3A_1540 : i1 to vector<16xi1>
      %reduce_sum3A_1542 = tpu.scan <sum>, %add3A_1539 masked %reduce_sum3A_1541 : vector<16xf32>, vector<16xi1> -> vector<16xf32>
      %reduce_sum3A_1543 = vector.extract %reduce_sum3A_1542[15] : f32 from vector<16xf32>
      %mul3A_1544 = arith.mulf %squeeze3A, %reduce_sum3A_321 : f32
      %mul3A_1545 = arith.mulf %sub3A_246, %reduce_sum3A_1543 : f32
      %add3A_1546 = arith.addf %mul3A_1544, %mul3A_1545 : f32
      %gt3A_1547 = arith.cmpf ogt, %add3A_1546, %select_n3A_1434 : f32
      %select_n3A_1548 = arith.select %gt3A_1547, %add3A_1546, %select_n3A_1434 : f32
      %jit3A_1549 = arith.constant 10 : i32
      %select_n3A_1550 = arith.select %gt3A_1547, %jit3A_1549, %select_n3A_1436 : i32
      %add3A_1551 = arith.constant 10 : i32
      %add3A_1552 = arith.addi %add3A_364, %add3A_1551 : i32
      %get3A_1553 = arith.index_cast %add3A_1552 : i32 to index
      %get3A_1554 = arith.constant 64 : index
      %get3A_1555 = tpu.vector_load %arg15[%get3A_1553, %get3A_1554] {strides = array<i32>} : memref<128x256xf32, #tpu.memory_space<vmem>>, vector<16xf32>,
      %add3A_1556 = arith.constant 10 : i32
      %add3A_1557 = arith.addi %add3A_364, %add3A_1556 : i32
      %get3A_1558 = arith.index_cast %add3A_1557 : i32 to index
      %get3A_1559 = arith.constant 80 : index
      %get3A_1560 = tpu.vector_load %arg15[%get3A_1558, %get3A_1559] {strides = array<i32>} : memref<128x256xf32, #tpu.memory_space<vmem>>, vector<16xf32>,
      %add3A_1561 = arith.constant 10 : i32
      %add3A_1562 = arith.addi %add3A_364, %add3A_1561 : i32
      %get3A_1563 = arith.index_cast %add3A_1562 : i32 to index
      %get3A_1564 = arith.constant 96 : index
      %get3A_1565 = tpu.vector_load %arg15[%get3A_1563, %get3A_1564] {strides = array<i32>} : memref<128x256xf32, #tpu.memory_space<vmem>>, vector<16xf32>,
      %add3A_1566 = arith.constant 10 : i32
      %add3A_1567 = arith.addi %add3A_364, %add3A_1566 : i32
      %get3A_1568 = arith.index_cast %add3A_1567 : i32 to index
      %get3A_1569 = arith.constant 112 : index
      %get3A_1570 = tpu.vector_load %arg15[%get3A_1568, %get3A_1569] {strides = array<i32>} : memref<128x256xf32, #tpu.memory_space<vmem>>, vector<16xf32>,
      %mul3A_1571 = arith.mulf %get3A_185, %get3A_1555 : vector<16xf32>
      %mul3A_1572 = arith.mulf %get3A_188, %get3A_1560 : vector<16xf32>
      %mul3A_1573 = arith.mulf %get3A_191, %get3A_1565 : vector<16xf32>
      %mul3A_1574 = arith.mulf %get3A_194, %get3A_1570 : vector<16xf32>
      %add3A_1575 = arith.addf %mul3A_1571, %mul3A_1572 : vector<16xf32>
      %add3A_1576 = arith.addf %add3A_1575, %mul3A_1573 : vector<16xf32>
      %add3A_1577 = arith.addf %add3A_1576, %mul3A_1574 : vector<16xf32>
      %reduce_sum3A_1578 = arith.constant true
      %reduce_sum3A_1579 = vector.broadcast %reduce_sum3A_1578 : i1 to vector<16xi1>
      %reduce_sum3A_1580 = tpu.scan <sum>, %add3A_1577 masked %reduce_sum3A_1579 : vector<16xf32>, vector<16xi1> -> vector<16xf32>
      %reduce_sum3A_1581 = vector.extract %reduce_sum3A_1580[15] : f32 from vector<16xf32>
      %mul3A_1582 = arith.mulf %squeeze3A, %reduce_sum3A_332 : f32
      %mul3A_1583 = arith.mulf %sub3A_246, %reduce_sum3A_1581 : f32
      %add3A_1584 = arith.addf %mul3A_1582, %mul3A_1583 : f32
      %gt3A_1585 = arith.cmpf ogt, %add3A_1584, %select_n3A_1472 : f32
      %select_n3A_1586 = arith.select %gt3A_1585, %add3A_1584, %select_n3A_1472 : f32
      %jit3A_1587 = arith.constant 10 : i32
      %select_n3A_1588 = arith.select %gt3A_1585, %jit3A_1587, %select_n3A_1474 : i32
      %add3A_1589 = arith.constant 10 : i32
      %add3A_1590 = arith.addi %add3A_364, %add3A_1589 : i32
      %get3A_1591 = arith.index_cast %add3A_1590 : i32 to index
      %get3A_1592 = arith.constant 128 : index
      %get3A_1593 = tpu.vector_load %arg15[%get3A_1591, %get3A_1592] {strides = array<i32>} : memref<128x256xf32, #tpu.memory_space<vmem>>, vector<16xf32>,
      %add3A_1594 = arith.constant 10 : i32
      %add3A_1595 = arith.addi %add3A_364, %add3A_1594 : i32
      %get3A_1596 = arith.index_cast %add3A_1595 : i32 to index
      %get3A_1597 = arith.constant 144 : index
      %get3A_1598 = tpu.vector_load %arg15[%get3A_1596, %get3A_1597] {strides = array<i32>} : memref<128x256xf32, #tpu.memory_space<vmem>>, vector<16xf32>,
      %add3A_1599 = arith.constant 10 : i32
      %add3A_1600 = arith.addi %add3A_364, %add3A_1599 : i32
      %get3A_1601 = arith.index_cast %add3A_1600 : i32 to index
      %get3A_1602 = arith.constant 160 : index
      %get3A_1603 = tpu.vector_load %arg15[%get3A_1601, %get3A_1602] {strides = array<i32>} : memref<128x256xf32, #tpu.memory_space<vmem>>, vector<16xf32>,
      %add3A_1604 = arith.constant 10 : i32
      %add3A_1605 = arith.addi %add3A_364, %add3A_1604 : i32
      %get3A_1606 = arith.index_cast %add3A_1605 : i32 to index
      %get3A_1607 = arith.constant 176 : index
      %get3A_1608 = tpu.vector_load %arg15[%get3A_1606, %get3A_1607] {strides = array<i32>} : memref<128x256xf32, #tpu.memory_space<vmem>>, vector<16xf32>,
      %mul3A_1609 = arith.mulf %get3A_197, %get3A_1593 : vector<16xf32>
      %mul3A_1610 = arith.mulf %get3A_200, %get3A_1598 : vector<16xf32>
      %mul3A_1611 = arith.mulf %get3A_203, %get3A_1603 : vector<16xf32>
      %mul3A_1612 = arith.mulf %get3A_206, %get3A_1608 : vector<16xf32>
      %add3A_1613 = arith.addf %mul3A_1609, %mul3A_1610 : vector<16xf32>
      %add3A_1614 = arith.addf %add3A_1613, %mul3A_1611 : vector<16xf32>
      %add3A_1615 = arith.addf %add3A_1614, %mul3A_1612 : vector<16xf32>
      %reduce_sum3A_1616 = arith.constant true
      %reduce_sum3A_1617 = vector.broadcast %reduce_sum3A_1616 : i1 to vector<16xi1>
      %reduce_sum3A_1618 = tpu.scan <sum>, %add3A_1615 masked %reduce_sum3A_1617 : vector<16xf32>, vector<16xi1> -> vector<16xf32>
      %reduce_sum3A_1619 = vector.extract %reduce_sum3A_1618[15] : f32 from vector<16xf32>
      %mul3A_1620 = arith.mulf %squeeze3A, %reduce_sum3A_343 : f32
      %mul3A_1621 = arith.mulf %sub3A_246, %reduce_sum3A_1619 : f32
      %add3A_1622 = arith.addf %mul3A_1620, %mul3A_1621 : f32
      %gt3A_1623 = arith.cmpf ogt, %add3A_1622, %select_n3A_1510 : f32
      %select_n3A_1624 = arith.select %gt3A_1623, %add3A_1622, %select_n3A_1510 : f32
      %jit3A_1625 = arith.constant 10 : i32
      %select_n3A_1626 = arith.select %gt3A_1623, %jit3A_1625, %select_n3A_1512 : i32
      %add3A_1627 = arith.constant 11 : i32
      %add3A_1628 = arith.addi %add3A_364, %add3A_1627 : i32
      %get3A_1629 = arith.index_cast %add3A_1628 : i32 to index
      %get3A_1630 = arith.constant 0 : index
      %get3A_1631 = tpu.vector_load %arg15[%get3A_1629, %get3A_1630] {strides = array<i32>} : memref<128x256xf32, #tpu.memory_space<vmem>>, vector<16xf32>,
      %add3A_1632 = arith.constant 11 : i32
      %add3A_1633 = arith.addi %add3A_364, %add3A_1632 : i32
      %get3A_1634 = arith.index_cast %add3A_1633 : i32 to index
      %get3A_1635 = arith.constant 16 : index
      %get3A_1636 = tpu.vector_load %arg15[%get3A_1634, %get3A_1635] {strides = array<i32>} : memref<128x256xf32, #tpu.memory_space<vmem>>, vector<16xf32>,
      %add3A_1637 = arith.constant 11 : i32
      %add3A_1638 = arith.addi %add3A_364, %add3A_1637 : i32
      %get3A_1639 = arith.index_cast %add3A_1638 : i32 to index
      %get3A_1640 = arith.constant 32 : index
      %get3A_1641 = tpu.vector_load %arg15[%get3A_1639, %get3A_1640] {strides = array<i32>} : memref<128x256xf32, #tpu.memory_space<vmem>>, vector<16xf32>,
      %add3A_1642 = arith.constant 11 : i32
      %add3A_1643 = arith.addi %add3A_364, %add3A_1642 : i32
      %get3A_1644 = arith.index_cast %add3A_1643 : i32 to index
      %get3A_1645 = arith.constant 48 : index
      %get3A_1646 = tpu.vector_load %arg15[%get3A_1644, %get3A_1645] {strides = array<i32>} : memref<128x256xf32, #tpu.memory_space<vmem>>, vector<16xf32>,
      %mul3A_1647 = arith.mulf %get3A_173, %get3A_1631 : vector<16xf32>
      %mul3A_1648 = arith.mulf %get3A_176, %get3A_1636 : vector<16xf32>
      %mul3A_1649 = arith.mulf %get3A_179, %get3A_1641 : vector<16xf32>
      %mul3A_1650 = arith.mulf %get3A_182, %get3A_1646 : vector<16xf32>
      %add3A_1651 = arith.addf %mul3A_1647, %mul3A_1648 : vector<16xf32>
      %add3A_1652 = arith.addf %add3A_1651, %mul3A_1649 : vector<16xf32>
      %add3A_1653 = arith.addf %add3A_1652, %mul3A_1650 : vector<16xf32>
      %reduce_sum3A_1654 = arith.constant true
      %reduce_sum3A_1655 = vector.broadcast %reduce_sum3A_1654 : i1 to vector<16xi1>
      %reduce_sum3A_1656 = tpu.scan <sum>, %add3A_1653 masked %reduce_sum3A_1655 : vector<16xf32>, vector<16xi1> -> vector<16xf32>
      %reduce_sum3A_1657 = vector.extract %reduce_sum3A_1656[15] : f32 from vector<16xf32>
      %mul3A_1658 = arith.mulf %squeeze3A, %reduce_sum3A_321 : f32
      %mul3A_1659 = arith.mulf %sub3A_246, %reduce_sum3A_1657 : f32
      %add3A_1660 = arith.addf %mul3A_1658, %mul3A_1659 : f32
      %gt3A_1661 = arith.cmpf ogt, %add3A_1660, %select_n3A_1548 : f32
      %select_n3A_1662 = arith.select %gt3A_1661, %add3A_1660, %select_n3A_1548 : f32
      %jit3A_1663 = arith.constant 11 : i32
      %select_n3A_1664 = arith.select %gt3A_1661, %jit3A_1663, %select_n3A_1550 : i32
      %add3A_1665 = arith.constant 11 : i32
      %add3A_1666 = arith.addi %add3A_364, %add3A_1665 : i32
      %get3A_1667 = arith.index_cast %add3A_1666 : i32 to index
      %get3A_1668 = arith.constant 64 : index
      %get3A_1669 = tpu.vector_load %arg15[%get3A_1667, %get3A_1668] {strides = array<i32>} : memref<128x256xf32, #tpu.memory_space<vmem>>, vector<16xf32>,
      %add3A_1670 = arith.constant 11 : i32
      %add3A_1671 = arith.addi %add3A_364, %add3A_1670 : i32
      %get3A_1672 = arith.index_cast %add3A_1671 : i32 to index
      %get3A_1673 = arith.constant 80 : index
      %get3A_1674 = tpu.vector_load %arg15[%get3A_1672, %get3A_1673] {strides = array<i32>} : memref<128x256xf32, #tpu.memory_space<vmem>>, vector<16xf32>,
      %add3A_1675 = arith.constant 11 : i32
      %add3A_1676 = arith.addi %add3A_364, %add3A_1675 : i32
      %get3A_1677 = arith.index_cast %add3A_1676 : i32 to index
      %get3A_1678 = arith.constant 96 : index
      %get3A_1679 = tpu.vector_load %arg15[%get3A_1677, %get3A_1678] {strides = array<i32>} : memref<128x256xf32, #tpu.memory_space<vmem>>, vector<16xf32>,
      %add3A_1680 = arith.constant 11 : i32
      %add3A_1681 = arith.addi %add3A_364, %add3A_1680 : i32
      %get3A_1682 = arith.index_cast %add3A_1681 : i32 to index
      %get3A_1683 = arith.constant 112 : index
      %get3A_1684 = tpu.vector_load %arg15[%get3A_1682, %get3A_1683] {strides = array<i32>} : memref<128x256xf32, #tpu.memory_space<vmem>>, vector<16xf32>,
      %mul3A_1685 = arith.mulf %get3A_185, %get3A_1669 : vector<16xf32>
      %mul3A_1686 = arith.mulf %get3A_188, %get3A_1674 : vector<16xf32>
      %mul3A_1687 = arith.mulf %get3A_191, %get3A_1679 : vector<16xf32>
      %mul3A_1688 = arith.mulf %get3A_194, %get3A_1684 : vector<16xf32>
      %add3A_1689 = arith.addf %mul3A_1685, %mul3A_1686 : vector<16xf32>
      %add3A_1690 = arith.addf %add3A_1689, %mul3A_1687 : vector<16xf32>
      %add3A_1691 = arith.addf %add3A_1690, %mul3A_1688 : vector<16xf32>
      %reduce_sum3A_1692 = arith.constant true
      %reduce_sum3A_1693 = vector.broadcast %reduce_sum3A_1692 : i1 to vector<16xi1>
      %reduce_sum3A_1694 = tpu.scan <sum>, %add3A_1691 masked %reduce_sum3A_1693 : vector<16xf32>, vector<16xi1> -> vector<16xf32>
      %reduce_sum3A_1695 = vector.extract %reduce_sum3A_1694[15] : f32 from vector<16xf32>
      %mul3A_1696 = arith.mulf %squeeze3A, %reduce_sum3A_332 : f32
      %mul3A_1697 = arith.mulf %sub3A_246, %reduce_sum3A_1695 : f32
      %add3A_1698 = arith.addf %mul3A_1696, %mul3A_1697 : f32
      %gt3A_1699 = arith.cmpf ogt, %add3A_1698, %select_n3A_1586 : f32
      %select_n3A_1700 = arith.select %gt3A_1699, %add3A_1698, %select_n3A_1586 : f32
      %jit3A_1701 = arith.constant 11 : i32
      %select_n3A_1702 = arith.select %gt3A_1699, %jit3A_1701, %select_n3A_1588 : i32
      %add3A_1703 = arith.constant 11 : i32
      %add3A_1704 = arith.addi %add3A_364, %add3A_1703 : i32
      %get3A_1705 = arith.index_cast %add3A_1704 : i32 to index
      %get3A_1706 = arith.constant 128 : index
      %get3A_1707 = tpu.vector_load %arg15[%get3A_1705, %get3A_1706] {strides = array<i32>} : memref<128x256xf32, #tpu.memory_space<vmem>>, vector<16xf32>,
      %add3A_1708 = arith.constant 11 : i32
      %add3A_1709 = arith.addi %add3A_364, %add3A_1708 : i32
      %get3A_1710 = arith.index_cast %add3A_1709 : i32 to index
      %get3A_1711 = arith.constant 144 : index
      %get3A_1712 = tpu.vector_load %arg15[%get3A_1710, %get3A_1711] {strides = array<i32>} : memref<128x256xf32, #tpu.memory_space<vmem>>, vector<16xf32>,
      %add3A_1713 = arith.constant 11 : i32
      %add3A_1714 = arith.addi %add3A_364, %add3A_1713 : i32
      %get3A_1715 = arith.index_cast %add3A_1714 : i32 to index
      %get3A_1716 = arith.constant 160 : index
      %get3A_1717 = tpu.vector_load %arg15[%get3A_1715, %get3A_1716] {strides = array<i32>} : memref<128x256xf32, #tpu.memory_space<vmem>>, vector<16xf32>,
      %add3A_1718 = arith.constant 11 : i32
      %add3A_1719 = arith.addi %add3A_364, %add3A_1718 : i32
      %get3A_1720 = arith.index_cast %add3A_1719 : i32 to index
      %get3A_1721 = arith.constant 176 : index
      %get3A_1722 = tpu.vector_load %arg15[%get3A_1720, %get3A_1721] {strides = array<i32>} : memref<128x256xf32, #tpu.memory_space<vmem>>, vector<16xf32>,
      %mul3A_1723 = arith.mulf %get3A_197, %get3A_1707 : vector<16xf32>
      %mul3A_1724 = arith.mulf %get3A_200, %get3A_1712 : vector<16xf32>
      %mul3A_1725 = arith.mulf %get3A_203, %get3A_1717 : vector<16xf32>
      %mul3A_1726 = arith.mulf %get3A_206, %get3A_1722 : vector<16xf32>
      %add3A_1727 = arith.addf %mul3A_1723, %mul3A_1724 : vector<16xf32>
      %add3A_1728 = arith.addf %add3A_1727, %mul3A_1725 : vector<16xf32>
      %add3A_1729 = arith.addf %add3A_1728, %mul3A_1726 : vector<16xf32>
      %reduce_sum3A_1730 = arith.constant true
      %reduce_sum3A_1731 = vector.broadcast %reduce_sum3A_1730 : i1 to vector<16xi1>
      %reduce_sum3A_1732 = tpu.scan <sum>, %add3A_1729 masked %reduce_sum3A_1731 : vector<16xf32>, vector<16xi1> -> vector<16xf32>
      %reduce_sum3A_1733 = vector.extract %reduce_sum3A_1732[15] : f32 from vector<16xf32>
      %mul3A_1734 = arith.mulf %squeeze3A, %reduce_sum3A_343 : f32
      %mul3A_1735 = arith.mulf %sub3A_246, %reduce_sum3A_1733 : f32
      %add3A_1736 = arith.addf %mul3A_1734, %mul3A_1735 : f32
      %gt3A_1737 = arith.cmpf ogt, %add3A_1736, %select_n3A_1624 : f32
      %select_n3A_1738 = arith.select %gt3A_1737, %add3A_1736, %select_n3A_1624 : f32
      %jit3A_1739 = arith.constant 11 : i32
      %select_n3A_1740 = arith.select %gt3A_1737, %jit3A_1739, %select_n3A_1626 : i32
      %add3A_1741 = arith.constant 12 : i32
      %add3A_1742 = arith.addi %add3A_364, %add3A_1741 : i32
      %get3A_1743 = arith.index_cast %add3A_1742 : i32 to index
      %get3A_1744 = arith.constant 0 : index
      %get3A_1745 = tpu.vector_load %arg15[%get3A_1743, %get3A_1744] {strides = array<i32>} : memref<128x256xf32, #tpu.memory_space<vmem>>, vector<16xf32>,
      %add3A_1746 = arith.constant 12 : i32
      %add3A_1747 = arith.addi %add3A_364, %add3A_1746 : i32
      %get3A_1748 = arith.index_cast %add3A_1747 : i32 to index
      %get3A_1749 = arith.constant 16 : index
      %get3A_1750 = tpu.vector_load %arg15[%get3A_1748, %get3A_1749] {strides = array<i32>} : memref<128x256xf32, #tpu.memory_space<vmem>>, vector<16xf32>,
      %add3A_1751 = arith.constant 12 : i32
      %add3A_1752 = arith.addi %add3A_364, %add3A_1751 : i32
      %get3A_1753 = arith.index_cast %add3A_1752 : i32 to index
      %get3A_1754 = arith.constant 32 : index
      %get3A_1755 = tpu.vector_load %arg15[%get3A_1753, %get3A_1754] {strides = array<i32>} : memref<128x256xf32, #tpu.memory_space<vmem>>, vector<16xf32>,
      %add3A_1756 = arith.constant 12 : i32
      %add3A_1757 = arith.addi %add3A_364, %add3A_1756 : i32
      %get3A_1758 = arith.index_cast %add3A_1757 : i32 to index
      %get3A_1759 = arith.constant 48 : index
      %get3A_1760 = tpu.vector_load %arg15[%get3A_1758, %get3A_1759] {strides = array<i32>} : memref<128x256xf32, #tpu.memory_space<vmem>>, vector<16xf32>,
      %mul3A_1761 = arith.mulf %get3A_173, %get3A_1745 : vector<16xf32>
      %mul3A_1762 = arith.mulf %get3A_176, %get3A_1750 : vector<16xf32>
      %mul3A_1763 = arith.mulf %get3A_179, %get3A_1755 : vector<16xf32>
      %mul3A_1764 = arith.mulf %get3A_182, %get3A_1760 : vector<16xf32>
      %add3A_1765 = arith.addf %mul3A_1761, %mul3A_1762 : vector<16xf32>
      %add3A_1766 = arith.addf %add3A_1765, %mul3A_1763 : vector<16xf32>
      %add3A_1767 = arith.addf %add3A_1766, %mul3A_1764 : vector<16xf32>
      %reduce_sum3A_1768 = arith.constant true
      %reduce_sum3A_1769 = vector.broadcast %reduce_sum3A_1768 : i1 to vector<16xi1>
      %reduce_sum3A_1770 = tpu.scan <sum>, %add3A_1767 masked %reduce_sum3A_1769 : vector<16xf32>, vector<16xi1> -> vector<16xf32>
      %reduce_sum3A_1771 = vector.extract %reduce_sum3A_1770[15] : f32 from vector<16xf32>
      %mul3A_1772 = arith.mulf %squeeze3A, %reduce_sum3A_321 : f32
      %mul3A_1773 = arith.mulf %sub3A_246, %reduce_sum3A_1771 : f32
      %add3A_1774 = arith.addf %mul3A_1772, %mul3A_1773 : f32
      %gt3A_1775 = arith.cmpf ogt, %add3A_1774, %select_n3A_1662 : f32
      %select_n3A_1776 = arith.select %gt3A_1775, %add3A_1774, %select_n3A_1662 : f32
      %jit3A_1777 = arith.constant 12 : i32
      %select_n3A_1778 = arith.select %gt3A_1775, %jit3A_1777, %select_n3A_1664 : i32
      %add3A_1779 = arith.constant 12 : i32
      %add3A_1780 = arith.addi %add3A_364, %add3A_1779 : i32
      %get3A_1781 = arith.index_cast %add3A_1780 : i32 to index
      %get3A_1782 = arith.constant 64 : index
      %get3A_1783 = tpu.vector_load %arg15[%get3A_1781, %get3A_1782] {strides = array<i32>} : memref<128x256xf32, #tpu.memory_space<vmem>>, vector<16xf32>,
      %add3A_1784 = arith.constant 12 : i32
      %add3A_1785 = arith.addi %add3A_364, %add3A_1784 : i32
      %get3A_1786 = arith.index_cast %add3A_1785 : i32 to index
      %get3A_1787 = arith.constant 80 : index
      %get3A_1788 = tpu.vector_load %arg15[%get3A_1786, %get3A_1787] {strides = array<i32>} : memref<128x256xf32, #tpu.memory_space<vmem>>, vector<16xf32>,
      %add3A_1789 = arith.constant 12 : i32
      %add3A_1790 = arith.addi %add3A_364, %add3A_1789 : i32
      %get3A_1791 = arith.index_cast %add3A_1790 : i32 to index
      %get3A_1792 = arith.constant 96 : index
      %get3A_1793 = tpu.vector_load %arg15[%get3A_1791, %get3A_1792] {strides = array<i32>} : memref<128x256xf32, #tpu.memory_space<vmem>>, vector<16xf32>,
      %add3A_1794 = arith.constant 12 : i32
      %add3A_1795 = arith.addi %add3A_364, %add3A_1794 : i32
      %get3A_1796 = arith.index_cast %add3A_1795 : i32 to index
      %get3A_1797 = arith.constant 112 : index
      %get3A_1798 = tpu.vector_load %arg15[%get3A_1796, %get3A_1797] {strides = array<i32>} : memref<128x256xf32, #tpu.memory_space<vmem>>, vector<16xf32>,
      %mul3A_1799 = arith.mulf %get3A_185, %get3A_1783 : vector<16xf32>
      %mul3A_1800 = arith.mulf %get3A_188, %get3A_1788 : vector<16xf32>
      %mul3A_1801 = arith.mulf %get3A_191, %get3A_1793 : vector<16xf32>
      %mul3A_1802 = arith.mulf %get3A_194, %get3A_1798 : vector<16xf32>
      %add3A_1803 = arith.addf %mul3A_1799, %mul3A_1800 : vector<16xf32>
      %add3A_1804 = arith.addf %add3A_1803, %mul3A_1801 : vector<16xf32>
      %add3A_1805 = arith.addf %add3A_1804, %mul3A_1802 : vector<16xf32>
      %reduce_sum3A_1806 = arith.constant true
      %reduce_sum3A_1807 = vector.broadcast %reduce_sum3A_1806 : i1 to vector<16xi1>
      %reduce_sum3A_1808 = tpu.scan <sum>, %add3A_1805 masked %reduce_sum3A_1807 : vector<16xf32>, vector<16xi1> -> vector<16xf32>
      %reduce_sum3A_1809 = vector.extract %reduce_sum3A_1808[15] : f32 from vector<16xf32>
      %mul3A_1810 = arith.mulf %squeeze3A, %reduce_sum3A_332 : f32
      %mul3A_1811 = arith.mulf %sub3A_246, %reduce_sum3A_1809 : f32
      %add3A_1812 = arith.addf %mul3A_1810, %mul3A_1811 : f32
      %gt3A_1813 = arith.cmpf ogt, %add3A_1812, %select_n3A_1700 : f32
      %select_n3A_1814 = arith.select %gt3A_1813, %add3A_1812, %select_n3A_1700 : f32
      %jit3A_1815 = arith.constant 12 : i32
      %select_n3A_1816 = arith.select %gt3A_1813, %jit3A_1815, %select_n3A_1702 : i32
      %add3A_1817 = arith.constant 12 : i32
      %add3A_1818 = arith.addi %add3A_364, %add3A_1817 : i32
      %get3A_1819 = arith.index_cast %add3A_1818 : i32 to index
      %get3A_1820 = arith.constant 128 : index
      %get3A_1821 = tpu.vector_load %arg15[%get3A_1819, %get3A_1820] {strides = array<i32>} : memref<128x256xf32, #tpu.memory_space<vmem>>, vector<16xf32>,
      %add3A_1822 = arith.constant 12 : i32
      %add3A_1823 = arith.addi %add3A_364, %add3A_1822 : i32
      %get3A_1824 = arith.index_cast %add3A_1823 : i32 to index
      %get3A_1825 = arith.constant 144 : index
      %get3A_1826 = tpu.vector_load %arg15[%get3A_1824, %get3A_1825] {strides = array<i32>} : memref<128x256xf32, #tpu.memory_space<vmem>>, vector<16xf32>,
      %add3A_1827 = arith.constant 12 : i32
      %add3A_1828 = arith.addi %add3A_364, %add3A_1827 : i32
      %get3A_1829 = arith.index_cast %add3A_1828 : i32 to index
      %get3A_1830 = arith.constant 160 : index
      %get3A_1831 = tpu.vector_load %arg15[%get3A_1829, %get3A_1830] {strides = array<i32>} : memref<128x256xf32, #tpu.memory_space<vmem>>, vector<16xf32>,
      %add3A_1832 = arith.constant 12 : i32
      %add3A_1833 = arith.addi %add3A_364, %add3A_1832 : i32
      %get3A_1834 = arith.index_cast %add3A_1833 : i32 to index
      %get3A_1835 = arith.constant 176 : index
      %get3A_1836 = tpu.vector_load %arg15[%get3A_1834, %get3A_1835] {strides = array<i32>} : memref<128x256xf32, #tpu.memory_space<vmem>>, vector<16xf32>,
      %mul3A_1837 = arith.mulf %get3A_197, %get3A_1821 : vector<16xf32>
      %mul3A_1838 = arith.mulf %get3A_200, %get3A_1826 : vector<16xf32>
      %mul3A_1839 = arith.mulf %get3A_203, %get3A_1831 : vector<16xf32>
      %mul3A_1840 = arith.mulf %get3A_206, %get3A_1836 : vector<16xf32>
      %add3A_1841 = arith.addf %mul3A_1837, %mul3A_1838 : vector<16xf32>
      %add3A_1842 = arith.addf %add3A_1841, %mul3A_1839 : vector<16xf32>
      %add3A_1843 = arith.addf %add3A_1842, %mul3A_1840 : vector<16xf32>
      %reduce_sum3A_1844 = arith.constant true
      %reduce_sum3A_1845 = vector.broadcast %reduce_sum3A_1844 : i1 to vector<16xi1>
      %reduce_sum3A_1846 = tpu.scan <sum>, %add3A_1843 masked %reduce_sum3A_1845 : vector<16xf32>, vector<16xi1> -> vector<16xf32>
      %reduce_sum3A_1847 = vector.extract %reduce_sum3A_1846[15] : f32 from vector<16xf32>
      %mul3A_1848 = arith.mulf %squeeze3A, %reduce_sum3A_343 : f32
      %mul3A_1849 = arith.mulf %sub3A_246, %reduce_sum3A_1847 : f32
      %add3A_1850 = arith.addf %mul3A_1848, %mul3A_1849 : f32
      %gt3A_1851 = arith.cmpf ogt, %add3A_1850, %select_n3A_1738 : f32
      %select_n3A_1852 = arith.select %gt3A_1851, %add3A_1850, %select_n3A_1738 : f32
      %jit3A_1853 = arith.constant 12 : i32
      %select_n3A_1854 = arith.select %gt3A_1851, %jit3A_1853, %select_n3A_1740 : i32
      %add3A_1855 = arith.constant 13 : i32
      %add3A_1856 = arith.addi %add3A_364, %add3A_1855 : i32
      %get3A_1857 = arith.index_cast %add3A_1856 : i32 to index
      %get3A_1858 = arith.constant 0 : index
      %get3A_1859 = tpu.vector_load %arg15[%get3A_1857, %get3A_1858] {strides = array<i32>} : memref<128x256xf32, #tpu.memory_space<vmem>>, vector<16xf32>,
      %add3A_1860 = arith.constant 13 : i32
      %add3A_1861 = arith.addi %add3A_364, %add3A_1860 : i32
      %get3A_1862 = arith.index_cast %add3A_1861 : i32 to index
      %get3A_1863 = arith.constant 16 : index
      %get3A_1864 = tpu.vector_load %arg15[%get3A_1862, %get3A_1863] {strides = array<i32>} : memref<128x256xf32, #tpu.memory_space<vmem>>, vector<16xf32>,
      %add3A_1865 = arith.constant 13 : i32
      %add3A_1866 = arith.addi %add3A_364, %add3A_1865 : i32
      %get3A_1867 = arith.index_cast %add3A_1866 : i32 to index
      %get3A_1868 = arith.constant 32 : index
      %get3A_1869 = tpu.vector_load %arg15[%get3A_1867, %get3A_1868] {strides = array<i32>} : memref<128x256xf32, #tpu.memory_space<vmem>>, vector<16xf32>,
      %add3A_1870 = arith.constant 13 : i32
      %add3A_1871 = arith.addi %add3A_364, %add3A_1870 : i32
      %get3A_1872 = arith.index_cast %add3A_1871 : i32 to index
      %get3A_1873 = arith.constant 48 : index
      %get3A_1874 = tpu.vector_load %arg15[%get3A_1872, %get3A_1873] {strides = array<i32>} : memref<128x256xf32, #tpu.memory_space<vmem>>, vector<16xf32>,
      %mul3A_1875 = arith.mulf %get3A_173, %get3A_1859 : vector<16xf32>
      %mul3A_1876 = arith.mulf %get3A_176, %get3A_1864 : vector<16xf32>
      %mul3A_1877 = arith.mulf %get3A_179, %get3A_1869 : vector<16xf32>
      %mul3A_1878 = arith.mulf %get3A_182, %get3A_1874 : vector<16xf32>
      %add3A_1879 = arith.addf %mul3A_1875, %mul3A_1876 : vector<16xf32>
      %add3A_1880 = arith.addf %add3A_1879, %mul3A_1877 : vector<16xf32>
      %add3A_1881 = arith.addf %add3A_1880, %mul3A_1878 : vector<16xf32>
      %reduce_sum3A_1882 = arith.constant true
      %reduce_sum3A_1883 = vector.broadcast %reduce_sum3A_1882 : i1 to vector<16xi1>
      %reduce_sum3A_1884 = tpu.scan <sum>, %add3A_1881 masked %reduce_sum3A_1883 : vector<16xf32>, vector<16xi1> -> vector<16xf32>
      %reduce_sum3A_1885 = vector.extract %reduce_sum3A_1884[15] : f32 from vector<16xf32>
      %mul3A_1886 = arith.mulf %squeeze3A, %reduce_sum3A_321 : f32
      %mul3A_1887 = arith.mulf %sub3A_246, %reduce_sum3A_1885 : f32
      %add3A_1888 = arith.addf %mul3A_1886, %mul3A_1887 : f32
      %gt3A_1889 = arith.cmpf ogt, %add3A_1888, %select_n3A_1776 : f32
      %select_n3A_1890 = arith.select %gt3A_1889, %add3A_1888, %select_n3A_1776 : f32
      %jit3A_1891 = arith.constant 13 : i32
      %select_n3A_1892 = arith.select %gt3A_1889, %jit3A_1891, %select_n3A_1778 : i32
      %add3A_1893 = arith.constant 13 : i32
      %add3A_1894 = arith.addi %add3A_364, %add3A_1893 : i32
      %get3A_1895 = arith.index_cast %add3A_1894 : i32 to index
      %get3A_1896 = arith.constant 64 : index
      %get3A_1897 = tpu.vector_load %arg15[%get3A_1895, %get3A_1896] {strides = array<i32>} : memref<128x256xf32, #tpu.memory_space<vmem>>, vector<16xf32>,
      %add3A_1898 = arith.constant 13 : i32
      %add3A_1899 = arith.addi %add3A_364, %add3A_1898 : i32
      %get3A_1900 = arith.index_cast %add3A_1899 : i32 to index
      %get3A_1901 = arith.constant 80 : index
      %get3A_1902 = tpu.vector_load %arg15[%get3A_1900, %get3A_1901] {strides = array<i32>} : memref<128x256xf32, #tpu.memory_space<vmem>>, vector<16xf32>,
      %add3A_1903 = arith.constant 13 : i32
      %add3A_1904 = arith.addi %add3A_364, %add3A_1903 : i32
      %get3A_1905 = arith.index_cast %add3A_1904 : i32 to index
      %get3A_1906 = arith.constant 96 : index
      %get3A_1907 = tpu.vector_load %arg15[%get3A_1905, %get3A_1906] {strides = array<i32>} : memref<128x256xf32, #tpu.memory_space<vmem>>, vector<16xf32>,
      %add3A_1908 = arith.constant 13 : i32
      %add3A_1909 = arith.addi %add3A_364, %add3A_1908 : i32
      %get3A_1910 = arith.index_cast %add3A_1909 : i32 to index
      %get3A_1911 = arith.constant 112 : index
      %get3A_1912 = tpu.vector_load %arg15[%get3A_1910, %get3A_1911] {strides = array<i32>} : memref<128x256xf32, #tpu.memory_space<vmem>>, vector<16xf32>,
      %mul3A_1913 = arith.mulf %get3A_185, %get3A_1897 : vector<16xf32>
      %mul3A_1914 = arith.mulf %get3A_188, %get3A_1902 : vector<16xf32>
      %mul3A_1915 = arith.mulf %get3A_191, %get3A_1907 : vector<16xf32>
      %mul3A_1916 = arith.mulf %get3A_194, %get3A_1912 : vector<16xf32>
      %add3A_1917 = arith.addf %mul3A_1913, %mul3A_1914 : vector<16xf32>
      %add3A_1918 = arith.addf %add3A_1917, %mul3A_1915 : vector<16xf32>
      %add3A_1919 = arith.addf %add3A_1918, %mul3A_1916 : vector<16xf32>
      %reduce_sum3A_1920 = arith.constant true
      %reduce_sum3A_1921 = vector.broadcast %reduce_sum3A_1920 : i1 to vector<16xi1>
      %reduce_sum3A_1922 = tpu.scan <sum>, %add3A_1919 masked %reduce_sum3A_1921 : vector<16xf32>, vector<16xi1> -> vector<16xf32>
      %reduce_sum3A_1923 = vector.extract %reduce_sum3A_1922[15] : f32 from vector<16xf32>
      %mul3A_1924 = arith.mulf %squeeze3A, %reduce_sum3A_332 : f32
      %mul3A_1925 = arith.mulf %sub3A_246, %reduce_sum3A_1923 : f32
      %add3A_1926 = arith.addf %mul3A_1924, %mul3A_1925 : f32
      %gt3A_1927 = arith.cmpf ogt, %add3A_1926, %select_n3A_1814 : f32
      %select_n3A_1928 = arith.select %gt3A_1927, %add3A_1926, %select_n3A_1814 : f32
      %jit3A_1929 = arith.constant 13 : i32
      %select_n3A_1930 = arith.select %gt3A_1927, %jit3A_1929, %select_n3A_1816 : i32
      %add3A_1931 = arith.constant 13 : i32
      %add3A_1932 = arith.addi %add3A_364, %add3A_1931 : i32
      %get3A_1933 = arith.index_cast %add3A_1932 : i32 to index
      %get3A_1934 = arith.constant 128 : index
      %get3A_1935 = tpu.vector_load %arg15[%get3A_1933, %get3A_1934] {strides = array<i32>} : memref<128x256xf32, #tpu.memory_space<vmem>>, vector<16xf32>,
      %add3A_1936 = arith.constant 13 : i32
      %add3A_1937 = arith.addi %add3A_364, %add3A_1936 : i32
      %get3A_1938 = arith.index_cast %add3A_1937 : i32 to index
      %get3A_1939 = arith.constant 144 : index
      %get3A_1940 = tpu.vector_load %arg15[%get3A_1938, %get3A_1939] {strides = array<i32>} : memref<128x256xf32, #tpu.memory_space<vmem>>, vector<16xf32>,
      %add3A_1941 = arith.constant 13 : i32
      %add3A_1942 = arith.addi %add3A_364, %add3A_1941 : i32
      %get3A_1943 = arith.index_cast %add3A_1942 : i32 to index
      %get3A_1944 = arith.constant 160 : index
      %get3A_1945 = tpu.vector_load %arg15[%get3A_1943, %get3A_1944] {strides = array<i32>} : memref<128x256xf32, #tpu.memory_space<vmem>>, vector<16xf32>,
      %add3A_1946 = arith.constant 13 : i32
      %add3A_1947 = arith.addi %add3A_364, %add3A_1946 : i32
      %get3A_1948 = arith.index_cast %add3A_1947 : i32 to index
      %get3A_1949 = arith.constant 176 : index
      %get3A_1950 = tpu.vector_load %arg15[%get3A_1948, %get3A_1949] {strides = array<i32>} : memref<128x256xf32, #tpu.memory_space<vmem>>, vector<16xf32>,
      %mul3A_1951 = arith.mulf %get3A_197, %get3A_1935 : vector<16xf32>
      %mul3A_1952 = arith.mulf %get3A_200, %get3A_1940 : vector<16xf32>
      %mul3A_1953 = arith.mulf %get3A_203, %get3A_1945 : vector<16xf32>
      %mul3A_1954 = arith.mulf %get3A_206, %get3A_1950 : vector<16xf32>
      %add3A_1955 = arith.addf %mul3A_1951, %mul3A_1952 : vector<16xf32>
      %add3A_1956 = arith.addf %add3A_1955, %mul3A_1953 : vector<16xf32>
      %add3A_1957 = arith.addf %add3A_1956, %mul3A_1954 : vector<16xf32>
      %reduce_sum3A_1958 = arith.constant true
      %reduce_sum3A_1959 = vector.broadcast %reduce_sum3A_1958 : i1 to vector<16xi1>
      %reduce_sum3A_1960 = tpu.scan <sum>, %add3A_1957 masked %reduce_sum3A_1959 : vector<16xf32>, vector<16xi1> -> vector<16xf32>
      %reduce_sum3A_1961 = vector.extract %reduce_sum3A_1960[15] : f32 from vector<16xf32>
      %mul3A_1962 = arith.mulf %squeeze3A, %reduce_sum3A_343 : f32
      %mul3A_1963 = arith.mulf %sub3A_246, %reduce_sum3A_1961 : f32
      %add3A_1964 = arith.addf %mul3A_1962, %mul3A_1963 : f32
      %gt3A_1965 = arith.cmpf ogt, %add3A_1964, %select_n3A_1852 : f32
      %select_n3A_1966 = arith.select %gt3A_1965, %add3A_1964, %select_n3A_1852 : f32
      %jit3A_1967 = arith.constant 13 : i32
      %select_n3A_1968 = arith.select %gt3A_1965, %jit3A_1967, %select_n3A_1854 : i32
      %add3A_1969 = arith.constant 14 : i32
      %add3A_1970 = arith.addi %add3A_364, %add3A_1969 : i32
      %get3A_1971 = arith.index_cast %add3A_1970 : i32 to index
      %get3A_1972 = arith.constant 0 : index
      %get3A_1973 = tpu.vector_load %arg15[%get3A_1971, %get3A_1972] {strides = array<i32>} : memref<128x256xf32, #tpu.memory_space<vmem>>, vector<16xf32>,
      %add3A_1974 = arith.constant 14 : i32
      %add3A_1975 = arith.addi %add3A_364, %add3A_1974 : i32
      %get3A_1976 = arith.index_cast %add3A_1975 : i32 to index
      %get3A_1977 = arith.constant 16 : index
      %get3A_1978 = tpu.vector_load %arg15[%get3A_1976, %get3A_1977] {strides = array<i32>} : memref<128x256xf32, #tpu.memory_space<vmem>>, vector<16xf32>,
      %add3A_1979 = arith.constant 14 : i32
      %add3A_1980 = arith.addi %add3A_364, %add3A_1979 : i32
      %get3A_1981 = arith.index_cast %add3A_1980 : i32 to index
      %get3A_1982 = arith.constant 32 : index
      %get3A_1983 = tpu.vector_load %arg15[%get3A_1981, %get3A_1982] {strides = array<i32>} : memref<128x256xf32, #tpu.memory_space<vmem>>, vector<16xf32>,
      %add3A_1984 = arith.constant 14 : i32
      %add3A_1985 = arith.addi %add3A_364, %add3A_1984 : i32
      %get3A_1986 = arith.index_cast %add3A_1985 : i32 to index
      %get3A_1987 = arith.constant 48 : index
      %get3A_1988 = tpu.vector_load %arg15[%get3A_1986, %get3A_1987] {strides = array<i32>} : memref<128x256xf32, #tpu.memory_space<vmem>>, vector<16xf32>,
      %mul3A_1989 = arith.mulf %get3A_173, %get3A_1973 : vector<16xf32>
      %mul3A_1990 = arith.mulf %get3A_176, %get3A_1978 : vector<16xf32>
      %mul3A_1991 = arith.mulf %get3A_179, %get3A_1983 : vector<16xf32>
      %mul3A_1992 = arith.mulf %get3A_182, %get3A_1988 : vector<16xf32>
      %add3A_1993 = arith.addf %mul3A_1989, %mul3A_1990 : vector<16xf32>
      %add3A_1994 = arith.addf %add3A_1993, %mul3A_1991 : vector<16xf32>
      %add3A_1995 = arith.addf %add3A_1994, %mul3A_1992 : vector<16xf32>
      %reduce_sum3A_1996 = arith.constant true
      %reduce_sum3A_1997 = vector.broadcast %reduce_sum3A_1996 : i1 to vector<16xi1>
      %reduce_sum3A_1998 = tpu.scan <sum>, %add3A_1995 masked %reduce_sum3A_1997 : vector<16xf32>, vector<16xi1> -> vector<16xf32>
      %reduce_sum3A_1999 = vector.extract %reduce_sum3A_1998[15] : f32 from vector<16xf32>
      %mul3A_2000 = arith.mulf %squeeze3A, %reduce_sum3A_321 : f32
      %mul3A_2001 = arith.mulf %sub3A_246, %reduce_sum3A_1999 : f32
      %add3A_2002 = arith.addf %mul3A_2000, %mul3A_2001 : f32
      %gt3A_2003 = arith.cmpf ogt, %add3A_2002, %select_n3A_1890 : f32
      %select_n3A_2004 = arith.select %gt3A_2003, %add3A_2002, %select_n3A_1890 : f32
      %jit3A_2005 = arith.constant 14 : i32
      %select_n3A_2006 = arith.select %gt3A_2003, %jit3A_2005, %select_n3A_1892 : i32
      %add3A_2007 = arith.constant 14 : i32
      %add3A_2008 = arith.addi %add3A_364, %add3A_2007 : i32
      %get3A_2009 = arith.index_cast %add3A_2008 : i32 to index
      %get3A_2010 = arith.constant 64 : index
      %get3A_2011 = tpu.vector_load %arg15[%get3A_2009, %get3A_2010] {strides = array<i32>} : memref<128x256xf32, #tpu.memory_space<vmem>>, vector<16xf32>,
      %add3A_2012 = arith.constant 14 : i32
      %add3A_2013 = arith.addi %add3A_364, %add3A_2012 : i32
      %get3A_2014 = arith.index_cast %add3A_2013 : i32 to index
      %get3A_2015 = arith.constant 80 : index
      %get3A_2016 = tpu.vector_load %arg15[%get3A_2014, %get3A_2015] {strides = array<i32>} : memref<128x256xf32, #tpu.memory_space<vmem>>, vector<16xf32>,
      %add3A_2017 = arith.constant 14 : i32
      %add3A_2018 = arith.addi %add3A_364, %add3A_2017 : i32
      %get3A_2019 = arith.index_cast %add3A_2018 : i32 to index
      %get3A_2020 = arith.constant 96 : index
      %get3A_2021 = tpu.vector_load %arg15[%get3A_2019, %get3A_2020] {strides = array<i32>} : memref<128x256xf32, #tpu.memory_space<vmem>>, vector<16xf32>,
      %add3A_2022 = arith.constant 14 : i32
      %add3A_2023 = arith.addi %add3A_364, %add3A_2022 : i32
      %get3A_2024 = arith.index_cast %add3A_2023 : i32 to index
      %get3A_2025 = arith.constant 112 : index
      %get3A_2026 = tpu.vector_load %arg15[%get3A_2024, %get3A_2025] {strides = array<i32>} : memref<128x256xf32, #tpu.memory_space<vmem>>, vector<16xf32>,
      %mul3A_2027 = arith.mulf %get3A_185, %get3A_2011 : vector<16xf32>
      %mul3A_2028 = arith.mulf %get3A_188, %get3A_2016 : vector<16xf32>
      %mul3A_2029 = arith.mulf %get3A_191, %get3A_2021 : vector<16xf32>
      %mul3A_2030 = arith.mulf %get3A_194, %get3A_2026 : vector<16xf32>
      %add3A_2031 = arith.addf %mul3A_2027, %mul3A_2028 : vector<16xf32>
      %add3A_2032 = arith.addf %add3A_2031, %mul3A_2029 : vector<16xf32>
      %add3A_2033 = arith.addf %add3A_2032, %mul3A_2030 : vector<16xf32>
      %reduce_sum3A_2034 = arith.constant true
      %reduce_sum3A_2035 = vector.broadcast %reduce_sum3A_2034 : i1 to vector<16xi1>
      %reduce_sum3A_2036 = tpu.scan <sum>, %add3A_2033 masked %reduce_sum3A_2035 : vector<16xf32>, vector<16xi1> -> vector<16xf32>
      %reduce_sum3A_2037 = vector.extract %reduce_sum3A_2036[15] : f32 from vector<16xf32>
      %mul3A_2038 = arith.mulf %squeeze3A, %reduce_sum3A_332 : f32
      %mul3A_2039 = arith.mulf %sub3A_246, %reduce_sum3A_2037 : f32
      %add3A_2040 = arith.addf %mul3A_2038, %mul3A_2039 : f32
      %gt3A_2041 = arith.cmpf ogt, %add3A_2040, %select_n3A_1928 : f32
      %select_n3A_2042 = arith.select %gt3A_2041, %add3A_2040, %select_n3A_1928 : f32
      %jit3A_2043 = arith.constant 14 : i32
      %select_n3A_2044 = arith.select %gt3A_2041, %jit3A_2043, %select_n3A_1930 : i32
      %add3A_2045 = arith.constant 14 : i32
      %add3A_2046 = arith.addi %add3A_364, %add3A_2045 : i32
      %get3A_2047 = arith.index_cast %add3A_2046 : i32 to index
      %get3A_2048 = arith.constant 128 : index
      %get3A_2049 = tpu.vector_load %arg15[%get3A_2047, %get3A_2048] {strides = array<i32>} : memref<128x256xf32, #tpu.memory_space<vmem>>, vector<16xf32>,
      %add3A_2050 = arith.constant 14 : i32
      %add3A_2051 = arith.addi %add3A_364, %add3A_2050 : i32
      %get3A_2052 = arith.index_cast %add3A_2051 : i32 to index
      %get3A_2053 = arith.constant 144 : index
      %get3A_2054 = tpu.vector_load %arg15[%get3A_2052, %get3A_2053] {strides = array<i32>} : memref<128x256xf32, #tpu.memory_space<vmem>>, vector<16xf32>,
      %add3A_2055 = arith.constant 14 : i32
      %add3A_2056 = arith.addi %add3A_364, %add3A_2055 : i32
      %get3A_2057 = arith.index_cast %add3A_2056 : i32 to index
      %get3A_2058 = arith.constant 160 : index
      %get3A_2059 = tpu.vector_load %arg15[%get3A_2057, %get3A_2058] {strides = array<i32>} : memref<128x256xf32, #tpu.memory_space<vmem>>, vector<16xf32>,
      %add3A_2060 = arith.constant 14 : i32
      %add3A_2061 = arith.addi %add3A_364, %add3A_2060 : i32
      %get3A_2062 = arith.index_cast %add3A_2061 : i32 to index
      %get3A_2063 = arith.constant 176 : index
      %get3A_2064 = tpu.vector_load %arg15[%get3A_2062, %get3A_2063] {strides = array<i32>} : memref<128x256xf32, #tpu.memory_space<vmem>>, vector<16xf32>,
      %mul3A_2065 = arith.mulf %get3A_197, %get3A_2049 : vector<16xf32>
      %mul3A_2066 = arith.mulf %get3A_200, %get3A_2054 : vector<16xf32>
      %mul3A_2067 = arith.mulf %get3A_203, %get3A_2059 : vector<16xf32>
      %mul3A_2068 = arith.mulf %get3A_206, %get3A_2064 : vector<16xf32>
      %add3A_2069 = arith.addf %mul3A_2065, %mul3A_2066 : vector<16xf32>
      %add3A_2070 = arith.addf %add3A_2069, %mul3A_2067 : vector<16xf32>
      %add3A_2071 = arith.addf %add3A_2070, %mul3A_2068 : vector<16xf32>
      %reduce_sum3A_2072 = arith.constant true
      %reduce_sum3A_2073 = vector.broadcast %reduce_sum3A_2072 : i1 to vector<16xi1>
      %reduce_sum3A_2074 = tpu.scan <sum>, %add3A_2071 masked %reduce_sum3A_2073 : vector<16xf32>, vector<16xi1> -> vector<16xf32>
      %reduce_sum3A_2075 = vector.extract %reduce_sum3A_2074[15] : f32 from vector<16xf32>
      %mul3A_2076 = arith.mulf %squeeze3A, %reduce_sum3A_343 : f32
      %mul3A_2077 = arith.mulf %sub3A_246, %reduce_sum3A_2075 : f32
      %add3A_2078 = arith.addf %mul3A_2076, %mul3A_2077 : f32
      %gt3A_2079 = arith.cmpf ogt, %add3A_2078, %select_n3A_1966 : f32
      %select_n3A_2080 = arith.select %gt3A_2079, %add3A_2078, %select_n3A_1966 : f32
      %jit3A_2081 = arith.constant 14 : i32
      %select_n3A_2082 = arith.select %gt3A_2079, %jit3A_2081, %select_n3A_1968 : i32
      %add3A_2083 = arith.constant 15 : i32
      %add3A_2084 = arith.addi %add3A_364, %add3A_2083 : i32
      %get3A_2085 = arith.index_cast %add3A_2084 : i32 to index
      %get3A_2086 = arith.constant 0 : index
      %get3A_2087 = tpu.vector_load %arg15[%get3A_2085, %get3A_2086] {strides = array<i32>} : memref<128x256xf32, #tpu.memory_space<vmem>>, vector<16xf32>,
      %add3A_2088 = arith.constant 15 : i32
      %add3A_2089 = arith.addi %add3A_364, %add3A_2088 : i32
      %get3A_2090 = arith.index_cast %add3A_2089 : i32 to index
      %get3A_2091 = arith.constant 16 : index
      %get3A_2092 = tpu.vector_load %arg15[%get3A_2090, %get3A_2091] {strides = array<i32>} : memref<128x256xf32, #tpu.memory_space<vmem>>, vector<16xf32>,
      %add3A_2093 = arith.constant 15 : i32
      %add3A_2094 = arith.addi %add3A_364, %add3A_2093 : i32
      %get3A_2095 = arith.index_cast %add3A_2094 : i32 to index
      %get3A_2096 = arith.constant 32 : index
      %get3A_2097 = tpu.vector_load %arg15[%get3A_2095, %get3A_2096] {strides = array<i32>} : memref<128x256xf32, #tpu.memory_space<vmem>>, vector<16xf32>,
      %add3A_2098 = arith.constant 15 : i32
      %add3A_2099 = arith.addi %add3A_364, %add3A_2098 : i32
      %get3A_2100 = arith.index_cast %add3A_2099 : i32 to index
      %get3A_2101 = arith.constant 48 : index
      %get3A_2102 = tpu.vector_load %arg15[%get3A_2100, %get3A_2101] {strides = array<i32>} : memref<128x256xf32, #tpu.memory_space<vmem>>, vector<16xf32>,
      %mul3A_2103 = arith.mulf %get3A_173, %get3A_2087 : vector<16xf32>
      %mul3A_2104 = arith.mulf %get3A_176, %get3A_2092 : vector<16xf32>
      %mul3A_2105 = arith.mulf %get3A_179, %get3A_2097 : vector<16xf32>
      %mul3A_2106 = arith.mulf %get3A_182, %get3A_2102 : vector<16xf32>
      %add3A_2107 = arith.addf %mul3A_2103, %mul3A_2104 : vector<16xf32>
      %add3A_2108 = arith.addf %add3A_2107, %mul3A_2105 : vector<16xf32>
      %add3A_2109 = arith.addf %add3A_2108, %mul3A_2106 : vector<16xf32>
      %reduce_sum3A_2110 = arith.constant true
      %reduce_sum3A_2111 = vector.broadcast %reduce_sum3A_2110 : i1 to vector<16xi1>
      %reduce_sum3A_2112 = tpu.scan <sum>, %add3A_2109 masked %reduce_sum3A_2111 : vector<16xf32>, vector<16xi1> -> vector<16xf32>
      %reduce_sum3A_2113 = vector.extract %reduce_sum3A_2112[15] : f32 from vector<16xf32>
      %mul3A_2114 = arith.mulf %squeeze3A, %reduce_sum3A_321 : f32
      %mul3A_2115 = arith.mulf %sub3A_246, %reduce_sum3A_2113 : f32
      %add3A_2116 = arith.addf %mul3A_2114, %mul3A_2115 : f32
      %gt3A_2117 = arith.cmpf ogt, %add3A_2116, %select_n3A_2004 : f32
      %select_n3A_2118 = arith.select %gt3A_2117, %add3A_2116, %select_n3A_2004 : f32
      %jit3A_2119 = arith.constant 15 : i32
      %select_n3A_2120 = arith.select %gt3A_2117, %jit3A_2119, %select_n3A_2006 : i32
      %add3A_2121 = arith.constant 15 : i32
      %add3A_2122 = arith.addi %add3A_364, %add3A_2121 : i32
      %get3A_2123 = arith.index_cast %add3A_2122 : i32 to index
      %get3A_2124 = arith.constant 64 : index
      %get3A_2125 = tpu.vector_load %arg15[%get3A_2123, %get3A_2124] {strides = array<i32>} : memref<128x256xf32, #tpu.memory_space<vmem>>, vector<16xf32>,
      %add3A_2126 = arith.constant 15 : i32
      %add3A_2127 = arith.addi %add3A_364, %add3A_2126 : i32
      %get3A_2128 = arith.index_cast %add3A_2127 : i32 to index
      %get3A_2129 = arith.constant 80 : index
      %get3A_2130 = tpu.vector_load %arg15[%get3A_2128, %get3A_2129] {strides = array<i32>} : memref<128x256xf32, #tpu.memory_space<vmem>>, vector<16xf32>,
      %add3A_2131 = arith.constant 15 : i32
      %add3A_2132 = arith.addi %add3A_364, %add3A_2131 : i32
      %get3A_2133 = arith.index_cast %add3A_2132 : i32 to index
      %get3A_2134 = arith.constant 96 : index
      %get3A_2135 = tpu.vector_load %arg15[%get3A_2133, %get3A_2134] {strides = array<i32>} : memref<128x256xf32, #tpu.memory_space<vmem>>, vector<16xf32>,
      %add3A_2136 = arith.constant 15 : i32
      %add3A_2137 = arith.addi %add3A_364, %add3A_2136 : i32
      %get3A_2138 = arith.index_cast %add3A_2137 : i32 to index
      %get3A_2139 = arith.constant 112 : index
      %get3A_2140 = tpu.vector_load %arg15[%get3A_2138, %get3A_2139] {strides = array<i32>} : memref<128x256xf32, #tpu.memory_space<vmem>>, vector<16xf32>,
      %mul3A_2141 = arith.mulf %get3A_185, %get3A_2125 : vector<16xf32>
      %mul3A_2142 = arith.mulf %get3A_188, %get3A_2130 : vector<16xf32>
      %mul3A_2143 = arith.mulf %get3A_191, %get3A_2135 : vector<16xf32>
      %mul3A_2144 = arith.mulf %get3A_194, %get3A_2140 : vector<16xf32>
      %add3A_2145 = arith.addf %mul3A_2141, %mul3A_2142 : vector<16xf32>
      %add3A_2146 = arith.addf %add3A_2145, %mul3A_2143 : vector<16xf32>
      %add3A_2147 = arith.addf %add3A_2146, %mul3A_2144 : vector<16xf32>
      %reduce_sum3A_2148 = arith.constant true
      %reduce_sum3A_2149 = vector.broadcast %reduce_sum3A_2148 : i1 to vector<16xi1>
      %reduce_sum3A_2150 = tpu.scan <sum>, %add3A_2147 masked %reduce_sum3A_2149 : vector<16xf32>, vector<16xi1> -> vector<16xf32>
      %reduce_sum3A_2151 = vector.extract %reduce_sum3A_2150[15] : f32 from vector<16xf32>
      %mul3A_2152 = arith.mulf %squeeze3A, %reduce_sum3A_332 : f32
      %mul3A_2153 = arith.mulf %sub3A_246, %reduce_sum3A_2151 : f32
      %add3A_2154 = arith.addf %mul3A_2152, %mul3A_2153 : f32
      %gt3A_2155 = arith.cmpf ogt, %add3A_2154, %select_n3A_2042 : f32
      %select_n3A_2156 = arith.select %gt3A_2155, %add3A_2154, %select_n3A_2042 : f32
      %jit3A_2157 = arith.constant 15 : i32
      %select_n3A_2158 = arith.select %gt3A_2155, %jit3A_2157, %select_n3A_2044 : i32
      %add3A_2159 = arith.constant 15 : i32
      %add3A_2160 = arith.addi %add3A_364, %add3A_2159 : i32
      %get3A_2161 = arith.index_cast %add3A_2160 : i32 to index
      %get3A_2162 = arith.constant 128 : index
      %get3A_2163 = tpu.vector_load %arg15[%get3A_2161, %get3A_2162] {strides = array<i32>} : memref<128x256xf32, #tpu.memory_space<vmem>>, vector<16xf32>,
      %add3A_2164 = arith.constant 15 : i32
      %add3A_2165 = arith.addi %add3A_364, %add3A_2164 : i32
      %get3A_2166 = arith.index_cast %add3A_2165 : i32 to index
      %get3A_2167 = arith.constant 144 : index
      %get3A_2168 = tpu.vector_load %arg15[%get3A_2166, %get3A_2167] {strides = array<i32>} : memref<128x256xf32, #tpu.memory_space<vmem>>, vector<16xf32>,
      %add3A_2169 = arith.constant 15 : i32
      %add3A_2170 = arith.addi %add3A_364, %add3A_2169 : i32
      %get3A_2171 = arith.index_cast %add3A_2170 : i32 to index
      %get3A_2172 = arith.constant 160 : index
      %get3A_2173 = tpu.vector_load %arg15[%get3A_2171, %get3A_2172] {strides = array<i32>} : memref<128x256xf32, #tpu.memory_space<vmem>>, vector<16xf32>,
      %add3A_2174 = arith.constant 15 : i32
      %add3A_2175 = arith.addi %add3A_364, %add3A_2174 : i32
      %get3A_2176 = arith.index_cast %add3A_2175 : i32 to index
      %get3A_2177 = arith.constant 176 : index
      %get3A_2178 = tpu.vector_load %arg15[%get3A_2176, %get3A_2177] {strides = array<i32>} : memref<128x256xf32, #tpu.memory_space<vmem>>, vector<16xf32>,
      %mul3A_2179 = arith.mulf %get3A_197, %get3A_2163 : vector<16xf32>
      %mul3A_2180 = arith.mulf %get3A_200, %get3A_2168 : vector<16xf32>
      %mul3A_2181 = arith.mulf %get3A_203, %get3A_2173 : vector<16xf32>
      %mul3A_2182 = arith.mulf %get3A_206, %get3A_2178 : vector<16xf32>
      %add3A_2183 = arith.addf %mul3A_2179, %mul3A_2180 : vector<16xf32>
      %add3A_2184 = arith.addf %add3A_2183, %mul3A_2181 : vector<16xf32>
      %add3A_2185 = arith.addf %add3A_2184, %mul3A_2182 : vector<16xf32>
      %reduce_sum3A_2186 = arith.constant true
      %reduce_sum3A_2187 = vector.broadcast %reduce_sum3A_2186 : i1 to vector<16xi1>
      %reduce_sum3A_2188 = tpu.scan <sum>, %add3A_2185 masked %reduce_sum3A_2187 : vector<16xf32>, vector<16xi1> -> vector<16xf32>
      %reduce_sum3A_2189 = vector.extract %reduce_sum3A_2188[15] : f32 from vector<16xf32>
      %mul3A_2190 = arith.mulf %squeeze3A, %reduce_sum3A_343 : f32
      %mul3A_2191 = arith.mulf %sub3A_246, %reduce_sum3A_2189 : f32
      %add3A_2192 = arith.addf %mul3A_2190, %mul3A_2191 : f32
      %gt3A_2193 = arith.cmpf ogt, %add3A_2192, %select_n3A_2080 : f32
      %select_n3A_2194 = arith.select %gt3A_2193, %add3A_2192, %select_n3A_2080 : f32
      %jit3A_2195 = arith.constant 15 : i32
      %select_n3A_2196 = arith.select %gt3A_2193, %jit3A_2195, %select_n3A_2082 : i32
      %add3A_2197 = arith.constant 16 : i32
      %add3A_2198 = arith.addi %add3A_364, %add3A_2197 : i32
      %get3A_2199 = arith.index_cast %add3A_2198 : i32 to index
      %get3A_2200 = arith.constant 0 : index
      %get3A_2201 = tpu.vector_load %arg15[%get3A_2199, %get3A_2200] {strides = array<i32>} : memref<128x256xf32, #tpu.memory_space<vmem>>, vector<16xf32>,
      %add3A_2202 = arith.constant 16 : i32
      %add3A_2203 = arith.addi %add3A_364, %add3A_2202 : i32
      %get3A_2204 = arith.index_cast %add3A_2203 : i32 to index
      %get3A_2205 = arith.constant 16 : index
      %get3A_2206 = tpu.vector_load %arg15[%get3A_2204, %get3A_2205] {strides = array<i32>} : memref<128x256xf32, #tpu.memory_space<vmem>>, vector<16xf32>,
      %add3A_2207 = arith.constant 16 : i32
      %add3A_2208 = arith.addi %add3A_364, %add3A_2207 : i32
      %get3A_2209 = arith.index_cast %add3A_2208 : i32 to index
      %get3A_2210 = arith.constant 32 : index
      %get3A_2211 = tpu.vector_load %arg15[%get3A_2209, %get3A_2210] {strides = array<i32>} : memref<128x256xf32, #tpu.memory_space<vmem>>, vector<16xf32>,
      %add3A_2212 = arith.constant 16 : i32
      %add3A_2213 = arith.addi %add3A_364, %add3A_2212 : i32
      %get3A_2214 = arith.index_cast %add3A_2213 : i32 to index
      %get3A_2215 = arith.constant 48 : index
      %get3A_2216 = tpu.vector_load %arg15[%get3A_2214, %get3A_2215] {strides = array<i32>} : memref<128x256xf32, #tpu.memory_space<vmem>>, vector<16xf32>,
      %mul3A_2217 = arith.mulf %get3A_173, %get3A_2201 : vector<16xf32>
      %mul3A_2218 = arith.mulf %get3A_176, %get3A_2206 : vector<16xf32>
      %mul3A_2219 = arith.mulf %get3A_179, %get3A_2211 : vector<16xf32>
      %mul3A_2220 = arith.mulf %get3A_182, %get3A_2216 : vector<16xf32>
      %add3A_2221 = arith.addf %mul3A_2217, %mul3A_2218 : vector<16xf32>
      %add3A_2222 = arith.addf %add3A_2221, %mul3A_2219 : vector<16xf32>
      %add3A_2223 = arith.addf %add3A_2222, %mul3A_2220 : vector<16xf32>
      %reduce_sum3A_2224 = arith.constant true
      %reduce_sum3A_2225 = vector.broadcast %reduce_sum3A_2224 : i1 to vector<16xi1>
      %reduce_sum3A_2226 = tpu.scan <sum>, %add3A_2223 masked %reduce_sum3A_2225 : vector<16xf32>, vector<16xi1> -> vector<16xf32>
      %reduce_sum3A_2227 = vector.extract %reduce_sum3A_2226[15] : f32 from vector<16xf32>
      %mul3A_2228 = arith.mulf %squeeze3A, %reduce_sum3A_321 : f32
      %mul3A_2229 = arith.mulf %sub3A_246, %reduce_sum3A_2227 : f32
      %add3A_2230 = arith.addf %mul3A_2228, %mul3A_2229 : f32
      %gt3A_2231 = arith.cmpf ogt, %add3A_2230, %select_n3A_2118 : f32
      %select_n3A_2232 = arith.select %gt3A_2231, %add3A_2230, %select_n3A_2118 : f32
      %jit3A_2233 = arith.constant 16 : i32
      %select_n3A_2234 = arith.select %gt3A_2231, %jit3A_2233, %select_n3A_2120 : i32
      %add3A_2235 = arith.constant 16 : i32
      %add3A_2236 = arith.addi %add3A_364, %add3A_2235 : i32
      %get3A_2237 = arith.index_cast %add3A_2236 : i32 to index
      %get3A_2238 = arith.constant 64 : index
      %get3A_2239 = tpu.vector_load %arg15[%get3A_2237, %get3A_2238] {strides = array<i32>} : memref<128x256xf32, #tpu.memory_space<vmem>>, vector<16xf32>,
      %add3A_2240 = arith.constant 16 : i32
      %add3A_2241 = arith.addi %add3A_364, %add3A_2240 : i32
      %get3A_2242 = arith.index_cast %add3A_2241 : i32 to index
      %get3A_2243 = arith.constant 80 : index
      %get3A_2244 = tpu.vector_load %arg15[%get3A_2242, %get3A_2243] {strides = array<i32>} : memref<128x256xf32, #tpu.memory_space<vmem>>, vector<16xf32>,
      %add3A_2245 = arith.constant 16 : i32
      %add3A_2246 = arith.addi %add3A_364, %add3A_2245 : i32
      %get3A_2247 = arith.index_cast %add3A_2246 : i32 to index
      %get3A_2248 = arith.constant 96 : index
      %get3A_2249 = tpu.vector_load %arg15[%get3A_2247, %get3A_2248] {strides = array<i32>} : memref<128x256xf32, #tpu.memory_space<vmem>>, vector<16xf32>,
      %add3A_2250 = arith.constant 16 : i32
      %add3A_2251 = arith.addi %add3A_364, %add3A_2250 : i32
      %get3A_2252 = arith.index_cast %add3A_2251 : i32 to index
      %get3A_2253 = arith.constant 112 : index
      %get3A_2254 = tpu.vector_load %arg15[%get3A_2252, %get3A_2253] {strides = array<i32>} : memref<128x256xf32, #tpu.memory_space<vmem>>, vector<16xf32>,
      %mul3A_2255 = arith.mulf %get3A_185, %get3A_2239 : vector<16xf32>
      %mul3A_2256 = arith.mulf %get3A_188, %get3A_2244 : vector<16xf32>
      %mul3A_2257 = arith.mulf %get3A_191, %get3A_2249 : vector<16xf32>
      %mul3A_2258 = arith.mulf %get3A_194, %get3A_2254 : vector<16xf32>
      %add3A_2259 = arith.addf %mul3A_2255, %mul3A_2256 : vector<16xf32>
      %add3A_2260 = arith.addf %add3A_2259, %mul3A_2257 : vector<16xf32>
      %add3A_2261 = arith.addf %add3A_2260, %mul3A_2258 : vector<16xf32>
      %reduce_sum3A_2262 = arith.constant true
      %reduce_sum3A_2263 = vector.broadcast %reduce_sum3A_2262 : i1 to vector<16xi1>
      %reduce_sum3A_2264 = tpu.scan <sum>, %add3A_2261 masked %reduce_sum3A_2263 : vector<16xf32>, vector<16xi1> -> vector<16xf32>
      %reduce_sum3A_2265 = vector.extract %reduce_sum3A_2264[15] : f32 from vector<16xf32>
      %mul3A_2266 = arith.mulf %squeeze3A, %reduce_sum3A_332 : f32
      %mul3A_2267 = arith.mulf %sub3A_246, %reduce_sum3A_2265 : f32
      %add3A_2268 = arith.addf %mul3A_2266, %mul3A_2267 : f32
      %gt3A_2269 = arith.cmpf ogt, %add3A_2268, %select_n3A_2156 : f32
      %select_n3A_2270 = arith.select %gt3A_2269, %add3A_2268, %select_n3A_2156 : f32
      %jit3A_2271 = arith.constant 16 : i32
      %select_n3A_2272 = arith.select %gt3A_2269, %jit3A_2271, %select_n3A_2158 : i32
      %add3A_2273 = arith.constant 16 : i32
      %add3A_2274 = arith.addi %add3A_364, %add3A_2273 : i32
      %get3A_2275 = arith.index_cast %add3A_2274 : i32 to index
      %get3A_2276 = arith.constant 128 : index
      %get3A_2277 = tpu.vector_load %arg15[%get3A_2275, %get3A_2276] {strides = array<i32>} : memref<128x256xf32, #tpu.memory_space<vmem>>, vector<16xf32>,
      %add3A_2278 = arith.constant 16 : i32
      %add3A_2279 = arith.addi %add3A_364, %add3A_2278 : i32
      %get3A_2280 = arith.index_cast %add3A_2279 : i32 to index
      %get3A_2281 = arith.constant 144 : index
      %get3A_2282 = tpu.vector_load %arg15[%get3A_2280, %get3A_2281] {strides = array<i32>} : memref<128x256xf32, #tpu.memory_space<vmem>>, vector<16xf32>,
      %add3A_2283 = arith.constant 16 : i32
      %add3A_2284 = arith.addi %add3A_364, %add3A_2283 : i32
      %get3A_2285 = arith.index_cast %add3A_2284 : i32 to index
      %get3A_2286 = arith.constant 160 : index
      %get3A_2287 = tpu.vector_load %arg15[%get3A_2285, %get3A_2286] {strides = array<i32>} : memref<128x256xf32, #tpu.memory_space<vmem>>, vector<16xf32>,
      %add3A_2288 = arith.constant 16 : i32
      %add3A_2289 = arith.addi %add3A_364, %add3A_2288 : i32
      %get3A_2290 = arith.index_cast %add3A_2289 : i32 to index
      %get3A_2291 = arith.constant 176 : index
      %get3A_2292 = tpu.vector_load %arg15[%get3A_2290, %get3A_2291] {strides = array<i32>} : memref<128x256xf32, #tpu.memory_space<vmem>>, vector<16xf32>,
      %mul3A_2293 = arith.mulf %get3A_197, %get3A_2277 : vector<16xf32>
      %mul3A_2294 = arith.mulf %get3A_200, %get3A_2282 : vector<16xf32>
      %mul3A_2295 = arith.mulf %get3A_203, %get3A_2287 : vector<16xf32>
      %mul3A_2296 = arith.mulf %get3A_206, %get3A_2292 : vector<16xf32>
      %add3A_2297 = arith.addf %mul3A_2293, %mul3A_2294 : vector<16xf32>
      %add3A_2298 = arith.addf %add3A_2297, %mul3A_2295 : vector<16xf32>
      %add3A_2299 = arith.addf %add3A_2298, %mul3A_2296 : vector<16xf32>
      %reduce_sum3A_2300 = arith.constant true
      %reduce_sum3A_2301 = vector.broadcast %reduce_sum3A_2300 : i1 to vector<16xi1>
      %reduce_sum3A_2302 = tpu.scan <sum>, %add3A_2299 masked %reduce_sum3A_2301 : vector<16xf32>, vector<16xi1> -> vector<16xf32>
      %reduce_sum3A_2303 = vector.extract %reduce_sum3A_2302[15] : f32 from vector<16xf32>
      %mul3A_2304 = arith.mulf %squeeze3A, %reduce_sum3A_343 : f32
      %mul3A_2305 = arith.mulf %sub3A_246, %reduce_sum3A_2303 : f32
      %add3A_2306 = arith.addf %mul3A_2304, %mul3A_2305 : f32
      %gt3A_2307 = arith.cmpf ogt, %add3A_2306, %select_n3A_2194 : f32
      %select_n3A_2308 = arith.select %gt3A_2307, %add3A_2306, %select_n3A_2194 : f32
      %jit3A_2309 = arith.constant 16 : i32
      %select_n3A_2310 = arith.select %gt3A_2307, %jit3A_2309, %select_n3A_2196 : i32
      %add3A_2311 = arith.constant 17 : i32
      %add3A_2312 = arith.addi %add3A_364, %add3A_2311 : i32
      %get3A_2313 = arith.index_cast %add3A_2312 : i32 to index
      %get3A_2314 = arith.constant 0 : index
      %get3A_2315 = tpu.vector_load %arg15[%get3A_2313, %get3A_2314] {strides = array<i32>} : memref<128x256xf32, #tpu.memory_space<vmem>>, vector<16xf32>,
      %add3A_2316 = arith.constant 17 : i32
      %add3A_2317 = arith.addi %add3A_364, %add3A_2316 : i32
      %get3A_2318 = arith.index_cast %add3A_2317 : i32 to index
      %get3A_2319 = arith.constant 16 : index
      %get3A_2320 = tpu.vector_load %arg15[%get3A_2318, %get3A_2319] {strides = array<i32>} : memref<128x256xf32, #tpu.memory_space<vmem>>, vector<16xf32>,
      %add3A_2321 = arith.constant 17 : i32
      %add3A_2322 = arith.addi %add3A_364, %add3A_2321 : i32
      %get3A_2323 = arith.index_cast %add3A_2322 : i32 to index
      %get3A_2324 = arith.constant 32 : index
      %get3A_2325 = tpu.vector_load %arg15[%get3A_2323, %get3A_2324] {strides = array<i32>} : memref<128x256xf32, #tpu.memory_space<vmem>>, vector<16xf32>,
      %add3A_2326 = arith.constant 17 : i32
      %add3A_2327 = arith.addi %add3A_364, %add3A_2326 : i32
      %get3A_2328 = arith.index_cast %add3A_2327 : i32 to index
      %get3A_2329 = arith.constant 48 : index
      %get3A_2330 = tpu.vector_load %arg15[%get3A_2328, %get3A_2329] {strides = array<i32>} : memref<128x256xf32, #tpu.memory_space<vmem>>, vector<16xf32>,
      %mul3A_2331 = arith.mulf %get3A_173, %get3A_2315 : vector<16xf32>
      %mul3A_2332 = arith.mulf %get3A_176, %get3A_2320 : vector<16xf32>
      %mul3A_2333 = arith.mulf %get3A_179, %get3A_2325 : vector<16xf32>
      %mul3A_2334 = arith.mulf %get3A_182, %get3A_2330 : vector<16xf32>
      %add3A_2335 = arith.addf %mul3A_2331, %mul3A_2332 : vector<16xf32>
      %add3A_2336 = arith.addf %add3A_2335, %mul3A_2333 : vector<16xf32>
      %add3A_2337 = arith.addf %add3A_2336, %mul3A_2334 : vector<16xf32>
      %reduce_sum3A_2338 = arith.constant true
      %reduce_sum3A_2339 = vector.broadcast %reduce_sum3A_2338 : i1 to vector<16xi1>
      %reduce_sum3A_2340 = tpu.scan <sum>, %add3A_2337 masked %reduce_sum3A_2339 : vector<16xf32>, vector<16xi1> -> vector<16xf32>
      %reduce_sum3A_2341 = vector.extract %reduce_sum3A_2340[15] : f32 from vector<16xf32>
      %mul3A_2342 = arith.mulf %squeeze3A, %reduce_sum3A_321 : f32
      %mul3A_2343 = arith.mulf %sub3A_246, %reduce_sum3A_2341 : f32
      %add3A_2344 = arith.addf %mul3A_2342, %mul3A_2343 : f32
      %gt3A_2345 = arith.cmpf ogt, %add3A_2344, %select_n3A_2232 : f32
      %select_n3A_2346 = arith.select %gt3A_2345, %add3A_2344, %select_n3A_2232 : f32
      %jit3A_2347 = arith.constant 17 : i32
      %select_n3A_2348 = arith.select %gt3A_2345, %jit3A_2347, %select_n3A_2234 : i32
      %add3A_2349 = arith.constant 17 : i32
      %add3A_2350 = arith.addi %add3A_364, %add3A_2349 : i32
      %get3A_2351 = arith.index_cast %add3A_2350 : i32 to index
      %get3A_2352 = arith.constant 64 : index
      %get3A_2353 = tpu.vector_load %arg15[%get3A_2351, %get3A_2352] {strides = array<i32>} : memref<128x256xf32, #tpu.memory_space<vmem>>, vector<16xf32>,
      %add3A_2354 = arith.constant 17 : i32
      %add3A_2355 = arith.addi %add3A_364, %add3A_2354 : i32
      %get3A_2356 = arith.index_cast %add3A_2355 : i32 to index
      %get3A_2357 = arith.constant 80 : index
      %get3A_2358 = tpu.vector_load %arg15[%get3A_2356, %get3A_2357] {strides = array<i32>} : memref<128x256xf32, #tpu.memory_space<vmem>>, vector<16xf32>,
      %add3A_2359 = arith.constant 17 : i32
      %add3A_2360 = arith.addi %add3A_364, %add3A_2359 : i32
      %get3A_2361 = arith.index_cast %add3A_2360 : i32 to index
      %get3A_2362 = arith.constant 96 : index
      %get3A_2363 = tpu.vector_load %arg15[%get3A_2361, %get3A_2362] {strides = array<i32>} : memref<128x256xf32, #tpu.memory_space<vmem>>, vector<16xf32>,
      %add3A_2364 = arith.constant 17 : i32
      %add3A_2365 = arith.addi %add3A_364, %add3A_2364 : i32
      %get3A_2366 = arith.index_cast %add3A_2365 : i32 to index
      %get3A_2367 = arith.constant 112 : index
      %get3A_2368 = tpu.vector_load %arg15[%get3A_2366, %get3A_2367] {strides = array<i32>} : memref<128x256xf32, #tpu.memory_space<vmem>>, vector<16xf32>,
      %mul3A_2369 = arith.mulf %get3A_185, %get3A_2353 : vector<16xf32>
      %mul3A_2370 = arith.mulf %get3A_188, %get3A_2358 : vector<16xf32>
      %mul3A_2371 = arith.mulf %get3A_191, %get3A_2363 : vector<16xf32>
      %mul3A_2372 = arith.mulf %get3A_194, %get3A_2368 : vector<16xf32>
      %add3A_2373 = arith.addf %mul3A_2369, %mul3A_2370 : vector<16xf32>
      %add3A_2374 = arith.addf %add3A_2373, %mul3A_2371 : vector<16xf32>
      %add3A_2375 = arith.addf %add3A_2374, %mul3A_2372 : vector<16xf32>
      %reduce_sum3A_2376 = arith.constant true
      %reduce_sum3A_2377 = vector.broadcast %reduce_sum3A_2376 : i1 to vector<16xi1>
      %reduce_sum3A_2378 = tpu.scan <sum>, %add3A_2375 masked %reduce_sum3A_2377 : vector<16xf32>, vector<16xi1> -> vector<16xf32>
      %reduce_sum3A_2379 = vector.extract %reduce_sum3A_2378[15] : f32 from vector<16xf32>
      %mul3A_2380 = arith.mulf %squeeze3A, %reduce_sum3A_332 : f32
      %mul3A_2381 = arith.mulf %sub3A_246, %reduce_sum3A_2379 : f32
      %add3A_2382 = arith.addf %mul3A_2380, %mul3A_2381 : f32
      %gt3A_2383 = arith.cmpf ogt, %add3A_2382, %select_n3A_2270 : f32
      %select_n3A_2384 = arith.select %gt3A_2383, %add3A_2382, %select_n3A_2270 : f32
      %jit3A_2385 = arith.constant 17 : i32
      %select_n3A_2386 = arith.select %gt3A_2383, %jit3A_2385, %select_n3A_2272 : i32
      %add3A_2387 = arith.constant 17 : i32
      %add3A_2388 = arith.addi %add3A_364, %add3A_2387 : i32
      %get3A_2389 = arith.index_cast %add3A_2388 : i32 to index
      %get3A_2390 = arith.constant 128 : index
      %get3A_2391 = tpu.vector_load %arg15[%get3A_2389, %get3A_2390] {strides = array<i32>} : memref<128x256xf32, #tpu.memory_space<vmem>>, vector<16xf32>,
      %add3A_2392 = arith.constant 17 : i32
      %add3A_2393 = arith.addi %add3A_364, %add3A_2392 : i32
      %get3A_2394 = arith.index_cast %add3A_2393 : i32 to index
      %get3A_2395 = arith.constant 144 : index
      %get3A_2396 = tpu.vector_load %arg15[%get3A_2394, %get3A_2395] {strides = array<i32>} : memref<128x256xf32, #tpu.memory_space<vmem>>, vector<16xf32>,
      %add3A_2397 = arith.constant 17 : i32
      %add3A_2398 = arith.addi %add3A_364, %add3A_2397 : i32
      %get3A_2399 = arith.index_cast %add3A_2398 : i32 to index
      %get3A_2400 = arith.constant 160 : index
      %get3A_2401 = tpu.vector_load %arg15[%get3A_2399, %get3A_2400] {strides = array<i32>} : memref<128x256xf32, #tpu.memory_space<vmem>>, vector<16xf32>,
      %add3A_2402 = arith.constant 17 : i32
      %add3A_2403 = arith.addi %add3A_364, %add3A_2402 : i32
      %get3A_2404 = arith.index_cast %add3A_2403 : i32 to index
      %get3A_2405 = arith.constant 176 : index
      %get3A_2406 = tpu.vector_load %arg15[%get3A_2404, %get3A_2405] {strides = array<i32>} : memref<128x256xf32, #tpu.memory_space<vmem>>, vector<16xf32>,
      %mul3A_2407 = arith.mulf %get3A_197, %get3A_2391 : vector<16xf32>
      %mul3A_2408 = arith.mulf %get3A_200, %get3A_2396 : vector<16xf32>
      %mul3A_2409 = arith.mulf %get3A_203, %get3A_2401 : vector<16xf32>
      %mul3A_2410 = arith.mulf %get3A_206, %get3A_2406 : vector<16xf32>
      %add3A_2411 = arith.addf %mul3A_2407, %mul3A_2408 : vector<16xf32>
      %add3A_2412 = arith.addf %add3A_2411, %mul3A_2409 : vector<16xf32>
      %add3A_2413 = arith.addf %add3A_2412, %mul3A_2410 : vector<16xf32>
      %reduce_sum3A_2414 = arith.constant true
      %reduce_sum3A_2415 = vector.broadcast %reduce_sum3A_2414 : i1 to vector<16xi1>
      %reduce_sum3A_2416 = tpu.scan <sum>, %add3A_2413 masked %reduce_sum3A_2415 : vector<16xf32>, vector<16xi1> -> vector<16xf32>
      %reduce_sum3A_2417 = vector.extract %reduce_sum3A_2416[15] : f32 from vector<16xf32>
      %mul3A_2418 = arith.mulf %squeeze3A, %reduce_sum3A_343 : f32
      %mul3A_2419 = arith.mulf %sub3A_246, %reduce_sum3A_2417 : f32
      %add3A_2420 = arith.addf %mul3A_2418, %mul3A_2419 : f32
      %gt3A_2421 = arith.cmpf ogt, %add3A_2420, %select_n3A_2308 : f32
      %select_n3A_2422 = arith.select %gt3A_2421, %add3A_2420, %select_n3A_2308 : f32
      %jit3A_2423 = arith.constant 17 : i32
      %select_n3A_2424 = arith.select %gt3A_2421, %jit3A_2423, %select_n3A_2310 : i32
      %add3A_2425 = arith.constant 18 : i32
      %add3A_2426 = arith.addi %add3A_364, %add3A_2425 : i32
      %get3A_2427 = arith.index_cast %add3A_2426 : i32 to index
      %get3A_2428 = arith.constant 0 : index
      %get3A_2429 = tpu.vector_load %arg15[%get3A_2427, %get3A_2428] {strides = array<i32>} : memref<128x256xf32, #tpu.memory_space<vmem>>, vector<16xf32>,
      %add3A_2430 = arith.constant 18 : i32
      %add3A_2431 = arith.addi %add3A_364, %add3A_2430 : i32
      %get3A_2432 = arith.index_cast %add3A_2431 : i32 to index
      %get3A_2433 = arith.constant 16 : index
      %get3A_2434 = tpu.vector_load %arg15[%get3A_2432, %get3A_2433] {strides = array<i32>} : memref<128x256xf32, #tpu.memory_space<vmem>>, vector<16xf32>,
      %add3A_2435 = arith.constant 18 : i32
      %add3A_2436 = arith.addi %add3A_364, %add3A_2435 : i32
      %get3A_2437 = arith.index_cast %add3A_2436 : i32 to index
      %get3A_2438 = arith.constant 32 : index
      %get3A_2439 = tpu.vector_load %arg15[%get3A_2437, %get3A_2438] {strides = array<i32>} : memref<128x256xf32, #tpu.memory_space<vmem>>, vector<16xf32>,
      %add3A_2440 = arith.constant 18 : i32
      %add3A_2441 = arith.addi %add3A_364, %add3A_2440 : i32
      %get3A_2442 = arith.index_cast %add3A_2441 : i32 to index
      %get3A_2443 = arith.constant 48 : index
      %get3A_2444 = tpu.vector_load %arg15[%get3A_2442, %get3A_2443] {strides = array<i32>} : memref<128x256xf32, #tpu.memory_space<vmem>>, vector<16xf32>,
      %mul3A_2445 = arith.mulf %get3A_173, %get3A_2429 : vector<16xf32>
      %mul3A_2446 = arith.mulf %get3A_176, %get3A_2434 : vector<16xf32>
      %mul3A_2447 = arith.mulf %get3A_179, %get3A_2439 : vector<16xf32>
      %mul3A_2448 = arith.mulf %get3A_182, %get3A_2444 : vector<16xf32>
      %add3A_2449 = arith.addf %mul3A_2445, %mul3A_2446 : vector<16xf32>
      %add3A_2450 = arith.addf %add3A_2449, %mul3A_2447 : vector<16xf32>
      %add3A_2451 = arith.addf %add3A_2450, %mul3A_2448 : vector<16xf32>
      %reduce_sum3A_2452 = arith.constant true
      %reduce_sum3A_2453 = vector.broadcast %reduce_sum3A_2452 : i1 to vector<16xi1>
      %reduce_sum3A_2454 = tpu.scan <sum>, %add3A_2451 masked %reduce_sum3A_2453 : vector<16xf32>, vector<16xi1> -> vector<16xf32>
      %reduce_sum3A_2455 = vector.extract %reduce_sum3A_2454[15] : f32 from vector<16xf32>
      %mul3A_2456 = arith.mulf %squeeze3A, %reduce_sum3A_321 : f32
      %mul3A_2457 = arith.mulf %sub3A_246, %reduce_sum3A_2455 : f32
      %add3A_2458 = arith.addf %mul3A_2456, %mul3A_2457 : f32
      %gt3A_2459 = arith.cmpf ogt, %add3A_2458, %select_n3A_2346 : f32
      %select_n3A_2460 = arith.select %gt3A_2459, %add3A_2458, %select_n3A_2346 : f32
      %jit3A_2461 = arith.constant 18 : i32
      %select_n3A_2462 = arith.select %gt3A_2459, %jit3A_2461, %select_n3A_2348 : i32
      %add3A_2463 = arith.constant 18 : i32
      %add3A_2464 = arith.addi %add3A_364, %add3A_2463 : i32
      %get3A_2465 = arith.index_cast %add3A_2464 : i32 to index
      %get3A_2466 = arith.constant 64 : index
      %get3A_2467 = tpu.vector_load %arg15[%get3A_2465, %get3A_2466] {strides = array<i32>} : memref<128x256xf32, #tpu.memory_space<vmem>>, vector<16xf32>,
      %add3A_2468 = arith.constant 18 : i32
      %add3A_2469 = arith.addi %add3A_364, %add3A_2468 : i32
      %get3A_2470 = arith.index_cast %add3A_2469 : i32 to index
      %get3A_2471 = arith.constant 80 : index
      %get3A_2472 = tpu.vector_load %arg15[%get3A_2470, %get3A_2471] {strides = array<i32>} : memref<128x256xf32, #tpu.memory_space<vmem>>, vector<16xf32>,
      %add3A_2473 = arith.constant 18 : i32
      %add3A_2474 = arith.addi %add3A_364, %add3A_2473 : i32
      %get3A_2475 = arith.index_cast %add3A_2474 : i32 to index
      %get3A_2476 = arith.constant 96 : index
      %get3A_2477 = tpu.vector_load %arg15[%get3A_2475, %get3A_2476] {strides = array<i32>} : memref<128x256xf32, #tpu.memory_space<vmem>>, vector<16xf32>,
      %add3A_2478 = arith.constant 18 : i32
      %add3A_2479 = arith.addi %add3A_364, %add3A_2478 : i32
      %get3A_2480 = arith.index_cast %add3A_2479 : i32 to index
      %get3A_2481 = arith.constant 112 : index
      %get3A_2482 = tpu.vector_load %arg15[%get3A_2480, %get3A_2481] {strides = array<i32>} : memref<128x256xf32, #tpu.memory_space<vmem>>, vector<16xf32>,
      %mul3A_2483 = arith.mulf %get3A_185, %get3A_2467 : vector<16xf32>
      %mul3A_2484 = arith.mulf %get3A_188, %get3A_2472 : vector<16xf32>
      %mul3A_2485 = arith.mulf %get3A_191, %get3A_2477 : vector<16xf32>
      %mul3A_2486 = arith.mulf %get3A_194, %get3A_2482 : vector<16xf32>
      %add3A_2487 = arith.addf %mul3A_2483, %mul3A_2484 : vector<16xf32>
      %add3A_2488 = arith.addf %add3A_2487, %mul3A_2485 : vector<16xf32>
      %add3A_2489 = arith.addf %add3A_2488, %mul3A_2486 : vector<16xf32>
      %reduce_sum3A_2490 = arith.constant true
      %reduce_sum3A_2491 = vector.broadcast %reduce_sum3A_2490 : i1 to vector<16xi1>
      %reduce_sum3A_2492 = tpu.scan <sum>, %add3A_2489 masked %reduce_sum3A_2491 : vector<16xf32>, vector<16xi1> -> vector<16xf32>
      %reduce_sum3A_2493 = vector.extract %reduce_sum3A_2492[15] : f32 from vector<16xf32>
      %mul3A_2494 = arith.mulf %squeeze3A, %reduce_sum3A_332 : f32
      %mul3A_2495 = arith.mulf %sub3A_246, %reduce_sum3A_2493 : f32
      %add3A_2496 = arith.addf %mul3A_2494, %mul3A_2495 : f32
      %gt3A_2497 = arith.cmpf ogt, %add3A_2496, %select_n3A_2384 : f32
      %select_n3A_2498 = arith.select %gt3A_2497, %add3A_2496, %select_n3A_2384 : f32
      %jit3A_2499 = arith.constant 18 : i32
      %select_n3A_2500 = arith.select %gt3A_2497, %jit3A_2499, %select_n3A_2386 : i32
      %add3A_2501 = arith.constant 18 : i32
      %add3A_2502 = arith.addi %add3A_364, %add3A_2501 : i32
      %get3A_2503 = arith.index_cast %add3A_2502 : i32 to index
      %get3A_2504 = arith.constant 128 : index
      %get3A_2505 = tpu.vector_load %arg15[%get3A_2503, %get3A_2504] {strides = array<i32>} : memref<128x256xf32, #tpu.memory_space<vmem>>, vector<16xf32>,
      %add3A_2506 = arith.constant 18 : i32
      %add3A_2507 = arith.addi %add3A_364, %add3A_2506 : i32
      %get3A_2508 = arith.index_cast %add3A_2507 : i32 to index
      %get3A_2509 = arith.constant 144 : index
      %get3A_2510 = tpu.vector_load %arg15[%get3A_2508, %get3A_2509] {strides = array<i32>} : memref<128x256xf32, #tpu.memory_space<vmem>>, vector<16xf32>,
      %add3A_2511 = arith.constant 18 : i32
      %add3A_2512 = arith.addi %add3A_364, %add3A_2511 : i32
      %get3A_2513 = arith.index_cast %add3A_2512 : i32 to index
      %get3A_2514 = arith.constant 160 : index
      %get3A_2515 = tpu.vector_load %arg15[%get3A_2513, %get3A_2514] {strides = array<i32>} : memref<128x256xf32, #tpu.memory_space<vmem>>, vector<16xf32>,
      %add3A_2516 = arith.constant 18 : i32
      %add3A_2517 = arith.addi %add3A_364, %add3A_2516 : i32
      %get3A_2518 = arith.index_cast %add3A_2517 : i32 to index
      %get3A_2519 = arith.constant 176 : index
      %get3A_2520 = tpu.vector_load %arg15[%get3A_2518, %get3A_2519] {strides = array<i32>} : memref<128x256xf32, #tpu.memory_space<vmem>>, vector<16xf32>,
      %mul3A_2521 = arith.mulf %get3A_197, %get3A_2505 : vector<16xf32>
      %mul3A_2522 = arith.mulf %get3A_200, %get3A_2510 : vector<16xf32>
      %mul3A_2523 = arith.mulf %get3A_203, %get3A_2515 : vector<16xf32>
      %mul3A_2524 = arith.mulf %get3A_206, %get3A_2520 : vector<16xf32>
      %add3A_2525 = arith.addf %mul3A_2521, %mul3A_2522 : vector<16xf32>
      %add3A_2526 = arith.addf %add3A_2525, %mul3A_2523 : vector<16xf32>
      %add3A_2527 = arith.addf %add3A_2526, %mul3A_2524 : vector<16xf32>
      %reduce_sum3A_2528 = arith.constant true
      %reduce_sum3A_2529 = vector.broadcast %reduce_sum3A_2528 : i1 to vector<16xi1>
      %reduce_sum3A_2530 = tpu.scan <sum>, %add3A_2527 masked %reduce_sum3A_2529 : vector<16xf32>, vector<16xi1> -> vector<16xf32>
      %reduce_sum3A_2531 = vector.extract %reduce_sum3A_2530[15] : f32 from vector<16xf32>
      %mul3A_2532 = arith.mulf %squeeze3A, %reduce_sum3A_343 : f32
      %mul3A_2533 = arith.mulf %sub3A_246, %reduce_sum3A_2531 : f32
      %add3A_2534 = arith.addf %mul3A_2532, %mul3A_2533 : f32
      %gt3A_2535 = arith.cmpf ogt, %add3A_2534, %select_n3A_2422 : f32
      %select_n3A_2536 = arith.select %gt3A_2535, %add3A_2534, %select_n3A_2422 : f32
      %jit3A_2537 = arith.constant 18 : i32
      %select_n3A_2538 = arith.select %gt3A_2535, %jit3A_2537, %select_n3A_2424 : i32
      %add3A_2539 = arith.constant 19 : i32
      %add3A_2540 = arith.addi %add3A_364, %add3A_2539 : i32
      %get3A_2541 = arith.index_cast %add3A_2540 : i32 to index
      %get3A_2542 = arith.constant 0 : index
      %get3A_2543 = tpu.vector_load %arg15[%get3A_2541, %get3A_2542] {strides = array<i32>} : memref<128x256xf32, #tpu.memory_space<vmem>>, vector<16xf32>,
      %add3A_2544 = arith.constant 19 : i32
      %add3A_2545 = arith.addi %add3A_364, %add3A_2544 : i32
      %get3A_2546 = arith.index_cast %add3A_2545 : i32 to index
      %get3A_2547 = arith.constant 16 : index
      %get3A_2548 = tpu.vector_load %arg15[%get3A_2546, %get3A_2547] {strides = array<i32>} : memref<128x256xf32, #tpu.memory_space<vmem>>, vector<16xf32>,
      %add3A_2549 = arith.constant 19 : i32
      %add3A_2550 = arith.addi %add3A_364, %add3A_2549 : i32
      %get3A_2551 = arith.index_cast %add3A_2550 : i32 to index
      %get3A_2552 = arith.constant 32 : index
      %get3A_2553 = tpu.vector_load %arg15[%get3A_2551, %get3A_2552] {strides = array<i32>} : memref<128x256xf32, #tpu.memory_space<vmem>>, vector<16xf32>,
      %add3A_2554 = arith.constant 19 : i32
      %add3A_2555 = arith.addi %add3A_364, %add3A_2554 : i32
      %get3A_2556 = arith.index_cast %add3A_2555 : i32 to index
      %get3A_2557 = arith.constant 48 : index
      %get3A_2558 = tpu.vector_load %arg15[%get3A_2556, %get3A_2557] {strides = array<i32>} : memref<128x256xf32, #tpu.memory_space<vmem>>, vector<16xf32>,
      %mul3A_2559 = arith.mulf %get3A_173, %get3A_2543 : vector<16xf32>
      %mul3A_2560 = arith.mulf %get3A_176, %get3A_2548 : vector<16xf32>
      %mul3A_2561 = arith.mulf %get3A_179, %get3A_2553 : vector<16xf32>
      %mul3A_2562 = arith.mulf %get3A_182, %get3A_2558 : vector<16xf32>
      %add3A_2563 = arith.addf %mul3A_2559, %mul3A_2560 : vector<16xf32>
      %add3A_2564 = arith.addf %add3A_2563, %mul3A_2561 : vector<16xf32>
      %add3A_2565 = arith.addf %add3A_2564, %mul3A_2562 : vector<16xf32>
      %reduce_sum3A_2566 = arith.constant true
      %reduce_sum3A_2567 = vector.broadcast %reduce_sum3A_2566 : i1 to vector<16xi1>
      %reduce_sum3A_2568 = tpu.scan <sum>, %add3A_2565 masked %reduce_sum3A_2567 : vector<16xf32>, vector<16xi1> -> vector<16xf32>
      %reduce_sum3A_2569 = vector.extract %reduce_sum3A_2568[15] : f32 from vector<16xf32>
      %mul3A_2570 = arith.mulf %squeeze3A, %reduce_sum3A_321 : f32
      %mul3A_2571 = arith.mulf %sub3A_246, %reduce_sum3A_2569 : f32
      %add3A_2572 = arith.addf %mul3A_2570, %mul3A_2571 : f32
      %gt3A_2573 = arith.cmpf ogt, %add3A_2572, %select_n3A_2460 : f32
      %select_n3A_2574 = arith.select %gt3A_2573, %add3A_2572, %select_n3A_2460 : f32
      %jit3A_2575 = arith.constant 19 : i32
      %select_n3A_2576 = arith.select %gt3A_2573, %jit3A_2575, %select_n3A_2462 : i32
      %add3A_2577 = arith.constant 19 : i32
      %add3A_2578 = arith.addi %add3A_364, %add3A_2577 : i32
      %get3A_2579 = arith.index_cast %add3A_2578 : i32 to index
      %get3A_2580 = arith.constant 64 : index
      %get3A_2581 = tpu.vector_load %arg15[%get3A_2579, %get3A_2580] {strides = array<i32>} : memref<128x256xf32, #tpu.memory_space<vmem>>, vector<16xf32>,
      %add3A_2582 = arith.constant 19 : i32
      %add3A_2583 = arith.addi %add3A_364, %add3A_2582 : i32
      %get3A_2584 = arith.index_cast %add3A_2583 : i32 to index
      %get3A_2585 = arith.constant 80 : index
      %get3A_2586 = tpu.vector_load %arg15[%get3A_2584, %get3A_2585] {strides = array<i32>} : memref<128x256xf32, #tpu.memory_space<vmem>>, vector<16xf32>,
      %add3A_2587 = arith.constant 19 : i32
      %add3A_2588 = arith.addi %add3A_364, %add3A_2587 : i32
      %get3A_2589 = arith.index_cast %add3A_2588 : i32 to index
      %get3A_2590 = arith.constant 96 : index
      %get3A_2591 = tpu.vector_load %arg15[%get3A_2589, %get3A_2590] {strides = array<i32>} : memref<128x256xf32, #tpu.memory_space<vmem>>, vector<16xf32>,
      %add3A_2592 = arith.constant 19 : i32
      %add3A_2593 = arith.addi %add3A_364, %add3A_2592 : i32
      %get3A_2594 = arith.index_cast %add3A_2593 : i32 to index
      %get3A_2595 = arith.constant 112 : index
      %get3A_2596 = tpu.vector_load %arg15[%get3A_2594, %get3A_2595] {strides = array<i32>} : memref<128x256xf32, #tpu.memory_space<vmem>>, vector<16xf32>,
      %mul3A_2597 = arith.mulf %get3A_185, %get3A_2581 : vector<16xf32>
      %mul3A_2598 = arith.mulf %get3A_188, %get3A_2586 : vector<16xf32>
      %mul3A_2599 = arith.mulf %get3A_191, %get3A_2591 : vector<16xf32>
      %mul3A_2600 = arith.mulf %get3A_194, %get3A_2596 : vector<16xf32>
      %add3A_2601 = arith.addf %mul3A_2597, %mul3A_2598 : vector<16xf32>
      %add3A_2602 = arith.addf %add3A_2601, %mul3A_2599 : vector<16xf32>
      %add3A_2603 = arith.addf %add3A_2602, %mul3A_2600 : vector<16xf32>
      %reduce_sum3A_2604 = arith.constant true
      %reduce_sum3A_2605 = vector.broadcast %reduce_sum3A_2604 : i1 to vector<16xi1>
      %reduce_sum3A_2606 = tpu.scan <sum>, %add3A_2603 masked %reduce_sum3A_2605 : vector<16xf32>, vector<16xi1> -> vector<16xf32>
      %reduce_sum3A_2607 = vector.extract %reduce_sum3A_2606[15] : f32 from vector<16xf32>
      %mul3A_2608 = arith.mulf %squeeze3A, %reduce_sum3A_332 : f32
      %mul3A_2609 = arith.mulf %sub3A_246, %reduce_sum3A_2607 : f32
      %add3A_2610 = arith.addf %mul3A_2608, %mul3A_2609 : f32
      %gt3A_2611 = arith.cmpf ogt, %add3A_2610, %select_n3A_2498 : f32
      %select_n3A_2612 = arith.select %gt3A_2611, %add3A_2610, %select_n3A_2498 : f32
      %jit3A_2613 = arith.constant 19 : i32
      %select_n3A_2614 = arith.select %gt3A_2611, %jit3A_2613, %select_n3A_2500 : i32
      %add3A_2615 = arith.constant 19 : i32
      %add3A_2616 = arith.addi %add3A_364, %add3A_2615 : i32
      %get3A_2617 = arith.index_cast %add3A_2616 : i32 to index
      %get3A_2618 = arith.constant 128 : index
      %get3A_2619 = tpu.vector_load %arg15[%get3A_2617, %get3A_2618] {strides = array<i32>} : memref<128x256xf32, #tpu.memory_space<vmem>>, vector<16xf32>,
      %add3A_2620 = arith.constant 19 : i32
      %add3A_2621 = arith.addi %add3A_364, %add3A_2620 : i32
      %get3A_2622 = arith.index_cast %add3A_2621 : i32 to index
      %get3A_2623 = arith.constant 144 : index
      %get3A_2624 = tpu.vector_load %arg15[%get3A_2622, %get3A_2623] {strides = array<i32>} : memref<128x256xf32, #tpu.memory_space<vmem>>, vector<16xf32>,
      %add3A_2625 = arith.constant 19 : i32
      %add3A_2626 = arith.addi %add3A_364, %add3A_2625 : i32
      %get3A_2627 = arith.index_cast %add3A_2626 : i32 to index
      %get3A_2628 = arith.constant 160 : index
      %get3A_2629 = tpu.vector_load %arg15[%get3A_2627, %get3A_2628] {strides = array<i32>} : memref<128x256xf32, #tpu.memory_space<vmem>>, vector<16xf32>,
      %add3A_2630 = arith.constant 19 : i32
      %add3A_2631 = arith.addi %add3A_364, %add3A_2630 : i32
      %get3A_2632 = arith.index_cast %add3A_2631 : i32 to index
      %get3A_2633 = arith.constant 176 : index
      %get3A_2634 = tpu.vector_load %arg15[%get3A_2632, %get3A_2633] {strides = array<i32>} : memref<128x256xf32, #tpu.memory_space<vmem>>, vector<16xf32>,
      %mul3A_2635 = arith.mulf %get3A_197, %get3A_2619 : vector<16xf32>
      %mul3A_2636 = arith.mulf %get3A_200, %get3A_2624 : vector<16xf32>
      %mul3A_2637 = arith.mulf %get3A_203, %get3A_2629 : vector<16xf32>
      %mul3A_2638 = arith.mulf %get3A_206, %get3A_2634 : vector<16xf32>
      %add3A_2639 = arith.addf %mul3A_2635, %mul3A_2636 : vector<16xf32>
      %add3A_2640 = arith.addf %add3A_2639, %mul3A_2637 : vector<16xf32>
      %add3A_2641 = arith.addf %add3A_2640, %mul3A_2638 : vector<16xf32>
      %reduce_sum3A_2642 = arith.constant true
      %reduce_sum3A_2643 = vector.broadcast %reduce_sum3A_2642 : i1 to vector<16xi1>
      %reduce_sum3A_2644 = tpu.scan <sum>, %add3A_2641 masked %reduce_sum3A_2643 : vector<16xf32>, vector<16xi1> -> vector<16xf32>
      %reduce_sum3A_2645 = vector.extract %reduce_sum3A_2644[15] : f32 from vector<16xf32>
      %mul3A_2646 = arith.mulf %squeeze3A, %reduce_sum3A_343 : f32
      %mul3A_2647 = arith.mulf %sub3A_246, %reduce_sum3A_2645 : f32
      %add3A_2648 = arith.addf %mul3A_2646, %mul3A_2647 : f32
      %gt3A_2649 = arith.cmpf ogt, %add3A_2648, %select_n3A_2536 : f32
      %select_n3A_2650 = arith.select %gt3A_2649, %add3A_2648, %select_n3A_2536 : f32
      %jit3A_2651 = arith.constant 19 : i32
      %select_n3A_2652 = arith.select %gt3A_2649, %jit3A_2651, %select_n3A_2538 : i32
      %add3A_2653 = arith.constant 20 : i32
      %add3A_2654 = arith.addi %add3A_364, %add3A_2653 : i32
      %get3A_2655 = arith.index_cast %add3A_2654 : i32 to index
      %get3A_2656 = arith.constant 0 : index
      %get3A_2657 = tpu.vector_load %arg15[%get3A_2655, %get3A_2656] {strides = array<i32>} : memref<128x256xf32, #tpu.memory_space<vmem>>, vector<16xf32>,
      %add3A_2658 = arith.constant 20 : i32
      %add3A_2659 = arith.addi %add3A_364, %add3A_2658 : i32
      %get3A_2660 = arith.index_cast %add3A_2659 : i32 to index
      %get3A_2661 = arith.constant 16 : index
      %get3A_2662 = tpu.vector_load %arg15[%get3A_2660, %get3A_2661] {strides = array<i32>} : memref<128x256xf32, #tpu.memory_space<vmem>>, vector<16xf32>,
      %add3A_2663 = arith.constant 20 : i32
      %add3A_2664 = arith.addi %add3A_364, %add3A_2663 : i32
      %get3A_2665 = arith.index_cast %add3A_2664 : i32 to index
      %get3A_2666 = arith.constant 32 : index
      %get3A_2667 = tpu.vector_load %arg15[%get3A_2665, %get3A_2666] {strides = array<i32>} : memref<128x256xf32, #tpu.memory_space<vmem>>, vector<16xf32>,
      %add3A_2668 = arith.constant 20 : i32
      %add3A_2669 = arith.addi %add3A_364, %add3A_2668 : i32
      %get3A_2670 = arith.index_cast %add3A_2669 : i32 to index
      %get3A_2671 = arith.constant 48 : index
      %get3A_2672 = tpu.vector_load %arg15[%get3A_2670, %get3A_2671] {strides = array<i32>} : memref<128x256xf32, #tpu.memory_space<vmem>>, vector<16xf32>,
      %mul3A_2673 = arith.mulf %get3A_173, %get3A_2657 : vector<16xf32>
      %mul3A_2674 = arith.mulf %get3A_176, %get3A_2662 : vector<16xf32>
      %mul3A_2675 = arith.mulf %get3A_179, %get3A_2667 : vector<16xf32>
      %mul3A_2676 = arith.mulf %get3A_182, %get3A_2672 : vector<16xf32>
      %add3A_2677 = arith.addf %mul3A_2673, %mul3A_2674 : vector<16xf32>
      %add3A_2678 = arith.addf %add3A_2677, %mul3A_2675 : vector<16xf32>
      %add3A_2679 = arith.addf %add3A_2678, %mul3A_2676 : vector<16xf32>
      %reduce_sum3A_2680 = arith.constant true
      %reduce_sum3A_2681 = vector.broadcast %reduce_sum3A_2680 : i1 to vector<16xi1>
      %reduce_sum3A_2682 = tpu.scan <sum>, %add3A_2679 masked %reduce_sum3A_2681 : vector<16xf32>, vector<16xi1> -> vector<16xf32>
      %reduce_sum3A_2683 = vector.extract %reduce_sum3A_2682[15] : f32 from vector<16xf32>
      %mul3A_2684 = arith.mulf %squeeze3A, %reduce_sum3A_321 : f32
      %mul3A_2685 = arith.mulf %sub3A_246, %reduce_sum3A_2683 : f32
      %add3A_2686 = arith.addf %mul3A_2684, %mul3A_2685 : f32
      %gt3A_2687 = arith.cmpf ogt, %add3A_2686, %select_n3A_2574 : f32
      %select_n3A_2688 = arith.select %gt3A_2687, %add3A_2686, %select_n3A_2574 : f32
      %jit3A_2689 = arith.constant 20 : i32
      %select_n3A_2690 = arith.select %gt3A_2687, %jit3A_2689, %select_n3A_2576 : i32
      %add3A_2691 = arith.constant 20 : i32
      %add3A_2692 = arith.addi %add3A_364, %add3A_2691 : i32
      %get3A_2693 = arith.index_cast %add3A_2692 : i32 to index
      %get3A_2694 = arith.constant 64 : index
      %get3A_2695 = tpu.vector_load %arg15[%get3A_2693, %get3A_2694] {strides = array<i32>} : memref<128x256xf32, #tpu.memory_space<vmem>>, vector<16xf32>,
      %add3A_2696 = arith.constant 20 : i32
      %add3A_2697 = arith.addi %add3A_364, %add3A_2696 : i32
      %get3A_2698 = arith.index_cast %add3A_2697 : i32 to index
      %get3A_2699 = arith.constant 80 : index
      %get3A_2700 = tpu.vector_load %arg15[%get3A_2698, %get3A_2699] {strides = array<i32>} : memref<128x256xf32, #tpu.memory_space<vmem>>, vector<16xf32>,
      %add3A_2701 = arith.constant 20 : i32
      %add3A_2702 = arith.addi %add3A_364, %add3A_2701 : i32
      %get3A_2703 = arith.index_cast %add3A_2702 : i32 to index
      %get3A_2704 = arith.constant 96 : index
      %get3A_2705 = tpu.vector_load %arg15[%get3A_2703, %get3A_2704] {strides = array<i32>} : memref<128x256xf32, #tpu.memory_space<vmem>>, vector<16xf32>,
      %add3A_2706 = arith.constant 20 : i32
      %add3A_2707 = arith.addi %add3A_364, %add3A_2706 : i32
      %get3A_2708 = arith.index_cast %add3A_2707 : i32 to index
      %get3A_2709 = arith.constant 112 : index
      %get3A_2710 = tpu.vector_load %arg15[%get3A_2708, %get3A_2709] {strides = array<i32>} : memref<128x256xf32, #tpu.memory_space<vmem>>, vector<16xf32>,
      %mul3A_2711 = arith.mulf %get3A_185, %get3A_2695 : vector<16xf32>
      %mul3A_2712 = arith.mulf %get3A_188, %get3A_2700 : vector<16xf32>
      %mul3A_2713 = arith.mulf %get3A_191, %get3A_2705 : vector<16xf32>
      %mul3A_2714 = arith.mulf %get3A_194, %get3A_2710 : vector<16xf32>
      %add3A_2715 = arith.addf %mul3A_2711, %mul3A_2712 : vector<16xf32>
      %add3A_2716 = arith.addf %add3A_2715, %mul3A_2713 : vector<16xf32>
      %add3A_2717 = arith.addf %add3A_2716, %mul3A_2714 : vector<16xf32>
      %reduce_sum3A_2718 = arith.constant true
      %reduce_sum3A_2719 = vector.broadcast %reduce_sum3A_2718 : i1 to vector<16xi1>
      %reduce_sum3A_2720 = tpu.scan <sum>, %add3A_2717 masked %reduce_sum3A_2719 : vector<16xf32>, vector<16xi1> -> vector<16xf32>
      %reduce_sum3A_2721 = vector.extract %reduce_sum3A_2720[15] : f32 from vector<16xf32>
      %mul3A_2722 = arith.mulf %squeeze3A, %reduce_sum3A_332 : f32
      %mul3A_2723 = arith.mulf %sub3A_246, %reduce_sum3A_2721 : f32
      %add3A_2724 = arith.addf %mul3A_2722, %mul3A_2723 : f32
      %gt3A_2725 = arith.cmpf ogt, %add3A_2724, %select_n3A_2612 : f32
      %select_n3A_2726 = arith.select %gt3A_2725, %add3A_2724, %select_n3A_2612 : f32
      %jit3A_2727 = arith.constant 20 : i32
      %select_n3A_2728 = arith.select %gt3A_2725, %jit3A_2727, %select_n3A_2614 : i32
      %add3A_2729 = arith.constant 20 : i32
      %add3A_2730 = arith.addi %add3A_364, %add3A_2729 : i32
      %get3A_2731 = arith.index_cast %add3A_2730 : i32 to index
      %get3A_2732 = arith.constant 128 : index
      %get3A_2733 = tpu.vector_load %arg15[%get3A_2731, %get3A_2732] {strides = array<i32>} : memref<128x256xf32, #tpu.memory_space<vmem>>, vector<16xf32>,
      %add3A_2734 = arith.constant 20 : i32
      %add3A_2735 = arith.addi %add3A_364, %add3A_2734 : i32
      %get3A_2736 = arith.index_cast %add3A_2735 : i32 to index
      %get3A_2737 = arith.constant 144 : index
      %get3A_2738 = tpu.vector_load %arg15[%get3A_2736, %get3A_2737] {strides = array<i32>} : memref<128x256xf32, #tpu.memory_space<vmem>>, vector<16xf32>,
      %add3A_2739 = arith.constant 20 : i32
      %add3A_2740 = arith.addi %add3A_364, %add3A_2739 : i32
      %get3A_2741 = arith.index_cast %add3A_2740 : i32 to index
      %get3A_2742 = arith.constant 160 : index
      %get3A_2743 = tpu.vector_load %arg15[%get3A_2741, %get3A_2742] {strides = array<i32>} : memref<128x256xf32, #tpu.memory_space<vmem>>, vector<16xf32>,
      %add3A_2744 = arith.constant 20 : i32
      %add3A_2745 = arith.addi %add3A_364, %add3A_2744 : i32
      %get3A_2746 = arith.index_cast %add3A_2745 : i32 to index
      %get3A_2747 = arith.constant 176 : index
      %get3A_2748 = tpu.vector_load %arg15[%get3A_2746, %get3A_2747] {strides = array<i32>} : memref<128x256xf32, #tpu.memory_space<vmem>>, vector<16xf32>,
      %mul3A_2749 = arith.mulf %get3A_197, %get3A_2733 : vector<16xf32>
      %mul3A_2750 = arith.mulf %get3A_200, %get3A_2738 : vector<16xf32>
      %mul3A_2751 = arith.mulf %get3A_203, %get3A_2743 : vector<16xf32>
      %mul3A_2752 = arith.mulf %get3A_206, %get3A_2748 : vector<16xf32>
      %add3A_2753 = arith.addf %mul3A_2749, %mul3A_2750 : vector<16xf32>
      %add3A_2754 = arith.addf %add3A_2753, %mul3A_2751 : vector<16xf32>
      %add3A_2755 = arith.addf %add3A_2754, %mul3A_2752 : vector<16xf32>
      %reduce_sum3A_2756 = arith.constant true
      %reduce_sum3A_2757 = vector.broadcast %reduce_sum3A_2756 : i1 to vector<16xi1>
      %reduce_sum3A_2758 = tpu.scan <sum>, %add3A_2755 masked %reduce_sum3A_2757 : vector<16xf32>, vector<16xi1> -> vector<16xf32>
      %reduce_sum3A_2759 = vector.extract %reduce_sum3A_2758[15] : f32 from vector<16xf32>
      %mul3A_2760 = arith.mulf %squeeze3A, %reduce_sum3A_343 : f32
      %mul3A_2761 = arith.mulf %sub3A_246, %reduce_sum3A_2759 : f32
      %add3A_2762 = arith.addf %mul3A_2760, %mul3A_2761 : f32
      %gt3A_2763 = arith.cmpf ogt, %add3A_2762, %select_n3A_2650 : f32
      %select_n3A_2764 = arith.select %gt3A_2763, %add3A_2762, %select_n3A_2650 : f32
      %jit3A_2765 = arith.constant 20 : i32
      %select_n3A_2766 = arith.select %gt3A_2763, %jit3A_2765, %select_n3A_2652 : i32
      %add3A_2767 = arith.constant 21 : i32
      %add3A_2768 = arith.addi %add3A_364, %add3A_2767 : i32
      %get3A_2769 = arith.index_cast %add3A_2768 : i32 to index
      %get3A_2770 = arith.constant 0 : index
      %get3A_2771 = tpu.vector_load %arg15[%get3A_2769, %get3A_2770] {strides = array<i32>} : memref<128x256xf32, #tpu.memory_space<vmem>>, vector<16xf32>,
      %add3A_2772 = arith.constant 21 : i32
      %add3A_2773 = arith.addi %add3A_364, %add3A_2772 : i32
      %get3A_2774 = arith.index_cast %add3A_2773 : i32 to index
      %get3A_2775 = arith.constant 16 : index
      %get3A_2776 = tpu.vector_load %arg15[%get3A_2774, %get3A_2775] {strides = array<i32>} : memref<128x256xf32, #tpu.memory_space<vmem>>, vector<16xf32>,
      %add3A_2777 = arith.constant 21 : i32
      %add3A_2778 = arith.addi %add3A_364, %add3A_2777 : i32
      %get3A_2779 = arith.index_cast %add3A_2778 : i32 to index
      %get3A_2780 = arith.constant 32 : index
      %get3A_2781 = tpu.vector_load %arg15[%get3A_2779, %get3A_2780] {strides = array<i32>} : memref<128x256xf32, #tpu.memory_space<vmem>>, vector<16xf32>,
      %add3A_2782 = arith.constant 21 : i32
      %add3A_2783 = arith.addi %add3A_364, %add3A_2782 : i32
      %get3A_2784 = arith.index_cast %add3A_2783 : i32 to index
      %get3A_2785 = arith.constant 48 : index
      %get3A_2786 = tpu.vector_load %arg15[%get3A_2784, %get3A_2785] {strides = array<i32>} : memref<128x256xf32, #tpu.memory_space<vmem>>, vector<16xf32>,
      %mul3A_2787 = arith.mulf %get3A_173, %get3A_2771 : vector<16xf32>
      %mul3A_2788 = arith.mulf %get3A_176, %get3A_2776 : vector<16xf32>
      %mul3A_2789 = arith.mulf %get3A_179, %get3A_2781 : vector<16xf32>
      %mul3A_2790 = arith.mulf %get3A_182, %get3A_2786 : vector<16xf32>
      %add3A_2791 = arith.addf %mul3A_2787, %mul3A_2788 : vector<16xf32>
      %add3A_2792 = arith.addf %add3A_2791, %mul3A_2789 : vector<16xf32>
      %add3A_2793 = arith.addf %add3A_2792, %mul3A_2790 : vector<16xf32>
      %reduce_sum3A_2794 = arith.constant true
      %reduce_sum3A_2795 = vector.broadcast %reduce_sum3A_2794 : i1 to vector<16xi1>
      %reduce_sum3A_2796 = tpu.scan <sum>, %add3A_2793 masked %reduce_sum3A_2795 : vector<16xf32>, vector<16xi1> -> vector<16xf32>
      %reduce_sum3A_2797 = vector.extract %reduce_sum3A_2796[15] : f32 from vector<16xf32>
      %mul3A_2798 = arith.mulf %squeeze3A, %reduce_sum3A_321 : f32
      %mul3A_2799 = arith.mulf %sub3A_246, %reduce_sum3A_2797 : f32
      %add3A_2800 = arith.addf %mul3A_2798, %mul3A_2799 : f32
      %gt3A_2801 = arith.cmpf ogt, %add3A_2800, %select_n3A_2688 : f32
      %select_n3A_2802 = arith.select %gt3A_2801, %add3A_2800, %select_n3A_2688 : f32
      %jit3A_2803 = arith.constant 21 : i32
      %select_n3A_2804 = arith.select %gt3A_2801, %jit3A_2803, %select_n3A_2690 : i32
      %add3A_2805 = arith.constant 21 : i32
      %add3A_2806 = arith.addi %add3A_364, %add3A_2805 : i32
      %get3A_2807 = arith.index_cast %add3A_2806 : i32 to index
      %get3A_2808 = arith.constant 64 : index
      %get3A_2809 = tpu.vector_load %arg15[%get3A_2807, %get3A_2808] {strides = array<i32>} : memref<128x256xf32, #tpu.memory_space<vmem>>, vector<16xf32>,
      %add3A_2810 = arith.constant 21 : i32
      %add3A_2811 = arith.addi %add3A_364, %add3A_2810 : i32
      %get3A_2812 = arith.index_cast %add3A_2811 : i32 to index
      %get3A_2813 = arith.constant 80 : index
      %get3A_2814 = tpu.vector_load %arg15[%get3A_2812, %get3A_2813] {strides = array<i32>} : memref<128x256xf32, #tpu.memory_space<vmem>>, vector<16xf32>,
      %add3A_2815 = arith.constant 21 : i32
      %add3A_2816 = arith.addi %add3A_364, %add3A_2815 : i32
      %get3A_2817 = arith.index_cast %add3A_2816 : i32 to index
      %get3A_2818 = arith.constant 96 : index
      %get3A_2819 = tpu.vector_load %arg15[%get3A_2817, %get3A_2818] {strides = array<i32>} : memref<128x256xf32, #tpu.memory_space<vmem>>, vector<16xf32>,
      %add3A_2820 = arith.constant 21 : i32
      %add3A_2821 = arith.addi %add3A_364, %add3A_2820 : i32
      %get3A_2822 = arith.index_cast %add3A_2821 : i32 to index
      %get3A_2823 = arith.constant 112 : index
      %get3A_2824 = tpu.vector_load %arg15[%get3A_2822, %get3A_2823] {strides = array<i32>} : memref<128x256xf32, #tpu.memory_space<vmem>>, vector<16xf32>,
      %mul3A_2825 = arith.mulf %get3A_185, %get3A_2809 : vector<16xf32>
      %mul3A_2826 = arith.mulf %get3A_188, %get3A_2814 : vector<16xf32>
      %mul3A_2827 = arith.mulf %get3A_191, %get3A_2819 : vector<16xf32>
      %mul3A_2828 = arith.mulf %get3A_194, %get3A_2824 : vector<16xf32>
      %add3A_2829 = arith.addf %mul3A_2825, %mul3A_2826 : vector<16xf32>
      %add3A_2830 = arith.addf %add3A_2829, %mul3A_2827 : vector<16xf32>
      %add3A_2831 = arith.addf %add3A_2830, %mul3A_2828 : vector<16xf32>
      %reduce_sum3A_2832 = arith.constant true
      %reduce_sum3A_2833 = vector.broadcast %reduce_sum3A_2832 : i1 to vector<16xi1>
      %reduce_sum3A_2834 = tpu.scan <sum>, %add3A_2831 masked %reduce_sum3A_2833 : vector<16xf32>, vector<16xi1> -> vector<16xf32>
      %reduce_sum3A_2835 = vector.extract %reduce_sum3A_2834[15] : f32 from vector<16xf32>
      %mul3A_2836 = arith.mulf %squeeze3A, %reduce_sum3A_332 : f32
      %mul3A_2837 = arith.mulf %sub3A_246, %reduce_sum3A_2835 : f32
      %add3A_2838 = arith.addf %mul3A_2836, %mul3A_2837 : f32
      %gt3A_2839 = arith.cmpf ogt, %add3A_2838, %select_n3A_2726 : f32
      %select_n3A_2840 = arith.select %gt3A_2839, %add3A_2838, %select_n3A_2726 : f32
      %jit3A_2841 = arith.constant 21 : i32
      %select_n3A_2842 = arith.select %gt3A_2839, %jit3A_2841, %select_n3A_2728 : i32
      %add3A_2843 = arith.constant 21 : i32
      %add3A_2844 = arith.addi %add3A_364, %add3A_2843 : i32
      %get3A_2845 = arith.index_cast %add3A_2844 : i32 to index
      %get3A_2846 = arith.constant 128 : index
      %get3A_2847 = tpu.vector_load %arg15[%get3A_2845, %get3A_2846] {strides = array<i32>} : memref<128x256xf32, #tpu.memory_space<vmem>>, vector<16xf32>,
      %add3A_2848 = arith.constant 21 : i32
      %add3A_2849 = arith.addi %add3A_364, %add3A_2848 : i32
      %get3A_2850 = arith.index_cast %add3A_2849 : i32 to index
      %get3A_2851 = arith.constant 144 : index
      %get3A_2852 = tpu.vector_load %arg15[%get3A_2850, %get3A_2851] {strides = array<i32>} : memref<128x256xf32, #tpu.memory_space<vmem>>, vector<16xf32>,
      %add3A_2853 = arith.constant 21 : i32
      %add3A_2854 = arith.addi %add3A_364, %add3A_2853 : i32
      %get3A_2855 = arith.index_cast %add3A_2854 : i32 to index
      %get3A_2856 = arith.constant 160 : index
      %get3A_2857 = tpu.vector_load %arg15[%get3A_2855, %get3A_2856] {strides = array<i32>} : memref<128x256xf32, #tpu.memory_space<vmem>>, vector<16xf32>,
      %add3A_2858 = arith.constant 21 : i32
      %add3A_2859 = arith.addi %add3A_364, %add3A_2858 : i32
      %get3A_2860 = arith.index_cast %add3A_2859 : i32 to index
      %get3A_2861 = arith.constant 176 : index
      %get3A_2862 = tpu.vector_load %arg15[%get3A_2860, %get3A_2861] {strides = array<i32>} : memref<128x256xf32, #tpu.memory_space<vmem>>, vector<16xf32>,
      %mul3A_2863 = arith.mulf %get3A_197, %get3A_2847 : vector<16xf32>
      %mul3A_2864 = arith.mulf %get3A_200, %get3A_2852 : vector<16xf32>
      %mul3A_2865 = arith.mulf %get3A_203, %get3A_2857 : vector<16xf32>
      %mul3A_2866 = arith.mulf %get3A_206, %get3A_2862 : vector<16xf32>
      %add3A_2867 = arith.addf %mul3A_2863, %mul3A_2864 : vector<16xf32>
      %add3A_2868 = arith.addf %add3A_2867, %mul3A_2865 : vector<16xf32>
      %add3A_2869 = arith.addf %add3A_2868, %mul3A_2866 : vector<16xf32>
      %reduce_sum3A_2870 = arith.constant true
      %reduce_sum3A_2871 = vector.broadcast %reduce_sum3A_2870 : i1 to vector<16xi1>
      %reduce_sum3A_2872 = tpu.scan <sum>, %add3A_2869 masked %reduce_sum3A_2871 : vector<16xf32>, vector<16xi1> -> vector<16xf32>
      %reduce_sum3A_2873 = vector.extract %reduce_sum3A_2872[15] : f32 from vector<16xf32>
      %mul3A_2874 = arith.mulf %squeeze3A, %reduce_sum3A_343 : f32
      %mul3A_2875 = arith.mulf %sub3A_246, %reduce_sum3A_2873 : f32
      %add3A_2876 = arith.addf %mul3A_2874, %mul3A_2875 : f32
      %gt3A_2877 = arith.cmpf ogt, %add3A_2876, %select_n3A_2764 : f32
      %select_n3A_2878 = arith.select %gt3A_2877, %add3A_2876, %select_n3A_2764 : f32
      %jit3A_2879 = arith.constant 21 : i32
      %select_n3A_2880 = arith.select %gt3A_2877, %jit3A_2879, %select_n3A_2766 : i32
      %add3A_2881 = arith.constant 22 : i32
      %add3A_2882 = arith.addi %add3A_364, %add3A_2881 : i32
      %get3A_2883 = arith.index_cast %add3A_2882 : i32 to index
      %get3A_2884 = arith.constant 0 : index
      %get3A_2885 = tpu.vector_load %arg15[%get3A_2883, %get3A_2884] {strides = array<i32>} : memref<128x256xf32, #tpu.memory_space<vmem>>, vector<16xf32>,
      %add3A_2886 = arith.constant 22 : i32
      %add3A_2887 = arith.addi %add3A_364, %add3A_2886 : i32
      %get3A_2888 = arith.index_cast %add3A_2887 : i32 to index
      %get3A_2889 = arith.constant 16 : index
      %get3A_2890 = tpu.vector_load %arg15[%get3A_2888, %get3A_2889] {strides = array<i32>} : memref<128x256xf32, #tpu.memory_space<vmem>>, vector<16xf32>,
      %add3A_2891 = arith.constant 22 : i32
      %add3A_2892 = arith.addi %add3A_364, %add3A_2891 : i32
      %get3A_2893 = arith.index_cast %add3A_2892 : i32 to index
      %get3A_2894 = arith.constant 32 : index
      %get3A_2895 = tpu.vector_load %arg15[%get3A_2893, %get3A_2894] {strides = array<i32>} : memref<128x256xf32, #tpu.memory_space<vmem>>, vector<16xf32>,
      %add3A_2896 = arith.constant 22 : i32
      %add3A_2897 = arith.addi %add3A_364, %add3A_2896 : i32
      %get3A_2898 = arith.index_cast %add3A_2897 : i32 to index
      %get3A_2899 = arith.constant 48 : index
      %get3A_2900 = tpu.vector_load %arg15[%get3A_2898, %get3A_2899] {strides = array<i32>} : memref<128x256xf32, #tpu.memory_space<vmem>>, vector<16xf32>,
      %mul3A_2901 = arith.mulf %get3A_173, %get3A_2885 : vector<16xf32>
      %mul3A_2902 = arith.mulf %get3A_176, %get3A_2890 : vector<16xf32>
      %mul3A_2903 = arith.mulf %get3A_179, %get3A_2895 : vector<16xf32>
      %mul3A_2904 = arith.mulf %get3A_182, %get3A_2900 : vector<16xf32>
      %add3A_2905 = arith.addf %mul3A_2901, %mul3A_2902 : vector<16xf32>
      %add3A_2906 = arith.addf %add3A_2905, %mul3A_2903 : vector<16xf32>
      %add3A_2907 = arith.addf %add3A_2906, %mul3A_2904 : vector<16xf32>
      %reduce_sum3A_2908 = arith.constant true
      %reduce_sum3A_2909 = vector.broadcast %reduce_sum3A_2908 : i1 to vector<16xi1>
      %reduce_sum3A_2910 = tpu.scan <sum>, %add3A_2907 masked %reduce_sum3A_2909 : vector<16xf32>, vector<16xi1> -> vector<16xf32>
      %reduce_sum3A_2911 = vector.extract %reduce_sum3A_2910[15] : f32 from vector<16xf32>
      %mul3A_2912 = arith.mulf %squeeze3A, %reduce_sum3A_321 : f32
      %mul3A_2913 = arith.mulf %sub3A_246, %reduce_sum3A_2911 : f32
      %add3A_2914 = arith.addf %mul3A_2912, %mul3A_2913 : f32
      %gt3A_2915 = arith.cmpf ogt, %add3A_2914, %select_n3A_2802 : f32
      %select_n3A_2916 = arith.select %gt3A_2915, %add3A_2914, %select_n3A_2802 : f32
      %jit3A_2917 = arith.constant 22 : i32
      %select_n3A_2918 = arith.select %gt3A_2915, %jit3A_2917, %select_n3A_2804 : i32
      %add3A_2919 = arith.constant 22 : i32
      %add3A_2920 = arith.addi %add3A_364, %add3A_2919 : i32
      %get3A_2921 = arith.index_cast %add3A_2920 : i32 to index
      %get3A_2922 = arith.constant 64 : index
      %get3A_2923 = tpu.vector_load %arg15[%get3A_2921, %get3A_2922] {strides = array<i32>} : memref<128x256xf32, #tpu.memory_space<vmem>>, vector<16xf32>,
      %add3A_2924 = arith.constant 22 : i32
      %add3A_2925 = arith.addi %add3A_364, %add3A_2924 : i32
      %get3A_2926 = arith.index_cast %add3A_2925 : i32 to index
      %get3A_2927 = arith.constant 80 : index
      %get3A_2928 = tpu.vector_load %arg15[%get3A_2926, %get3A_2927] {strides = array<i32>} : memref<128x256xf32, #tpu.memory_space<vmem>>, vector<16xf32>,
      %add3A_2929 = arith.constant 22 : i32
      %add3A_2930 = arith.addi %add3A_364, %add3A_2929 : i32
      %get3A_2931 = arith.index_cast %add3A_2930 : i32 to index
      %get3A_2932 = arith.constant 96 : index
      %get3A_2933 = tpu.vector_load %arg15[%get3A_2931, %get3A_2932] {strides = array<i32>} : memref<128x256xf32, #tpu.memory_space<vmem>>, vector<16xf32>,
      %add3A_2934 = arith.constant 22 : i32
      %add3A_2935 = arith.addi %add3A_364, %add3A_2934 : i32
      %get3A_2936 = arith.index_cast %add3A_2935 : i32 to index
      %get3A_2937 = arith.constant 112 : index
      %get3A_2938 = tpu.vector_load %arg15[%get3A_2936, %get3A_2937] {strides = array<i32>} : memref<128x256xf32, #tpu.memory_space<vmem>>, vector<16xf32>,
      %mul3A_2939 = arith.mulf %get3A_185, %get3A_2923 : vector<16xf32>
      %mul3A_2940 = arith.mulf %get3A_188, %get3A_2928 : vector<16xf32>
      %mul3A_2941 = arith.mulf %get3A_191, %get3A_2933 : vector<16xf32>
      %mul3A_2942 = arith.mulf %get3A_194, %get3A_2938 : vector<16xf32>
      %add3A_2943 = arith.addf %mul3A_2939, %mul3A_2940 : vector<16xf32>
      %add3A_2944 = arith.addf %add3A_2943, %mul3A_2941 : vector<16xf32>
      %add3A_2945 = arith.addf %add3A_2944, %mul3A_2942 : vector<16xf32>
      %reduce_sum3A_2946 = arith.constant true
      %reduce_sum3A_2947 = vector.broadcast %reduce_sum3A_2946 : i1 to vector<16xi1>
      %reduce_sum3A_2948 = tpu.scan <sum>, %add3A_2945 masked %reduce_sum3A_2947 : vector<16xf32>, vector<16xi1> -> vector<16xf32>
      %reduce_sum3A_2949 = vector.extract %reduce_sum3A_2948[15] : f32 from vector<16xf32>
      %mul3A_2950 = arith.mulf %squeeze3A, %reduce_sum3A_332 : f32
      %mul3A_2951 = arith.mulf %sub3A_246, %reduce_sum3A_2949 : f32
      %add3A_2952 = arith.addf %mul3A_2950, %mul3A_2951 : f32
      %gt3A_2953 = arith.cmpf ogt, %add3A_2952, %select_n3A_2840 : f32
      %select_n3A_2954 = arith.select %gt3A_2953, %add3A_2952, %select_n3A_2840 : f32
      %jit3A_2955 = arith.constant 22 : i32
      %select_n3A_2956 = arith.select %gt3A_2953, %jit3A_2955, %select_n3A_2842 : i32
      %add3A_2957 = arith.constant 22 : i32
      %add3A_2958 = arith.addi %add3A_364, %add3A_2957 : i32
      %get3A_2959 = arith.index_cast %add3A_2958 : i32 to index
      %get3A_2960 = arith.constant 128 : index
      %get3A_2961 = tpu.vector_load %arg15[%get3A_2959, %get3A_2960] {strides = array<i32>} : memref<128x256xf32, #tpu.memory_space<vmem>>, vector<16xf32>,
      %add3A_2962 = arith.constant 22 : i32
      %add3A_2963 = arith.addi %add3A_364, %add3A_2962 : i32
      %get3A_2964 = arith.index_cast %add3A_2963 : i32 to index
      %get3A_2965 = arith.constant 144 : index
      %get3A_2966 = tpu.vector_load %arg15[%get3A_2964, %get3A_2965] {strides = array<i32>} : memref<128x256xf32, #tpu.memory_space<vmem>>, vector<16xf32>,
      %add3A_2967 = arith.constant 22 : i32
      %add3A_2968 = arith.addi %add3A_364, %add3A_2967 : i32
      %get3A_2969 = arith.index_cast %add3A_2968 : i32 to index
      %get3A_2970 = arith.constant 160 : index
      %get3A_2971 = tpu.vector_load %arg15[%get3A_2969, %get3A_2970] {strides = array<i32>} : memref<128x256xf32, #tpu.memory_space<vmem>>, vector<16xf32>,
      %add3A_2972 = arith.constant 22 : i32
      %add3A_2973 = arith.addi %add3A_364, %add3A_2972 : i32
      %get3A_2974 = arith.index_cast %add3A_2973 : i32 to index
      %get3A_2975 = arith.constant 176 : index
      %get3A_2976 = tpu.vector_load %arg15[%get3A_2974, %get3A_2975] {strides = array<i32>} : memref<128x256xf32, #tpu.memory_space<vmem>>, vector<16xf32>,
      %mul3A_2977 = arith.mulf %get3A_197, %get3A_2961 : vector<16xf32>
      %mul3A_2978 = arith.mulf %get3A_200, %get3A_2966 : vector<16xf32>
      %mul3A_2979 = arith.mulf %get3A_203, %get3A_2971 : vector<16xf32>
      %mul3A_2980 = arith.mulf %get3A_206, %get3A_2976 : vector<16xf32>
      %add3A_2981 = arith.addf %mul3A_2977, %mul3A_2978 : vector<16xf32>
      %add3A_2982 = arith.addf %add3A_2981, %mul3A_2979 : vector<16xf32>
      %add3A_2983 = arith.addf %add3A_2982, %mul3A_2980 : vector<16xf32>
      %reduce_sum3A_2984 = arith.constant true
      %reduce_sum3A_2985 = vector.broadcast %reduce_sum3A_2984 : i1 to vector<16xi1>
      %reduce_sum3A_2986 = tpu.scan <sum>, %add3A_2983 masked %reduce_sum3A_2985 : vector<16xf32>, vector<16xi1> -> vector<16xf32>
      %reduce_sum3A_2987 = vector.extract %reduce_sum3A_2986[15] : f32 from vector<16xf32>
      %mul3A_2988 = arith.mulf %squeeze3A, %reduce_sum3A_343 : f32
      %mul3A_2989 = arith.mulf %sub3A_246, %reduce_sum3A_2987 : f32
      %add3A_2990 = arith.addf %mul3A_2988, %mul3A_2989 : f32
      %gt3A_2991 = arith.cmpf ogt, %add3A_2990, %select_n3A_2878 : f32
      %select_n3A_2992 = arith.select %gt3A_2991, %add3A_2990, %select_n3A_2878 : f32
      %jit3A_2993 = arith.constant 22 : i32
      %select_n3A_2994 = arith.select %gt3A_2991, %jit3A_2993, %select_n3A_2880 : i32
      %add3A_2995 = arith.constant 23 : i32
      %add3A_2996 = arith.addi %add3A_364, %add3A_2995 : i32
      %get3A_2997 = arith.index_cast %add3A_2996 : i32 to index
      %get3A_2998 = arith.constant 0 : index
      %get3A_2999 = tpu.vector_load %arg15[%get3A_2997, %get3A_2998] {strides = array<i32>} : memref<128x256xf32, #tpu.memory_space<vmem>>, vector<16xf32>,
      %add3A_3000 = arith.constant 23 : i32
      %add3A_3001 = arith.addi %add3A_364, %add3A_3000 : i32
      %get3A_3002 = arith.index_cast %add3A_3001 : i32 to index
      %get3A_3003 = arith.constant 16 : index
      %get3A_3004 = tpu.vector_load %arg15[%get3A_3002, %get3A_3003] {strides = array<i32>} : memref<128x256xf32, #tpu.memory_space<vmem>>, vector<16xf32>,
      %add3A_3005 = arith.constant 23 : i32
      %add3A_3006 = arith.addi %add3A_364, %add3A_3005 : i32
      %get3A_3007 = arith.index_cast %add3A_3006 : i32 to index
      %get3A_3008 = arith.constant 32 : index
      %get3A_3009 = tpu.vector_load %arg15[%get3A_3007, %get3A_3008] {strides = array<i32>} : memref<128x256xf32, #tpu.memory_space<vmem>>, vector<16xf32>,
      %add3A_3010 = arith.constant 23 : i32
      %add3A_3011 = arith.addi %add3A_364, %add3A_3010 : i32
      %get3A_3012 = arith.index_cast %add3A_3011 : i32 to index
      %get3A_3013 = arith.constant 48 : index
      %get3A_3014 = tpu.vector_load %arg15[%get3A_3012, %get3A_3013] {strides = array<i32>} : memref<128x256xf32, #tpu.memory_space<vmem>>, vector<16xf32>,
      %mul3A_3015 = arith.mulf %get3A_173, %get3A_2999 : vector<16xf32>
      %mul3A_3016 = arith.mulf %get3A_176, %get3A_3004 : vector<16xf32>
      %mul3A_3017 = arith.mulf %get3A_179, %get3A_3009 : vector<16xf32>
      %mul3A_3018 = arith.mulf %get3A_182, %get3A_3014 : vector<16xf32>
      %add3A_3019 = arith.addf %mul3A_3015, %mul3A_3016 : vector<16xf32>
      %add3A_3020 = arith.addf %add3A_3019, %mul3A_3017 : vector<16xf32>
      %add3A_3021 = arith.addf %add3A_3020, %mul3A_3018 : vector<16xf32>
      %reduce_sum3A_3022 = arith.constant true
      %reduce_sum3A_3023 = vector.broadcast %reduce_sum3A_3022 : i1 to vector<16xi1>
      %reduce_sum3A_3024 = tpu.scan <sum>, %add3A_3021 masked %reduce_sum3A_3023 : vector<16xf32>, vector<16xi1> -> vector<16xf32>
      %reduce_sum3A_3025 = vector.extract %reduce_sum3A_3024[15] : f32 from vector<16xf32>
      %mul3A_3026 = arith.mulf %squeeze3A, %reduce_sum3A_321 : f32
      %mul3A_3027 = arith.mulf %sub3A_246, %reduce_sum3A_3025 : f32
      %add3A_3028 = arith.addf %mul3A_3026, %mul3A_3027 : f32
      %gt3A_3029 = arith.cmpf ogt, %add3A_3028, %select_n3A_2916 : f32
      %select_n3A_3030 = arith.select %gt3A_3029, %add3A_3028, %select_n3A_2916 : f32
      %jit3A_3031 = arith.constant 23 : i32
      %select_n3A_3032 = arith.select %gt3A_3029, %jit3A_3031, %select_n3A_2918 : i32
      %add3A_3033 = arith.constant 23 : i32
      %add3A_3034 = arith.addi %add3A_364, %add3A_3033 : i32
      %get3A_3035 = arith.index_cast %add3A_3034 : i32 to index
      %get3A_3036 = arith.constant 64 : index
      %get3A_3037 = tpu.vector_load %arg15[%get3A_3035, %get3A_3036] {strides = array<i32>} : memref<128x256xf32, #tpu.memory_space<vmem>>, vector<16xf32>,
      %add3A_3038 = arith.constant 23 : i32
      %add3A_3039 = arith.addi %add3A_364, %add3A_3038 : i32
      %get3A_3040 = arith.index_cast %add3A_3039 : i32 to index
      %get3A_3041 = arith.constant 80 : index
      %get3A_3042 = tpu.vector_load %arg15[%get3A_3040, %get3A_3041] {strides = array<i32>} : memref<128x256xf32, #tpu.memory_space<vmem>>, vector<16xf32>,
      %add3A_3043 = arith.constant 23 : i32
      %add3A_3044 = arith.addi %add3A_364, %add3A_3043 : i32
      %get3A_3045 = arith.index_cast %add3A_3044 : i32 to index
      %get3A_3046 = arith.constant 96 : index
      %get3A_3047 = tpu.vector_load %arg15[%get3A_3045, %get3A_3046] {strides = array<i32>} : memref<128x256xf32, #tpu.memory_space<vmem>>, vector<16xf32>,
      %add3A_3048 = arith.constant 23 : i32
      %add3A_3049 = arith.addi %add3A_364, %add3A_3048 : i32
      %get3A_3050 = arith.index_cast %add3A_3049 : i32 to index
      %get3A_3051 = arith.constant 112 : index
      %get3A_3052 = tpu.vector_load %arg15[%get3A_3050, %get3A_3051] {strides = array<i32>} : memref<128x256xf32, #tpu.memory_space<vmem>>, vector<16xf32>,
      %mul3A_3053 = arith.mulf %get3A_185, %get3A_3037 : vector<16xf32>
      %mul3A_3054 = arith.mulf %get3A_188, %get3A_3042 : vector<16xf32>
      %mul3A_3055 = arith.mulf %get3A_191, %get3A_3047 : vector<16xf32>
      %mul3A_3056 = arith.mulf %get3A_194, %get3A_3052 : vector<16xf32>
      %add3A_3057 = arith.addf %mul3A_3053, %mul3A_3054 : vector<16xf32>
      %add3A_3058 = arith.addf %add3A_3057, %mul3A_3055 : vector<16xf32>
      %add3A_3059 = arith.addf %add3A_3058, %mul3A_3056 : vector<16xf32>
      %reduce_sum3A_3060 = arith.constant true
      %reduce_sum3A_3061 = vector.broadcast %reduce_sum3A_3060 : i1 to vector<16xi1>
      %reduce_sum3A_3062 = tpu.scan <sum>, %add3A_3059 masked %reduce_sum3A_3061 : vector<16xf32>, vector<16xi1> -> vector<16xf32>
      %reduce_sum3A_3063 = vector.extract %reduce_sum3A_3062[15] : f32 from vector<16xf32>
      %mul3A_3064 = arith.mulf %squeeze3A, %reduce_sum3A_332 : f32
      %mul3A_3065 = arith.mulf %sub3A_246, %reduce_sum3A_3063 : f32
      %add3A_3066 = arith.addf %mul3A_3064, %mul3A_3065 : f32
      %gt3A_3067 = arith.cmpf ogt, %add3A_3066, %select_n3A_2954 : f32
      %select_n3A_3068 = arith.select %gt3A_3067, %add3A_3066, %select_n3A_2954 : f32
      %jit3A_3069 = arith.constant 23 : i32
      %select_n3A_3070 = arith.select %gt3A_3067, %jit3A_3069, %select_n3A_2956 : i32
      %add3A_3071 = arith.constant 23 : i32
      %add3A_3072 = arith.addi %add3A_364, %add3A_3071 : i32
      %get3A_3073 = arith.index_cast %add3A_3072 : i32 to index
      %get3A_3074 = arith.constant 128 : index
      %get3A_3075 = tpu.vector_load %arg15[%get3A_3073, %get3A_3074] {strides = array<i32>} : memref<128x256xf32, #tpu.memory_space<vmem>>, vector<16xf32>,
      %add3A_3076 = arith.constant 23 : i32
      %add3A_3077 = arith.addi %add3A_364, %add3A_3076 : i32
      %get3A_3078 = arith.index_cast %add3A_3077 : i32 to index
      %get3A_3079 = arith.constant 144 : index
      %get3A_3080 = tpu.vector_load %arg15[%get3A_3078, %get3A_3079] {strides = array<i32>} : memref<128x256xf32, #tpu.memory_space<vmem>>, vector<16xf32>,
      %add3A_3081 = arith.constant 23 : i32
      %add3A_3082 = arith.addi %add3A_364, %add3A_3081 : i32
      %get3A_3083 = arith.index_cast %add3A_3082 : i32 to index
      %get3A_3084 = arith.constant 160 : index
      %get3A_3085 = tpu.vector_load %arg15[%get3A_3083, %get3A_3084] {strides = array<i32>} : memref<128x256xf32, #tpu.memory_space<vmem>>, vector<16xf32>,
      %add3A_3086 = arith.constant 23 : i32
      %add3A_3087 = arith.addi %add3A_364, %add3A_3086 : i32
      %get3A_3088 = arith.index_cast %add3A_3087 : i32 to index
      %get3A_3089 = arith.constant 176 : index
      %get3A_3090 = tpu.vector_load %arg15[%get3A_3088, %get3A_3089] {strides = array<i32>} : memref<128x256xf32, #tpu.memory_space<vmem>>, vector<16xf32>,
      %mul3A_3091 = arith.mulf %get3A_197, %get3A_3075 : vector<16xf32>
      %mul3A_3092 = arith.mulf %get3A_200, %get3A_3080 : vector<16xf32>
      %mul3A_3093 = arith.mulf %get3A_203, %get3A_3085 : vector<16xf32>
      %mul3A_3094 = arith.mulf %get3A_206, %get3A_3090 : vector<16xf32>
      %add3A_3095 = arith.addf %mul3A_3091, %mul3A_3092 : vector<16xf32>
      %add3A_3096 = arith.addf %add3A_3095, %mul3A_3093 : vector<16xf32>
      %add3A_3097 = arith.addf %add3A_3096, %mul3A_3094 : vector<16xf32>
      %reduce_sum3A_3098 = arith.constant true
      %reduce_sum3A_3099 = vector.broadcast %reduce_sum3A_3098 : i1 to vector<16xi1>
      %reduce_sum3A_3100 = tpu.scan <sum>, %add3A_3097 masked %reduce_sum3A_3099 : vector<16xf32>, vector<16xi1> -> vector<16xf32>
      %reduce_sum3A_3101 = vector.extract %reduce_sum3A_3100[15] : f32 from vector<16xf32>
      %mul3A_3102 = arith.mulf %squeeze3A, %reduce_sum3A_343 : f32
      %mul3A_3103 = arith.mulf %sub3A_246, %reduce_sum3A_3101 : f32
      %add3A_3104 = arith.addf %mul3A_3102, %mul3A_3103 : f32
      %gt3A_3105 = arith.cmpf ogt, %add3A_3104, %select_n3A_2992 : f32
      %select_n3A_3106 = arith.select %gt3A_3105, %add3A_3104, %select_n3A_2992 : f32
      %jit3A_3107 = arith.constant 23 : i32
      %select_n3A_3108 = arith.select %gt3A_3105, %jit3A_3107, %select_n3A_2994 : i32
      %add3A_3109 = arith.constant 24 : i32
      %add3A_3110 = arith.addi %add3A_364, %add3A_3109 : i32
      %get3A_3111 = arith.index_cast %add3A_3110 : i32 to index
      %get3A_3112 = arith.constant 0 : index
      %get3A_3113 = tpu.vector_load %arg15[%get3A_3111, %get3A_3112] {strides = array<i32>} : memref<128x256xf32, #tpu.memory_space<vmem>>, vector<16xf32>,
      %add3A_3114 = arith.constant 24 : i32
      %add3A_3115 = arith.addi %add3A_364, %add3A_3114 : i32
      %get3A_3116 = arith.index_cast %add3A_3115 : i32 to index
      %get3A_3117 = arith.constant 16 : index
      %get3A_3118 = tpu.vector_load %arg15[%get3A_3116, %get3A_3117] {strides = array<i32>} : memref<128x256xf32, #tpu.memory_space<vmem>>, vector<16xf32>,
      %add3A_3119 = arith.constant 24 : i32
      %add3A_3120 = arith.addi %add3A_364, %add3A_3119 : i32
      %get3A_3121 = arith.index_cast %add3A_3120 : i32 to index
      %get3A_3122 = arith.constant 32 : index
      %get3A_3123 = tpu.vector_load %arg15[%get3A_3121, %get3A_3122] {strides = array<i32>} : memref<128x256xf32, #tpu.memory_space<vmem>>, vector<16xf32>,
      %add3A_3124 = arith.constant 24 : i32
      %add3A_3125 = arith.addi %add3A_364, %add3A_3124 : i32
      %get3A_3126 = arith.index_cast %add3A_3125 : i32 to index
      %get3A_3127 = arith.constant 48 : index
      %get3A_3128 = tpu.vector_load %arg15[%get3A_3126, %get3A_3127] {strides = array<i32>} : memref<128x256xf32, #tpu.memory_space<vmem>>, vector<16xf32>,
      %mul3A_3129 = arith.mulf %get3A_173, %get3A_3113 : vector<16xf32>
      %mul3A_3130 = arith.mulf %get3A_176, %get3A_3118 : vector<16xf32>
      %mul3A_3131 = arith.mulf %get3A_179, %get3A_3123 : vector<16xf32>
      %mul3A_3132 = arith.mulf %get3A_182, %get3A_3128 : vector<16xf32>
      %add3A_3133 = arith.addf %mul3A_3129, %mul3A_3130 : vector<16xf32>
      %add3A_3134 = arith.addf %add3A_3133, %mul3A_3131 : vector<16xf32>
      %add3A_3135 = arith.addf %add3A_3134, %mul3A_3132 : vector<16xf32>
      %reduce_sum3A_3136 = arith.constant true
      %reduce_sum3A_3137 = vector.broadcast %reduce_sum3A_3136 : i1 to vector<16xi1>
      %reduce_sum3A_3138 = tpu.scan <sum>, %add3A_3135 masked %reduce_sum3A_3137 : vector<16xf32>, vector<16xi1> -> vector<16xf32>
      %reduce_sum3A_3139 = vector.extract %reduce_sum3A_3138[15] : f32 from vector<16xf32>
      %mul3A_3140 = arith.mulf %squeeze3A, %reduce_sum3A_321 : f32
      %mul3A_3141 = arith.mulf %sub3A_246, %reduce_sum3A_3139 : f32
      %add3A_3142 = arith.addf %mul3A_3140, %mul3A_3141 : f32
      %gt3A_3143 = arith.cmpf ogt, %add3A_3142, %select_n3A_3030 : f32
      %select_n3A_3144 = arith.select %gt3A_3143, %add3A_3142, %select_n3A_3030 : f32
      %jit3A_3145 = arith.constant 24 : i32
      %select_n3A_3146 = arith.select %gt3A_3143, %jit3A_3145, %select_n3A_3032 : i32
      %add3A_3147 = arith.constant 24 : i32
      %add3A_3148 = arith.addi %add3A_364, %add3A_3147 : i32
      %get3A_3149 = arith.index_cast %add3A_3148 : i32 to index
      %get3A_3150 = arith.constant 64 : index
      %get3A_3151 = tpu.vector_load %arg15[%get3A_3149, %get3A_3150] {strides = array<i32>} : memref<128x256xf32, #tpu.memory_space<vmem>>, vector<16xf32>,
      %add3A_3152 = arith.constant 24 : i32
      %add3A_3153 = arith.addi %add3A_364, %add3A_3152 : i32
      %get3A_3154 = arith.index_cast %add3A_3153 : i32 to index
      %get3A_3155 = arith.constant 80 : index
      %get3A_3156 = tpu.vector_load %arg15[%get3A_3154, %get3A_3155] {strides = array<i32>} : memref<128x256xf32, #tpu.memory_space<vmem>>, vector<16xf32>,
      %add3A_3157 = arith.constant 24 : i32
      %add3A_3158 = arith.addi %add3A_364, %add3A_3157 : i32
      %get3A_3159 = arith.index_cast %add3A_3158 : i32 to index
      %get3A_3160 = arith.constant 96 : index
      %get3A_3161 = tpu.vector_load %arg15[%get3A_3159, %get3A_3160] {strides = array<i32>} : memref<128x256xf32, #tpu.memory_space<vmem>>, vector<16xf32>,
      %add3A_3162 = arith.constant 24 : i32
      %add3A_3163 = arith.addi %add3A_364, %add3A_3162 : i32
      %get3A_3164 = arith.index_cast %add3A_3163 : i32 to index
      %get3A_3165 = arith.constant 112 : index
      %get3A_3166 = tpu.vector_load %arg15[%get3A_3164, %get3A_3165] {strides = array<i32>} : memref<128x256xf32, #tpu.memory_space<vmem>>, vector<16xf32>,
      %mul3A_3167 = arith.mulf %get3A_185, %get3A_3151 : vector<16xf32>
      %mul3A_3168 = arith.mulf %get3A_188, %get3A_3156 : vector<16xf32>
      %mul3A_3169 = arith.mulf %get3A_191, %get3A_3161 : vector<16xf32>
      %mul3A_3170 = arith.mulf %get3A_194, %get3A_3166 : vector<16xf32>
      %add3A_3171 = arith.addf %mul3A_3167, %mul3A_3168 : vector<16xf32>
      %add3A_3172 = arith.addf %add3A_3171, %mul3A_3169 : vector<16xf32>
      %add3A_3173 = arith.addf %add3A_3172, %mul3A_3170 : vector<16xf32>
      %reduce_sum3A_3174 = arith.constant true
      %reduce_sum3A_3175 = vector.broadcast %reduce_sum3A_3174 : i1 to vector<16xi1>
      %reduce_sum3A_3176 = tpu.scan <sum>, %add3A_3173 masked %reduce_sum3A_3175 : vector<16xf32>, vector<16xi1> -> vector<16xf32>
      %reduce_sum3A_3177 = vector.extract %reduce_sum3A_3176[15] : f32 from vector<16xf32>
      %mul3A_3178 = arith.mulf %squeeze3A, %reduce_sum3A_332 : f32
      %mul3A_3179 = arith.mulf %sub3A_246, %reduce_sum3A_3177 : f32
      %add3A_3180 = arith.addf %mul3A_3178, %mul3A_3179 : f32
      %gt3A_3181 = arith.cmpf ogt, %add3A_3180, %select_n3A_3068 : f32
      %select_n3A_3182 = arith.select %gt3A_3181, %add3A_3180, %select_n3A_3068 : f32
      %jit3A_3183 = arith.constant 24 : i32
      %select_n3A_3184 = arith.select %gt3A_3181, %jit3A_3183, %select_n3A_3070 : i32
      %add3A_3185 = arith.constant 24 : i32
      %add3A_3186 = arith.addi %add3A_364, %add3A_3185 : i32
      %get3A_3187 = arith.index_cast %add3A_3186 : i32 to index
      %get3A_3188 = arith.constant 128 : index
      %get3A_3189 = tpu.vector_load %arg15[%get3A_3187, %get3A_3188] {strides = array<i32>} : memref<128x256xf32, #tpu.memory_space<vmem>>, vector<16xf32>,
      %add3A_3190 = arith.constant 24 : i32
      %add3A_3191 = arith.addi %add3A_364, %add3A_3190 : i32
      %get3A_3192 = arith.index_cast %add3A_3191 : i32 to index
      %get3A_3193 = arith.constant 144 : index
      %get3A_3194 = tpu.vector_load %arg15[%get3A_3192, %get3A_3193] {strides = array<i32>} : memref<128x256xf32, #tpu.memory_space<vmem>>, vector<16xf32>,
      %add3A_3195 = arith.constant 24 : i32
      %add3A_3196 = arith.addi %add3A_364, %add3A_3195 : i32
      %get3A_3197 = arith.index_cast %add3A_3196 : i32 to index
      %get3A_3198 = arith.constant 160 : index
      %get3A_3199 = tpu.vector_load %arg15[%get3A_3197, %get3A_3198] {strides = array<i32>} : memref<128x256xf32, #tpu.memory_space<vmem>>, vector<16xf32>,
      %add3A_3200 = arith.constant 24 : i32
      %add3A_3201 = arith.addi %add3A_364, %add3A_3200 : i32
      %get3A_3202 = arith.index_cast %add3A_3201 : i32 to index
      %get3A_3203 = arith.constant 176 : index
      %get3A_3204 = tpu.vector_load %arg15[%get3A_3202, %get3A_3203] {strides = array<i32>} : memref<128x256xf32, #tpu.memory_space<vmem>>, vector<16xf32>,
      %mul3A_3205 = arith.mulf %get3A_197, %get3A_3189 : vector<16xf32>
      %mul3A_3206 = arith.mulf %get3A_200, %get3A_3194 : vector<16xf32>
      %mul3A_3207 = arith.mulf %get3A_203, %get3A_3199 : vector<16xf32>
      %mul3A_3208 = arith.mulf %get3A_206, %get3A_3204 : vector<16xf32>
      %add3A_3209 = arith.addf %mul3A_3205, %mul3A_3206 : vector<16xf32>
      %add3A_3210 = arith.addf %add3A_3209, %mul3A_3207 : vector<16xf32>
      %add3A_3211 = arith.addf %add3A_3210, %mul3A_3208 : vector<16xf32>
      %reduce_sum3A_3212 = arith.constant true
      %reduce_sum3A_3213 = vector.broadcast %reduce_sum3A_3212 : i1 to vector<16xi1>
      %reduce_sum3A_3214 = tpu.scan <sum>, %add3A_3211 masked %reduce_sum3A_3213 : vector<16xf32>, vector<16xi1> -> vector<16xf32>
      %reduce_sum3A_3215 = vector.extract %reduce_sum3A_3214[15] : f32 from vector<16xf32>
      %mul3A_3216 = arith.mulf %squeeze3A, %reduce_sum3A_343 : f32
      %mul3A_3217 = arith.mulf %sub3A_246, %reduce_sum3A_3215 : f32
      %add3A_3218 = arith.addf %mul3A_3216, %mul3A_3217 : f32
      %gt3A_3219 = arith.cmpf ogt, %add3A_3218, %select_n3A_3106 : f32
      %select_n3A_3220 = arith.select %gt3A_3219, %add3A_3218, %select_n3A_3106 : f32
      %jit3A_3221 = arith.constant 24 : i32
      %select_n3A_3222 = arith.select %gt3A_3219, %jit3A_3221, %select_n3A_3108 : i32
      %add3A_3223 = arith.constant 25 : i32
      %add3A_3224 = arith.addi %add3A_364, %add3A_3223 : i32
      %get3A_3225 = arith.index_cast %add3A_3224 : i32 to index
      %get3A_3226 = arith.constant 0 : index
      %get3A_3227 = tpu.vector_load %arg15[%get3A_3225, %get3A_3226] {strides = array<i32>} : memref<128x256xf32, #tpu.memory_space<vmem>>, vector<16xf32>,
      %add3A_3228 = arith.constant 25 : i32
      %add3A_3229 = arith.addi %add3A_364, %add3A_3228 : i32
      %get3A_3230 = arith.index_cast %add3A_3229 : i32 to index
      %get3A_3231 = arith.constant 16 : index
      %get3A_3232 = tpu.vector_load %arg15[%get3A_3230, %get3A_3231] {strides = array<i32>} : memref<128x256xf32, #tpu.memory_space<vmem>>, vector<16xf32>,
      %add3A_3233 = arith.constant 25 : i32
      %add3A_3234 = arith.addi %add3A_364, %add3A_3233 : i32
      %get3A_3235 = arith.index_cast %add3A_3234 : i32 to index
      %get3A_3236 = arith.constant 32 : index
      %get3A_3237 = tpu.vector_load %arg15[%get3A_3235, %get3A_3236] {strides = array<i32>} : memref<128x256xf32, #tpu.memory_space<vmem>>, vector<16xf32>,
      %add3A_3238 = arith.constant 25 : i32
      %add3A_3239 = arith.addi %add3A_364, %add3A_3238 : i32
      %get3A_3240 = arith.index_cast %add3A_3239 : i32 to index
      %get3A_3241 = arith.constant 48 : index
      %get3A_3242 = tpu.vector_load %arg15[%get3A_3240, %get3A_3241] {strides = array<i32>} : memref<128x256xf32, #tpu.memory_space<vmem>>, vector<16xf32>,
      %mul3A_3243 = arith.mulf %get3A_173, %get3A_3227 : vector<16xf32>
      %mul3A_3244 = arith.mulf %get3A_176, %get3A_3232 : vector<16xf32>
      %mul3A_3245 = arith.mulf %get3A_179, %get3A_3237 : vector<16xf32>
      %mul3A_3246 = arith.mulf %get3A_182, %get3A_3242 : vector<16xf32>
      %add3A_3247 = arith.addf %mul3A_3243, %mul3A_3244 : vector<16xf32>
      %add3A_3248 = arith.addf %add3A_3247, %mul3A_3245 : vector<16xf32>
      %add3A_3249 = arith.addf %add3A_3248, %mul3A_3246 : vector<16xf32>
      %reduce_sum3A_3250 = arith.constant true
      %reduce_sum3A_3251 = vector.broadcast %reduce_sum3A_3250 : i1 to vector<16xi1>
      %reduce_sum3A_3252 = tpu.scan <sum>, %add3A_3249 masked %reduce_sum3A_3251 : vector<16xf32>, vector<16xi1> -> vector<16xf32>
      %reduce_sum3A_3253 = vector.extract %reduce_sum3A_3252[15] : f32 from vector<16xf32>
      %mul3A_3254 = arith.mulf %squeeze3A, %reduce_sum3A_321 : f32
      %mul3A_3255 = arith.mulf %sub3A_246, %reduce_sum3A_3253 : f32
      %add3A_3256 = arith.addf %mul3A_3254, %mul3A_3255 : f32
      %gt3A_3257 = arith.cmpf ogt, %add3A_3256, %select_n3A_3144 : f32
      %select_n3A_3258 = arith.select %gt3A_3257, %add3A_3256, %select_n3A_3144 : f32
      %jit3A_3259 = arith.constant 25 : i32
      %select_n3A_3260 = arith.select %gt3A_3257, %jit3A_3259, %select_n3A_3146 : i32
      %add3A_3261 = arith.constant 25 : i32
      %add3A_3262 = arith.addi %add3A_364, %add3A_3261 : i32
      %get3A_3263 = arith.index_cast %add3A_3262 : i32 to index
      %get3A_3264 = arith.constant 64 : index
      %get3A_3265 = tpu.vector_load %arg15[%get3A_3263, %get3A_3264] {strides = array<i32>} : memref<128x256xf32, #tpu.memory_space<vmem>>, vector<16xf32>,
      %add3A_3266 = arith.constant 25 : i32
      %add3A_3267 = arith.addi %add3A_364, %add3A_3266 : i32
      %get3A_3268 = arith.index_cast %add3A_3267 : i32 to index
      %get3A_3269 = arith.constant 80 : index
      %get3A_3270 = tpu.vector_load %arg15[%get3A_3268, %get3A_3269] {strides = array<i32>} : memref<128x256xf32, #tpu.memory_space<vmem>>, vector<16xf32>,
      %add3A_3271 = arith.constant 25 : i32
      %add3A_3272 = arith.addi %add3A_364, %add3A_3271 : i32
      %get3A_3273 = arith.index_cast %add3A_3272 : i32 to index
      %get3A_3274 = arith.constant 96 : index
      %get3A_3275 = tpu.vector_load %arg15[%get3A_3273, %get3A_3274] {strides = array<i32>} : memref<128x256xf32, #tpu.memory_space<vmem>>, vector<16xf32>,
      %add3A_3276 = arith.constant 25 : i32
      %add3A_3277 = arith.addi %add3A_364, %add3A_3276 : i32
      %get3A_3278 = arith.index_cast %add3A_3277 : i32 to index
      %get3A_3279 = arith.constant 112 : index
      %get3A_3280 = tpu.vector_load %arg15[%get3A_3278, %get3A_3279] {strides = array<i32>} : memref<128x256xf32, #tpu.memory_space<vmem>>, vector<16xf32>,
      %mul3A_3281 = arith.mulf %get3A_185, %get3A_3265 : vector<16xf32>
      %mul3A_3282 = arith.mulf %get3A_188, %get3A_3270 : vector<16xf32>
      %mul3A_3283 = arith.mulf %get3A_191, %get3A_3275 : vector<16xf32>
      %mul3A_3284 = arith.mulf %get3A_194, %get3A_3280 : vector<16xf32>
      %add3A_3285 = arith.addf %mul3A_3281, %mul3A_3282 : vector<16xf32>
      %add3A_3286 = arith.addf %add3A_3285, %mul3A_3283 : vector<16xf32>
      %add3A_3287 = arith.addf %add3A_3286, %mul3A_3284 : vector<16xf32>
      %reduce_sum3A_3288 = arith.constant true
      %reduce_sum3A_3289 = vector.broadcast %reduce_sum3A_3288 : i1 to vector<16xi1>
      %reduce_sum3A_3290 = tpu.scan <sum>, %add3A_3287 masked %reduce_sum3A_3289 : vector<16xf32>, vector<16xi1> -> vector<16xf32>
      %reduce_sum3A_3291 = vector.extract %reduce_sum3A_3290[15] : f32 from vector<16xf32>
      %mul3A_3292 = arith.mulf %squeeze3A, %reduce_sum3A_332 : f32
      %mul3A_3293 = arith.mulf %sub3A_246, %reduce_sum3A_3291 : f32
      %add3A_3294 = arith.addf %mul3A_3292, %mul3A_3293 : f32
      %gt3A_3295 = arith.cmpf ogt, %add3A_3294, %select_n3A_3182 : f32
      %select_n3A_3296 = arith.select %gt3A_3295, %add3A_3294, %select_n3A_3182 : f32
      %jit3A_3297 = arith.constant 25 : i32
      %select_n3A_3298 = arith.select %gt3A_3295, %jit3A_3297, %select_n3A_3184 : i32
      %add3A_3299 = arith.constant 25 : i32
      %add3A_3300 = arith.addi %add3A_364, %add3A_3299 : i32
      %get3A_3301 = arith.index_cast %add3A_3300 : i32 to index
      %get3A_3302 = arith.constant 128 : index
      %get3A_3303 = tpu.vector_load %arg15[%get3A_3301, %get3A_3302] {strides = array<i32>} : memref<128x256xf32, #tpu.memory_space<vmem>>, vector<16xf32>,
      %add3A_3304 = arith.constant 25 : i32
      %add3A_3305 = arith.addi %add3A_364, %add3A_3304 : i32
      %get3A_3306 = arith.index_cast %add3A_3305 : i32 to index
      %get3A_3307 = arith.constant 144 : index
      %get3A_3308 = tpu.vector_load %arg15[%get3A_3306, %get3A_3307] {strides = array<i32>} : memref<128x256xf32, #tpu.memory_space<vmem>>, vector<16xf32>,
      %add3A_3309 = arith.constant 25 : i32
      %add3A_3310 = arith.addi %add3A_364, %add3A_3309 : i32
      %get3A_3311 = arith.index_cast %add3A_3310 : i32 to index
      %get3A_3312 = arith.constant 160 : index
      %get3A_3313 = tpu.vector_load %arg15[%get3A_3311, %get3A_3312] {strides = array<i32>} : memref<128x256xf32, #tpu.memory_space<vmem>>, vector<16xf32>,
      %add3A_3314 = arith.constant 25 : i32
      %add3A_3315 = arith.addi %add3A_364, %add3A_3314 : i32
      %get3A_3316 = arith.index_cast %add3A_3315 : i32 to index
      %get3A_3317 = arith.constant 176 : index
      %get3A_3318 = tpu.vector_load %arg15[%get3A_3316, %get3A_3317] {strides = array<i32>} : memref<128x256xf32, #tpu.memory_space<vmem>>, vector<16xf32>,
      %mul3A_3319 = arith.mulf %get3A_197, %get3A_3303 : vector<16xf32>
      %mul3A_3320 = arith.mulf %get3A_200, %get3A_3308 : vector<16xf32>
      %mul3A_3321 = arith.mulf %get3A_203, %get3A_3313 : vector<16xf32>
      %mul3A_3322 = arith.mulf %get3A_206, %get3A_3318 : vector<16xf32>
      %add3A_3323 = arith.addf %mul3A_3319, %mul3A_3320 : vector<16xf32>
      %add3A_3324 = arith.addf %add3A_3323, %mul3A_3321 : vector<16xf32>
      %add3A_3325 = arith.addf %add3A_3324, %mul3A_3322 : vector<16xf32>
      %reduce_sum3A_3326 = arith.constant true
      %reduce_sum3A_3327 = vector.broadcast %reduce_sum3A_3326 : i1 to vector<16xi1>
      %reduce_sum3A_3328 = tpu.scan <sum>, %add3A_3325 masked %reduce_sum3A_3327 : vector<16xf32>, vector<16xi1> -> vector<16xf32>
      %reduce_sum3A_3329 = vector.extract %reduce_sum3A_3328[15] : f32 from vector<16xf32>
      %mul3A_3330 = arith.mulf %squeeze3A, %reduce_sum3A_343 : f32
      %mul3A_3331 = arith.mulf %sub3A_246, %reduce_sum3A_3329 : f32
      %add3A_3332 = arith.addf %mul3A_3330, %mul3A_3331 : f32
      %gt3A_3333 = arith.cmpf ogt, %add3A_3332, %select_n3A_3220 : f32
      %select_n3A_3334 = arith.select %gt3A_3333, %add3A_3332, %select_n3A_3220 : f32
      %jit3A_3335 = arith.constant 25 : i32
      %select_n3A_3336 = arith.select %gt3A_3333, %jit3A_3335, %select_n3A_3222 : i32
      %add3A_3337 = arith.constant 26 : i32
      %add3A_3338 = arith.addi %add3A_364, %add3A_3337 : i32
      %get3A_3339 = arith.index_cast %add3A_3338 : i32 to index
      %get3A_3340 = arith.constant 0 : index
      %get3A_3341 = tpu.vector_load %arg15[%get3A_3339, %get3A_3340] {strides = array<i32>} : memref<128x256xf32, #tpu.memory_space<vmem>>, vector<16xf32>,
      %add3A_3342 = arith.constant 26 : i32
      %add3A_3343 = arith.addi %add3A_364, %add3A_3342 : i32
      %get3A_3344 = arith.index_cast %add3A_3343 : i32 to index
      %get3A_3345 = arith.constant 16 : index
      %get3A_3346 = tpu.vector_load %arg15[%get3A_3344, %get3A_3345] {strides = array<i32>} : memref<128x256xf32, #tpu.memory_space<vmem>>, vector<16xf32>,
      %add3A_3347 = arith.constant 26 : i32
      %add3A_3348 = arith.addi %add3A_364, %add3A_3347 : i32
      %get3A_3349 = arith.index_cast %add3A_3348 : i32 to index
      %get3A_3350 = arith.constant 32 : index
      %get3A_3351 = tpu.vector_load %arg15[%get3A_3349, %get3A_3350] {strides = array<i32>} : memref<128x256xf32, #tpu.memory_space<vmem>>, vector<16xf32>,
      %add3A_3352 = arith.constant 26 : i32
      %add3A_3353 = arith.addi %add3A_364, %add3A_3352 : i32
      %get3A_3354 = arith.index_cast %add3A_3353 : i32 to index
      %get3A_3355 = arith.constant 48 : index
      %get3A_3356 = tpu.vector_load %arg15[%get3A_3354, %get3A_3355] {strides = array<i32>} : memref<128x256xf32, #tpu.memory_space<vmem>>, vector<16xf32>,
      %mul3A_3357 = arith.mulf %get3A_173, %get3A_3341 : vector<16xf32>
      %mul3A_3358 = arith.mulf %get3A_176, %get3A_3346 : vector<16xf32>
      %mul3A_3359 = arith.mulf %get3A_179, %get3A_3351 : vector<16xf32>
      %mul3A_3360 = arith.mulf %get3A_182, %get3A_3356 : vector<16xf32>
      %add3A_3361 = arith.addf %mul3A_3357, %mul3A_3358 : vector<16xf32>
      %add3A_3362 = arith.addf %add3A_3361, %mul3A_3359 : vector<16xf32>
      %add3A_3363 = arith.addf %add3A_3362, %mul3A_3360 : vector<16xf32>
      %reduce_sum3A_3364 = arith.constant true
      %reduce_sum3A_3365 = vector.broadcast %reduce_sum3A_3364 : i1 to vector<16xi1>
      %reduce_sum3A_3366 = tpu.scan <sum>, %add3A_3363 masked %reduce_sum3A_3365 : vector<16xf32>, vector<16xi1> -> vector<16xf32>
      %reduce_sum3A_3367 = vector.extract %reduce_sum3A_3366[15] : f32 from vector<16xf32>
      %mul3A_3368 = arith.mulf %squeeze3A, %reduce_sum3A_321 : f32
      %mul3A_3369 = arith.mulf %sub3A_246, %reduce_sum3A_3367 : f32
      %add3A_3370 = arith.addf %mul3A_3368, %mul3A_3369 : f32
      %gt3A_3371 = arith.cmpf ogt, %add3A_3370, %select_n3A_3258 : f32
      %select_n3A_3372 = arith.select %gt3A_3371, %add3A_3370, %select_n3A_3258 : f32
      %jit3A_3373 = arith.constant 26 : i32
      %select_n3A_3374 = arith.select %gt3A_3371, %jit3A_3373, %select_n3A_3260 : i32
      %add3A_3375 = arith.constant 26 : i32
      %add3A_3376 = arith.addi %add3A_364, %add3A_3375 : i32
      %get3A_3377 = arith.index_cast %add3A_3376 : i32 to index
      %get3A_3378 = arith.constant 64 : index
      %get3A_3379 = tpu.vector_load %arg15[%get3A_3377, %get3A_3378] {strides = array<i32>} : memref<128x256xf32, #tpu.memory_space<vmem>>, vector<16xf32>,
      %add3A_3380 = arith.constant 26 : i32
      %add3A_3381 = arith.addi %add3A_364, %add3A_3380 : i32
      %get3A_3382 = arith.index_cast %add3A_3381 : i32 to index
      %get3A_3383 = arith.constant 80 : index
      %get3A_3384 = tpu.vector_load %arg15[%get3A_3382, %get3A_3383] {strides = array<i32>} : memref<128x256xf32, #tpu.memory_space<vmem>>, vector<16xf32>,
      %add3A_3385 = arith.constant 26 : i32
      %add3A_3386 = arith.addi %add3A_364, %add3A_3385 : i32
      %get3A_3387 = arith.index_cast %add3A_3386 : i32 to index
      %get3A_3388 = arith.constant 96 : index
      %get3A_3389 = tpu.vector_load %arg15[%get3A_3387, %get3A_3388] {strides = array<i32>} : memref<128x256xf32, #tpu.memory_space<vmem>>, vector<16xf32>,
      %add3A_3390 = arith.constant 26 : i32
      %add3A_3391 = arith.addi %add3A_364, %add3A_3390 : i32
      %get3A_3392 = arith.index_cast %add3A_3391 : i32 to index
      %get3A_3393 = arith.constant 112 : index
      %get3A_3394 = tpu.vector_load %arg15[%get3A_3392, %get3A_3393] {strides = array<i32>} : memref<128x256xf32, #tpu.memory_space<vmem>>, vector<16xf32>,
      %mul3A_3395 = arith.mulf %get3A_185, %get3A_3379 : vector<16xf32>
      %mul3A_3396 = arith.mulf %get3A_188, %get3A_3384 : vector<16xf32>
      %mul3A_3397 = arith.mulf %get3A_191, %get3A_3389 : vector<16xf32>
      %mul3A_3398 = arith.mulf %get3A_194, %get3A_3394 : vector<16xf32>
      %add3A_3399 = arith.addf %mul3A_3395, %mul3A_3396 : vector<16xf32>
      %add3A_3400 = arith.addf %add3A_3399, %mul3A_3397 : vector<16xf32>
      %add3A_3401 = arith.addf %add3A_3400, %mul3A_3398 : vector<16xf32>
      %reduce_sum3A_3402 = arith.constant true
      %reduce_sum3A_3403 = vector.broadcast %reduce_sum3A_3402 : i1 to vector<16xi1>
      %reduce_sum3A_3404 = tpu.scan <sum>, %add3A_3401 masked %reduce_sum3A_3403 : vector<16xf32>, vector<16xi1> -> vector<16xf32>
      %reduce_sum3A_3405 = vector.extract %reduce_sum3A_3404[15] : f32 from vector<16xf32>
      %mul3A_3406 = arith.mulf %squeeze3A, %reduce_sum3A_332 : f32
      %mul3A_3407 = arith.mulf %sub3A_246, %reduce_sum3A_3405 : f32
      %add3A_3408 = arith.addf %mul3A_3406, %mul3A_3407 : f32
      %gt3A_3409 = arith.cmpf ogt, %add3A_3408, %select_n3A_3296 : f32
      %select_n3A_3410 = arith.select %gt3A_3409, %add3A_3408, %select_n3A_3296 : f32
      %jit3A_3411 = arith.constant 26 : i32
      %select_n3A_3412 = arith.select %gt3A_3409, %jit3A_3411, %select_n3A_3298 : i32
      %add3A_3413 = arith.constant 26 : i32
      %add3A_3414 = arith.addi %add3A_364, %add3A_3413 : i32
      %get3A_3415 = arith.index_cast %add3A_3414 : i32 to index
      %get3A_3416 = arith.constant 128 : index
      %get3A_3417 = tpu.vector_load %arg15[%get3A_3415, %get3A_3416] {strides = array<i32>} : memref<128x256xf32, #tpu.memory_space<vmem>>, vector<16xf32>,
      %add3A_3418 = arith.constant 26 : i32
      %add3A_3419 = arith.addi %add3A_364, %add3A_3418 : i32
      %get3A_3420 = arith.index_cast %add3A_3419 : i32 to index
      %get3A_3421 = arith.constant 144 : index
      %get3A_3422 = tpu.vector_load %arg15[%get3A_3420, %get3A_3421] {strides = array<i32>} : memref<128x256xf32, #tpu.memory_space<vmem>>, vector<16xf32>,
      %add3A_3423 = arith.constant 26 : i32
      %add3A_3424 = arith.addi %add3A_364, %add3A_3423 : i32
      %get3A_3425 = arith.index_cast %add3A_3424 : i32 to index
      %get3A_3426 = arith.constant 160 : index
      %get3A_3427 = tpu.vector_load %arg15[%get3A_3425, %get3A_3426] {strides = array<i32>} : memref<128x256xf32, #tpu.memory_space<vmem>>, vector<16xf32>,
      %add3A_3428 = arith.constant 26 : i32
      %add3A_3429 = arith.addi %add3A_364, %add3A_3428 : i32
      %get3A_3430 = arith.index_cast %add3A_3429 : i32 to index
      %get3A_3431 = arith.constant 176 : index
      %get3A_3432 = tpu.vector_load %arg15[%get3A_3430, %get3A_3431] {strides = array<i32>} : memref<128x256xf32, #tpu.memory_space<vmem>>, vector<16xf32>,
      %mul3A_3433 = arith.mulf %get3A_197, %get3A_3417 : vector<16xf32>
      %mul3A_3434 = arith.mulf %get3A_200, %get3A_3422 : vector<16xf32>
      %mul3A_3435 = arith.mulf %get3A_203, %get3A_3427 : vector<16xf32>
      %mul3A_3436 = arith.mulf %get3A_206, %get3A_3432 : vector<16xf32>
      %add3A_3437 = arith.addf %mul3A_3433, %mul3A_3434 : vector<16xf32>
      %add3A_3438 = arith.addf %add3A_3437, %mul3A_3435 : vector<16xf32>
      %add3A_3439 = arith.addf %add3A_3438, %mul3A_3436 : vector<16xf32>
      %reduce_sum3A_3440 = arith.constant true
      %reduce_sum3A_3441 = vector.broadcast %reduce_sum3A_3440 : i1 to vector<16xi1>
      %reduce_sum3A_3442 = tpu.scan <sum>, %add3A_3439 masked %reduce_sum3A_3441 : vector<16xf32>, vector<16xi1> -> vector<16xf32>
      %reduce_sum3A_3443 = vector.extract %reduce_sum3A_3442[15] : f32 from vector<16xf32>
      %mul3A_3444 = arith.mulf %squeeze3A, %reduce_sum3A_343 : f32
      %mul3A_3445 = arith.mulf %sub3A_246, %reduce_sum3A_3443 : f32
      %add3A_3446 = arith.addf %mul3A_3444, %mul3A_3445 : f32
      %gt3A_3447 = arith.cmpf ogt, %add3A_3446, %select_n3A_3334 : f32
      %select_n3A_3448 = arith.select %gt3A_3447, %add3A_3446, %select_n3A_3334 : f32
      %jit3A_3449 = arith.constant 26 : i32
      %select_n3A_3450 = arith.select %gt3A_3447, %jit3A_3449, %select_n3A_3336 : i32
      %add3A_3451 = arith.constant 27 : i32
      %add3A_3452 = arith.addi %add3A_364, %add3A_3451 : i32
      %get3A_3453 = arith.index_cast %add3A_3452 : i32 to index
      %get3A_3454 = arith.constant 0 : index
      %get3A_3455 = tpu.vector_load %arg15[%get3A_3453, %get3A_3454] {strides = array<i32>} : memref<128x256xf32, #tpu.memory_space<vmem>>, vector<16xf32>,
      %add3A_3456 = arith.constant 27 : i32
      %add3A_3457 = arith.addi %add3A_364, %add3A_3456 : i32
      %get3A_3458 = arith.index_cast %add3A_3457 : i32 to index
      %get3A_3459 = arith.constant 16 : index
      %get3A_3460 = tpu.vector_load %arg15[%get3A_3458, %get3A_3459] {strides = array<i32>} : memref<128x256xf32, #tpu.memory_space<vmem>>, vector<16xf32>,
      %add3A_3461 = arith.constant 27 : i32
      %add3A_3462 = arith.addi %add3A_364, %add3A_3461 : i32
      %get3A_3463 = arith.index_cast %add3A_3462 : i32 to index
      %get3A_3464 = arith.constant 32 : index
      %get3A_3465 = tpu.vector_load %arg15[%get3A_3463, %get3A_3464] {strides = array<i32>} : memref<128x256xf32, #tpu.memory_space<vmem>>, vector<16xf32>,
      %add3A_3466 = arith.constant 27 : i32
      %add3A_3467 = arith.addi %add3A_364, %add3A_3466 : i32
      %get3A_3468 = arith.index_cast %add3A_3467 : i32 to index
      %get3A_3469 = arith.constant 48 : index
      %get3A_3470 = tpu.vector_load %arg15[%get3A_3468, %get3A_3469] {strides = array<i32>} : memref<128x256xf32, #tpu.memory_space<vmem>>, vector<16xf32>,
      %mul3A_3471 = arith.mulf %get3A_173, %get3A_3455 : vector<16xf32>
      %mul3A_3472 = arith.mulf %get3A_176, %get3A_3460 : vector<16xf32>
      %mul3A_3473 = arith.mulf %get3A_179, %get3A_3465 : vector<16xf32>
      %mul3A_3474 = arith.mulf %get3A_182, %get3A_3470 : vector<16xf32>
      %add3A_3475 = arith.addf %mul3A_3471, %mul3A_3472 : vector<16xf32>
      %add3A_3476 = arith.addf %add3A_3475, %mul3A_3473 : vector<16xf32>
      %add3A_3477 = arith.addf %add3A_3476, %mul3A_3474 : vector<16xf32>
      %reduce_sum3A_3478 = arith.constant true
      %reduce_sum3A_3479 = vector.broadcast %reduce_sum3A_3478 : i1 to vector<16xi1>
      %reduce_sum3A_3480 = tpu.scan <sum>, %add3A_3477 masked %reduce_sum3A_3479 : vector<16xf32>, vector<16xi1> -> vector<16xf32>
      %reduce_sum3A_3481 = vector.extract %reduce_sum3A_3480[15] : f32 from vector<16xf32>
      %mul3A_3482 = arith.mulf %squeeze3A, %reduce_sum3A_321 : f32
      %mul3A_3483 = arith.mulf %sub3A_246, %reduce_sum3A_3481 : f32
      %add3A_3484 = arith.addf %mul3A_3482, %mul3A_3483 : f32
      %gt3A_3485 = arith.cmpf ogt, %add3A_3484, %select_n3A_3372 : f32
      %select_n3A_3486 = arith.select %gt3A_3485, %add3A_3484, %select_n3A_3372 : f32
      %jit3A_3487 = arith.constant 27 : i32
      %select_n3A_3488 = arith.select %gt3A_3485, %jit3A_3487, %select_n3A_3374 : i32
      %add3A_3489 = arith.constant 27 : i32
      %add3A_3490 = arith.addi %add3A_364, %add3A_3489 : i32
      %get3A_3491 = arith.index_cast %add3A_3490 : i32 to index
      %get3A_3492 = arith.constant 64 : index
      %get3A_3493 = tpu.vector_load %arg15[%get3A_3491, %get3A_3492] {strides = array<i32>} : memref<128x256xf32, #tpu.memory_space<vmem>>, vector<16xf32>,
      %add3A_3494 = arith.constant 27 : i32
      %add3A_3495 = arith.addi %add3A_364, %add3A_3494 : i32
      %get3A_3496 = arith.index_cast %add3A_3495 : i32 to index
      %get3A_3497 = arith.constant 80 : index
      %get3A_3498 = tpu.vector_load %arg15[%get3A_3496, %get3A_3497] {strides = array<i32>} : memref<128x256xf32, #tpu.memory_space<vmem>>, vector<16xf32>,
      %add3A_3499 = arith.constant 27 : i32
      %add3A_3500 = arith.addi %add3A_364, %add3A_3499 : i32
      %get3A_3501 = arith.index_cast %add3A_3500 : i32 to index
      %get3A_3502 = arith.constant 96 : index
      %get3A_3503 = tpu.vector_load %arg15[%get3A_3501, %get3A_3502] {strides = array<i32>} : memref<128x256xf32, #tpu.memory_space<vmem>>, vector<16xf32>,
      %add3A_3504 = arith.constant 27 : i32
      %add3A_3505 = arith.addi %add3A_364, %add3A_3504 : i32
      %get3A_3506 = arith.index_cast %add3A_3505 : i32 to index
      %get3A_3507 = arith.constant 112 : index
      %get3A_3508 = tpu.vector_load %arg15[%get3A_3506, %get3A_3507] {strides = array<i32>} : memref<128x256xf32, #tpu.memory_space<vmem>>, vector<16xf32>,
      %mul3A_3509 = arith.mulf %get3A_185, %get3A_3493 : vector<16xf32>
      %mul3A_3510 = arith.mulf %get3A_188, %get3A_3498 : vector<16xf32>
      %mul3A_3511 = arith.mulf %get3A_191, %get3A_3503 : vector<16xf32>
      %mul3A_3512 = arith.mulf %get3A_194, %get3A_3508 : vector<16xf32>
      %add3A_3513 = arith.addf %mul3A_3509, %mul3A_3510 : vector<16xf32>
      %add3A_3514 = arith.addf %add3A_3513, %mul3A_3511 : vector<16xf32>
      %add3A_3515 = arith.addf %add3A_3514, %mul3A_3512 : vector<16xf32>
      %reduce_sum3A_3516 = arith.constant true
      %reduce_sum3A_3517 = vector.broadcast %reduce_sum3A_3516 : i1 to vector<16xi1>
      %reduce_sum3A_3518 = tpu.scan <sum>, %add3A_3515 masked %reduce_sum3A_3517 : vector<16xf32>, vector<16xi1> -> vector<16xf32>
      %reduce_sum3A_3519 = vector.extract %reduce_sum3A_3518[15] : f32 from vector<16xf32>
      %mul3A_3520 = arith.mulf %squeeze3A, %reduce_sum3A_332 : f32
      %mul3A_3521 = arith.mulf %sub3A_246, %reduce_sum3A_3519 : f32
      %add3A_3522 = arith.addf %mul3A_3520, %mul3A_3521 : f32
      %gt3A_3523 = arith.cmpf ogt, %add3A_3522, %select_n3A_3410 : f32
      %select_n3A_3524 = arith.select %gt3A_3523, %add3A_3522, %select_n3A_3410 : f32
      %jit3A_3525 = arith.constant 27 : i32
      %select_n3A_3526 = arith.select %gt3A_3523, %jit3A_3525, %select_n3A_3412 : i32
      %add3A_3527 = arith.constant 27 : i32
      %add3A_3528 = arith.addi %add3A_364, %add3A_3527 : i32
      %get3A_3529 = arith.index_cast %add3A_3528 : i32 to index
      %get3A_3530 = arith.constant 128 : index
      %get3A_3531 = tpu.vector_load %arg15[%get3A_3529, %get3A_3530] {strides = array<i32>} : memref<128x256xf32, #tpu.memory_space<vmem>>, vector<16xf32>,
      %add3A_3532 = arith.constant 27 : i32
      %add3A_3533 = arith.addi %add3A_364, %add3A_3532 : i32
      %get3A_3534 = arith.index_cast %add3A_3533 : i32 to index
      %get3A_3535 = arith.constant 144 : index
      %get3A_3536 = tpu.vector_load %arg15[%get3A_3534, %get3A_3535] {strides = array<i32>} : memref<128x256xf32, #tpu.memory_space<vmem>>, vector<16xf32>,
      %add3A_3537 = arith.constant 27 : i32
      %add3A_3538 = arith.addi %add3A_364, %add3A_3537 : i32
      %get3A_3539 = arith.index_cast %add3A_3538 : i32 to index
      %get3A_3540 = arith.constant 160 : index
      %get3A_3541 = tpu.vector_load %arg15[%get3A_3539, %get3A_3540] {strides = array<i32>} : memref<128x256xf32, #tpu.memory_space<vmem>>, vector<16xf32>,
      %add3A_3542 = arith.constant 27 : i32
      %add3A_3543 = arith.addi %add3A_364, %add3A_3542 : i32
      %get3A_3544 = arith.index_cast %add3A_3543 : i32 to index
      %get3A_3545 = arith.constant 176 : index
      %get3A_3546 = tpu.vector_load %arg15[%get3A_3544, %get3A_3545] {strides = array<i32>} : memref<128x256xf32, #tpu.memory_space<vmem>>, vector<16xf32>,
      %mul3A_3547 = arith.mulf %get3A_197, %get3A_3531 : vector<16xf32>
      %mul3A_3548 = arith.mulf %get3A_200, %get3A_3536 : vector<16xf32>
      %mul3A_3549 = arith.mulf %get3A_203, %get3A_3541 : vector<16xf32>
      %mul3A_3550 = arith.mulf %get3A_206, %get3A_3546 : vector<16xf32>
      %add3A_3551 = arith.addf %mul3A_3547, %mul3A_3548 : vector<16xf32>
      %add3A_3552 = arith.addf %add3A_3551, %mul3A_3549 : vector<16xf32>
      %add3A_3553 = arith.addf %add3A_3552, %mul3A_3550 : vector<16xf32>
      %reduce_sum3A_3554 = arith.constant true
      %reduce_sum3A_3555 = vector.broadcast %reduce_sum3A_3554 : i1 to vector<16xi1>
      %reduce_sum3A_3556 = tpu.scan <sum>, %add3A_3553 masked %reduce_sum3A_3555 : vector<16xf32>, vector<16xi1> -> vector<16xf32>
      %reduce_sum3A_3557 = vector.extract %reduce_sum3A_3556[15] : f32 from vector<16xf32>
      %mul3A_3558 = arith.mulf %squeeze3A, %reduce_sum3A_343 : f32
      %mul3A_3559 = arith.mulf %sub3A_246, %reduce_sum3A_3557 : f32
      %add3A_3560 = arith.addf %mul3A_3558, %mul3A_3559 : f32
      %gt3A_3561 = arith.cmpf ogt, %add3A_3560, %select_n3A_3448 : f32
      %select_n3A_3562 = arith.select %gt3A_3561, %add3A_3560, %select_n3A_3448 : f32
      %jit3A_3563 = arith.constant 27 : i32
      %select_n3A_3564 = arith.select %gt3A_3561, %jit3A_3563, %select_n3A_3450 : i32
      %add3A_3565 = arith.constant 28 : i32
      %add3A_3566 = arith.addi %add3A_364, %add3A_3565 : i32
      %get3A_3567 = arith.index_cast %add3A_3566 : i32 to index
      %get3A_3568 = arith.constant 0 : index
      %get3A_3569 = tpu.vector_load %arg15[%get3A_3567, %get3A_3568] {strides = array<i32>} : memref<128x256xf32, #tpu.memory_space<vmem>>, vector<16xf32>,
      %add3A_3570 = arith.constant 28 : i32
      %add3A_3571 = arith.addi %add3A_364, %add3A_3570 : i32
      %get3A_3572 = arith.index_cast %add3A_3571 : i32 to index
      %get3A_3573 = arith.constant 16 : index
      %get3A_3574 = tpu.vector_load %arg15[%get3A_3572, %get3A_3573] {strides = array<i32>} : memref<128x256xf32, #tpu.memory_space<vmem>>, vector<16xf32>,
      %add3A_3575 = arith.constant 28 : i32
      %add3A_3576 = arith.addi %add3A_364, %add3A_3575 : i32
      %get3A_3577 = arith.index_cast %add3A_3576 : i32 to index
      %get3A_3578 = arith.constant 32 : index
      %get3A_3579 = tpu.vector_load %arg15[%get3A_3577, %get3A_3578] {strides = array<i32>} : memref<128x256xf32, #tpu.memory_space<vmem>>, vector<16xf32>,
      %add3A_3580 = arith.constant 28 : i32
      %add3A_3581 = arith.addi %add3A_364, %add3A_3580 : i32
      %get3A_3582 = arith.index_cast %add3A_3581 : i32 to index
      %get3A_3583 = arith.constant 48 : index
      %get3A_3584 = tpu.vector_load %arg15[%get3A_3582, %get3A_3583] {strides = array<i32>} : memref<128x256xf32, #tpu.memory_space<vmem>>, vector<16xf32>,
      %mul3A_3585 = arith.mulf %get3A_173, %get3A_3569 : vector<16xf32>
      %mul3A_3586 = arith.mulf %get3A_176, %get3A_3574 : vector<16xf32>
      %mul3A_3587 = arith.mulf %get3A_179, %get3A_3579 : vector<16xf32>
      %mul3A_3588 = arith.mulf %get3A_182, %get3A_3584 : vector<16xf32>
      %add3A_3589 = arith.addf %mul3A_3585, %mul3A_3586 : vector<16xf32>
      %add3A_3590 = arith.addf %add3A_3589, %mul3A_3587 : vector<16xf32>
      %add3A_3591 = arith.addf %add3A_3590, %mul3A_3588 : vector<16xf32>
      %reduce_sum3A_3592 = arith.constant true
      %reduce_sum3A_3593 = vector.broadcast %reduce_sum3A_3592 : i1 to vector<16xi1>
      %reduce_sum3A_3594 = tpu.scan <sum>, %add3A_3591 masked %reduce_sum3A_3593 : vector<16xf32>, vector<16xi1> -> vector<16xf32>
      %reduce_sum3A_3595 = vector.extract %reduce_sum3A_3594[15] : f32 from vector<16xf32>
      %mul3A_3596 = arith.mulf %squeeze3A, %reduce_sum3A_321 : f32
      %mul3A_3597 = arith.mulf %sub3A_246, %reduce_sum3A_3595 : f32
      %add3A_3598 = arith.addf %mul3A_3596, %mul3A_3597 : f32
      %gt3A_3599 = arith.cmpf ogt, %add3A_3598, %select_n3A_3486 : f32
      %select_n3A_3600 = arith.select %gt3A_3599, %add3A_3598, %select_n3A_3486 : f32
      %jit3A_3601 = arith.constant 28 : i32
      %select_n3A_3602 = arith.select %gt3A_3599, %jit3A_3601, %select_n3A_3488 : i32
      %add3A_3603 = arith.constant 28 : i32
      %add3A_3604 = arith.addi %add3A_364, %add3A_3603 : i32
      %get3A_3605 = arith.index_cast %add3A_3604 : i32 to index
      %get3A_3606 = arith.constant 64 : index
      %get3A_3607 = tpu.vector_load %arg15[%get3A_3605, %get3A_3606] {strides = array<i32>} : memref<128x256xf32, #tpu.memory_space<vmem>>, vector<16xf32>,
      %add3A_3608 = arith.constant 28 : i32
      %add3A_3609 = arith.addi %add3A_364, %add3A_3608 : i32
      %get3A_3610 = arith.index_cast %add3A_3609 : i32 to index
      %get3A_3611 = arith.constant 80 : index
      %get3A_3612 = tpu.vector_load %arg15[%get3A_3610, %get3A_3611] {strides = array<i32>} : memref<128x256xf32, #tpu.memory_space<vmem>>, vector<16xf32>,
      %add3A_3613 = arith.constant 28 : i32
      %add3A_3614 = arith.addi %add3A_364, %add3A_3613 : i32
      %get3A_3615 = arith.index_cast %add3A_3614 : i32 to index
      %get3A_3616 = arith.constant 96 : index
      %get3A_3617 = tpu.vector_load %arg15[%get3A_3615, %get3A_3616] {strides = array<i32>} : memref<128x256xf32, #tpu.memory_space<vmem>>, vector<16xf32>,
      %add3A_3618 = arith.constant 28 : i32
      %add3A_3619 = arith.addi %add3A_364, %add3A_3618 : i32
      %get3A_3620 = arith.index_cast %add3A_3619 : i32 to index
      %get3A_3621 = arith.constant 112 : index
      %get3A_3622 = tpu.vector_load %arg15[%get3A_3620, %get3A_3621] {strides = array<i32>} : memref<128x256xf32, #tpu.memory_space<vmem>>, vector<16xf32>,
      %mul3A_3623 = arith.mulf %get3A_185, %get3A_3607 : vector<16xf32>
      %mul3A_3624 = arith.mulf %get3A_188, %get3A_3612 : vector<16xf32>
      %mul3A_3625 = arith.mulf %get3A_191, %get3A_3617 : vector<16xf32>
      %mul3A_3626 = arith.mulf %get3A_194, %get3A_3622 : vector<16xf32>
      %add3A_3627 = arith.addf %mul3A_3623, %mul3A_3624 : vector<16xf32>
      %add3A_3628 = arith.addf %add3A_3627, %mul3A_3625 : vector<16xf32>
      %add3A_3629 = arith.addf %add3A_3628, %mul3A_3626 : vector<16xf32>
      %reduce_sum3A_3630 = arith.constant true
      %reduce_sum3A_3631 = vector.broadcast %reduce_sum3A_3630 : i1 to vector<16xi1>
      %reduce_sum3A_3632 = tpu.scan <sum>, %add3A_3629 masked %reduce_sum3A_3631 : vector<16xf32>, vector<16xi1> -> vector<16xf32>
      %reduce_sum3A_3633 = vector.extract %reduce_sum3A_3632[15] : f32 from vector<16xf32>
      %mul3A_3634 = arith.mulf %squeeze3A, %reduce_sum3A_332 : f32
      %mul3A_3635 = arith.mulf %sub3A_246, %reduce_sum3A_3633 : f32
      %add3A_3636 = arith.addf %mul3A_3634, %mul3A_3635 : f32
      %gt3A_3637 = arith.cmpf ogt, %add3A_3636, %select_n3A_3524 : f32
      %select_n3A_3638 = arith.select %gt3A_3637, %add3A_3636, %select_n3A_3524 : f32
      %jit3A_3639 = arith.constant 28 : i32
      %select_n3A_3640 = arith.select %gt3A_3637, %jit3A_3639, %select_n3A_3526 : i32
      %add3A_3641 = arith.constant 28 : i32
      %add3A_3642 = arith.addi %add3A_364, %add3A_3641 : i32
      %get3A_3643 = arith.index_cast %add3A_3642 : i32 to index
      %get3A_3644 = arith.constant 128 : index
      %get3A_3645 = tpu.vector_load %arg15[%get3A_3643, %get3A_3644] {strides = array<i32>} : memref<128x256xf32, #tpu.memory_space<vmem>>, vector<16xf32>,
      %add3A_3646 = arith.constant 28 : i32
      %add3A_3647 = arith.addi %add3A_364, %add3A_3646 : i32
      %get3A_3648 = arith.index_cast %add3A_3647 : i32 to index
      %get3A_3649 = arith.constant 144 : index
      %get3A_3650 = tpu.vector_load %arg15[%get3A_3648, %get3A_3649] {strides = array<i32>} : memref<128x256xf32, #tpu.memory_space<vmem>>, vector<16xf32>,
      %add3A_3651 = arith.constant 28 : i32
      %add3A_3652 = arith.addi %add3A_364, %add3A_3651 : i32
      %get3A_3653 = arith.index_cast %add3A_3652 : i32 to index
      %get3A_3654 = arith.constant 160 : index
      %get3A_3655 = tpu.vector_load %arg15[%get3A_3653, %get3A_3654] {strides = array<i32>} : memref<128x256xf32, #tpu.memory_space<vmem>>, vector<16xf32>,
      %add3A_3656 = arith.constant 28 : i32
      %add3A_3657 = arith.addi %add3A_364, %add3A_3656 : i32
      %get3A_3658 = arith.index_cast %add3A_3657 : i32 to index
      %get3A_3659 = arith.constant 176 : index
      %get3A_3660 = tpu.vector_load %arg15[%get3A_3658, %get3A_3659] {strides = array<i32>} : memref<128x256xf32, #tpu.memory_space<vmem>>, vector<16xf32>,
      %mul3A_3661 = arith.mulf %get3A_197, %get3A_3645 : vector<16xf32>
      %mul3A_3662 = arith.mulf %get3A_200, %get3A_3650 : vector<16xf32>
      %mul3A_3663 = arith.mulf %get3A_203, %get3A_3655 : vector<16xf32>
      %mul3A_3664 = arith.mulf %get3A_206, %get3A_3660 : vector<16xf32>
      %add3A_3665 = arith.addf %mul3A_3661, %mul3A_3662 : vector<16xf32>
      %add3A_3666 = arith.addf %add3A_3665, %mul3A_3663 : vector<16xf32>
      %add3A_3667 = arith.addf %add3A_3666, %mul3A_3664 : vector<16xf32>
      %reduce_sum3A_3668 = arith.constant true
      %reduce_sum3A_3669 = vector.broadcast %reduce_sum3A_3668 : i1 to vector<16xi1>
      %reduce_sum3A_3670 = tpu.scan <sum>, %add3A_3667 masked %reduce_sum3A_3669 : vector<16xf32>, vector<16xi1> -> vector<16xf32>
      %reduce_sum3A_3671 = vector.extract %reduce_sum3A_3670[15] : f32 from vector<16xf32>
      %mul3A_3672 = arith.mulf %squeeze3A, %reduce_sum3A_343 : f32
      %mul3A_3673 = arith.mulf %sub3A_246, %reduce_sum3A_3671 : f32
      %add3A_3674 = arith.addf %mul3A_3672, %mul3A_3673 : f32
      %gt3A_3675 = arith.cmpf ogt, %add3A_3674, %select_n3A_3562 : f32
      %select_n3A_3676 = arith.select %gt3A_3675, %add3A_3674, %select_n3A_3562 : f32
      %jit3A_3677 = arith.constant 28 : i32
      %select_n3A_3678 = arith.select %gt3A_3675, %jit3A_3677, %select_n3A_3564 : i32
      %add3A_3679 = arith.constant 29 : i32
      %add3A_3680 = arith.addi %add3A_364, %add3A_3679 : i32
      %get3A_3681 = arith.index_cast %add3A_3680 : i32 to index
      %get3A_3682 = arith.constant 0 : index
      %get3A_3683 = tpu.vector_load %arg15[%get3A_3681, %get3A_3682] {strides = array<i32>} : memref<128x256xf32, #tpu.memory_space<vmem>>, vector<16xf32>,
      %add3A_3684 = arith.constant 29 : i32
      %add3A_3685 = arith.addi %add3A_364, %add3A_3684 : i32
      %get3A_3686 = arith.index_cast %add3A_3685 : i32 to index
      %get3A_3687 = arith.constant 16 : index
      %get3A_3688 = tpu.vector_load %arg15[%get3A_3686, %get3A_3687] {strides = array<i32>} : memref<128x256xf32, #tpu.memory_space<vmem>>, vector<16xf32>,
      %add3A_3689 = arith.constant 29 : i32
      %add3A_3690 = arith.addi %add3A_364, %add3A_3689 : i32
      %get3A_3691 = arith.index_cast %add3A_3690 : i32 to index
      %get3A_3692 = arith.constant 32 : index
      %get3A_3693 = tpu.vector_load %arg15[%get3A_3691, %get3A_3692] {strides = array<i32>} : memref<128x256xf32, #tpu.memory_space<vmem>>, vector<16xf32>,
      %add3A_3694 = arith.constant 29 : i32
      %add3A_3695 = arith.addi %add3A_364, %add3A_3694 : i32
      %get3A_3696 = arith.index_cast %add3A_3695 : i32 to index
      %get3A_3697 = arith.constant 48 : index
      %get3A_3698 = tpu.vector_load %arg15[%get3A_3696, %get3A_3697] {strides = array<i32>} : memref<128x256xf32, #tpu.memory_space<vmem>>, vector<16xf32>,
      %mul3A_3699 = arith.mulf %get3A_173, %get3A_3683 : vector<16xf32>
      %mul3A_3700 = arith.mulf %get3A_176, %get3A_3688 : vector<16xf32>
      %mul3A_3701 = arith.mulf %get3A_179, %get3A_3693 : vector<16xf32>
      %mul3A_3702 = arith.mulf %get3A_182, %get3A_3698 : vector<16xf32>
      %add3A_3703 = arith.addf %mul3A_3699, %mul3A_3700 : vector<16xf32>
      %add3A_3704 = arith.addf %add3A_3703, %mul3A_3701 : vector<16xf32>
      %add3A_3705 = arith.addf %add3A_3704, %mul3A_3702 : vector<16xf32>
      %reduce_sum3A_3706 = arith.constant true
      %reduce_sum3A_3707 = vector.broadcast %reduce_sum3A_3706 : i1 to vector<16xi1>
      %reduce_sum3A_3708 = tpu.scan <sum>, %add3A_3705 masked %reduce_sum3A_3707 : vector<16xf32>, vector<16xi1> -> vector<16xf32>
      %reduce_sum3A_3709 = vector.extract %reduce_sum3A_3708[15] : f32 from vector<16xf32>
      %mul3A_3710 = arith.mulf %squeeze3A, %reduce_sum3A_321 : f32
      %mul3A_3711 = arith.mulf %sub3A_246, %reduce_sum3A_3709 : f32
      %add3A_3712 = arith.addf %mul3A_3710, %mul3A_3711 : f32
      %gt3A_3713 = arith.cmpf ogt, %add3A_3712, %select_n3A_3600 : f32
      %select_n3A_3714 = arith.select %gt3A_3713, %add3A_3712, %select_n3A_3600 : f32
      %jit3A_3715 = arith.constant 29 : i32
      %select_n3A_3716 = arith.select %gt3A_3713, %jit3A_3715, %select_n3A_3602 : i32
      %add3A_3717 = arith.constant 29 : i32
      %add3A_3718 = arith.addi %add3A_364, %add3A_3717 : i32
      %get3A_3719 = arith.index_cast %add3A_3718 : i32 to index
      %get3A_3720 = arith.constant 64 : index
      %get3A_3721 = tpu.vector_load %arg15[%get3A_3719, %get3A_3720] {strides = array<i32>} : memref<128x256xf32, #tpu.memory_space<vmem>>, vector<16xf32>,
      %add3A_3722 = arith.constant 29 : i32
      %add3A_3723 = arith.addi %add3A_364, %add3A_3722 : i32
      %get3A_3724 = arith.index_cast %add3A_3723 : i32 to index
      %get3A_3725 = arith.constant 80 : index
      %get3A_3726 = tpu.vector_load %arg15[%get3A_3724, %get3A_3725] {strides = array<i32>} : memref<128x256xf32, #tpu.memory_space<vmem>>, vector<16xf32>,
      %add3A_3727 = arith.constant 29 : i32
      %add3A_3728 = arith.addi %add3A_364, %add3A_3727 : i32
      %get3A_3729 = arith.index_cast %add3A_3728 : i32 to index
      %get3A_3730 = arith.constant 96 : index
      %get3A_3731 = tpu.vector_load %arg15[%get3A_3729, %get3A_3730] {strides = array<i32>} : memref<128x256xf32, #tpu.memory_space<vmem>>, vector<16xf32>,
      %add3A_3732 = arith.constant 29 : i32
      %add3A_3733 = arith.addi %add3A_364, %add3A_3732 : i32
      %get3A_3734 = arith.index_cast %add3A_3733 : i32 to index
      %get3A_3735 = arith.constant 112 : index
      %get3A_3736 = tpu.vector_load %arg15[%get3A_3734, %get3A_3735] {strides = array<i32>} : memref<128x256xf32, #tpu.memory_space<vmem>>, vector<16xf32>,
      %mul3A_3737 = arith.mulf %get3A_185, %get3A_3721 : vector<16xf32>
      %mul3A_3738 = arith.mulf %get3A_188, %get3A_3726 : vector<16xf32>
      %mul3A_3739 = arith.mulf %get3A_191, %get3A_3731 : vector<16xf32>
      %mul3A_3740 = arith.mulf %get3A_194, %get3A_3736 : vector<16xf32>
      %add3A_3741 = arith.addf %mul3A_3737, %mul3A_3738 : vector<16xf32>
      %add3A_3742 = arith.addf %add3A_3741, %mul3A_3739 : vector<16xf32>
      %add3A_3743 = arith.addf %add3A_3742, %mul3A_3740 : vector<16xf32>
      %reduce_sum3A_3744 = arith.constant true
      %reduce_sum3A_3745 = vector.broadcast %reduce_sum3A_3744 : i1 to vector<16xi1>
      %reduce_sum3A_3746 = tpu.scan <sum>, %add3A_3743 masked %reduce_sum3A_3745 : vector<16xf32>, vector<16xi1> -> vector<16xf32>
      %reduce_sum3A_3747 = vector.extract %reduce_sum3A_3746[15] : f32 from vector<16xf32>
      %mul3A_3748 = arith.mulf %squeeze3A, %reduce_sum3A_332 : f32
      %mul3A_3749 = arith.mulf %sub3A_246, %reduce_sum3A_3747 : f32
      %add3A_3750 = arith.addf %mul3A_3748, %mul3A_3749 : f32
      %gt3A_3751 = arith.cmpf ogt, %add3A_3750, %select_n3A_3638 : f32
      %select_n3A_3752 = arith.select %gt3A_3751, %add3A_3750, %select_n3A_3638 : f32
      %jit3A_3753 = arith.constant 29 : i32
      %select_n3A_3754 = arith.select %gt3A_3751, %jit3A_3753, %select_n3A_3640 : i32
      %add3A_3755 = arith.constant 29 : i32
      %add3A_3756 = arith.addi %add3A_364, %add3A_3755 : i32
      %get3A_3757 = arith.index_cast %add3A_3756 : i32 to index
      %get3A_3758 = arith.constant 128 : index
      %get3A_3759 = tpu.vector_load %arg15[%get3A_3757, %get3A_3758] {strides = array<i32>} : memref<128x256xf32, #tpu.memory_space<vmem>>, vector<16xf32>,
      %add3A_3760 = arith.constant 29 : i32
      %add3A_3761 = arith.addi %add3A_364, %add3A_3760 : i32
      %get3A_3762 = arith.index_cast %add3A_3761 : i32 to index
      %get3A_3763 = arith.constant 144 : index
      %get3A_3764 = tpu.vector_load %arg15[%get3A_3762, %get3A_3763] {strides = array<i32>} : memref<128x256xf32, #tpu.memory_space<vmem>>, vector<16xf32>,
      %add3A_3765 = arith.constant 29 : i32
      %add3A_3766 = arith.addi %add3A_364, %add3A_3765 : i32
      %get3A_3767 = arith.index_cast %add3A_3766 : i32 to index
      %get3A_3768 = arith.constant 160 : index
      %get3A_3769 = tpu.vector_load %arg15[%get3A_3767, %get3A_3768] {strides = array<i32>} : memref<128x256xf32, #tpu.memory_space<vmem>>, vector<16xf32>,
      %add3A_3770 = arith.constant 29 : i32
      %add3A_3771 = arith.addi %add3A_364, %add3A_3770 : i32
      %get3A_3772 = arith.index_cast %add3A_3771 : i32 to index
      %get3A_3773 = arith.constant 176 : index
      %get3A_3774 = tpu.vector_load %arg15[%get3A_3772, %get3A_3773] {strides = array<i32>} : memref<128x256xf32, #tpu.memory_space<vmem>>, vector<16xf32>,
      %mul3A_3775 = arith.mulf %get3A_197, %get3A_3759 : vector<16xf32>
      %mul3A_3776 = arith.mulf %get3A_200, %get3A_3764 : vector<16xf32>
      %mul3A_3777 = arith.mulf %get3A_203, %get3A_3769 : vector<16xf32>
      %mul3A_3778 = arith.mulf %get3A_206, %get3A_3774 : vector<16xf32>
      %add3A_3779 = arith.addf %mul3A_3775, %mul3A_3776 : vector<16xf32>
      %add3A_3780 = arith.addf %add3A_3779, %mul3A_3777 : vector<16xf32>
      %add3A_3781 = arith.addf %add3A_3780, %mul3A_3778 : vector<16xf32>
      %reduce_sum3A_3782 = arith.constant true
      %reduce_sum3A_3783 = vector.broadcast %reduce_sum3A_3782 : i1 to vector<16xi1>
      %reduce_sum3A_3784 = tpu.scan <sum>, %add3A_3781 masked %reduce_sum3A_3783 : vector<16xf32>, vector<16xi1> -> vector<16xf32>
      %reduce_sum3A_3785 = vector.extract %reduce_sum3A_3784[15] : f32 from vector<16xf32>
      %mul3A_3786 = arith.mulf %squeeze3A, %reduce_sum3A_343 : f32
      %mul3A_3787 = arith.mulf %sub3A_246, %reduce_sum3A_3785 : f32
      %add3A_3788 = arith.addf %mul3A_3786, %mul3A_3787 : f32
      %gt3A_3789 = arith.cmpf ogt, %add3A_3788, %select_n3A_3676 : f32
      %select_n3A_3790 = arith.select %gt3A_3789, %add3A_3788, %select_n3A_3676 : f32
      %jit3A_3791 = arith.constant 29 : i32
      %select_n3A_3792 = arith.select %gt3A_3789, %jit3A_3791, %select_n3A_3678 : i32
      %add3A_3793 = arith.constant 30 : i32
      %add3A_3794 = arith.addi %add3A_364, %add3A_3793 : i32
      %get3A_3795 = arith.index_cast %add3A_3794 : i32 to index
      %get3A_3796 = arith.constant 0 : index
      %get3A_3797 = tpu.vector_load %arg15[%get3A_3795, %get3A_3796] {strides = array<i32>} : memref<128x256xf32, #tpu.memory_space<vmem>>, vector<16xf32>,
      %add3A_3798 = arith.constant 30 : i32
      %add3A_3799 = arith.addi %add3A_364, %add3A_3798 : i32
      %get3A_3800 = arith.index_cast %add3A_3799 : i32 to index
      %get3A_3801 = arith.constant 16 : index
      %get3A_3802 = tpu.vector_load %arg15[%get3A_3800, %get3A_3801] {strides = array<i32>} : memref<128x256xf32, #tpu.memory_space<vmem>>, vector<16xf32>,
      %add3A_3803 = arith.constant 30 : i32
      %add3A_3804 = arith.addi %add3A_364, %add3A_3803 : i32
      %get3A_3805 = arith.index_cast %add3A_3804 : i32 to index
      %get3A_3806 = arith.constant 32 : index
      %get3A_3807 = tpu.vector_load %arg15[%get3A_3805, %get3A_3806] {strides = array<i32>} : memref<128x256xf32, #tpu.memory_space<vmem>>, vector<16xf32>,
      %add3A_3808 = arith.constant 30 : i32
      %add3A_3809 = arith.addi %add3A_364, %add3A_3808 : i32
      %get3A_3810 = arith.index_cast %add3A_3809 : i32 to index
      %get3A_3811 = arith.constant 48 : index
      %get3A_3812 = tpu.vector_load %arg15[%get3A_3810, %get3A_3811] {strides = array<i32>} : memref<128x256xf32, #tpu.memory_space<vmem>>, vector<16xf32>,
      %mul3A_3813 = arith.mulf %get3A_173, %get3A_3797 : vector<16xf32>
      %mul3A_3814 = arith.mulf %get3A_176, %get3A_3802 : vector<16xf32>
      %mul3A_3815 = arith.mulf %get3A_179, %get3A_3807 : vector<16xf32>
      %mul3A_3816 = arith.mulf %get3A_182, %get3A_3812 : vector<16xf32>
      %add3A_3817 = arith.addf %mul3A_3813, %mul3A_3814 : vector<16xf32>
      %add3A_3818 = arith.addf %add3A_3817, %mul3A_3815 : vector<16xf32>
      %add3A_3819 = arith.addf %add3A_3818, %mul3A_3816 : vector<16xf32>
      %reduce_sum3A_3820 = arith.constant true
      %reduce_sum3A_3821 = vector.broadcast %reduce_sum3A_3820 : i1 to vector<16xi1>
      %reduce_sum3A_3822 = tpu.scan <sum>, %add3A_3819 masked %reduce_sum3A_3821 : vector<16xf32>, vector<16xi1> -> vector<16xf32>
      %reduce_sum3A_3823 = vector.extract %reduce_sum3A_3822[15] : f32 from vector<16xf32>
      %mul3A_3824 = arith.mulf %squeeze3A, %reduce_sum3A_321 : f32
      %mul3A_3825 = arith.mulf %sub3A_246, %reduce_sum3A_3823 : f32
      %add3A_3826 = arith.addf %mul3A_3824, %mul3A_3825 : f32
      %gt3A_3827 = arith.cmpf ogt, %add3A_3826, %select_n3A_3714 : f32
      %select_n3A_3828 = arith.select %gt3A_3827, %add3A_3826, %select_n3A_3714 : f32
      %jit3A_3829 = arith.constant 30 : i32
      %select_n3A_3830 = arith.select %gt3A_3827, %jit3A_3829, %select_n3A_3716 : i32
      %add3A_3831 = arith.constant 30 : i32
      %add3A_3832 = arith.addi %add3A_364, %add3A_3831 : i32
      %get3A_3833 = arith.index_cast %add3A_3832 : i32 to index
      %get3A_3834 = arith.constant 64 : index
      %get3A_3835 = tpu.vector_load %arg15[%get3A_3833, %get3A_3834] {strides = array<i32>} : memref<128x256xf32, #tpu.memory_space<vmem>>, vector<16xf32>,
      %add3A_3836 = arith.constant 30 : i32
      %add3A_3837 = arith.addi %add3A_364, %add3A_3836 : i32
      %get3A_3838 = arith.index_cast %add3A_3837 : i32 to index
      %get3A_3839 = arith.constant 80 : index
      %get3A_3840 = tpu.vector_load %arg15[%get3A_3838, %get3A_3839] {strides = array<i32>} : memref<128x256xf32, #tpu.memory_space<vmem>>, vector<16xf32>,
      %add3A_3841 = arith.constant 30 : i32
      %add3A_3842 = arith.addi %add3A_364, %add3A_3841 : i32
      %get3A_3843 = arith.index_cast %add3A_3842 : i32 to index
      %get3A_3844 = arith.constant 96 : index
      %get3A_3845 = tpu.vector_load %arg15[%get3A_3843, %get3A_3844] {strides = array<i32>} : memref<128x256xf32, #tpu.memory_space<vmem>>, vector<16xf32>,
      %add3A_3846 = arith.constant 30 : i32
      %add3A_3847 = arith.addi %add3A_364, %add3A_3846 : i32
      %get3A_3848 = arith.index_cast %add3A_3847 : i32 to index
      %get3A_3849 = arith.constant 112 : index
      %get3A_3850 = tpu.vector_load %arg15[%get3A_3848, %get3A_3849] {strides = array<i32>} : memref<128x256xf32, #tpu.memory_space<vmem>>, vector<16xf32>,
      %mul3A_3851 = arith.mulf %get3A_185, %get3A_3835 : vector<16xf32>
      %mul3A_3852 = arith.mulf %get3A_188, %get3A_3840 : vector<16xf32>
      %mul3A_3853 = arith.mulf %get3A_191, %get3A_3845 : vector<16xf32>
      %mul3A_3854 = arith.mulf %get3A_194, %get3A_3850 : vector<16xf32>
      %add3A_3855 = arith.addf %mul3A_3851, %mul3A_3852 : vector<16xf32>
      %add3A_3856 = arith.addf %add3A_3855, %mul3A_3853 : vector<16xf32>
      %add3A_3857 = arith.addf %add3A_3856, %mul3A_3854 : vector<16xf32>
      %reduce_sum3A_3858 = arith.constant true
      %reduce_sum3A_3859 = vector.broadcast %reduce_sum3A_3858 : i1 to vector<16xi1>
      %reduce_sum3A_3860 = tpu.scan <sum>, %add3A_3857 masked %reduce_sum3A_3859 : vector<16xf32>, vector<16xi1> -> vector<16xf32>
      %reduce_sum3A_3861 = vector.extract %reduce_sum3A_3860[15] : f32 from vector<16xf32>
      %mul3A_3862 = arith.mulf %squeeze3A, %reduce_sum3A_332 : f32
      %mul3A_3863 = arith.mulf %sub3A_246, %reduce_sum3A_3861 : f32
      %add3A_3864 = arith.addf %mul3A_3862, %mul3A_3863 : f32
      %gt3A_3865 = arith.cmpf ogt, %add3A_3864, %select_n3A_3752 : f32
      %select_n3A_3866 = arith.select %gt3A_3865, %add3A_3864, %select_n3A_3752 : f32
      %jit3A_3867 = arith.constant 30 : i32
      %select_n3A_3868 = arith.select %gt3A_3865, %jit3A_3867, %select_n3A_3754 : i32
      %add3A_3869 = arith.constant 30 : i32
      %add3A_3870 = arith.addi %add3A_364, %add3A_3869 : i32
      %get3A_3871 = arith.index_cast %add3A_3870 : i32 to index
      %get3A_3872 = arith.constant 128 : index
      %get3A_3873 = tpu.vector_load %arg15[%get3A_3871, %get3A_3872] {strides = array<i32>} : memref<128x256xf32, #tpu.memory_space<vmem>>, vector<16xf32>,
      %add3A_3874 = arith.constant 30 : i32
      %add3A_3875 = arith.addi %add3A_364, %add3A_3874 : i32
      %get3A_3876 = arith.index_cast %add3A_3875 : i32 to index
      %get3A_3877 = arith.constant 144 : index
      %get3A_3878 = tpu.vector_load %arg15[%get3A_3876, %get3A_3877] {strides = array<i32>} : memref<128x256xf32, #tpu.memory_space<vmem>>, vector<16xf32>,
      %add3A_3879 = arith.constant 30 : i32
      %add3A_3880 = arith.addi %add3A_364, %add3A_3879 : i32
      %get3A_3881 = arith.index_cast %add3A_3880 : i32 to index
      %get3A_3882 = arith.constant 160 : index
      %get3A_3883 = tpu.vector_load %arg15[%get3A_3881, %get3A_3882] {strides = array<i32>} : memref<128x256xf32, #tpu.memory_space<vmem>>, vector<16xf32>,
      %add3A_3884 = arith.constant 30 : i32
      %add3A_3885 = arith.addi %add3A_364, %add3A_3884 : i32
      %get3A_3886 = arith.index_cast %add3A_3885 : i32 to index
      %get3A_3887 = arith.constant 176 : index
      %get3A_3888 = tpu.vector_load %arg15[%get3A_3886, %get3A_3887] {strides = array<i32>} : memref<128x256xf32, #tpu.memory_space<vmem>>, vector<16xf32>,
      %mul3A_3889 = arith.mulf %get3A_197, %get3A_3873 : vector<16xf32>
      %mul3A_3890 = arith.mulf %get3A_200, %get3A_3878 : vector<16xf32>
      %mul3A_3891 = arith.mulf %get3A_203, %get3A_3883 : vector<16xf32>
      %mul3A_3892 = arith.mulf %get3A_206, %get3A_3888 : vector<16xf32>
      %add3A_3893 = arith.addf %mul3A_3889, %mul3A_3890 : vector<16xf32>
      %add3A_3894 = arith.addf %add3A_3893, %mul3A_3891 : vector<16xf32>
      %add3A_3895 = arith.addf %add3A_3894, %mul3A_3892 : vector<16xf32>
      %reduce_sum3A_3896 = arith.constant true
      %reduce_sum3A_3897 = vector.broadcast %reduce_sum3A_3896 : i1 to vector<16xi1>
      %reduce_sum3A_3898 = tpu.scan <sum>, %add3A_3895 masked %reduce_sum3A_3897 : vector<16xf32>, vector<16xi1> -> vector<16xf32>
      %reduce_sum3A_3899 = vector.extract %reduce_sum3A_3898[15] : f32 from vector<16xf32>
      %mul3A_3900 = arith.mulf %squeeze3A, %reduce_sum3A_343 : f32
      %mul3A_3901 = arith.mulf %sub3A_246, %reduce_sum3A_3899 : f32
      %add3A_3902 = arith.addf %mul3A_3900, %mul3A_3901 : f32
      %gt3A_3903 = arith.cmpf ogt, %add3A_3902, %select_n3A_3790 : f32
      %select_n3A_3904 = arith.select %gt3A_3903, %add3A_3902, %select_n3A_3790 : f32
      %jit3A_3905 = arith.constant 30 : i32
      %select_n3A_3906 = arith.select %gt3A_3903, %jit3A_3905, %select_n3A_3792 : i32
      %add3A_3907 = arith.constant 31 : i32
      %add3A_3908 = arith.addi %add3A_364, %add3A_3907 : i32
      %get3A_3909 = arith.index_cast %add3A_3908 : i32 to index
      %get3A_3910 = arith.constant 0 : index
      %get3A_3911 = tpu.vector_load %arg15[%get3A_3909, %get3A_3910] {strides = array<i32>} : memref<128x256xf32, #tpu.memory_space<vmem>>, vector<16xf32>,
      %add3A_3912 = arith.constant 31 : i32
      %add3A_3913 = arith.addi %add3A_364, %add3A_3912 : i32
      %get3A_3914 = arith.index_cast %add3A_3913 : i32 to index
      %get3A_3915 = arith.constant 16 : index
      %get3A_3916 = tpu.vector_load %arg15[%get3A_3914, %get3A_3915] {strides = array<i32>} : memref<128x256xf32, #tpu.memory_space<vmem>>, vector<16xf32>,
      %add3A_3917 = arith.constant 31 : i32
      %add3A_3918 = arith.addi %add3A_364, %add3A_3917 : i32
      %get3A_3919 = arith.index_cast %add3A_3918 : i32 to index
      %get3A_3920 = arith.constant 32 : index
      %get3A_3921 = tpu.vector_load %arg15[%get3A_3919, %get3A_3920] {strides = array<i32>} : memref<128x256xf32, #tpu.memory_space<vmem>>, vector<16xf32>,
      %add3A_3922 = arith.constant 31 : i32
      %add3A_3923 = arith.addi %add3A_364, %add3A_3922 : i32
      %get3A_3924 = arith.index_cast %add3A_3923 : i32 to index
      %get3A_3925 = arith.constant 48 : index
      %get3A_3926 = tpu.vector_load %arg15[%get3A_3924, %get3A_3925] {strides = array<i32>} : memref<128x256xf32, #tpu.memory_space<vmem>>, vector<16xf32>,
      %mul3A_3927 = arith.mulf %get3A_173, %get3A_3911 : vector<16xf32>
      %mul3A_3928 = arith.mulf %get3A_176, %get3A_3916 : vector<16xf32>
      %mul3A_3929 = arith.mulf %get3A_179, %get3A_3921 : vector<16xf32>
      %mul3A_3930 = arith.mulf %get3A_182, %get3A_3926 : vector<16xf32>
      %add3A_3931 = arith.addf %mul3A_3927, %mul3A_3928 : vector<16xf32>
      %add3A_3932 = arith.addf %add3A_3931, %mul3A_3929 : vector<16xf32>
      %add3A_3933 = arith.addf %add3A_3932, %mul3A_3930 : vector<16xf32>
      %reduce_sum3A_3934 = arith.constant true
      %reduce_sum3A_3935 = vector.broadcast %reduce_sum3A_3934 : i1 to vector<16xi1>
      %reduce_sum3A_3936 = tpu.scan <sum>, %add3A_3933 masked %reduce_sum3A_3935 : vector<16xf32>, vector<16xi1> -> vector<16xf32>
      %reduce_sum3A_3937 = vector.extract %reduce_sum3A_3936[15] : f32 from vector<16xf32>
      %mul3A_3938 = arith.mulf %squeeze3A, %reduce_sum3A_321 : f32
      %mul3A_3939 = arith.mulf %sub3A_246, %reduce_sum3A_3937 : f32
      %add3A_3940 = arith.addf %mul3A_3938, %mul3A_3939 : f32
      %gt3A_3941 = arith.cmpf ogt, %add3A_3940, %select_n3A_3828 : f32
      %select_n3A_3942 = arith.select %gt3A_3941, %add3A_3940, %select_n3A_3828 : f32
      %jit3A_3943 = arith.constant 31 : i32
      %select_n3A_3944 = arith.select %gt3A_3941, %jit3A_3943, %select_n3A_3830 : i32
      %add3A_3945 = arith.constant 31 : i32
      %add3A_3946 = arith.addi %add3A_364, %add3A_3945 : i32
      %get3A_3947 = arith.index_cast %add3A_3946 : i32 to index
      %get3A_3948 = arith.constant 64 : index
      %get3A_3949 = tpu.vector_load %arg15[%get3A_3947, %get3A_3948] {strides = array<i32>} : memref<128x256xf32, #tpu.memory_space<vmem>>, vector<16xf32>,
      %add3A_3950 = arith.constant 31 : i32
      %add3A_3951 = arith.addi %add3A_364, %add3A_3950 : i32
      %get3A_3952 = arith.index_cast %add3A_3951 : i32 to index
      %get3A_3953 = arith.constant 80 : index
      %get3A_3954 = tpu.vector_load %arg15[%get3A_3952, %get3A_3953] {strides = array<i32>} : memref<128x256xf32, #tpu.memory_space<vmem>>, vector<16xf32>,
      %add3A_3955 = arith.constant 31 : i32
      %add3A_3956 = arith.addi %add3A_364, %add3A_3955 : i32
      %get3A_3957 = arith.index_cast %add3A_3956 : i32 to index
      %get3A_3958 = arith.constant 96 : index
      %get3A_3959 = tpu.vector_load %arg15[%get3A_3957, %get3A_3958] {strides = array<i32>} : memref<128x256xf32, #tpu.memory_space<vmem>>, vector<16xf32>,
      %add3A_3960 = arith.constant 31 : i32
      %add3A_3961 = arith.addi %add3A_364, %add3A_3960 : i32
      %get3A_3962 = arith.index_cast %add3A_3961 : i32 to index
      %get3A_3963 = arith.constant 112 : index
      %get3A_3964 = tpu.vector_load %arg15[%get3A_3962, %get3A_3963] {strides = array<i32>} : memref<128x256xf32, #tpu.memory_space<vmem>>, vector<16xf32>,
      %mul3A_3965 = arith.mulf %get3A_185, %get3A_3949 : vector<16xf32>
      %mul3A_3966 = arith.mulf %get3A_188, %get3A_3954 : vector<16xf32>
      %mul3A_3967 = arith.mulf %get3A_191, %get3A_3959 : vector<16xf32>
      %mul3A_3968 = arith.mulf %get3A_194, %get3A_3964 : vector<16xf32>
      %add3A_3969 = arith.addf %mul3A_3965, %mul3A_3966 : vector<16xf32>
      %add3A_3970 = arith.addf %add3A_3969, %mul3A_3967 : vector<16xf32>
      %add3A_3971 = arith.addf %add3A_3970, %mul3A_3968 : vector<16xf32>
      %reduce_sum3A_3972 = arith.constant true
      %reduce_sum3A_3973 = vector.broadcast %reduce_sum3A_3972 : i1 to vector<16xi1>
      %reduce_sum3A_3974 = tpu.scan <sum>, %add3A_3971 masked %reduce_sum3A_3973 : vector<16xf32>, vector<16xi1> -> vector<16xf32>
      %reduce_sum3A_3975 = vector.extract %reduce_sum3A_3974[15] : f32 from vector<16xf32>
      %mul3A_3976 = arith.mulf %squeeze3A, %reduce_sum3A_332 : f32
      %mul3A_3977 = arith.mulf %sub3A_246, %reduce_sum3A_3975 : f32
      %add3A_3978 = arith.addf %mul3A_3976, %mul3A_3977 : f32
      %gt3A_3979 = arith.cmpf ogt, %add3A_3978, %select_n3A_3866 : f32
      %select_n3A_3980 = arith.select %gt3A_3979, %add3A_3978, %select_n3A_3866 : f32
      %jit3A_3981 = arith.constant 31 : i32
      %select_n3A_3982 = arith.select %gt3A_3979, %jit3A_3981, %select_n3A_3868 : i32
      %add3A_3983 = arith.constant 31 : i32
      %add3A_3984 = arith.addi %add3A_364, %add3A_3983 : i32
      %get3A_3985 = arith.index_cast %add3A_3984 : i32 to index
      %get3A_3986 = arith.constant 128 : index
      %get3A_3987 = tpu.vector_load %arg15[%get3A_3985, %get3A_3986] {strides = array<i32>} : memref<128x256xf32, #tpu.memory_space<vmem>>, vector<16xf32>,
      %add3A_3988 = arith.constant 31 : i32
      %add3A_3989 = arith.addi %add3A_364, %add3A_3988 : i32
      %get3A_3990 = arith.index_cast %add3A_3989 : i32 to index
      %get3A_3991 = arith.constant 144 : index
      %get3A_3992 = tpu.vector_load %arg15[%get3A_3990, %get3A_3991] {strides = array<i32>} : memref<128x256xf32, #tpu.memory_space<vmem>>, vector<16xf32>,
      %add3A_3993 = arith.constant 31 : i32
      %add3A_3994 = arith.addi %add3A_364, %add3A_3993 : i32
      %get3A_3995 = arith.index_cast %add3A_3994 : i32 to index
      %get3A_3996 = arith.constant 160 : index
      %get3A_3997 = tpu.vector_load %arg15[%get3A_3995, %get3A_3996] {strides = array<i32>} : memref<128x256xf32, #tpu.memory_space<vmem>>, vector<16xf32>,
      %add3A_3998 = arith.constant 31 : i32
      %add3A_3999 = arith.addi %add3A_364, %add3A_3998 : i32
      %get3A_4000 = arith.index_cast %add3A_3999 : i32 to index
      %get3A_4001 = arith.constant 176 : index
      %get3A_4002 = tpu.vector_load %arg15[%get3A_4000, %get3A_4001] {strides = array<i32>} : memref<128x256xf32, #tpu.memory_space<vmem>>, vector<16xf32>,
      %mul3A_4003 = arith.mulf %get3A_197, %get3A_3987 : vector<16xf32>
      %mul3A_4004 = arith.mulf %get3A_200, %get3A_3992 : vector<16xf32>
      %mul3A_4005 = arith.mulf %get3A_203, %get3A_3997 : vector<16xf32>
      %mul3A_4006 = arith.mulf %get3A_206, %get3A_4002 : vector<16xf32>
      %add3A_4007 = arith.addf %mul3A_4003, %mul3A_4004 : vector<16xf32>
      %add3A_4008 = arith.addf %add3A_4007, %mul3A_4005 : vector<16xf32>
      %add3A_4009 = arith.addf %add3A_4008, %mul3A_4006 : vector<16xf32>
      %reduce_sum3A_4010 = arith.constant true
      %reduce_sum3A_4011 = vector.broadcast %reduce_sum3A_4010 : i1 to vector<16xi1>
      %reduce_sum3A_4012 = tpu.scan <sum>, %add3A_4009 masked %reduce_sum3A_4011 : vector<16xf32>, vector<16xi1> -> vector<16xf32>
      %reduce_sum3A_4013 = vector.extract %reduce_sum3A_4012[15] : f32 from vector<16xf32>
      %mul3A_4014 = arith.mulf %squeeze3A, %reduce_sum3A_343 : f32
      %mul3A_4015 = arith.mulf %sub3A_246, %reduce_sum3A_4013 : f32
      %add3A_4016 = arith.addf %mul3A_4014, %mul3A_4015 : f32
      %gt3A_4017 = arith.cmpf ogt, %add3A_4016, %select_n3A_3904 : f32
      %select_n3A_4018 = arith.select %gt3A_4017, %add3A_4016, %select_n3A_3904 : f32
      %jit3A_4019 = arith.constant 31 : i32
      %select_n3A_4020 = arith.select %gt3A_4017, %jit3A_4019, %select_n3A_3906 : i32
      %add3A_4021 = arith.addi %add3A_364, %select_n3A_3944 : i32
      %get3A_4022 = arith.index_cast %add3A_4021 : i32 to index
      %get3A_4023 = arith.constant 0 : index
      %get3A_4024 = tpu.vector_load %arg15[%get3A_4022, %get3A_4023] {strides = array<i32>} : memref<128x256xf32, #tpu.memory_space<vmem>>, vector<16xf32>,
      %mul3A_4025 = vector.broadcast %squeeze3A : f32 to vector<16xf32>
      %mul3A_4026 = arith.mulf %mul3A_4025, %get3A_209 : vector<16xf32>
      %mul3A_4027 = vector.broadcast %sub3A_246 : f32 to vector<16xf32>
      %mul3A_4028 = arith.mulf %mul3A_4027, %get3A_4024 : vector<16xf32>
      %add3A_4029 = arith.addf %mul3A_4026, %mul3A_4028 : vector<16xf32>
      %add3A_4030 = arith.addi %add3A_364, %select_n3A_3982 : i32
      %get3A_4031 = arith.index_cast %add3A_4030 : i32 to index
      %get3A_4032 = arith.constant 64 : index
      %get3A_4033 = tpu.vector_load %arg15[%get3A_4031, %get3A_4032] {strides = array<i32>} : memref<128x256xf32, #tpu.memory_space<vmem>>, vector<16xf32>,
      %mul3A_4034 = vector.broadcast %squeeze3A : f32 to vector<16xf32>
      %mul3A_4035 = arith.mulf %mul3A_4034, %get3A_221 : vector<16xf32>
      %mul3A_4036 = vector.broadcast %sub3A_246 : f32 to vector<16xf32>
      %mul3A_4037 = arith.mulf %mul3A_4036, %get3A_4033 : vector<16xf32>
      %add3A_4038 = arith.addf %mul3A_4035, %mul3A_4037 : vector<16xf32>
      %add3A_4039 = arith.addf %add3A_4029, %add3A_4038 : vector<16xf32>
      %add3A_4040 = arith.addi %add3A_364, %select_n3A_4020 : i32
      %get3A_4041 = arith.index_cast %add3A_4040 : i32 to index
      %get3A_4042 = arith.constant 128 : index
      %get3A_4043 = tpu.vector_load %arg15[%get3A_4041, %get3A_4042] {strides = array<i32>} : memref<128x256xf32, #tpu.memory_space<vmem>>, vector<16xf32>,
      %mul3A_4044 = vector.broadcast %squeeze3A : f32 to vector<16xf32>
      %mul3A_4045 = arith.mulf %mul3A_4044, %get3A_233 : vector<16xf32>
      %mul3A_4046 = vector.broadcast %sub3A_246 : f32 to vector<16xf32>
      %mul3A_4047 = arith.mulf %mul3A_4046, %get3A_4043 : vector<16xf32>
      %add3A_4048 = arith.addf %mul3A_4045, %mul3A_4047 : vector<16xf32>
      %add3A_4049 = arith.addf %add3A_4039, %add3A_4048 : vector<16xf32>
      %mul3A_4050 = vector.broadcast %scan3A : f32 to vector<16xf32>
      %mul3A_4051 = arith.mulf %add3A_4049, %mul3A_4050 : vector<16xf32>
      %add3A_4052 = arith.addi %add3A_364, %select_n3A_3944 : i32
      %get3A_4053 = arith.index_cast %add3A_4052 : i32 to index
      %get3A_4054 = arith.constant 16 : index
      %get3A_4055 = tpu.vector_load %arg15[%get3A_4053, %get3A_4054] {strides = array<i32>} : memref<128x256xf32, #tpu.memory_space<vmem>>, vector<16xf32>,
      %mul3A_4056 = vector.broadcast %squeeze3A : f32 to vector<16xf32>
      %mul3A_4057 = arith.mulf %mul3A_4056, %get3A_212 : vector<16xf32>
      %mul3A_4058 = vector.broadcast %sub3A_246 : f32 to vector<16xf32>
      %mul3A_4059 = arith.mulf %mul3A_4058, %get3A_4055 : vector<16xf32>
      %add3A_4060 = arith.addf %mul3A_4057, %mul3A_4059 : vector<16xf32>
      %add3A_4061 = arith.addi %add3A_364, %select_n3A_3982 : i32
      %get3A_4062 = arith.index_cast %add3A_4061 : i32 to index
      %get3A_4063 = arith.constant 80 : index
      %get3A_4064 = tpu.vector_load %arg15[%get3A_4062, %get3A_4063] {strides = array<i32>} : memref<128x256xf32, #tpu.memory_space<vmem>>, vector<16xf32>,
      %mul3A_4065 = vector.broadcast %squeeze3A : f32 to vector<16xf32>
      %mul3A_4066 = arith.mulf %mul3A_4065, %get3A_224 : vector<16xf32>
      %mul3A_4067 = vector.broadcast %sub3A_246 : f32 to vector<16xf32>
      %mul3A_4068 = arith.mulf %mul3A_4067, %get3A_4064 : vector<16xf32>
      %add3A_4069 = arith.addf %mul3A_4066, %mul3A_4068 : vector<16xf32>
      %add3A_4070 = arith.addf %add3A_4060, %add3A_4069 : vector<16xf32>
      %add3A_4071 = arith.addi %add3A_364, %select_n3A_4020 : i32
      %get3A_4072 = arith.index_cast %add3A_4071 : i32 to index
      %get3A_4073 = arith.constant 144 : index
      %get3A_4074 = tpu.vector_load %arg15[%get3A_4072, %get3A_4073] {strides = array<i32>} : memref<128x256xf32, #tpu.memory_space<vmem>>, vector<16xf32>,
      %mul3A_4075 = vector.broadcast %squeeze3A : f32 to vector<16xf32>
      %mul3A_4076 = arith.mulf %mul3A_4075, %get3A_236 : vector<16xf32>
      %mul3A_4077 = vector.broadcast %sub3A_246 : f32 to vector<16xf32>
      %mul3A_4078 = arith.mulf %mul3A_4077, %get3A_4074 : vector<16xf32>
      %add3A_4079 = arith.addf %mul3A_4076, %mul3A_4078 : vector<16xf32>
      %add3A_4080 = arith.addf %add3A_4070, %add3A_4079 : vector<16xf32>
      %mul3A_4081 = vector.broadcast %scan3A : f32 to vector<16xf32>
      %mul3A_4082 = arith.mulf %add3A_4080, %mul3A_4081 : vector<16xf32>
      %add3A_4083 = arith.addi %add3A_364, %select_n3A_3944 : i32
      %get3A_4084 = arith.index_cast %add3A_4083 : i32 to index
      %get3A_4085 = arith.constant 32 : index
      %get3A_4086 = tpu.vector_load %arg15[%get3A_4084, %get3A_4085] {strides = array<i32>} : memref<128x256xf32, #tpu.memory_space<vmem>>, vector<16xf32>,
      %mul3A_4087 = vector.broadcast %squeeze3A : f32 to vector<16xf32>
      %mul3A_4088 = arith.mulf %mul3A_4087, %get3A_215 : vector<16xf32>
      %mul3A_4089 = vector.broadcast %sub3A_246 : f32 to vector<16xf32>
      %mul3A_4090 = arith.mulf %mul3A_4089, %get3A_4086 : vector<16xf32>
      %add3A_4091 = arith.addf %mul3A_4088, %mul3A_4090 : vector<16xf32>
      %add3A_4092 = arith.addi %add3A_364, %select_n3A_3982 : i32
      %get3A_4093 = arith.index_cast %add3A_4092 : i32 to index
      %get3A_4094 = arith.constant 96 : index
      %get3A_4095 = tpu.vector_load %arg15[%get3A_4093, %get3A_4094] {strides = array<i32>} : memref<128x256xf32, #tpu.memory_space<vmem>>, vector<16xf32>,
      %mul3A_4096 = vector.broadcast %squeeze3A : f32 to vector<16xf32>
      %mul3A_4097 = arith.mulf %mul3A_4096, %get3A_227 : vector<16xf32>
      %mul3A_4098 = vector.broadcast %sub3A_246 : f32 to vector<16xf32>
      %mul3A_4099 = arith.mulf %mul3A_4098, %get3A_4095 : vector<16xf32>
      %add3A_4100 = arith.addf %mul3A_4097, %mul3A_4099 : vector<16xf32>
      %add3A_4101 = arith.addf %add3A_4091, %add3A_4100 : vector<16xf32>
      %add3A_4102 = arith.addi %add3A_364, %select_n3A_4020 : i32
      %get3A_4103 = arith.index_cast %add3A_4102 : i32 to index
      %get3A_4104 = arith.constant 160 : index
      %get3A_4105 = tpu.vector_load %arg15[%get3A_4103, %get3A_4104] {strides = array<i32>} : memref<128x256xf32, #tpu.memory_space<vmem>>, vector<16xf32>,
      %mul3A_4106 = vector.broadcast %squeeze3A : f32 to vector<16xf32>
      %mul3A_4107 = arith.mulf %mul3A_4106, %get3A_239 : vector<16xf32>
      %mul3A_4108 = vector.broadcast %sub3A_246 : f32 to vector<16xf32>
      %mul3A_4109 = arith.mulf %mul3A_4108, %get3A_4105 : vector<16xf32>
      %add3A_4110 = arith.addf %mul3A_4107, %mul3A_4109 : vector<16xf32>
      %add3A_4111 = arith.addf %add3A_4101, %add3A_4110 : vector<16xf32>
      %mul3A_4112 = vector.broadcast %scan3A : f32 to vector<16xf32>
      %mul3A_4113 = arith.mulf %add3A_4111, %mul3A_4112 : vector<16xf32>
      %add3A_4114 = arith.addi %add3A_364, %select_n3A_3944 : i32
      %get3A_4115 = arith.index_cast %add3A_4114 : i32 to index
      %get3A_4116 = arith.constant 48 : index
      %get3A_4117 = tpu.vector_load %arg15[%get3A_4115, %get3A_4116] {strides = array<i32>} : memref<128x256xf32, #tpu.memory_space<vmem>>, vector<16xf32>,
      %mul3A_4118 = vector.broadcast %squeeze3A : f32 to vector<16xf32>
      %mul3A_4119 = arith.mulf %mul3A_4118, %get3A_218 : vector<16xf32>
      %mul3A_4120 = vector.broadcast %sub3A_246 : f32 to vector<16xf32>
      %mul3A_4121 = arith.mulf %mul3A_4120, %get3A_4117 : vector<16xf32>
      %add3A_4122 = arith.addf %mul3A_4119, %mul3A_4121 : vector<16xf32>
      %add3A_4123 = arith.addi %add3A_364, %select_n3A_3982 : i32
      %get3A_4124 = arith.index_cast %add3A_4123 : i32 to index
      %get3A_4125 = arith.constant 112 : index
      %get3A_4126 = tpu.vector_load %arg15[%get3A_4124, %get3A_4125] {strides = array<i32>} : memref<128x256xf32, #tpu.memory_space<vmem>>, vector<16xf32>,
      %mul3A_4127 = vector.broadcast %squeeze3A : f32 to vector<16xf32>
      %mul3A_4128 = arith.mulf %mul3A_4127, %get3A_230 : vector<16xf32>
      %mul3A_4129 = vector.broadcast %sub3A_246 : f32 to vector<16xf32>
      %mul3A_4130 = arith.mulf %mul3A_4129, %get3A_4126 : vector<16xf32>
      %add3A_4131 = arith.addf %mul3A_4128, %mul3A_4130 : vector<16xf32>
      %add3A_4132 = arith.addf %add3A_4122, %add3A_4131 : vector<16xf32>
      %add3A_4133 = arith.addi %add3A_364, %select_n3A_4020 : i32
      %get3A_4134 = arith.index_cast %add3A_4133 : i32 to index
      %get3A_4135 = arith.constant 176 : index
      %get3A_4136 = tpu.vector_load %arg15[%get3A_4134, %get3A_4135] {strides = array<i32>} : memref<128x256xf32, #tpu.memory_space<vmem>>, vector<16xf32>,
      %mul3A_4137 = vector.broadcast %squeeze3A : f32 to vector<16xf32>
      %mul3A_4138 = arith.mulf %mul3A_4137, %get3A_242 : vector<16xf32>
      %mul3A_4139 = vector.broadcast %sub3A_246 : f32 to vector<16xf32>
      %mul3A_4140 = arith.mulf %mul3A_4139, %get3A_4136 : vector<16xf32>
      %add3A_4141 = arith.addf %mul3A_4138, %mul3A_4140 : vector<16xf32>
      %add3A_4142 = arith.addf %add3A_4132, %add3A_4141 : vector<16xf32>
      %mul3A_4143 = vector.broadcast %scan3A : f32 to vector<16xf32>
      %mul3A_4144 = arith.mulf %add3A_4142, %mul3A_4143 : vector<16xf32>
      %mul3A_4145 = arith.mulf %mul3A_250, %mul3A_4051 : vector<16xf32>
      %mul3A_4146 = arith.mulf %mul3A_254, %mul3A_4082 : vector<16xf32>
      %mul3A_4147 = arith.mulf %mul3A_258, %mul3A_4113 : vector<16xf32>
      %mul3A_4148 = arith.mulf %mul3A_262, %mul3A_4144 : vector<16xf32>
      %add3A_4149 = arith.addf %mul3A_4145, %mul3A_4146 : vector<16xf32>
      %add3A_4150 = arith.addf %add3A_4149, %mul3A_4147 : vector<16xf32>
      %add3A_4151 = arith.addf %add3A_4150, %mul3A_4148 : vector<16xf32>
      %reduce_sum3A_4152 = arith.constant true
      %reduce_sum3A_4153 = vector.broadcast %reduce_sum3A_4152 : i1 to vector<16xi1>
      %reduce_sum3A_4154 = tpu.scan <sum>, %add3A_4151 masked %reduce_sum3A_4153 : vector<16xf32>, vector<16xi1> -> vector<16xf32>
      %reduce_sum3A_4155 = vector.extract %reduce_sum3A_4154[15] : f32 from vector<16xf32>
      %mul3A_4156 = arith.mulf %mul3A_4051, %mul3A_4051 : vector<16xf32>
      %mul3A_4157 = arith.mulf %mul3A_4082, %mul3A_4082 : vector<16xf32>
      %mul3A_4158 = arith.mulf %mul3A_4113, %mul3A_4113 : vector<16xf32>
      %mul3A_4159 = arith.mulf %mul3A_4144, %mul3A_4144 : vector<16xf32>
      %add3A_4160 = arith.addf %mul3A_4156, %mul3A_4157 : vector<16xf32>
      %add3A_4161 = arith.addf %add3A_4160, %mul3A_4158 : vector<16xf32>
      %add3A_4162 = arith.addf %add3A_4161, %mul3A_4159 : vector<16xf32>
      %reduce_sum3A_4163 = arith.constant true
      %reduce_sum3A_4164 = vector.broadcast %reduce_sum3A_4163 : i1 to vector<16xi1>
      %reduce_sum3A_4165 = tpu.scan <sum>, %add3A_4162 masked %reduce_sum3A_4164 : vector<16xf32>, vector<16xi1> -> vector<16xf32>
      %reduce_sum3A_4166 = vector.extract %reduce_sum3A_4165[15] : f32 from vector<16xf32>
      %jit3A_4167 = arith.constant 16 : i32
      %eq3A_4168 = arith.constant 0 : i32
      %eq3A_4169 = arith.cmpi eq, %jit3A_4167, %eq3A_4168 : i32
      %jit3A_4170 = arith.constant 1 : i32
      %select_n3A_4171 = arith.select %eq3A_4169, %jit3A_4170, %jit3A_4167 : i32
      %rem3A_4172 = arith.remsi %scan3A_34, %select_n3A_4171 : i32
      %ne3A_4173 = arith.constant 0 : i32
      %ne3A_4174 = arith.cmpi ne, %rem3A_4172, %ne3A_4173 : i32
      %lt3A_4175 = arith.constant 0 : i32
      %lt3A_4176 = arith.cmpi slt, %rem3A_4172, %lt3A_4175 : i32
      %lt3A_4177 = arith.constant 0 : i32
      %lt3A_4178 = arith.cmpi slt, %select_n3A_4171, %lt3A_4177 : i32
      %ne3A_4179 = arith.xori %lt3A_4176, %lt3A_4178 : i1
      %and3A_4180 = arith.andi %ne3A_4179, %ne3A_4174 : i1
      %add3A_4181 = arith.addi %rem3A_4172, %select_n3A_4171 : i32
      %select_n3A_4182 = arith.select %and3A_4180, %add3A_4181, %rem3A_4172 : i32
      %eq3A_4183 = vector.broadcast %select_n3A_4182 : i32 to vector<16xi32>
      %eq3A_4184 = arith.cmpi eq, %iota3A, %eq3A_4183 : vector<16xi32>
      %broadcast_in_dim3A_4185 = vector.broadcast %reduce_sum3A_288 : f32 to vector<16xf32>
      %select_n3A_4186 = arith.select %eq3A_4184, %broadcast_in_dim3A_4185, %scan3A_35 : vector<16xi1>, vector<16xf32>
      %broadcast_in_dim3A_4187 = vector.broadcast %reduce_sum3A_4155 : f32 to vector<16xf32>
      %select_n3A_4188 = arith.select %eq3A_4184, %broadcast_in_dim3A_4187, %scan3A_36 : vector<16xi1>, vector<16xf32>
      %add3A_4189 = arith.addf %reduce_sum3A_299, %reduce_sum3A_310 : f32
      %add3A_4190 = arith.addf %add3A_4189, %reduce_sum3A_4166 : f32
      %broadcast_in_dim3A_4191 = vector.broadcast %add3A_4190 : f32 to vector<16xf32>
      %select_n3A_4192 = arith.select %eq3A_4184, %broadcast_in_dim3A_4191, %scan3A_37 : vector<16xi1>, vector<16xf32>
      %jit3A_4193 = arith.constant 16 : i32
      %eq3A_4194 = arith.constant 0 : i32
      %eq3A_4195 = arith.cmpi eq, %jit3A_4193, %eq3A_4194 : i32
      %jit3A_4196 = arith.constant 1 : i32
      %select_n3A_4197 = arith.select %eq3A_4195, %jit3A_4196, %jit3A_4193 : i32
      %rem3A_4198 = arith.remsi %scan3A_34, %select_n3A_4197 : i32
      %ne3A_4199 = arith.constant 0 : i32
      %ne3A_4200 = arith.cmpi ne, %rem3A_4198, %ne3A_4199 : i32
      %lt3A_4201 = arith.constant 0 : i32
      %lt3A_4202 = arith.cmpi slt, %rem3A_4198, %lt3A_4201 : i32
      %lt3A_4203 = arith.constant 0 : i32
      %lt3A_4204 = arith.cmpi slt, %select_n3A_4197, %lt3A_4203 : i32
      %ne3A_4205 = arith.xori %lt3A_4202, %lt3A_4204 : i1
      %and3A_4206 = arith.andi %ne3A_4205, %ne3A_4200 : i1
      %add3A_4207 = arith.addi %rem3A_4198, %select_n3A_4197 : i32
      %select_n3A_4208 = arith.select %and3A_4206, %add3A_4207, %rem3A_4198 : i32
      %eq3A_4209 = arith.constant 15 : i32
      %eq3A_4210 = arith.cmpi eq, %select_n3A_4208, %eq3A_4209 : i32
      %convert_element_type3A_4211 = arith.extui %eq3A_4210 : i1 to i32
      %cond3A_4212 = arith.constant 0 : i32
      %cond3A_4213 = arith.cmpi ne, %convert_element_type3A_4211, %cond3A_4212 : i32
      scf.if %cond3A_4213 {
        %sub3A_4214 = arith.constant 15 : i32
        %sub3A_4215 = arith.subi %scan3A_34, %sub3A_4214 : i32
        %swap3A = arith.index_cast %sub3A_4215 : i32 to index
        %swap3A_4216 = tpu.vector_load %arg16[%swap3A] {strides = array<i32>} : memref<128xf32, #tpu.memory_space<vmem>>, vector<16xf32>,
        tpu.vector_store %arg16[%swap3A], %select_n3A_4186 {strides = array<i32>} : memref<128xf32, #tpu.memory_space<vmem>>, vector<16xf32>,
        %sub3A_4217 = arith.constant 15 : i32
        %sub3A_4218 = arith.subi %scan3A_34, %sub3A_4217 : i32
        %swap3A_4219 = arith.index_cast %sub3A_4218 : i32 to index
        %swap3A_4220 = tpu.vector_load %arg17[%swap3A_4219] {strides = array<i32>} : memref<128xf32, #tpu.memory_space<vmem>>, vector<16xf32>,
        tpu.vector_store %arg17[%swap3A_4219], %select_n3A_4188 {strides = array<i32>} : memref<128xf32, #tpu.memory_space<vmem>>, vector<16xf32>,
        %sub3A_4221 = arith.constant 15 : i32
        %sub3A_4222 = arith.subi %scan3A_34, %sub3A_4221 : i32
        %swap3A_4223 = arith.index_cast %sub3A_4222 : i32 to index
        %swap3A_4224 = tpu.vector_load %arg18[%swap3A_4223] {strides = array<i32>} : memref<128xf32, #tpu.memory_space<vmem>>, vector<16xf32>,
        tpu.vector_store %arg18[%swap3A_4223], %select_n3A_4192 {strides = array<i32>} : memref<128xf32, #tpu.memory_space<vmem>>, vector<16xf32>,
      } else {
      }
      scf.yield %select_n3A_4186, %select_n3A_4188, %select_n3A_4192 : vector<16xf32>, vector<16xf32>, vector<16xf32>
    }
    %scan3A_33 = arith.constant 128 : i32
    "tpu.region"() ({
      %run_scoped3A = tpu.sem_alloc : memref<!tpu.dma_semaphore, #tpu.memory_space<semaphore_mem>>
      %dma_start3A_34 = tpu.memref_slice %arg7[%mul3A_2] : memref<4096xf32, #tpu.memory_space<hbm>> -> memref<128xf32, #tpu.memory_space<hbm>>
      %dma_start3A_35 = tpu.memref_slice %arg7[%mul3A_2] : memref<4096xf32, #tpu.memory_space<hbm>> -> memref<128xf32, #tpu.memory_space<hbm>>
      tpu.enqueue_dma source(%arg16 : memref<128xf32, #tpu.memory_space<vmem>>) target(%dma_start3A_35 : memref<128xf32, #tpu.memory_space<hbm>>) target_semaphore(%run_scoped3A : memref<!tpu.dma_semaphore, #tpu.memory_space<semaphore_mem>>)
      %dma_wait3A_36 = tpu.memref_slice %arg7[%mul3A_2] : memref<4096xf32, #tpu.memory_space<hbm>> -> memref<128xf32, #tpu.memory_space<hbm>>
      %dma_wait3A_37 = tpu.memref_slice %arg7[%mul3A_2] : memref<4096xf32, #tpu.memory_space<hbm>> -> memref<128xf32, #tpu.memory_space<hbm>>
      tpu.wait_dma2 semaphore(%run_scoped3A : memref<!tpu.dma_semaphore, #tpu.memory_space<semaphore_mem>>) src(%arg16 : memref<128xf32, #tpu.memory_space<vmem>>) dst(%dma_wait3A_37 : memref<128xf32, #tpu.memory_space<hbm>>)
      tpu.yield
    }) : () -> ()
    "tpu.region"() ({
      %run_scoped3A = tpu.sem_alloc : memref<!tpu.dma_semaphore, #tpu.memory_space<semaphore_mem>>
      %dma_start3A_34 = tpu.memref_slice %arg8[%mul3A_2] : memref<4096xf32, #tpu.memory_space<hbm>> -> memref<128xf32, #tpu.memory_space<hbm>>
      %dma_start3A_35 = tpu.memref_slice %arg8[%mul3A_2] : memref<4096xf32, #tpu.memory_space<hbm>> -> memref<128xf32, #tpu.memory_space<hbm>>
      tpu.enqueue_dma source(%arg17 : memref<128xf32, #tpu.memory_space<vmem>>) target(%dma_start3A_35 : memref<128xf32, #tpu.memory_space<hbm>>) target_semaphore(%run_scoped3A : memref<!tpu.dma_semaphore, #tpu.memory_space<semaphore_mem>>)
      %dma_wait3A_36 = tpu.memref_slice %arg8[%mul3A_2] : memref<4096xf32, #tpu.memory_space<hbm>> -> memref<128xf32, #tpu.memory_space<hbm>>
      %dma_wait3A_37 = tpu.memref_slice %arg8[%mul3A_2] : memref<4096xf32, #tpu.memory_space<hbm>> -> memref<128xf32, #tpu.memory_space<hbm>>
      tpu.wait_dma2 semaphore(%run_scoped3A : memref<!tpu.dma_semaphore, #tpu.memory_space<semaphore_mem>>) src(%arg17 : memref<128xf32, #tpu.memory_space<vmem>>) dst(%dma_wait3A_37 : memref<128xf32, #tpu.memory_space<hbm>>)
      tpu.yield
    }) : () -> ()
    "tpu.region"() ({
      %run_scoped3A = tpu.sem_alloc : memref<!tpu.dma_semaphore, #tpu.memory_space<semaphore_mem>>
      %dma_start3A_34 = tpu.memref_slice %arg9[%mul3A_2] : memref<4096xf32, #tpu.memory_space<hbm>> -> memref<128xf32, #tpu.memory_space<hbm>>
      %dma_start3A_35 = tpu.memref_slice %arg9[%mul3A_2] : memref<4096xf32, #tpu.memory_space<hbm>> -> memref<128xf32, #tpu.memory_space<hbm>>
      tpu.enqueue_dma source(%arg18 : memref<128xf32, #tpu.memory_space<vmem>>) target(%dma_start3A_35 : memref<128xf32, #tpu.memory_space<hbm>>) target_semaphore(%run_scoped3A : memref<!tpu.dma_semaphore, #tpu.memory_space<semaphore_mem>>)
      %dma_wait3A_36 = tpu.memref_slice %arg9[%mul3A_2] : memref<4096xf32, #tpu.memory_space<hbm>> -> memref<128xf32, #tpu.memory_space<hbm>>
      %dma_wait3A_37 = tpu.memref_slice %arg9[%mul3A_2] : memref<4096xf32, #tpu.memory_space<hbm>> -> memref<128xf32, #tpu.memory_space<hbm>>
      tpu.wait_dma2 semaphore(%run_scoped3A : memref<!tpu.dma_semaphore, #tpu.memory_space<semaphore_mem>>) src(%arg18 : memref<128xf32, #tpu.memory_space<vmem>>) dst(%dma_wait3A_37 : memref<128xf32, #tpu.memory_space<hbm>>)
      tpu.yield
    }) : () -> ()
    return
  }
}

module attributes {stable_mosaic.version = 14 : i64} {
  func.func @_padT_body(%arg0: i32, %arg1: memref<192x8192xf32, #tpu.memory_space<vmem>>, %arg2: memref<8192x256xf32, #tpu.memory_space<vmem>>) attributes {dimension_semantics = [#tpu.dimension_semantics<arbitrary>], iteration_bounds = array<i64: 13>, scalar_prefetch = 0 : i64, scratch_operands = 0 : i64, tpu.core_type = #tpu.core_type<tc>, window_params = [{transform_indices = @transform_0, window_bounds = array<i64: 192, 8192>}, {transform_indices = @transform_1, window_bounds = array<i64: 8192, 256>}]} {
    %get3A = arith.constant 0 : index
    %get3A_0 = arith.constant 0 : index
    %get3A_1 = vector.load %arg1[%get3A, %get3A_0] : memref<192x8192xf32, #tpu.memory_space<vmem>>, vector<192x8192xf32>
    %transpose3A = tpu.transpose %get3A_1, [1, 0] : vector<192x8192xf32> -> vector<8192x192xf32>
    %swap3A = arith.constant 0 : index
    %swap3A_2 = arith.constant 0 : index
    %swap3A_3 = vector.load %arg2[%swap3A, %swap3A_2] : memref<8192x256xf32, #tpu.memory_space<vmem>>, vector<8192x192xf32>
    tpu.vector_store %arg2[%swap3A, %swap3A_2], %transpose3A {strides = array<i32>} : memref<8192x256xf32, #tpu.memory_space<vmem>>, vector<8192x192xf32>,
    return
  }
  func.func @transform_0(%arg0: i32) -> (i32, i32) {
    %c0_i32 = arith.constant 0 : i32
    %c0_i32_0 = arith.constant 0 : i32
    return %c0_i32, %arg0 : i32, i32
  }
  func.func @transform_1(%arg0: i32) -> (i32, i32) {
    %c0_i32 = arith.constant 0 : i32
    %c0_i32_0 = arith.constant 0 : i32
    return %arg0, %c0_i32 : i32, i32
  }
}

module attributes {stable_mosaic.version = 14 : i64} {
  func.func @_finish_body(%arg0: memref<32x128xf32, #tpu.memory_space<vmem>>, %arg1: memref<32x128xf32, #tpu.memory_space<vmem>>, %arg2: memref<32x128xf32, #tpu.memory_space<vmem>>, %arg3: memref<3xf32, #tpu.memory_space<smem>>) attributes {dimension_semantics = [], scalar_prefetch = 0 : i64, scratch_operands = 0 : i64, tpu.core_type = #tpu.core_type<tc>} {
    %get3A = arith.constant 0 : index
    %get3A_0 = arith.constant 0 : index
    %get3A_1 = vector.load %arg1[%get3A, %get3A_0] : memref<32x128xf32, #tpu.memory_space<vmem>>, vector<32x128xf32>
    %get3A_2 = arith.constant 0 : index
    %get3A_3 = arith.constant 0 : index
    %get3A_4 = vector.load %arg0[%get3A_2, %get3A_3] : memref<32x128xf32, #tpu.memory_space<vmem>>, vector<32x128xf32>
    %sub3A = arith.subf %get3A_1, %get3A_4 : vector<32x128xf32>
    %exp3A = math.exp %sub3A : vector<32x128xf32>
    %add3A = arith.constant 1.000000e+00 : f32
    %add3A_5 = vector.broadcast %add3A : f32 to vector<32x128xf32>
    %add3A_6 = arith.addf %add3A_5, %exp3A : vector<32x128xf32>
    %log3A = math.log %add3A_6 : vector<32x128xf32>
    %reduce_sum3A = vector.shape_cast %log3A : vector<32x128xf32> to vector<1x32x128xf32>
    %reduce_sum3A_7 = arith.constant dense<0.000000e+00> : vector<1xf32>
    %reduce_sum3A_8 = vector.multi_reduction <add>, %reduce_sum3A, %reduce_sum3A_7 [1, 2] : vector<1x32x128xf32> to vector<1xf32>
    %reduce_sum3A_9 = vector.shape_cast %reduce_sum3A_8 : vector<1xf32> to vector<1x1x1xf32>
    %reduce_sum3A_10 = vector.extract %reduce_sum3A_9[0, 0, 0] : f32 from vector<1x1x1xf32>
    %div3A = arith.constant 4.096000e+03 : f32
    %div3A_11 = arith.divf %reduce_sum3A_10, %div3A : f32
    %get3A_12 = arith.constant 0 : index
    %get3A_13 = arith.constant 0 : index
    %get3A_14 = vector.load %arg2[%get3A_12, %get3A_13] : memref<32x128xf32, #tpu.memory_space<vmem>>, vector<32x128xf32>
    %reduce_sum3A_15 = vector.shape_cast %get3A_14 : vector<32x128xf32> to vector<1x32x128xf32>
    %reduce_sum3A_16 = arith.constant dense<0.000000e+00> : vector<1xf32>
    %reduce_sum3A_17 = vector.multi_reduction <add>, %reduce_sum3A_15, %reduce_sum3A_16 [1, 2] : vector<1x32x128xf32> to vector<1xf32>
    %reduce_sum3A_18 = vector.shape_cast %reduce_sum3A_17 : vector<1xf32> to vector<1x1x1xf32>
    %reduce_sum3A_19 = vector.extract %reduce_sum3A_18[0, 0, 0] : f32 from vector<1x1x1xf32>
    %div3A_20 = arith.constant 2.000000e+00 : f32
    %div3A_21 = arith.divf %reduce_sum3A_19, %div3A_20 : f32
    %mul3A = arith.constant 9.99999974E-5 : f32
    %mul3A_22 = arith.mulf %mul3A, %div3A_21 : f32
    %div3A_23 = arith.constant 4.096000e+03 : f32
    %div3A_24 = arith.divf %mul3A_22, %div3A_23 : f32
    %add3A_25 = arith.addf %div3A_11, %div3A_24 : f32
    %swap3A = arith.constant 0 : index
    %swap3A_26 = memref.load %arg3[%swap3A] : memref<3xf32, #tpu.memory_space<smem>>
    memref.store %add3A_25, %arg3[%swap3A] : memref<3xf32, #tpu.memory_space<smem>>
    %swap3A_27 = arith.constant 1 : index
    %swap3A_28 = memref.load %arg3[%swap3A_27] : memref<3xf32, #tpu.memory_space<smem>>
    memref.store %div3A_11, %arg3[%swap3A_27] : memref<3xf32, #tpu.memory_space<smem>>
    %swap3A_29 = arith.constant 2 : index
    %swap3A_30 = memref.load %arg3[%swap3A_29] : memref<3xf32, #tpu.memory_space<smem>>
    memref.store %div3A_24, %arg3[%swap3A_29] : memref<3xf32, #tpu.memory_space<smem>>
    return
  }
}

</mosaic_0001>

<sc_bundles>
// kernel: gather_offload_async_start
scs
__scs_entry_jumppad:
0x0: {  	(pc) =	sbr.rel $0x88, $3  }
0x1: {  	(tag) =	ssettag $0x0;
	lr =	simm.s32 $0x1  }
0x2: {  	[smem:$0x3F9B] =	sst lr;
	_ =	strace $0xD0000000  }
0x3: {  	_ = 	snop  }
0x4: {  	_ = 	snop  }
0x5: {  	_ = 	snop  }
0x6: {  	_ = 	snop  }
0x7: {  	_ = 	snop  }
__scs_overlays_trampoline_lowered:
0x8: {  	[smem:$0x3FAA] =	sst s0  }
0x9: {  	[smem:$0x3FAB] =	sst s1  }
0xa: {  	[smem:$0x3FAC] =	sst s2  }
0xb: {  	[smem:$0x3FAD] =	sst s3  }
0xc: {  	[smem:$0x3FAE] =	sst s4  }
0xd: {  	[smem:$0x3FAF] =	sst s5  }
0xe: {  	[smem:$0x3FB0] =	sst s6  }
0xf: {  	[smem:$0x3FB1] =	sst s7  }
0x10: {  	[smem:$0x3FB2] =	sst s8  }
0x11: {  	[smem:$0x3FB3] =	sst s9;
	s0 =	simm.s32 @!p0 $0x0  }
0x12: {  	s1 =	sld [smem:$0x3F99];
	s0 =	simm.s32 @p0 $0x1  }
0x13: {  	[smem:$0x3FB4] =	sst s0;
	s0 =	simm.s32 @!p1 $0x0  }
0x14: {  	s2 =	sld [smem:$0x3F98];
	s0 =	simm.s32 @p1 $0x1  }
0x15: {  	[smem:$0x3FB5] =	sst s0;
	s0 =	simm.s32 @!p2 $0x0  }
0x16: {  	s3 =	sld [smem:$0x3FDB];
	s0 =	simm.s32 @p2 $0x1  }
0x17: {  	s4 =	simm.s32 $0x1BF5;
	[smem:$0x3FB7] =	sst s0  }
0x18: {  	s0 =	sld [smem:$0x3F9A];
	_ =	swait.ge [sflag:s4], $0x0  }
0x19: {  	s7 =	sld [smem:$0x3F9B]  }
0x1a: {  	s8 =	sadd.s32 $0xFFFFE003, lr  }
0x1b: {  	s9 =	sadd.s32 $0xFFFFFEF7, lr;
	s5 =	simm.s32 $0xFFFFFFFF;
	p2 =	slt.u32 s8, $0xFFFFF086  }
0x1c: {  	p1 =	slt.u32 s9, $0xF7A;
	s5 =	simm.s32 @!p2 $0x0  }
0x1d: {  	s5 =	simm.s32 @p1 $0x1;
	p0 =	seq.s32 s7, s2  }
0x1e: {  	s7 =	smul.u32 @!p0 $0xF7A, s2;
	p2 =	seq.s32 @!p0 s5, $0x0  }
0x1f: {  	s9 =	smul.u32 $0xF7A, s1;
	s8 =	simm.s32 @!p0 $0x1BF5;
	p2 =	por !p2, p0  }
0x20: {  	[sflag:s8] =	ssyncset.s32 @!p0 $0xFFFFF086;
	s6 =	sadd.s32 @!p0 s3, s7;
	s7 =	simm.s32 @!p0 $0x108  }
0x21: {  	s3 =	sadd.s32 s3, s9;
	s6 =	sadd.s32 @!p0 $0x88, s6;
	s7 =	simm.s32 @p2 $0x1082  }
0x22: {  	[simem:s7], [sflag:s8] =	dma.local @!p0 [hbm:s6], $0xF7A  }
0x23: {  	s9 =	sor.u32 $0xD0000000, s2;
	s6 =	simm.s32 $0x108;
	_ =	swait.ge @!p0 [sflag:s8], $0x0  }
0x24: {  	s3 =	sadd.s32 $0x88, s3;
	s6 =	simm.s32 @!p1 $0x1082;
	[sflag:s4] =	ssyncset.s32 $0xFFFFF086  }
0x25: {  	[simem:s6], [sflag:s4] =	dma.local [hbm:s3], $0xF7A  }
0x26: {  	[smem:$0x3F9B] =	sst s1;
	(tag) =	ssettag s2;
	_ =	strace s9  }
0x27: {  	s1 =	sld [smem:$0x3FAB]  }
0x28: {  	s2 =	sld [smem:$0x3FAC]  }
0x29: {  	s4 =	sld [smem:$0x3FAE]  }
0x2a: {  	p0 =	seq.s32 s5, $0x0;
	s5 =	sld [smem:$0x3FAF]  }
0x2b: {  	s6 =	sld [smem:$0x3FB0]  }
0x2c: {  	s7 =	sld [smem:$0x3FB1]  }
0x2d: {  	s3 =	simm.s32 $0x108;
	s8 =	sld [smem:$0x3FB2]  }
0x2e: {  	s3 =	simm.s32 @!p0 $0x1082;
	s9 =	sld [smem:$0x3FB3]  }
0x2f: {  	lr =	sadd.s32 s0, s3;
	s0 =	sld [smem:$0x3FAA]  }
0x30: {  	s3 =	sld [smem:$0x3FAD]  }
0x31: {  	[smem:$0x3FB6] =	sst s10  }
0x32: {  	s10 =	sld [smem:$0x3FB4];
	_ =	sdelay $0x3  }
0x33: {  	p0 =	seq.s32 s10, $0x1;
	s10 =	sld [smem:$0x3FB6];
	_ =	sdelay $0x3  }
0x34: {  	[smem:$0x3FB6] =	sst s10  }
0x35: {  	s10 =	sld [smem:$0x3FB5];
	_ =	sdelay $0x3  }
0x36: {  	p1 =	seq.s32 s10, $0x1;
	s10 =	sld [smem:$0x3FB6];
	_ =	sdelay $0x3  }
0x37: {  	[smem:$0x3FB6] =	sst s10  }
0x38: {  	s10 =	sld [smem:$0x3FB7]  }
0x39: {  	_ = 	snop;
	(pc) =	sbr.ind lr, $3  }
0x3a: {  	_ = 	snop  }
0x3b: {  	_ = 	snop  }
0x3c: {  	p2 =	seq.s32 s10, $0x1;
	s10 =	sld [smem:$0x3FB6]  }
0x3d: {  	_ =	shalt  }
0x3e: {  	_ =	shalt  }
0x3f: {  	_ =	shalt  }
0x40: {  	_ =	shalt  }
0x41: {  	_ =	shalt  }
0x42: {  	_ =	shalt  }
0x43: {  	_ =	shalt  }
0x44: {  	_ =	shalt  }
0x45: {  	_ =	shalt  }
0x46: {  	_ =	shalt  }
0x47: {  	_ =	shalt  }
0x48: {  	_ =	shalt  }
0x49: {  	_ =	shalt  }
0x4a: {  	_ =	shalt  }
0x4b: {  	_ =	shalt  }
0x4c: {  	_ =	shalt  }
0x4d: {  	_ =	shalt  }
0x4e: {  	_ =	shalt  }
0x4f: {  	_ =	shalt  }
0x50: {  	_ =	shalt  }
0x51: {  	_ =	shalt  }
0x52: {  	_ =	shalt  }
0x53: {  	_ =	shalt  }
0x54: {  	_ =	shalt  }
0x55: {  	_ =	shalt  }
0x56: {  	_ =	shalt  }
0x57: {  	_ =	shalt  }
0x58: {  	_ =	shalt  }
0x59: {  	_ =	shalt  }
0x5a: {  	_ =	shalt  }
0x5b: {  	_ =	shalt  }
0x5c: {  	_ =	shalt  }
0x5d: {  	_ =	shalt  }
0x5e: {  	_ =	shalt  }
0x5f: {  	_ =	shalt  }
0x60: {  	_ =	shalt  }
0x61: {  	_ =	shalt  }
0x62: {  	_ =	shalt  }
0x63: {  	_ =	shalt  }
0x64: {  	_ =	shalt  }
0x65: {  	_ =	shalt  }
0x66: {  	_ =	shalt  }
0x67: {  	_ =	shalt  }
0x68: {  	_ =	shalt  }
0x69: {  	_ =	shalt  }
0x6a: {  	_ =	shalt  }
0x6b: {  	_ =	shalt  }
0x6c: {  	_ =	shalt  }
0x6d: {  	_ =	shalt  }
0x6e: {  	_ =	shalt  }
0x6f: {  	_ =	shalt  }
0x70: {  	_ =	shalt  }
0x71: {  	_ =	shalt  }
0x72: {  	_ =	shalt  }
0x73: {  	_ =	shalt  }
0x74: {  	_ =	shalt  }
0x75: {  	_ =	shalt  }
0x76: {  	_ =	shalt  }
0x77: {  	_ =	shalt  }
0x78: {  	_ =	shalt  }
0x79: {  	_ =	shalt  }
0x7a: {  	_ =	shalt  }
0x7b: {  	_ =	shalt  }
0x7c: {  	_ =	shalt  }
0x7d: {  	_ =	shalt  }
0x7e: {  	_ =	shalt  }
0x7f: {  	_ =	shalt  }
0x80: {  	_ =	shalt  }
0x81: {  	_ =	shalt  }
0x82: {  	_ =	shalt  }
0x83: {  	_ =	shalt  }
0x84: {  	_ =	shalt  }
0x85: {  	_ =	shalt  }
0x86: {  	_ =	shalt  }
0x87: {  	_ =	shalt  }
.Lfunc_end0:
.L_simem_size_0:
called_computation_lowered:
.L_overlay_start_0:
0x88: {  	s2 =	sld [smem:$0x3FD9]  }
0x89: {  	s3 =	sld [smem:$0x3FFE];
	_ =	sdelay $0x1  }
0x8a: {  	s1 =	srdreg.scid  }
0x8b: {  	s0 =	sand.u32 $0x1, s1  }
0x8c: {  	s16 =	sshll.u32 s0, $0xA;
	s2 =	sadd.s32 s3, s2  }
0x8d: {  	s2 =	sadd.s32 s2, s16  }
0x8e: {  	[smem:$0x3FC2] =	sst s2  }
0x8f: {  	_ = 	snop  }
0x90: {  	(tm) =	ssettm $0x1  }
0x91: {  	s17 =	sld [smem:$0x3FFB];
	_ =	sdelay $0x3  }
0x92: {  	_ =	strace s17  }
0x93: {  	s2 =	sld [smem:$0x3FFC];
	_ =	sdelay $0x3  }
0x94: {  	_ =	strace s2  }
0x95: {  	s2 =	sld [smem:$0x3FFD];
	_ =	sdelay $0x3  }
0x96: {  	_ =	strace s2  }
0x97: {  	_ =	strace $0x8FFFFFFF  }
0x98: {  	s18 =	sld [smem:$0x3FDB];
	_ =	sdelay $0x1  }
0x99: {  	s19 =	simm.s32 $_scs_section_size  }
0x9a: {  	s4 =	simm.s32 $_size__tile_overlayer_lowered;
	s5 =	simm.s32 $_tile_overlayer_lowered  }
0x9b: {  	s22 =	simm.s32 $0x1BFF;
	s21 =	sshll.u32 s5, $0x1;
	s2 =	sadd.s32 s19, s18  }
0x9c: {  	s6 =	simm.s32 $0x0;
	s20 =	sshll.u32 s4, $0x1;
	s4 =	sadd.s32 s21, s2  }
0x9d: {  	[timem:s6], [sflag:s22] =	dma.local [hbm:s4], s20  }
0x9e: {  	_ =	swait.ge [sflag:s22], s20  }
0x9f: {  	s3 =	ssub.s32 $0x0, s20;
	[sflag:s22] =	ssyncset.done $0x0  }
0xa0: {  	[sflag:s22] =	ssyncadd.s32 s3;
	_ =	sdelay $0x1  }
0xa1: {  	s23 =	simm.s32 $0x1B8B  }
0xa2: {  	_ =	swait.ge [sflag:s23], $0x1  }
0xa3: {  	[sflag:s23] =	ssyncset.done $0x0  }
0xa4: {  	s25 =	simm.s32 $0x1B8E;
	s24 =	sld [smem:$0x3FFE];
	[sflag:s23] =	ssyncadd.s32 $0xFFFFFFFF  }
0xa5: {  	s26 =	simm.s32 $execute0_lowered;
	[smem:$0x3FD2] =	sst s25  }
0xa6: {  	s4 =	sshll.u32 s26, $0x1;
	_ =	strace $0x80000046;
	[dreg:$0x1] =	wrdreg $0xFFFFFFFF  }
0xa7: {  	s28 =	simm.s32 $_size_execute0_lowered;
	s2 =	sadd.s32 s2, s4;
	[dreg:$0x0] =	wrdreg $0x0  }
0xa8: {  	s4 =	sshll.u32 s28, $0x1;
	[dreg:$0x2] =	wrdreg s2  }
0xa9: {  	[dreg:$0x3] =	wrdreg s4  }
0xaa: {  	[dreg:$0x4] =	wrdreg $0xC0  }
0xab: {  	_ =	task [dreg:s6], $0x5FFFF  }
0xac: {  	[dreg:$0x1] =	wrdreg $0xFFFFFFFF  }
0xad: {  	[dreg:$0x0] =	wrdreg $0x60  }
0xae: {  	[dreg:$0x2] =	wrdreg s24  }
0xaf: {  	[dreg:$0x3] =	wrdreg $0x9  }
0xb0: {  	_ =	task.clear_ibuf [dreg:s6], $0x4FFFF;
	_ =	strace $0x90000046  }
0xb1: {  	s29 =	simm.s32 $0x9;
	_ =	strace $0x80000048  }
0xb2: {  	_ =	swait.ge [sflag:s29], $0x1  }
0xb3: {  	[sflag:s29] =	ssyncadd.s32 $0xFFFFFFFF  }
0xb4: {  	_ =	strace $0x90000048  }
0xb5: {  	_ =	sfence  }
0xb6: {  	s30 =	sld [smem:$0x0];
	_ =	sdelay $0x2  }
0xb7: {  	s31 =	sshll.u32 s1, $0xD;
	s1 =	sshrl.u32 s1, $0x2  }
0xb8: {  	s3 =	sand.u32 $0x4000, s31;
	s1 =	sadd.s32 s1, s30  }
0xb9: {  	s0 =	sor.u32 s3, s0;
	s1 =	sshll.u32 s1, $0x11  }
0xba: {  	s0 =	sor.u32 s1, s0  }
0xbb: {  	s0 =	sadd.s32 $0x8F2B, s0  }
0xbc: {  	[sflag:s0] =	ssyncadd.remote.s32 $0x1  }
0xbd: {  	_ =	sfence.sel $0xFFFF  }
0xbe: {  	[dreg:$0x0] =	wrdreg $0xFFFFFFFF;
	(pc) =	sbr.abs _section_cstart, $3  }
0xbf: {  	[dreg:$0x1] =	wrdreg $0xFFFFFFFF  }
0xc0: {  	_ =	task.clear_ibuf [dreg:s6], $0x2FFFF;
	_ =	strace $0x9FFFFFFF  }
0xc1: {  	(tm) =	ssettm $0x7FFFFFFF  }
tec
execute0_lowered:
.L_overlay_start_1:
0x0: {  	(tag) =	ssettag $0x1  }
0x1: {  	s7 =	rddreg [dreg:$0x0]  }
0x2: {  	s0 =	rddreg [dreg:$0x1];
	_ =	strace $0x80000047  }
0x3: {  	s1 =	srdreg.scid;
	s4 =	simm.s32 $0x1;
	s9 =	simm.s32 $0x3  }
0x4: {  	s11 =	simm.s32 $0x0;
	p0 =	por $0x0, $0x0;
	s5 =	sshll.u32 s1, $0x4  }
.Ltmp0:
0x5: {  	s1 =	stileid.u32;
	s5 =	sand.u32 $0x10, s5;
	(pc) =	sbr.rel .LBB2_1-.Ltmp0, $4  }
0x6: {  	s2 =	sadd.s32 $0x1C00, s7;
	s3 =	sadd.s32 $0x1800, s7;
	s6 =	sor.u32 s1, s5  }
0x7: {  	[sflag:s4] =	ssyncpa.u1 $0x0;
	s5 =	simm.s32 $0x2;
	s6 =	sshll.u32 s6, $0x7  }
0x8: {  	s7 =	sadd.s32 $0x929800, s7;
	[sflag:s5] =	ssyncpa.u1 $0x0;
	s8 =	sadd.s32 $0x80, s6  }
0x9: {  	vm0 =	vmmov $0xffff;
	[sflag:s9] =	ssyncpa.u1 $0x0;
	s10 =	smov.u32 s6;
	s9 =	simm.s32 $0x0  }
.LBB2_7:
0xa: {  	p1 =	slt.u32 s9, $0x2;
	s11 =	sadd.s32 $0x40, s10  }
0xb: {  	s13 =	smov.u32 s6;
	s9 =	sadd.s32 $0x1, s9;
	p2 =	slt.s32 s11, s8  }
0xc: {  	s13 =	smov.u32 @p2 s11;
	p2 =	sne.s32 s9, $0x4  }
.Ltmp1:
0xd: {  	_ = 	snop;
	(pc) =	sbr.rel @!p2 .LBB2_8-.Ltmp1, $4  }
0xe: {  	s12 =	simm.s32 @!p1 $0x3  }
0xf: {  	_ =	swait.ge @!p1 [sflag:s12], $0x8000  }
0x10: {  	p0 =	por !p0, !p0;
	[sflag:s12] =	ssyncset.done @!p1 $0x0  }
0x11: {  	s11 =	smov.u32 s10;
	s10 =	smov.u32 s13;
	[sflag:s12] =	ssyncadd.s32 @!p1 $0xFFFF8000  }
.LBB2_1:
0x12: {  	p1 =	sgt.u32 s9, $0x1  }
0x13: {  	s12 =	sshll.u32 @!p1 s9, $0x6;
	s13 =	sshrl.u32 @!p1 s10, $0x3  }
0x14: {  	s14 =	sand.u32 @!p1 $0x7, s10;
	s12 =	sxor.u32 @!p1 $0x40, s12;
	s13 =	sadd.s32 @!p1 s3, s13  }
0x15: {  	[tilespmem:s12], [sflag:$0x2] =	stream.linear.gather @!p1 [hbm4b:s13+s14], $0x40, $0x38;
	[tilespmem:$0x10080] =	vst v63  }
0x16: {  	p1 =	seq.s32 s9, $0x0  }
0x17: {  	p2 =	seq.s32 @!p1 s9, $0x3  }
0x18: {  	p1 =	por p1, p2  }
.Ltmp2:
0x19: {  	_ = 	snop;
	(pc) =	sbr.rel @p1 .LBB2_7-.Ltmp2, $1  }
0x1a: {  	_ =	sdelay $0x3  }
0x1b: {  	s12 =	simm.s32 $0x1  }
0x1c: {  	_ =	swait.ge [sflag:s5], $0x40;
	s12 =	simm.s32 @!p0 $0x0  }
0x1d: {  	[sflag:s5] =	ssyncset.done $0x0;
	s13 =	sshll.u32 s12, $0x6  }
0x1e: {  	[sflag:s5] =	ssyncadd.s32 $0xFFFFFFC0;
	s14 =	sadd.s32 $0x0, s13  }
0x1f: {  	v0 =	vld.msk [tilespmem:s14+$0x0 ss:$0x1], $0xffff;
	_ =	sdelay $0x4  }
0x20: {  	vm1 =	vgt.s32 v0, $0x0  }
0x21: {  	v0 =	vnsel vm1, $0x0, v0  }
0x22: {  	v0 =	vmin.u32 v0, $0x1869F  }
0x23: {  	v0 =	vshll.u32 v0, $0x6;
	_ =	sdelay $0x2  }
0x24: {  	s12 =	sshll.u32 s12, $0xF  }
0x25: {  	s12 =	sor.u32 $0x80, s12;
	s31 =	sadd.s32 $0x10, s13  }
0x26: {  	[tilespmem:s12], [sflag:$0x1] =	stream.indirect_vreg.gather [hbm:s2], $0x200, v0, vm0, $0x38;
	[tilespmem:$0x10080] =	vst v63  }
0x27: {  	s15 =	simm.s32 $0x80;
	s14 =	smov.u32 s12;
	v0 =	vld.msk [tilespmem:s31+$0x0 ss:$0x1], $0xffff  }
.LBB2_3:
0x28: {  	p1 =	sne.s32 s15, $0xC0;
	_ =	sdelay $0x4  }
0x29: {  	vm1 =	vgt.s32 v0, $0x0  }
0x2a: {  	v0 =	vnsel vm1, $0x0, v0  }
0x2b: {  	v0 =	vmin.u32 v0, $0x1869F  }
0x2c: {  	v0 =	vshll.u32 v0, $0x6;
	_ =	sdelay $0x1  }
.Ltmp3:
0x2d: {  	(pc) =	sbr.rel @p1 .LBB2_3-.Ltmp3, $4  }
0x2e: {  	s16 =	sshra.s32 s15, $0x2  }
0x2f: {  	s14 =	sadd.s32 $0x2000, s14;
	s16 =	sadd.s32 s16, s13  }
0x30: {  	[tilespmem:s14], [sflag:$0x1] =	stream.indirect_vreg.gather [hbm:s2], $0x200, v0, vm0, $0x38;
	[tilespmem:$0x10080] =	vst v63  }
0x31: {  	s15 =	sadd.s32 $0x40, s15;
	v0 =	vld.msk [tilespmem:s16+$0x0 ss:$0x1], $0xffff  }
0x32: {  	_ =	sdelay $0x3  }
0x33: {  	vm1 =	vgt.s32 v0, $0x0  }
0x34: {  	v0 =	vnsel vm1, $0x0, v0  }
0x35: {  	v0 =	vmin.u32 v0, $0x1869F  }
0x36: {  	v0 =	vshll.u32 v0, $0x6;
	_ =	sdelay $0x3  }
0x37: {  	s13 =	sadd.s32 $0x2000, s14  }
0x38: {  	[tilespmem:s13], [sflag:$0x1] =	stream.indirect_vreg.gather [hbm:s2], $0x200, v0, vm0, $0x38;
	[tilespmem:$0x10080] =	vst v63  }
0x39: {  	s11 =	sshll.u32 s11, $0x6;
	_ =	swait.ge [sflag:s4], $0x8000  }
0x3a: {  	s14 =	sadd.s32 $0x200, s12;
	s11 =	sadd.s32 s11, s7;
	[sflag:s4] =	ssyncset.done $0x0  }
0x3b: {  	s15 =	sadd.s32 $0x0, s11;
	s13 =	simm.s32 $0x40;
	[sflag:s4] =	ssyncadd.s32 $0xFFFF8000  }
.LBB2_5:
0x3c: {  	[hbm:s15] =	stream.linear.scatter [tilespmem:s12], [sflag:$0x3], $0x200, $0x38;
	[tilespmem:$0x10080] =	vst v63  }
0x3d: {  	s15 =	smov.u32 s13;
	s12 =	smov.u32 s14;
	p1 =	sne.s32 s13, $0xFC0  }
.Ltmp4:
0x3e: {  	s13 =	sadd.s32 $0x40, s13;
	(pc) =	sbr.rel @p1 .LBB2_5-.Ltmp4, $2  }
0x3f: {  	_ =	sdelay $0x2  }
0x40: {  	s14 =	sadd.s32 $0x200, s14;
	s15 =	sadd.s32 s15, s11  }
.Ltmp5:
0x41: {  	(pc) =	sbr.rel .LBB2_7-.Ltmp5, $2  }
0x42: {  	_ =	sdelay $0x2  }
0x43: {  	[hbm:s15] =	stream.linear.scatter [tilespmem:s12], [sflag:$0x3], $0x200, $0x38;
	[tilespmem:$0x10080] =	vst v63  }
.LBB2_8:
0x44: {  	_ =	sfence.sel $0x180000  }
0x45: {  	s2 =	simm.s32 $0x2;
	[bflag:$0x0] =	sbarrier.arrive $0xFFFF  }
0x46: {  	s30 =	simm.s32 $0x3;
	[sflag:s2] =	ssyncpa.u1 $0x1  }
0x47: {  	s31 =	simm.s32 $0x1;
	[sflag:s30] =	ssyncpa.u1 $0x1  }
0x48: {  	[sflag:s31] =	ssyncpa.u1 $0x1  }
0x49: {  	p0 =	sne.s32 s1, $0x0;
	_ =	strace $0x90000047  }
0x4a: {  	s0 =	sadd.s32 @!p0 $0x100000, s0;
	[bflag:$0x2] =	sbarrier.arrive $0xFFFF  }
0x4b: {  	[sflag:s0] =	ssyncadd.tile.s32 @!p0 $0x1;
	_ =	shalt  }
.Lfunc_end2:
_tile_overlayer_lowered:
.L_overlay_start_2:
0x4c: {  	(tag) =	ssettag $0x2  }
0x4d: {  	s0 =	rddreg [dreg:$0x0];
	s2 =	stileid.u32  }
0x4e: {  	s1 =	rddreg [dreg:$0x1];
	p0 =	sne.s32 s2, $0x0  }
0x4f: {  	s3 =	rddreg [dreg:$0x2];
	[bflag:$0x3] =	sbarrier.arrive $0xFFFF;
	s2 =	simm.s32 @!p0 $0x1C01  }
0x50: {  	[timem:s3], [sflag:s2] =	dma.local @!p0 [hbm:s0], s1  }
0x51: {  	s0 =	simm.s32 @!p0 $0x1  }
0x52: {  	_ =	swait.ge @!p0 [sflag:s0], s1  }
0x53: {  	s1 =	ssub.s32 @!p0 $0x0, s1;
	[sflag:s0] =	ssyncset.done @!p0 $0x0  }
0x54: {  	[sflag:s0] =	ssyncadd.s32 @!p0 s1  }
0x55: {  	[bflag:$0x3] =	sbarrier.arrive $0xFFFF  }
0x56: {  	_ =	shalt  }

// kernel: kernel.5.cloned.1.call-start
scs
__scs_entry_jumppad:
0x0: {  	(pc) =	sbr.rel $0x88, $3  }
0x1: {  	(tag) =	ssettag $0x0;
	lr =	simm.s32 $0x1  }
0x2: {  	[smem:$0x3F9B] =	sst lr;
	_ =	strace $0xD0000000  }
0x3: {  	_ = 	snop  }
0x4: {  	_ = 	snop  }
0x5: {  	_ = 	snop  }
0x6: {  	_ = 	snop  }
0x7: {  	_ = 	snop  }
__scs_overlays_trampoline_lowered:
0x8: {  	[smem:$0x3FAA] =	sst s0  }
0x9: {  	[smem:$0x3FAB] =	sst s1  }
0xa: {  	[smem:$0x3FAC] =	sst s2  }
0xb: {  	[smem:$0x3FAD] =	sst s3  }
0xc: {  	[smem:$0x3FAE] =	sst s4  }
0xd: {  	[smem:$0x3FAF] =	sst s5  }
0xe: {  	[smem:$0x3FB0] =	sst s6  }
0xf: {  	[smem:$0x3FB1] =	sst s7  }
0x10: {  	[smem:$0x3FB2] =	sst s8  }
0x11: {  	[smem:$0x3FB3] =	sst s9;
	s0 =	simm.s32 @!p0 $0x0  }
0x12: {  	s1 =	sld [smem:$0x3F99];
	s0 =	simm.s32 @p0 $0x1  }
0x13: {  	[smem:$0x3FB4] =	sst s0;
	s0 =	simm.s32 @!p1 $0x0  }
0x14: {  	s2 =	sld [smem:$0x3F98];
	s0 =	simm.s32 @p1 $0x1  }
0x15: {  	[smem:$0x3FB5] =	sst s0;
	s0 =	simm.s32 @!p2 $0x0  }
0x16: {  	s3 =	sld [smem:$0x3FDB];
	s0 =	simm.s32 @p2 $0x1  }
0x17: {  	s4 =	simm.s32 $0x1BF5;
	[smem:$0x3FB7] =	sst s0  }
0x18: {  	s0 =	sld [smem:$0x3F9A];
	_ =	swait.ge [sflag:s4], $0x0  }
0x19: {  	s7 =	sld [smem:$0x3F9B]  }
0x1a: {  	s8 =	sadd.s32 $0xFFFFE003, lr  }
0x1b: {  	s9 =	sadd.s32 $0xFFFFFEF7, lr;
	s5 =	simm.s32 $0xFFFFFFFF;
	p2 =	slt.u32 s8, $0xFFFFF086  }
0x1c: {  	p1 =	slt.u32 s9, $0xF7A;
	s5 =	simm.s32 @!p2 $0x0  }
0x1d: {  	s5 =	simm.s32 @p1 $0x1;
	p0 =	seq.s32 s7, s2  }
0x1e: {  	s7 =	smul.u32 @!p0 $0xF7A, s2;
	p2 =	seq.s32 @!p0 s5, $0x0  }
0x1f: {  	s9 =	smul.u32 $0xF7A, s1;
	s8 =	simm.s32 @!p0 $0x1BF5;
	p2 =	por !p2, p0  }
0x20: {  	[sflag:s8] =	ssyncset.s32 @!p0 $0xFFFFF086;
	s6 =	sadd.s32 @!p0 s3, s7;
	s7 =	simm.s32 @!p0 $0x108  }
0x21: {  	s3 =	sadd.s32 s3, s9;
	s6 =	sadd.s32 @!p0 $0x88, s6;
	s7 =	simm.s32 @p2 $0x1082  }
0x22: {  	[simem:s7], [sflag:s8] =	dma.local @!p0 [hbm:s6], $0xF7A  }
0x23: {  	s9 =	sor.u32 $0xD0000000, s2;
	s6 =	simm.s32 $0x108;
	_ =	swait.ge @!p0 [sflag:s8], $0x0  }
0x24: {  	s3 =	sadd.s32 $0x88, s3;
	s6 =	simm.s32 @!p1 $0x1082;
	[sflag:s4] =	ssyncset.s32 $0xFFFFF086  }
0x25: {  	[simem:s6], [sflag:s4] =	dma.local [hbm:s3], $0xF7A  }
0x26: {  	[smem:$0x3F9B] =	sst s1;
	(tag) =	ssettag s2;
	_ =	strace s9  }
0x27: {  	s1 =	sld [smem:$0x3FAB]  }
0x28: {  	s2 =	sld [smem:$0x3FAC]  }
0x29: {  	s4 =	sld [smem:$0x3FAE]  }
0x2a: {  	p0 =	seq.s32 s5, $0x0;
	s5 =	sld [smem:$0x3FAF]  }
0x2b: {  	s6 =	sld [smem:$0x3FB0]  }
0x2c: {  	s7 =	sld [smem:$0x3FB1]  }
0x2d: {  	s3 =	simm.s32 $0x108;
	s8 =	sld [smem:$0x3FB2]  }
0x2e: {  	s3 =	simm.s32 @!p0 $0x1082;
	s9 =	sld [smem:$0x3FB3]  }
0x2f: {  	lr =	sadd.s32 s0, s3;
	s0 =	sld [smem:$0x3FAA]  }
0x30: {  	s3 =	sld [smem:$0x3FAD]  }
0x31: {  	[smem:$0x3FB6] =	sst s10  }
0x32: {  	s10 =	sld [smem:$0x3FB4];
	_ =	sdelay $0x3  }
0x33: {  	p0 =	seq.s32 s10, $0x1;
	s10 =	sld [smem:$0x3FB6];
	_ =	sdelay $0x3  }
0x34: {  	[smem:$0x3FB6] =	sst s10  }
0x35: {  	s10 =	sld [smem:$0x3FB5];
	_ =	sdelay $0x3  }
0x36: {  	p1 =	seq.s32 s10, $0x1;
	s10 =	sld [smem:$0x3FB6];
	_ =	sdelay $0x3  }
0x37: {  	[smem:$0x3FB6] =	sst s10  }
0x38: {  	s10 =	sld [smem:$0x3FB7]  }
0x39: {  	_ = 	snop;
	(pc) =	sbr.ind lr, $3  }
0x3a: {  	_ = 	snop  }
0x3b: {  	_ = 	snop  }
0x3c: {  	p2 =	seq.s32 s10, $0x1;
	s10 =	sld [smem:$0x3FB6]  }
0x3d: {  	_ =	shalt  }
0x3e: {  	_ =	shalt  }
0x3f: {  	_ =	shalt  }
0x40: {  	_ =	shalt  }
0x41: {  	_ =	shalt  }
0x42: {  	_ =	shalt  }
0x43: {  	_ =	shalt  }
0x44: {  	_ =	shalt  }
0x45: {  	_ =	shalt  }
0x46: {  	_ =	shalt  }
0x47: {  	_ =	shalt  }
0x48: {  	_ =	shalt  }
0x49: {  	_ =	shalt  }
0x4a: {  	_ =	shalt  }
0x4b: {  	_ =	shalt  }
0x4c: {  	_ =	shalt  }
0x4d: {  	_ =	shalt  }
0x4e: {  	_ =	shalt  }
0x4f: {  	_ =	shalt  }
0x50: {  	_ =	shalt  }
0x51: {  	_ =	shalt  }
0x52: {  	_ =	shalt  }
0x53: {  	_ =	shalt  }
0x54: {  	_ =	shalt  }
0x55: {  	_ =	shalt  }
0x56: {  	_ =	shalt  }
0x57: {  	_ =	shalt  }
0x58: {  	_ =	shalt  }
0x59: {  	_ =	shalt  }
0x5a: {  	_ =	shalt  }
0x5b: {  	_ =	shalt  }
0x5c: {  	_ =	shalt  }
0x5d: {  	_ =	shalt  }
0x5e: {  	_ =	shalt  }
0x5f: {  	_ =	shalt  }
0x60: {  	_ =	shalt  }
0x61: {  	_ =	shalt  }
0x62: {  	_ =	shalt  }
0x63: {  	_ =	shalt  }
0x64: {  	_ =	shalt  }
0x65: {  	_ =	shalt  }
0x66: {  	_ =	shalt  }
0x67: {  	_ =	shalt  }
0x68: {  	_ =	shalt  }
0x69: {  	_ =	shalt  }
0x6a: {  	_ =	shalt  }
0x6b: {  	_ =	shalt  }
0x6c: {  	_ =	shalt  }
0x6d: {  	_ =	shalt  }
0x6e: {  	_ =	shalt  }
0x6f: {  	_ =	shalt  }
0x70: {  	_ =	shalt  }
0x71: {  	_ =	shalt  }
0x72: {  	_ =	shalt  }
0x73: {  	_ =	shalt  }
0x74: {  	_ =	shalt  }
0x75: {  	_ =	shalt  }
0x76: {  	_ =	shalt  }
0x77: {  	_ =	shalt  }
0x78: {  	_ =	shalt  }
0x79: {  	_ =	shalt  }
0x7a: {  	_ =	shalt  }
0x7b: {  	_ =	shalt  }
0x7c: {  	_ =	shalt  }
0x7d: {  	_ =	shalt  }
0x7e: {  	_ =	shalt  }
0x7f: {  	_ =	shalt  }
0x80: {  	_ =	shalt  }
0x81: {  	_ =	shalt  }
0x82: {  	_ =	shalt  }
0x83: {  	_ =	shalt  }
0x84: {  	_ =	shalt  }
0x85: {  	_ =	shalt  }
0x86: {  	_ =	shalt  }
0x87: {  	_ =	shalt  }
.Lfunc_end0:
.L_simem_size_0:
called_computation.1_lowered:
.L_overlay_start_0:
0x88: {  	s2 =	sld [smem:$0x3FD9]  }
0x89: {  	s3 =	sld [smem:$0x3FFE];
	_ =	sdelay $0x1  }
0x8a: {  	s1 =	srdreg.scid  }
0x8b: {  	s0 =	sand.u32 $0x1, s1  }
0x8c: {  	s17 =	sshll.u32 s0, $0xA;
	s2 =	sadd.s32 s3, s2  }
0x8d: {  	s2 =	sadd.s32 s2, s17  }
0x8e: {  	[smem:$0x3FC2] =	sst s2  }
0x8f: {  	_ = 	snop  }
0x90: {  	s2 =	sld [smem:$0x3FC7]  }
0x91: {  	s18 =	sld [smem:$0x3FC5];
	(tm) =	ssettm $0x1  }
0x92: {  	s4 =	sld [smem:$0x3FFB];
	_ =	sdelay $0x3  }
0x93: {  	_ =	strace s4  }
0x94: {  	s4 =	sld [smem:$0x3FFC];
	_ =	sdelay $0x3  }
0x95: {  	_ =	strace s4  }
0x96: {  	s4 =	sld [smem:$0x3FFD];
	_ =	sdelay $0x3  }
0x97: {  	_ =	strace s4  }
0x98: {  	_ =	strace $0x8FFFFFFF  }
0x99: {  	s19 =	sld [smem:$0x3FDB];
	_ =	sdelay $0x1  }
0x9a: {  	s5 =	simm.s32 $_scs_section_size  }
0x9b: {  	s6 =	simm.s32 $_size__tile_overlayer_lowered;
	s7 =	simm.s32 $_tile_overlayer_lowered  }
0x9c: {  	s22 =	simm.s32 $0x1BFF;
	s21 =	sshll.u32 s7, $0x1;
	s4 =	sadd.s32 s5, s19  }
0x9d: {  	s8 =	simm.s32 $0x0;
	s20 =	sshll.u32 s6, $0x1;
	s6 =	sadd.s32 s21, s4  }
0x9e: {  	[timem:s8], [sflag:s22] =	dma.local [hbm:s6], s20  }
0x9f: {  	_ =	swait.ge [sflag:s22], s20  }
0xa0: {  	s5 =	ssub.s32 $0x0, s20;
	[sflag:s22] =	ssyncset.done $0x0  }
0xa1: {  	[sflag:s22] =	ssyncadd.s32 s5;
	_ =	sdelay $0x1  }
0xa2: {  	s23 =	simm.s32 $0x1B8B  }
0xa3: {  	_ =	swait.ge [sflag:s23], $0x1  }
0xa4: {  	[sflag:s23] =	ssyncset.done $0x0  }
0xa5: {  	s25 =	simm.s32 $0x1B8E;
	s24 =	sld [smem:$0x3FFE];
	[sflag:s23] =	ssyncadd.s32 $0xFFFFFFFF  }
0xa6: {  	s26 =	simm.s32 $execute0_lowered;
	[smem:$0x3FD2] =	sst s25  }
0xa7: {  	s6 =	sshll.u32 s26, $0x1;
	_ =	strace $0x80000049;
	[dreg:$0x1] =	wrdreg $0xFFFFFFFF  }
0xa8: {  	s28 =	simm.s32 $_size_execute0_lowered;
	s4 =	sadd.s32 s4, s6;
	[dreg:$0x0] =	wrdreg $0x0  }
0xa9: {  	s6 =	sshll.u32 s28, $0x1;
	[dreg:$0x2] =	wrdreg s4  }
0xaa: {  	[dreg:$0x3] =	wrdreg s6  }
0xab: {  	[dreg:$0x4] =	wrdreg $0xC0  }
0xac: {  	_ =	task [dreg:s8], $0x5FFFF  }
0xad: {  	[dreg:$0x1] =	wrdreg $0xFFFFFFFF  }
0xae: {  	[dreg:$0x0] =	wrdreg $0x60  }
0xaf: {  	[dreg:$0x2] =	wrdreg s24  }
0xb0: {  	[dreg:$0x3] =	wrdreg s2  }
0xb1: {  	[dreg:$0x4] =	wrdreg s18  }
0xb2: {  	[dreg:$0x5] =	wrdreg $0x9  }
0xb3: {  	_ =	task.clear_ibuf [dreg:s8], $0x6FFFF;
	_ =	strace $0x90000049  }
0xb4: {  	s29 =	simm.s32 $0x9;
	_ =	strace $0x8000004B  }
0xb5: {  	_ =	swait.ge [sflag:s29], $0x1  }
0xb6: {  	[sflag:s29] =	ssyncadd.s32 $0xFFFFFFFF  }
0xb7: {  	_ =	strace $0x9000004B  }
0xb8: {  	_ =	sfence  }
0xb9: {  	s30 =	sld [smem:$0x0];
	_ =	sdelay $0x2  }
0xba: {  	s31 =	sshll.u32 s1, $0xD;
	s1 =	sshrl.u32 s1, $0x2  }
0xbb: {  	s3 =	sand.u32 $0x4000, s31;
	s1 =	sadd.s32 s1, s30  }
0xbc: {  	s0 =	sor.u32 s3, s0;
	s1 =	sshll.u32 s1, $0x11  }
0xbd: {  	s0 =	sor.u32 s1, s0  }
0xbe: {  	s0 =	sadd.s32 $0x8F2B, s0  }
0xbf: {  	[sflag:s0] =	ssyncadd.remote.s32 $0x1  }
0xc0: {  	_ =	sfence.sel $0xFFFF  }
0xc1: {  	[dreg:$0x0] =	wrdreg $0xFFFFFFFF;
	(pc) =	sbr.abs _section_cstart, $3  }
0xc2: {  	[dreg:$0x1] =	wrdreg $0xFFFFFFFF  }
0xc3: {  	_ =	task.clear_ibuf [dreg:s8], $0x2FFFF;
	_ =	strace $0x9FFFFFFF  }
0xc4: {  	(tm) =	ssettm $0x7FFFFFFF  }
0xc5: {  	_ =	shalt  }
tec
execute0_lowered:
.L_overlay_start_1:
0x0: {  	(tag) =	ssettag $0x1  }
0x1: {  	s0 =	rddreg [dreg:$0x0]  }
0x2: {  	s1 =	rddreg [dreg:$0x1];
	s2 =	srdreg.scid  }
0x3: {  	s4 =	stileid.u32;
	s3 =	rddreg [dreg:$0x2]  }
0x4: {  	s8 =	simm.s32 $0x0;
	s2 =	sand.u32 $0x1, s2;
	s4 =	sshll.u32 s4, $0x1  }
0x5: {  	[smem:$0x7FF] =	sst s8;
	s4 =	sor.u32 s2, s4  }
0x6: {  	s5 =	sshll.u32 s4, $0xC;
	s6 =	sshll.u32 s4, $0xA;
	s4 =	sshll.u32 s4, $0x4  }
0x7: {  	s14 =	sadd.s32 $0x61C400, s0;
	_ =	strace $0x8000004A;
	s3 =	sadd.s32 s3, s4  }
0x8: {  	s6 =	sadd.s32 s6, s0;
	s1 =	sadd.s32 s1, s4;
	[dreg:$0x4] =	wrdreg s3  }
0x9: {  	s5 =	sadd.s32 s5, s0;
	s26 =	sadd.s32 $0x969800, s6;
	[dreg:$0x6] =	wrdreg s1  }
0xa: {  	s0 =	sadd.s32 s4, s0;
	s28 =	sadd.s32 $0x929800, s5;
	[dreg:$0x5] =	wrdreg s26  }
0xb: {  	v1 =	vlaneseq.u32;
	s2 =	ssub.s32 $0x2, s2;
	s29 =	sadd.s32 $0x949800, s0;
	[dreg:$0x7] =	wrdreg s28  }
0xc: {  	v0 =	vand.u32 $0x7, v1;
	v62 =	vshrl.u32 v1, $0x3;
	s7 =	sshrl.u32 s2, $0x1;
	s30 =	sadd.s32 $0x949A00, s0;
	[dreg:$0x8] =	wrdreg s29  }
0xd: {  	v63 =	vor.u32 $0x8, v1;
	[tilespmem:$0x1FFD0] =	vst v0;
	v0 =	vmul.u32 $0x8, v62;
	s2 =	ssub.s32 s2, s7;
	s0 =	sadd.s32 $0x949C00, s0;
	[dreg:$0x9] =	wrdreg s30  }
0xe: {  	[tilespmem:$0x1FFF0] =	vst v63;
	s31 =	smax.u32 s2, $0x1;
	[dreg:$0xa] =	wrdreg s0  }
0xf: {  	vm0 =	vmmov $0xffff;
	[tilespmem:$0x1FFE0] =	vst v0;
	s1 =	simm.s32 $0x5;
	s2 =	simm.s32 $0x0;
	[dreg:$0xb] =	wrdreg s31  }
.LBB2_1:
0x10: {  	[dreg:$0xc] =	wrdreg s2  }
0x11: {  	s0 =	rddreg [dreg:$0x4]  }
0x12: {  	[tilespmem:s8], [sflag:$0x5] =	stream.linear.gather [hbm4b:s0+s8], $0x80, $0x38;
	[tilespmem:$0x1A300] =	vst v63  }
0x13: {  	_ =	swait.ge [sflag:s1], $0x80  }
0x14: {  	[sflag:s1] =	ssyncset.done $0x0  }
0x15: {  	s28 =	simm.s32 $0x80;
	s26 =	rddreg [dreg:$0x5];
	[sflag:s1] =	ssyncadd.s32 $0xFFFFFF80  }
0x16: {  	[tilespmem:s28], [sflag:$0x5] =	stream.linear.gather [hbm4b:s26+s8], $0x2000, $0x38;
	[tilespmem:$0x1A300] =	vst v63  }
0x17: {  	_ =	swait.ge [sflag:s1], $0x2000  }
0x18: {  	[sflag:s1] =	ssyncset.done $0x0  }
0x19: {  	s6 =	simm.s32 $0x2080;
	s29 =	rddreg [dreg:$0x6];
	[sflag:s1] =	ssyncadd.s32 $0xFFFFE000  }
0x1a: {  	[tilespmem:s6], [sflag:$0x5] =	stream.linear.gather [hbm4b:s29+s8], $0x80, $0x38;
	[tilespmem:$0x1A300] =	vst v63  }
0x1b: {  	_ =	swait.ge [sflag:s1], $0x80  }
0x1c: {  	[sflag:s1] =	ssyncset.done $0x0  }
0x1d: {  	s31 =	simm.s32 $0x2180;
	s30 =	rddreg [dreg:$0x7];
	[sflag:s1] =	ssyncadd.s32 $0xFFFFFF80  }
0x1e: {  	[tilespmem:s31], [sflag:$0x1] =	stream.linear.gather [hbm4b:s30+s8], $0x8000, $0x38;
	[tilespmem:$0x1A300] =	vst v63  }
0x1f: {  	v0 =	vld [tilespmem:$0x0];
	_ =	sdelay $0x2  }
0x20: {  	v2 =	vld [tilespmem:$0x1FFD0]  }
0x21: {  	v3 =	vld [tilespmem:$0x1FFE0]  }
0x22: {  	v4 =	vld [tilespmem:$0x1FFF0];
	v1 =	vshll.u32 v0, $0x1  }
0x23: {  	v0 =	vand.u32 $0x7, v0;
	v1 =	vand.u32 $0xFFFFFFF0, v1  }
0x24: {  	v0 =	vor.u32 v0, v1  }
0x25: {  	v1 =	vperm.xlane v0, v2;
	_ =	sdelay $0x1  }
0x26: {  	v0 =	vperm.xlane v0, v4;
	v1 =	vadd.s32 v3, v1;
	_ =	sdelay $0x1  }
0x27: {  	v0 =	vadd.s32 v3, v0;
	_ =	sdelay $0x1  }
0x28: {  	s2 =	simm.s32 $0xA180  }
0x29: {  	[tilespmem:s2], [sflag:$0x2] =	stream.indirect_vreg.gather [hbm4b:s14+s8], $0x80, v1, vm0, $0xb8;
	[tilespmem:$0x1A300] =	vst v63  }
0x2a: {  	s3 =	simm.s32 $0xA980  }
0x2b: {  	[tilespmem:s3], [sflag:$0x2] =	stream.indirect_vreg.gather [hbm4b:s14+s8], $0x80, v0, vm0, $0xb8;
	[tilespmem:$0x1A300] =	vst v63  }
0x2c: {  	v0 =	vld [tilespmem:$0x10];
	_ =	sdelay $0x4  }
0x2d: {  	v1 =	vshll.u32 v0, $0x1  }
0x2e: {  	v0 =	vand.u32 $0x7, v0;
	v1 =	vand.u32 $0xFFFFFFF0, v1  }
0x2f: {  	v0 =	vor.u32 v0, v1  }
0x30: {  	v1 =	vperm.xlane v0, v2;
	_ =	sdelay $0x1  }
0x31: {  	v0 =	vperm.xlane v0, v4;
	v1 =	vadd.s32 v3, v1;
	_ =	sdelay $0x1  }
0x32: {  	v0 =	vadd.s32 v3, v0;
	_ =	sdelay $0x1  }
0x33: {  	s4 =	simm.s32 $0xB180  }
0x34: {  	[tilespmem:s4], [sflag:$0x2] =	stream.indirect_vreg.gather [hbm4b:s14+s8], $0x80, v1, vm0, $0xb8;
	[tilespmem:$0x1A300] =	vst v63  }
0x35: {  	s5 =	simm.s32 $0xB980  }
0x36: {  	[tilespmem:s5], [sflag:$0x2] =	stream.indirect_vreg.gather [hbm4b:s14+s8], $0x80, v0, vm0, $0xb8;
	[tilespmem:$0x1A300] =	vst v63  }
0x37: {  	v0 =	vld [tilespmem:$0x20];
	_ =	sdelay $0x4  }
0x38: {  	v1 =	vshll.u32 v0, $0x1  }
0x39: {  	v0 =	vand.u32 $0x7, v0;
	v1 =	vand.u32 $0xFFFFFFF0, v1  }
0x3a: {  	v0 =	vor.u32 v0, v1  }
0x3b: {  	v1 =	vperm.xlane v0, v2;
	_ =	sdelay $0x1  }
0x3c: {  	v0 =	vperm.xlane v0, v4;
	v1 =	vadd.s32 v3, v1;
	_ =	sdelay $0x1  }
0x3d: {  	v0 =	vadd.s32 v3, v0;
	_ =	sdelay $0x1  }
0x3e: {  	s7 =	simm.s32 $0xC180  }
0x3f: {  	[tilespmem:s7], [sflag:$0x2] =	stream.indirect_vreg.gather [hbm4b:s14+s8], $0x80, v1, vm0, $0xb8;
	[tilespmem:$0x1A300] =	vst v63  }
0x40: {  	s9 =	simm.s32 $0xC980  }
0x41: {  	[tilespmem:s9], [sflag:$0x2] =	stream.indirect_vreg.gather [hbm4b:s14+s8], $0x80, v0, vm0, $0xb8;
	[tilespmem:$0x1A300] =	vst v63  }
0x42: {  	v0 =	vld [tilespmem:$0x30];
	_ =	sdelay $0x4  }
0x43: {  	v1 =	vshll.u32 v0, $0x1  }
0x44: {  	v0 =	vand.u32 $0x7, v0;
	v1 =	vand.u32 $0xFFFFFFF0, v1  }
0x45: {  	v0 =	vor.u32 v0, v1  }
0x46: {  	v1 =	vperm.xlane v0, v2;
	_ =	sdelay $0x1  }
0x47: {  	v0 =	vperm.xlane v0, v4;
	v1 =	vadd.s32 v3, v1;
	_ =	sdelay $0x1  }
0x48: {  	v0 =	vadd.s32 v3, v0;
	_ =	sdelay $0x1  }
0x49: {  	s10 =	simm.s32 $0xD180  }
0x4a: {  	[tilespmem:s10], [sflag:$0x2] =	stream.indirect_vreg.gather [hbm4b:s14+s8], $0x80, v1, vm0, $0xb8;
	[tilespmem:$0x1A300] =	vst v63  }
0x4b: {  	s11 =	simm.s32 $0xD980  }
0x4c: {  	[tilespmem:s11], [sflag:$0x2] =	stream.indirect_vreg.gather [hbm4b:s14+s8], $0x80, v0, vm0, $0xb8;
	[tilespmem:$0x1A300] =	vst v63  }
0x4d: {  	v0 =	vld [tilespmem:$0x40];
	_ =	sdelay $0x4  }
0x4e: {  	v1 =	vshll.u32 v0, $0x1  }
0x4f: {  	v0 =	vand.u32 $0x7, v0;
	v1 =	vand.u32 $0xFFFFFFF0, v1  }
0x50: {  	v0 =	vor.u32 v0, v1  }
0x51: {  	v1 =	vperm.xlane v0, v2;
	_ =	sdelay $0x1  }
0x52: {  	v0 =	vperm.xlane v0, v4;
	v1 =	vadd.s32 v3, v1;
	_ =	sdelay $0x1  }
0x53: {  	v0 =	vadd.s32 v3, v0;
	_ =	sdelay $0x1  }
0x54: {  	s12 =	simm.s32 $0xE180  }
0x55: {  	[tilespmem:s12], [sflag:$0x2] =	stream.indirect_vreg.gather [hbm4b:s14+s8], $0x80, v1, vm0, $0xb8;
	[tilespmem:$0x1A300] =	vst v63  }
0x56: {  	s13 =	simm.s32 $0xE980  }
0x57: {  	[tilespmem:s13], [sflag:$0x2] =	stream.indirect_vreg.gather [hbm4b:s14+s8], $0x80, v0, vm0, $0xb8;
	[tilespmem:$0x1A300] =	vst v63  }
0x58: {  	v0 =	vld [tilespmem:$0x50];
	_ =	sdelay $0x4  }
0x59: {  	v1 =	vshll.u32 v0, $0x1  }
0x5a: {  	v0 =	vand.u32 $0x7, v0;
	v1 =	vand.u32 $0xFFFFFFF0, v1  }
0x5b: {  	v0 =	vor.u32 v0, v1  }
0x5c: {  	v1 =	vperm.xlane v0, v2;
	_ =	sdelay $0x1  }
0x5d: {  	v0 =	vperm.xlane v0, v4;
	v1 =	vadd.s32 v3, v1;
	_ =	sdelay $0x1  }
0x5e: {  	v0 =	vadd.s32 v3, v0;
	_ =	sdelay $0x1  }
0x5f: {  	s15 =	simm.s32 $0xF180  }
0x60: {  	[tilespmem:s15], [sflag:$0x2] =	stream.indirect_vreg.gather [hbm4b:s14+s8], $0x80, v1, vm0, $0xb8;
	[tilespmem:$0x1A300] =	vst v63  }
0x61: {  	s16 =	simm.s32 $0xF980  }
0x62: {  	[tilespmem:s16], [sflag:$0x2] =	stream.indirect_vreg.gather [hbm4b:s14+s8], $0x80, v0, vm0, $0xb8;
	[tilespmem:$0x1A300] =	vst v63  }
0x63: {  	v0 =	vld [tilespmem:$0x60];
	_ =	sdelay $0x4  }
0x64: {  	v1 =	vshll.u32 v0, $0x1  }
0x65: {  	v0 =	vand.u32 $0x7, v0;
	v1 =	vand.u32 $0xFFFFFFF0, v1  }
0x66: {  	v0 =	vor.u32 v0, v1  }
0x67: {  	v1 =	vperm.xlane v0, v2;
	_ =	sdelay $0x1  }
0x68: {  	v0 =	vperm.xlane v0, v4;
	v1 =	vadd.s32 v3, v1;
	_ =	sdelay $0x1  }
0x69: {  	v0 =	vadd.s32 v3, v0;
	_ =	sdelay $0x1  }
0x6a: {  	s17 =	simm.s32 $0x10180  }
0x6b: {  	[tilespmem:s17], [sflag:$0x2] =	stream.indirect_vreg.gather [hbm4b:s14+s8], $0x80, v1, vm0, $0xb8;
	[tilespmem:$0x1A300] =	vst v63  }
0x6c: {  	s18 =	simm.s32 $0x10980  }
0x6d: {  	[tilespmem:s18], [sflag:$0x2] =	stream.indirect_vreg.gather [hbm4b:s14+s8], $0x80, v0, vm0, $0xb8;
	[tilespmem:$0x1A300] =	vst v63  }
0x6e: {  	v0 =	vld [tilespmem:$0x70];
	_ =	sdelay $0x4  }
0x6f: {  	v1 =	vshll.u32 v0, $0x1  }
0x70: {  	v0 =	vand.u32 $0x7, v0;
	v1 =	vand.u32 $0xFFFFFFF0, v1  }
0x71: {  	v0 =	vor.u32 v0, v1  }
0x72: {  	v1 =	vperm.xlane v0, v2;
	_ =	sdelay $0x1  }
0x73: {  	v0 =	vperm.xlane v0, v4;
	v1 =	vadd.s32 v3, v1;
	_ =	sdelay $0x1  }
0x74: {  	v0 =	vadd.s32 v3, v0;
	_ =	sdelay $0x1  }
0x75: {  	s19 =	simm.s32 $0x11180  }
0x76: {  	[tilespmem:s19], [sflag:$0x2] =	stream.indirect_vreg.gather [hbm4b:s14+s8], $0x80, v1, vm0, $0xb8;
	[tilespmem:$0x1A300] =	vst v63  }
0x77: {  	s20 =	simm.s32 $0x11980  }
0x78: {  	[tilespmem:s20], [sflag:$0x2] =	stream.indirect_vreg.gather [hbm4b:s14+s8], $0x80, v0, vm0, $0xb8;
	[tilespmem:$0x1A300] =	vst v63  }
0x79: {  	v0 =	vld [tilespmem:$0x80];
	_ =	sdelay $0x4  }
0x7a: {  	v1 =	vshll.u32 v0, $0x1  }
0x7b: {  	v0 =	vand.u32 $0x7, v0;
	v1 =	vand.u32 $0xFFFFFFF0, v1  }
0x7c: {  	v0 =	vor.u32 v0, v1  }
0x7d: {  	v1 =	vperm.xlane v0, v2;
	_ =	sdelay $0x1  }
0x7e: {  	v0 =	vperm.xlane v0, v4;
	v1 =	vadd.s32 v3, v1;
	_ =	sdelay $0x1  }
0x7f: {  	v0 =	vadd.s32 v3, v0;
	_ =	sdelay $0x1  }
0x80: {  	s21 =	simm.s32 $0x12180  }
0x81: {  	[tilespmem:s21], [sflag:$0x3] =	stream.indirect_vreg.gather [hbm4b:s14+s8], $0x80, v1, vm0, $0xb8;
	[tilespmem:$0x1A300] =	vst v63  }
0x82: {  	s22 =	simm.s32 $0x12980  }
0x83: {  	[tilespmem:s22], [sflag:$0x3] =	stream.indirect_vreg.gather [hbm4b:s14+s8], $0x80, v0, vm0, $0xb8;
	[tilespmem:$0x1A300] =	vst v63  }
0x84: {  	v0 =	vld [tilespmem:$0x90];
	_ =	sdelay $0x4  }
0x85: {  	v1 =	vshll.u32 v0, $0x1  }
0x86: {  	v0 =	vand.u32 $0x7, v0;
	v1 =	vand.u32 $0xFFFFFFF0, v1  }
0x87: {  	v0 =	vor.u32 v0, v1  }
0x88: {  	v1 =	vperm.xlane v0, v2;
	_ =	sdelay $0x1  }
0x89: {  	v0 =	vperm.xlane v0, v4;
	v1 =	vadd.s32 v3, v1;
	_ =	sdelay $0x1  }
0x8a: {  	v0 =	vadd.s32 v3, v0;
	_ =	sdelay $0x1  }
0x8b: {  	s23 =	simm.s32 $0x13180  }
0x8c: {  	[tilespmem:s23], [sflag:$0x3] =	stream.indirect_vreg.gather [hbm4b:s14+s8], $0x80, v1, vm0, $0xb8;
	[tilespmem:$0x1A300] =	vst v63  }
0x8d: {  	s24 =	simm.s32 $0x13980  }
0x8e: {  	[tilespmem:s24], [sflag:$0x3] =	stream.indirect_vreg.gather [hbm4b:s14+s8], $0x80, v0, vm0, $0xb8;
	[tilespmem:$0x1A300] =	vst v63  }
0x8f: {  	v0 =	vld [tilespmem:$0xA0];
	_ =	sdelay $0x4  }
0x90: {  	v1 =	vshll.u32 v0, $0x1  }
0x91: {  	v0 =	vand.u32 $0x7, v0;
	v1 =	vand.u32 $0xFFFFFFF0, v1  }
0x92: {  	v0 =	vor.u32 v0, v1  }
0x93: {  	v1 =	vperm.xlane v0, v2;
	_ =	sdelay $0x1  }
0x94: {  	v0 =	vperm.xlane v0, v4;
	v1 =	vadd.s32 v3, v1;
	_ =	sdelay $0x1  }
0x95: {  	v0 =	vadd.s32 v3, v0;
	_ =	sdelay $0x1  }
0x96: {  	s25 =	simm.s32 $0x14180  }
0x97: {  	[tilespmem:s25], [sflag:$0x3] =	stream.indirect_vreg.gather [hbm4b:s14+s8], $0x80, v1, vm0, $0xb8;
	[tilespmem:$0x1A300] =	vst v63  }
0x98: {  	s26 =	simm.s32 $0x14980  }
0x99: {  	[tilespmem:s26], [sflag:$0x3] =	stream.indirect_vreg.gather [hbm4b:s14+s8], $0x80, v0, vm0, $0xb8;
	[tilespmem:$0x1A300] =	vst v63  }
0x9a: {  	v0 =	vld [tilespmem:$0xB0];
	_ =	sdelay $0x4  }
0x9b: {  	v1 =	vshll.u32 v0, $0x1  }
0x9c: {  	v0 =	vand.u32 $0x7, v0;
	v1 =	vand.u32 $0xFFFFFFF0, v1  }
0x9d: {  	v0 =	vor.u32 v0, v1  }
0x9e: {  	v1 =	vperm.xlane v0, v2;
	_ =	sdelay $0x1  }
0x9f: {  	v0 =	vperm.xlane v0, v4;
	v1 =	vadd.s32 v3, v1;
	_ =	sdelay $0x1  }
0xa0: {  	v0 =	vadd.s32 v3, v0;
	_ =	sdelay $0x1  }
0xa1: {  	s28 =	simm.s32 $0x15180  }
0xa2: {  	[tilespmem:s28], [sflag:$0x3] =	stream.indirect_vreg.gather [hbm4b:s14+s8], $0x80, v1, vm0, $0xb8;
	[tilespmem:$0x1A300] =	vst v63  }
0xa3: {  	s29 =	simm.s32 $0x15980;
	s30 =	simm.s32 $0x1  }
0xa4: {  	[tilespmem:s29], [sflag:$0x3] =	stream.indirect_vreg.gather [hbm4b:s14+s8], $0x80, v0, vm0, $0xb8;
	[tilespmem:$0x1A300] =	vst v63  }
0xa5: {  	_ =	swait.ge [sflag:s30], $0x8000  }
0xa6: {  	[sflag:s30] =	ssyncset.done $0x0  }
0xa7: {  	s31 =	simm.s32 $0x2;
	[sflag:s30] =	ssyncadd.s32 $0xFFFF8000  }
0xa8: {  	s0 =	simm.s32 $0x1A171;
	s1 =	simm.s32 $0x1A1F1;
	_ =	swait.ge [sflag:s31], $0x8000  }
0xa9: {  	s2 =	simm.s32 $0x1A271;
	s3 =	simm.s32 $0x0;
	[sflag:s31] =	ssyncset.done $0x0  }
0xaa: {  	s7 =	simm.s32 $0x0;
	v2 =	vimm.f32 $0.0e+00;
	v1 =	vimm.f32 $0.0e+00;
	v0 =	vimm.f32 $0.0e+00;
	s8 =	simm.s32 $0x0;
	[sflag:s31] =	ssyncadd.s32 $0xFFFF8000  }
.LBB2_2:
0xab: {  	s31 =	sand.u32 $0x1, s3  }
0xac: {  	[dreg:$0x12] =	wrdreg s3;
	[tilespmem:$0x1FFB0] =	vst v2;
	p1 =	slt.u32 s3, $0x7E;
	p0 =	seq.s32 s31, $0x0  }
0xad: {  	[tilespmem:$0x1FFA0] =	vst v1;
	[dreg:$0x11] =	wrdreg s7;
	s4 =	sshrl.u32 s3, $0x1;
	p0 =	por !p1, !p0  }
0xae: {  	[tilespmem:$0x1FFC0] =	vst v0;
	[dreg:$0x10] =	wrdreg s2;
	s2 =	sand.u32 $0x1, s4;
	p1 =	por !p0, !p0  }
0xaf: {  	p0 =	sne.s32 @p1 s2, $0x0  }
0xb0: {  	[dreg:$0xf] =	wrdreg s1;
	s1 =	sadd.s32 $0x1, s4;
	p0 =	por p0, !p1  }
0xb1: {  	s3 =	sshll.u32 @!p0 s1, $0x7  }
0xb2: {  	s3 =	sand.u32 @!p0 $0x3FFFFF80, s3  }
0xb3: {  	v0 =	vld @!p0 [tilespmem:s3+$0x80];
	_ =	sdelay $0x4  }
0xb4: {  	v1 =	vshll.u32 @!p0 v0, $0x1  }
0xb5: {  	v2 =	vlaneseq.u32 @!p0;
	v0 =	vand.u32 @!p0 $0x7, v0;
	v1 =	vand.u32 @!p0 $0xFFFFFFF0, v1  }
0xb6: {  	v3 =	vshrl.u32 @!p0 v2, $0x3;
	v0 =	vor.u32 @!p0 v0, v1;
	v1 =	vand.u32 @!p0 $0x7, v2  }
0xb7: {  	v3 =	vmul.u32 @!p0 $0x8, v3;
	v4 =	vperm.xlane @!p0 v0, v1  }
0xb8: {  	v2 =	vor.u32 @!p0 $0x8, v2  }
0xb9: {  	v0 =	vperm.xlane @!p0 v0, v2;
	v4 =	vadd.s32 @!p0 v3, v4;
	_ =	sdelay $0x1  }
0xba: {  	v0 =	vadd.s32 @!p0 v3, v0;
	_ =	sdelay $0x1  }
0xbb: {  	vm1 =	vmmov @!p0 $0xffff;
	s4 =	simm.s32 @!p0 $0x0;
	s5 =	simm.s32 @!p0 $0x16180  }
0xbc: {  	[tilespmem:s5], [sflag:$0x4] =	stream.indirect_vreg.gather @!p0 [hbm4b:s14+s4], $0x80, v4, vm1, $0xb8;
	[tilespmem:$0x1A300] =	vst v63  }
0xbd: {  	s5 =	simm.s32 @!p0 $0x16980  }
0xbe: {  	[tilespmem:s5], [sflag:$0x4] =	stream.indirect_vreg.gather @!p0 [hbm4b:s14+s4], $0x80, v0, vm1, $0xb8;
	[tilespmem:$0x1A300] =	vst v63  }
0xbf: {  	v0 =	vld @!p0 [tilespmem:s3+$0x90];
	_ =	sdelay $0x4  }
0xc0: {  	v4 =	vshll.u32 @!p0 v0, $0x1  }
0xc1: {  	v0 =	vand.u32 @!p0 $0x7, v0;
	v4 =	vand.u32 @!p0 $0xFFFFFFF0, v4  }
0xc2: {  	v0 =	vor.u32 @!p0 v0, v4  }
0xc3: {  	v4 =	vperm.xlane @!p0 v0, v1;
	_ =	sdelay $0x1  }
0xc4: {  	v0 =	vperm.xlane @!p0 v0, v2;
	v4 =	vadd.s32 @!p0 v3, v4;
	_ =	sdelay $0x1  }
0xc5: {  	v0 =	vadd.s32 @!p0 v3, v0;
	_ =	sdelay $0x1  }
0xc6: {  	s5 =	simm.s32 @!p0 $0x17180  }
0xc7: {  	[tilespmem:s5], [sflag:$0x4] =	stream.indirect_vreg.gather @!p0 [hbm4b:s14+s4], $0x80, v4, vm1, $0xb8;
	[tilespmem:$0x1A300] =	vst v63  }
0xc8: {  	s5 =	simm.s32 @!p0 $0x17980  }
0xc9: {  	[tilespmem:s5], [sflag:$0x4] =	stream.indirect_vreg.gather @!p0 [hbm4b:s14+s4], $0x80, v0, vm1, $0xb8;
	[tilespmem:$0x1A300] =	vst v63  }
0xca: {  	v0 =	vld @!p0 [tilespmem:s3+$0xA0];
	_ =	sdelay $0x4  }
0xcb: {  	v4 =	vshll.u32 @!p0 v0, $0x1  }
0xcc: {  	v0 =	vand.u32 @!p0 $0x7, v0;
	v4 =	vand.u32 @!p0 $0xFFFFFFF0, v4  }
0xcd: {  	v0 =	vor.u32 @!p0 v0, v4  }
0xce: {  	v4 =	vperm.xlane @!p0 v0, v1;
	_ =	sdelay $0x1  }
0xcf: {  	v0 =	vperm.xlane @!p0 v0, v2;
	v4 =	vadd.s32 @!p0 v3, v4;
	_ =	sdelay $0x1  }
0xd0: {  	v0 =	vadd.s32 @!p0 v3, v0;
	_ =	sdelay $0x1  }
0xd1: {  	s5 =	simm.s32 @!p0 $0x18180  }
0xd2: {  	[tilespmem:s5], [sflag:$0x4] =	stream.indirect_vreg.gather @!p0 [hbm4b:s14+s4], $0x80, v4, vm1, $0xb8;
	[tilespmem:$0x1A300] =	vst v63  }
0xd3: {  	s5 =	simm.s32 @!p0 $0x18980  }
0xd4: {  	[tilespmem:s5], [sflag:$0x4] =	stream.indirect_vreg.gather @!p0 [hbm4b:s14+s4], $0x80, v0, vm1, $0xb8;
	[tilespmem:$0x1A300] =	vst v63  }
0xd5: {  	v0 =	vld @!p0 [tilespmem:s3+$0xB0];
	_ =	sdelay $0x4  }
0xd6: {  	v4 =	vshll.u32 @!p0 v0, $0x1  }
0xd7: {  	v0 =	vand.u32 @!p0 $0x7, v0;
	v4 =	vand.u32 @!p0 $0xFFFFFFF0, v4  }
0xd8: {  	v0 =	vor.u32 @!p0 v0, v4  }
0xd9: {  	v1 =	vperm.xlane @!p0 v0, v1;
	_ =	sdelay $0x1  }
0xda: {  	v0 =	vperm.xlane @!p0 v0, v2;
	v1 =	vadd.s32 @!p0 v3, v1  }
0xdb: {  	p6 =	seq.s32 s2, $0x1  }
0xdc: {  	p1 =	por !p1, !p6;
	v0 =	vadd.s32 @!p0 v3, v0  }
0xdd: {  	p1 =	por !p1, !p1  }
0xde: {  	s1 =	sshll.u32 @p1 s1, $0x7;
	s3 =	simm.s32 @!p0 $0x19180  }
0xdf: {  	[tilespmem:s3], [sflag:$0x4] =	stream.indirect_vreg.gather @!p0 [hbm4b:s14+s4], $0x80, v1, vm1, $0xb8;
	[tilespmem:$0x1A300] =	vst v63  }
0xe0: {  	s1 =	sand.u32 @p1 $0x3FFFFF80, s1;
	s3 =	simm.s32 @!p0 $0x19980  }
0xe1: {  	[tilespmem:s3], [sflag:$0x4] =	stream.indirect_vreg.gather @!p0 [hbm4b:s14+s4], $0x80, v0, vm1, $0xb8;
	[tilespmem:$0x1A300] =	vst v63  }
0xe2: {  	v0 =	vld @p1 [tilespmem:s1+$0x80];
	_ =	sdelay $0x4  }
0xe3: {  	v1 =	vshll.u32 @p1 v0, $0x1  }
0xe4: {  	v2 =	vlaneseq.u32 @p1;
	v0 =	vand.u32 @p1 $0x7, v0;
	v1 =	vand.u32 @p1 $0xFFFFFFF0, v1  }
0xe5: {  	v3 =	vshrl.u32 @p1 v2, $0x3;
	v0 =	vor.u32 @p1 v0, v1;
	v1 =	vand.u32 @p1 $0x7, v2  }
0xe6: {  	v3 =	vmul.u32 @p1 $0x8, v3;
	v4 =	vperm.xlane @p1 v0, v1  }
0xe7: {  	v2 =	vor.u32 @p1 $0x8, v2  }
0xe8: {  	v0 =	vperm.xlane @p1 v0, v2;
	v4 =	vadd.s32 @p1 v3, v4;
	_ =	sdelay $0x1  }
0xe9: {  	v0 =	vadd.s32 @p1 v3, v0;
	_ =	sdelay $0x1  }
0xea: {  	vm1 =	vmmov @p1 $0xffff;
	s3 =	simm.s32 @p1 $0x0;
	s4 =	simm.s32 @p1 $0x12180  }
0xeb: {  	[tilespmem:s4], [sflag:$0x3] =	stream.indirect_vreg.gather @p1 [hbm4b:s14+s3], $0x80, v4, vm1, $0xb8;
	[tilespmem:$0x1A300] =	vst v63  }
0xec: {  	s4 =	simm.s32 @p1 $0x12980  }
0xed: {  	[tilespmem:s4], [sflag:$0x3] =	stream.indirect_vreg.gather @p1 [hbm4b:s14+s3], $0x80, v0, vm1, $0xb8;
	[tilespmem:$0x1A300] =	vst v63  }
0xee: {  	v0 =	vld @p1 [tilespmem:s1+$0x90];
	_ =	sdelay $0x4  }
0xef: {  	v4 =	vshll.u32 @p1 v0, $0x1  }
0xf0: {  	v0 =	vand.u32 @p1 $0x7, v0;
	v4 =	vand.u32 @p1 $0xFFFFFFF0, v4  }
0xf1: {  	v0 =	vor.u32 @p1 v0, v4  }
0xf2: {  	v4 =	vperm.xlane @p1 v0, v1;
	_ =	sdelay $0x1  }
0xf3: {  	v0 =	vperm.xlane @p1 v0, v2;
	v4 =	vadd.s32 @p1 v3, v4;
	_ =	sdelay $0x1  }
0xf4: {  	v0 =	vadd.s32 @p1 v3, v0;
	_ =	sdelay $0x1  }
0xf5: {  	s4 =	simm.s32 @p1 $0x13180  }
0xf6: {  	[tilespmem:s4], [sflag:$0x3] =	stream.indirect_vreg.gather @p1 [hbm4b:s14+s3], $0x80, v4, vm1, $0xb8;
	[tilespmem:$0x1A300] =	vst v63  }
0xf7: {  	s4 =	simm.s32 @p1 $0x13980  }
0xf8: {  	[tilespmem:s4], [sflag:$0x3] =	stream.indirect_vreg.gather @p1 [hbm4b:s14+s3], $0x80, v0, vm1, $0xb8;
	[tilespmem:$0x1A300] =	vst v63  }
0xf9: {  	v0 =	vld @p1 [tilespmem:s1+$0xA0];
	_ =	sdelay $0x4  }
0xfa: {  	v4 =	vshll.u32 @p1 v0, $0x1  }
0xfb: {  	v0 =	vand.u32 @p1 $0x7, v0;
	v4 =	vand.u32 @p1 $0xFFFFFFF0, v4  }
0xfc: {  	v0 =	vor.u32 @p1 v0, v4  }
0xfd: {  	v4 =	vperm.xlane @p1 v0, v1;
	_ =	sdelay $0x1  }
0xfe: {  	v0 =	vperm.xlane @p1 v0, v2;
	v4 =	vadd.s32 @p1 v3, v4;
	_ =	sdelay $0x1  }
0xff: {  	v0 =	vadd.s32 @p1 v3, v0;
	_ =	sdelay $0x1  }
0x100: {  	s4 =	simm.s32 @p1 $0x14180  }
0x101: {  	[tilespmem:s4], [sflag:$0x3] =	stream.indirect_vreg.gather @p1 [hbm4b:s14+s3], $0x80, v4, vm1, $0xb8;
	[tilespmem:$0x1A300] =	vst v63  }
0x102: {  	s4 =	simm.s32 @p1 $0x14980  }
0x103: {  	[tilespmem:s4], [sflag:$0x3] =	stream.indirect_vreg.gather @p1 [hbm4b:s14+s3], $0x80, v0, vm1, $0xb8;
	[tilespmem:$0x1A300] =	vst v63  }
0x104: {  	v0 =	vld @p1 [tilespmem:s1+$0xB0];
	_ =	sdelay $0x4  }
0x105: {  	v4 =	vshll.u32 @p1 v0, $0x1  }
0x106: {  	v0 =	vand.u32 @p1 $0x7, v0;
	v4 =	vand.u32 @p1 $0xFFFFFFF0, v4  }
0x107: {  	v0 =	vor.u32 @p1 v0, v4  }
0x108: {  	v1 =	vperm.xlane @p1 v0, v1;
	_ =	sdelay $0x1  }
0x109: {  	v0 =	vperm.xlane @p1 v0, v2;
	v1 =	vadd.s32 @p1 v3, v1;
	_ =	sdelay $0x1  }
0x10a: {  	v0 =	vadd.s32 @p1 v3, v0;
	_ =	sdelay $0x1  }
0x10b: {  	s1 =	simm.s32 @p1 $0x15180  }
0x10c: {  	[tilespmem:s1], [sflag:$0x3] =	stream.indirect_vreg.gather @p1 [hbm4b:s14+s3], $0x80, v1, vm1, $0xb8;
	[tilespmem:$0x1A300] =	vst v63  }
0x10d: {  	s5 =	rddreg [dreg:$0x12];
	s1 =	simm.s32 @p1 $0x15980  }
0x10e: {  	[tilespmem:s1], [sflag:$0x3] =	stream.indirect_vreg.gather @p1 [hbm4b:s14+s3], $0x80, v0, vm1, $0xb8;
	[tilespmem:$0x1A300] =	vst v63  }
0x10f: {  	s1 =	sand.u32 $0x3, s5  }
0x110: {  	[dreg:$0xe] =	wrdreg s0;
	p1 =	sne.s32 s1, $0x0  }
0x111: {  	[dreg:$0xd] =	wrdreg s6;
	s1 =	simm.s32 @!p1 $0x3  }
0x112: {  	p2 =	sne.s32 s31, $0x0;
	p0 =	por !p6, !p6;
	_ =	swait.ge @!p1 [sflag:s1], $0x4000  }
0x113: {  	p0 =	por p2, p0;
	[sflag:s1] =	ssyncset.done @!p1 $0x0  }
0x114: {  	[sflag:s1] =	ssyncadd.s32 @!p1 $0xFFFFC000;
	s1 =	simm.s32 @!p0 $0x4  }
0x115: {  	_ =	swait.ge @!p0 [sflag:s1], $0x4000  }
0x116: {  	s9 =	sand.u32 $0x7800, s7;
	s10 =	sand.u32 $0x380, s8;
	[sflag:s1] =	ssyncset.done @!p0 $0x0  }
0x117: {  	s11 =	sor.u32 s10, s9;
	[sflag:s1] =	ssyncadd.s32 @!p0 $0xFFFFC000  }
0x118: {  	v36 =	vld [tilespmem:s11+$0x2180]  }
0x119: {  	v35 =	vld [tilespmem:s11+$0x2190]  }
0x11a: {  	v34 =	vld [tilespmem:s11+$0x21A0]  }
0x11b: {  	v33 =	vld [tilespmem:s11+$0x21B0]  }
0x11c: {  	v31 =	vld [tilespmem:s11+$0x21C0]  }
0x11d: {  	v32 =	vld [tilespmem:s11+$0x21D0]  }
0x11e: {  	v30 =	vld [tilespmem:s11+$0x21E0]  }
0x11f: {  	v48 =	vld [tilespmem:s11+$0x21F0]  }
0x120: {  	v28 =	vld [tilespmem:s11+$0x2580]  }
0x121: {  	v29 =	vld [tilespmem:s11+$0x2590]  }
0x122: {  	v55 =	vld [tilespmem:s11+$0x25A0]  }
0x123: {  	v56 =	vld [tilespmem:s11+$0x25B0]  }
0x124: {  	v61 =	vld [tilespmem:s11+$0xA180]  }
0x125: {  	v63 =	vld [tilespmem:s11+$0xA190]  }
0x126: {  	v15 =	vld [tilespmem:s11+$0xA1A0]  }
0x127: {  	v26 =	vld [tilespmem:s11+$0xA1B0]  }
0x128: {  	v23 =	vld [tilespmem:s11+$0xA1C0]  }
0x129: {  	v22 =	vld [tilespmem:s11+$0xA1D0]  }
0x12a: {  	v24 =	vld [tilespmem:s11+$0xA1E0]  }
0x12b: {  	v27 =	vld [tilespmem:s11+$0xA1F0]  }
0x12c: {  	v21 =	vld [tilespmem:s11+$0xA580]  }
0x12d: {  	v20 =	vld [tilespmem:s11+$0xA590]  }
0x12e: {  	s0 =	sshll.u32 s31, $0x5;
	s2 =	sshll.u32 s2, $0x6;
	v6 =	vld [tilespmem:s11+$0xA5A0]  }
0x12f: {  	s0 =	sor.u32 s0, s2;
	v9 =	vld [tilespmem:s11+$0xA5B0]  }
0x130: {  	s13 =	sshll.u32 s0, $0x8;
	v40 =	vld [tilespmem:s6+$0x0]  }
0x131: {  	v37 =	vld [tilespmem:s13+$0x12180]  }
0x132: {  	v38 =	vld [tilespmem:s13+$0x12190]  }
0x133: {  	v42 =	vld [tilespmem:s13+$0x121A0]  }
0x134: {  	v43 =	vld [tilespmem:s13+$0x121B0]  }
0x135: {  	v44 =	vld [tilespmem:s13+$0x121C0]  }
0x136: {  	v46 =	vld [tilespmem:s13+$0x121D0]  }
0x137: {  	v47 =	vld [tilespmem:s13+$0x121E0]  }
0x138: {  	v49 =	vld [tilespmem:s13+$0x121F0]  }
0x139: {  	v50 =	vld [tilespmem:s13+$0x12580]  }
0x13a: {  	v51 =	vld [tilespmem:s13+$0x12590]  }
0x13b: {  	v52 =	vld [tilespmem:s13+$0x125A0]  }
0x13c: {  	v0 =	vld [tilespmem:s13+$0x125B0]  }
0x13d: {  	v53 =	vld [tilespmem:s13+$0x12200]  }
0x13e: {  	v2 =	vld [tilespmem:s13+$0x12260]  }
0x13f: {  	v14 =	vld [tilespmem:s13+$0x12270]  }
0x140: {  	v54 =	vld [tilespmem:s13+$0x12210]  }
0x141: {  	[tilespmem:$0x1FE20] =	vst v0;
	v0 =	vld [tilespmem:s13+$0x12230]  }
0x142: {  	v39 =	vld [tilespmem:s13+$0x12220]  }
0x143: {  	v45 =	vld [tilespmem:s13+$0x12240];
	v1 =	vadd.f32 v32, v35;
	[tilespmem:$0x1FE30] =	vst v2;
	v2 =	vadd.f32 v30, v34  }
0x144: {  	v57 =	vld [tilespmem:s13+$0x12250];
	v3 =	vadd.f32 v48, v33;
	[tilespmem:$0x1FE50] =	vst v14;
	v14 =	vadd.f32 v22, v63  }
0x145: {  	v58 =	vld [tilespmem:s13+$0x12600];
	v7 =	vadd.f32 v27, v26;
	v1 =	vadd.f32 v29, v1  }
0x146: {  	v5 =	vld [tilespmem:s13+$0x12630];
	v2 =	vadd.f32 v55, v2;
	[tilespmem:$0x1FE40] =	vst v0;
	v0 =	vadd.f32 v31, v36  }
0x147: {  	v59 =	vld [tilespmem:s13+$0x12610];
	v3 =	vadd.f32 v56, v3;
	v4 =	vadd.f32 v20, v14  }
0x148: {  	v60 =	vld [tilespmem:s13+$0x12620];
	v7 =	vadd.f32 v9, v7;
	v11 =	vmul.f32 $3.333333430e-01, v1;
	v0 =	vadd.f32 v28, v0  }
0x149: {  	v1 =	vadd.f32 v24, v15;
	v18 =	vmul.f32 $3.333333430e-01, v2;
	v2 =	vld [tilespmem:s13+$0x12280];
	v25 =	vmul.f32 $3.333333430e-01, v4  }
0x14a: {  	v19 =	vmul.f32 $3.333333430e-01, v3;
	v3 =	vld [tilespmem:s13+$0x12290];
	v16 =	vmul.f32 $3.333333430e-01, v0;
	v0 =	vadd.f32 v23, v61  }
0x14b: {  	v41 =	vld [tilespmem:s13+$0x122B0];
	[tilespmem:$0x1FE60] =	vst v5;
	v5 =	vmovc v9;
	v14 =	vmul.f32 $3.333333430e-01, v7;
	v8 =	vadd.f32 v6, v1;
	v17 =	vmul.f32 v25, v11  }
0x14c: {  	[tilespmem:$0x1FF40] =	vst v9;
	v4 =	vld [tilespmem:s13+$0x122E0];
	v12 =	vmul.f32 v11, v11;
	v9 =	vmul.f32 v25, v25;
	v0 =	vadd.f32 v21, v0  }
0x14d: {  	v1 =	vld [tilespmem:s13+$0x122A0];
	v25 =	vmul.f32 v18, v18;
	v13 =	vmul.f32 $3.333333430e-01, v8  }
0x14e: {  	[tilespmem:$0x1FF60] =	vst v11;
	v11 =	vld [tilespmem:s13+$0x122D0];
	v10 =	vmul.f32 v16, v16;
	v0 =	vmul.f32 $3.333333430e-01, v0  }
0x14f: {  	[tilespmem:$0x1FE90] =	vst v61;
	v8 =	vld [tilespmem:s13+$0x122C0];
	v2 =	vmul.f32 v2, v36;
	v3 =	vmul.f32 v3, v35  }
0x150: {  	[tilespmem:$0x1FE70] =	vst v41;
	v41 =	vmul.f32 v19, v19;
	v12 =	vadd.f32 v12, v10;
	v10 =	vld [tilespmem:s13+$0x12680];
	v62 =	vmul.f32 v0, v16  }
0x151: {  	v61 =	vmul.f32 v61, v36;
	[tilespmem:$0x1FF50] =	vst v16;
	v2 =	vadd.f32 v3, v2;
	v16 =	vmul.f32 v0, v0;
	v0 =	vld [tilespmem:s13+$0x122F0]  }
0x152: {  	v25 =	vadd.f32 v25, v12;
	v12 =	vld [tilespmem:s13+$0x12690];
	v7 =	vadd.f32 v17, v62;
	v17 =	vmul.f32 v13, v18  }
0x153: {  	[tilespmem:$0x1FEA0] =	vst v23;
	v1 =	vmul.f32 v1, v34;
	v62 =	vmul.f32 v63, v35;
	v16 =	vadd.f32 v9, v16;
	v9 =	vld [tilespmem:s13+$0x126A0]  }
0x154: {  	[tilespmem:$0x1FF70] =	vst v18;
	v18 =	vadd.f32 v41, v25;
	v25 =	vld [tilespmem:s13+$0x12300];
	v7 =	vadd.f32 v17, v7;
	v17 =	vmul.f32 v14, v19  }
0x155: {  	[tilespmem:$0x1FEF0] =	vst v15;
	v1 =	vadd.f32 v1, v2;
	v13 =	vmul.f32 v13, v13;
	v41 =	vmul.f32 v15, v34;
	v15 =	vld [tilespmem:s13+$0x12360]  }
0x156: {  	[tilespmem:$0x1FEC0] =	vst v63;
	v2 =	vmul.f32 v10, v28;
	v10 =	vld [tilespmem:s13+$0x12830];
	v63 =	vadd.f32 v17, v7;
	v17 =	vadd.f32 v62, v61  }
0x157: {  	[tilespmem:$0x1FF00] =	vst v24;
	v7 =	vld [tilespmem:s13+$0x126B0];
	v61 =	vadd.f32 v13, v16;
	v13 =	vmul.f32 v23, v31;
	v23 =	vmul.f32 v22, v32  }
0x158: {  	[tilespmem:$0x1FEB0] =	vst v21;
	v62 =	vmul.f32 v21, v28;
	v21 =	vmul.f32 v24, v30;
	v16 =	vld [tilespmem:s13+$0x12320]  }
0x159: {  	[tilespmem:$0x1FF10] =	vst v6;
	v24 =	vmul.f32 v6, v55;
	v6 =	vmul.f32 v49, v48;
	v49 =	vld [tilespmem:s13+$0x12380]  }
0x15a: {  	[tilespmem:$0x1FEE0] =	vst v20;
	v14 =	vmul.f32 v14, v14;
	v17 =	vadd.f32 v41, v17;
	v41 =	vld [tilespmem:s13+$0x12310]  }
0x15b: {  	[tilespmem:$0x1FF80] =	vst v19;
	v19 =	vmul.f32 v20, v29;
	v20 =	vadd.f32 v23, v13;
	v13 =	vld [tilespmem:s13+$0x12330]  }
0x15c: {  	v37 =	vmul.f32 v37, v36;
	v38 =	vmul.f32 v38, v35;
	v61 =	vadd.f32 v14, v61;
	v14 =	vld [tilespmem:s13+$0x12340]  }
0x15d: {  	[tilespmem:$0x1FF20] =	vst v26;
	v19 =	vadd.f32 v19, v62;
	v62 =	vmul.f32 v26, v33;
	v26 =	vmul.f32 v27, v48;
	v23 =	vld [tilespmem:s13+$0x12370]  }
0x15e: {  	[tilespmem:$0x1FF30] =	vst v27;
	v27 =	vmul.f32 v5, v56;
	v5 =	vadd.f32 v38, v37;
	v37 =	vmul.f32 v43, v33;
	v43 =	vld [tilespmem:s13+$0x12700]  }
0x15f: {  	v38 =	vmul.f32 v50, v28;
	v50 =	vld [tilespmem:s13+$0x123A0]  }
0x160: {  	(xrf2) =	vadd.scan.msk.f32 $0xffff, v63;
	v63 =	vld [tilespmem:$0x1FE30]  }
0x161: {  	v62 =	vadd.f32 v62, v17;
	v17 =	vld [tilespmem:s13+$0x12350]  }
0x162: {  	(xrf2) =	vadd.scan.msk.f32 $0xffff, v18;
	v20 =	vadd.f32 v21, v20;
	v19 =	vadd.f32 v24, v19;
	v24 =	vmul.f32 v44, v31;
	v44 =	vld [tilespmem:s13+$0x12720]  }
0x163: {  	v45 =	vmul.f32 v45, v31;
	v57 =	vmul.f32 v57, v32;
	(xrf2) =	vadd.scan.msk.f32 $0xffff, v61;
	v61 =	vld [tilespmem:$0x1FE20]  }
0x164: {  	v58 =	vmul.f32 v58, v28;
	v20 =	vadd.f32 v26, v20;
	v26 =	vmul.f32 v46, v32;
	v46 =	vld [tilespmem:s13+$0x12710]  }
0x165: {  	v59 =	vmul.f32 v59, v29;
	v19 =	vadd.f32 v27, v19;
	v27 =	vmul.f32 v42, v34;
	v42 =	vld [tilespmem:s13+$0x123B0]  }
0x166: {  	[tilespmem:$0x1FED0] =	vst v22;
	(xrf2) =	vadd.scan.msk.f32 $0xffff, v62;
	v22 =	vadd.f32 v26, v24;
	v24 =	vmul.f32 v51, v29;
	v51 =	vld [tilespmem:s13+$0x12390]  }
0x167: {  	(xrf2) =	vadd.scan.msk.f32 $0xffff, v20;
	v20 =	vadd.f32 v57, v45;
	v57 =	vadd.f32 v59, v58;
	v58 =	vld [tilespmem:$0x1FE40]  }
0x168: {  	v47 =	vmul.f32 v47, v30;
	v5 =	vadd.f32 v27, v5;
	v26 =	vmul.f32 v53, v36;
	v53 =	vld [tilespmem:s13+$0x123D0]  }
0x169: {  	v27 =	vmul.f32 v54, v35;
	v62 =	vmul.f32 v61, v56;
	v61 =	vld [tilespmem:$0x1FE50]  }
0x16a: {  	v39 =	vmul.f32 v39, v34;
	v22 =	vadd.f32 v47, v22;
	v47 =	vld [tilespmem:s13+$0x12730];
	v5 =	vadd.f32 v37, v5  }
0x16b: {  	v21 =	vadd.f32 v24, v38;
	v37 =	vmul.f32 v52, v55;
	v38 =	vadd.f32 v27, v26;
	v52 =	vld [tilespmem:s13+$0x123C0]  }
0x16c: {  	v24 =	vld [tilespmem:$0x1FE60]  }
0x16d: {  	(xrf2) =	vadd.scan.msk.f32 $0xffff, v19;
	v6 =	vadd.f32 v6, v22;
	v18 =	vadd.f32 v39, v38;
	v39 =	vld [tilespmem:s13+$0x123E0]  }
0x16e: {  	v21 =	vadd.f32 v37, v21;
	(xrf2) =	vadd.scan.msk.f32 $0xffff, v5;
	v5 =	vld [tilespmem:s13+$0x127A0];
	v22 =	vmul.f32 v58, v33  }
0x16f: {  	v27 =	vmul.f32 v63, v30;
	(xrf2) =	vadd.scan.msk.f32 $0xffff, v6;
	v6 =	vld [tilespmem:s13+$0x12820]  }
0x170: {  	v59 =	vmul.f32 v60, v55;
	v60 =	vadd.f32 v62, v21;
	v62 =	vadd.f32 v22, v18;
	v22 =	vld [tilespmem:s13+$0x123F0]  }
0x171: {  	v20 =	vadd.f32 v27, v20;
	v21 =	vmul.f32 v61, v48;
	v18 =	vld [tilespmem:s13+$0x12790]  }
0x172: {  	v63 =	vadd.f32 v59, v57;
	v19 =	vmul.f32 v24, v56;
	v24 =	vld [tilespmem:s13+$0x12440]  }
0x173: {  	v37, _, _ =	vpop (xrf2);
	(xrf2) =	vadd.scan.msk.f32 $0xffff, v60;
	v26 =	vadd.f32 v21, v20;
	v20 =	vld [tilespmem:s13+$0x12780]  }
0x174: {  	(v2sf) =	vpush v40, $0x0;
	v38, _, _ =	vpop (xrf2);
	v21 =	vld [tilespmem:s13+$0x12400];
	(xrf2) =	vadd.scan.msk.f32 $0xffff, v62;
	v27 =	vadd.f32 v19, v63  }
0x175: {  	(v2sf) =	vpush v38, $0xF;
	v38 =	vld [tilespmem:s13+$0x12410];
	(xrf2) =	vadd.scan.msk.f32 $0xffff, v26  }
0x176: {  	[tilespmem:$0x1FE80] =	vst v40;
	v40, _, _ =	vpop (xrf2);
	v19 =	vld [tilespmem:s13+$0x127B0];
	(xrf2) =	vadd.scan.msk.f32 $0xffff, v27  }
0x177: {  	(v2sf) =	vpush v40, $0xF;
	v40 =	vld [tilespmem:s13+$0x12420]  }
0x178: {  	v45, _, _ =	vpop (xrf2);
	v63 =	vmul.f32 v11, v32;
	v11 =	vld [tilespmem:s13+$0x12810]  }
0x179: {  	(v2sf) =	vpush v45, $0xF;
	v54, _, _ =	vpop (xrf2);
	v45 =	vld [tilespmem:s13+$0x12430]  }
0x17a: {  	v26 =	vld [tilespmem:s13+$0x12460];
	(v2sf) =	vpush v54, $0xF;
	v57, _, _ =	vpop (xrf2)  }
0x17b: {  	v54 =	vld [tilespmem:s13+$0x12450];
	(v2sf) =	vpush v57, $0xF;
	v18 =	vmul.f32 v18, v29;
	v20 =	vmul.f32 v20, v28;
	v58, _, _ =	vpop (xrf2)  }
0x17c: {  	v4 =	vmul.f32 v4, v30;
	v27 =	vld [tilespmem:s13+$0x12470];
	(v2sf) =	vpush v58, $0xF;
	v59, _, _ =	vpop (xrf2)  }
0x17d: {  	v5 =	vmul.f32 v5, v55;
	v57 =	vld [tilespmem:s13+$0x12800];
	v18 =	vadd.f32 v18, v20;
	(v2sf) =	vpush v59, $0xF;
	v60, _, _ =	vpop (xrf2)  }
0x17e: {  	v58 =	vmul.f32 v46, v29;
	v46 =	vld [tilespmem:s13+$0x12890];
	v59 =	vmul.f32 v12, v29;
	(v2sf) =	vpush v60, $0xF;
	v61, _, _ =	vpop (xrf2)  }
0x17f: {  	[tilespmem:$0x1FF90] =	vst v37;
	v62 =	vmul.f32 v8, v31;
	v5 =	vadd.f32 v5, v18;
	v18 =	vld [tilespmem:s13+$0x12930];
	(v2sf) =	vpush v61, $0xF;
	v37, _, _ =	vpop (xrf2)  }
0x180: {  	v60 =	vmul.f32 v25, v36;
	v25 =	vld [tilespmem:s13+$0x12480];
	v2 =	vadd.f32 v59, v2;
	(v2sf) =	vpush v37, $0xF;
	v3, _, _ =	vpop (xrf2)  }
0x181: {  	v59 =	vmul.f32 v23, v48;
	v23 =	vld [tilespmem:s13+$0x124F0];
	(v2sf) =	vpush v3, $0xF;
	v3 =	vadd.f32 v63, v62  }
0x182: {  	v61 =	vmul.f32 v41, v35;
	v62 =	vld [tilespmem:$0x1FE70]  }
0x183: {  	v0 =	vmul.f32 v0, v48;
	v41 =	vmul.f32 v13, v33;
	v13 =	vld [tilespmem:s13+$0x124D0];
	v3 =	vadd.f32 v4, v3  }
0x184: {  	v37 =	vld [tilespmem:s13+$0x12490];
	v63 =	vmul.f32 v16, v34;
	v4 =	vadd.f32 v61, v60  }
0x185: {  	v9 =	vmul.f32 v9, v55;
	v16 =	vld [tilespmem:s13+$0x124A0];
	v60 =	vmul.f32 v44, v55;
	v3 =	vadd.f32 v0, v3  }
0x186: {  	v44 =	vld [tilespmem:s13+$0x12520];
	v0 =	vadd.f32 v63, v4;
	v63 =	vmul.f32 v52, v31;
	v52 =	vmul.f32 v53, v32  }
0x187: {  	v53 =	vmul.f32 v50, v34;
	v50 =	vld [tilespmem:s13+$0x128B0];
	v8 =	vmul.f32 v62, v33  }
0x188: {  	v4 =	vadd.f32 v41, v0;
	v0 =	vmul.f32 v43, v28;
	v43 =	vld [tilespmem:s13+$0x12880]  }
0x189: {  	v8 =	vadd.f32 v8, v1;
	v1 =	vadd.f32 v9, v2;
	v2 =	vmul.f32 v7, v56;
	v7 =	vld [tilespmem:s13+$0x124B0]  }
0x18a: {  	v9 =	vld [tilespmem:s13+$0x124C0];
	v0 =	vadd.f32 v58, v0;
	v58 =	vmul.f32 v39, v30  }
0x18b: {  	v39 =	vld [tilespmem:s13+$0x12570];
	v12 =	vadd.f32 v2, v1;
	v1 =	vmul.f32 v14, v31;
	v2 =	vmul.f32 v17, v32  }
0x18c: {  	v21 =	vmul.f32 v21, v36;
	v61 =	vmul.f32 v47, v56;
	v17 =	vld [tilespmem:s13+$0x124E0];
	v0 =	vadd.f32 v60, v0  }
0x18d: {  	v38 =	vmul.f32 v38, v35;
	(xrf2) =	vadd.scan.msk.f32 $0xffff, v8;
	v8 =	vld [tilespmem:s13+$0x129E0];
	v1 =	vadd.f32 v2, v1;
	v2 =	vmul.f32 v15, v30  }
0x18e: {  	v41 =	vadd.f32 v61, v0;
	v0 =	vadd.f32 v52, v63;
	v61 =	vmul.f32 v40, v34;
	v40 =	vld [tilespmem:s13+$0x12540]  }
0x18f: {  	v21 =	vadd.f32 v38, v21;
	v1 =	vadd.f32 v2, v1;
	v2 =	vmul.f32 v49, v36;
	v49 =	vld [tilespmem:s13+$0x128A0]  }
0x190: {  	v11 =	vmul.f32 v11, v29;
	v52 =	vmul.f32 v57, v28;
	v14 =	vadd.f32 v58, v0;
	v0 =	vld [tilespmem:s13+$0x12530]  }
0x191: {  	v60 =	vmul.f32 v42, v33;
	v42 =	vadd.f32 v61, v21;
	v21 =	vld [tilespmem:s13+$0x12900]  }
0x192: {  	v58 =	vadd.f32 v11, v52;
	v11 =	vld [tilespmem:s13+$0x12920]  }
0x193: {  	v62 =	vmul.f32 v51, v35;
	v61 =	vmul.f32 v9, v31;
	v9 =	vld [tilespmem:s13+$0x129A0]  }
0x194: {  	v52 =	vld [tilespmem:s13+$0x12A10]  }
0x195: {  	v22 =	vmul.f32 v22, v48;
	v15 =	vadd.f32 v59, v1;
	v1 =	vadd.f32 v62, v2;
	v2 =	vld [tilespmem:s13+$0x12500]  }
0x196: {  	v45 =	vmul.f32 v45, v33;
	v62 =	vmul.f32 v19, v56;
	v19 =	vld [tilespmem:s13+$0x12550]  }
0x197: {  	(xrf2) =	vadd.scan.msk.f32 $0xffff, v3;
	v63 =	vadd.f32 v22, v14;
	v22 =	vld [tilespmem:s13+$0x12560]  }
0x198: {  	v6 =	vmul.f32 v6, v55;
	(xrf2) =	vadd.scan.msk.f32 $0xffff, v12;
	v3 =	vadd.f32 v45, v42;
	v42 =	vld [tilespmem:s13+$0x12910]  }
0x199: {  	v47 =	vmul.f32 v24, v31;
	v51 =	vmul.f32 v54, v32;
	v59 =	vadd.f32 v53, v1;
	v1 =	vld [tilespmem:s13+$0x12510]  }
0x19a: {  	v54 =	vmul.f32 v26, v30;
	(xrf2) =	vadd.scan.msk.f32 $0xffff, v4;
	v5 =	vadd.f32 v62, v5;
	v62 =	vmul.f32 v13, v32;
	v13 =	vld [tilespmem:s13+$0x12980]  }
0x19b: {  	v57 =	vmul.f32 v27, v48;
	v4 =	vadd.f32 v6, v58;
	v53 =	vadd.f32 v51, v47;
	(xrf2) =	vadd.scan.msk.f32 $0xffff, v15;
	v15 =	vld [tilespmem:s13+$0x12990]  }
0x19c: {  	v20 =	vadd.f32 v60, v59;
	v59 =	vmul.f32 v25, v36;
	v25 =	vmul.f32 v23, v48;
	v23 =	vld [tilespmem:s13+$0x12A20]  }
0x19d: {  	(xrf2) =	vadd.scan.msk.f32 $0xffff, v41;
	v12 =	vadd.f32 v54, v53;
	v6 =	vadd.f32 v62, v61;
	v61 =	vmul.f32 v44, v34;
	v44 =	vld [tilespmem:s13+$0x12AA0]  }
0x19e: {  	v60 =	vmul.f32 v37, v35;
	(xrf2) =	vadd.scan.msk.f32 $0xffff, v20;
	v20 =	vmul.f32 v7, v33;
	v7 =	vld [tilespmem:s13+$0x129D0]  }
0x19f: {  	v10 =	vmul.f32 v10, v56;
	v16 =	vmul.f32 v16, v34;
	v12 =	vadd.f32 v57, v12;
	v57 =	vld [tilespmem:s13+$0x12A30]  }
0x1a0: {  	v27 =	vmul.f32 v43, v28;
	v39 =	vmul.f32 v39, v48;
	v26, _, _ =	vpop (xrf2);
	v14 =	vadd.f32 v60, v59;
	v59 =	vld [tilespmem:s13+$0x12A40]  }
0x1a1: {  	v62 =	vmul.f32 v40, v31;
	(v2sf) =	vpush v26, $0xF;
	v38, _, _ =	vpop (xrf2);
	v26 =	vmul.f32 v42, v29;
	v42 =	vld [tilespmem:s13+$0x12E00]  }
0x1a2: {  	v19 =	vmul.f32 v19, v32;
	(v2sf) =	vpush v38, $0xF;
	v43, _, _ =	vpop (xrf2);
	(xrf2) =	vadd.scan.msk.f32 $0xffff, v63;
	v63 =	vmul.f32 v17, v30;
	v17 =	vld [tilespmem:s13+$0x129C0]  }
0x1a3: {  	v8 =	vmul.f32 v8, v30;
	v4 =	vadd.f32 v10, v4;
	(v2sf) =	vpush v43, $0xF;
	v43 =	vld [tilespmem:s13+$0x12A60]  }
0x1a4: {  	v37 =	vmul.f32 v46, v29;
	v2 =	vmul.f32 v2, v36;
	v10 =	vadd.f32 v19, v62;
	v19 =	vld [tilespmem:s13+$0x12E10]  }
0x1a5: {  	v22 =	vmul.f32 v22, v30;
	v1 =	vmul.f32 v1, v35;
	v24 =	vadd.f32 v16, v14;
	v14 =	vld [tilespmem:s13+$0x129B0]  }
0x1a6: {  	v45, _, _ =	vpop (xrf2);
	v13 =	vmul.f32 v13, v36;
	v15 =	vmul.f32 v15, v35;
	v16 =	vld [tilespmem:s13+$0x12DB0]  }
0x1a7: {  	(xrf2) =	vadd.scan.msk.f32 $0xffff, v5;
	(v2sf) =	vpush v45, $0xF;
	v1 =	vadd.f32 v1, v2;
	v2 =	vmul.f32 v21, v28;
	v21 =	vld [tilespmem:s13+$0x12E20]  }
0x1a8: {  	v41 =	vmul.f32 v49, v55;
	(xrf2) =	vadd.scan.msk.f32 $0xffff, v3;
	v3 =	vadd.f32 v63, v6;
	v10 =	vadd.f32 v22, v10;
	v22 =	vld [tilespmem:s13+$0x12E30]  }
0x1a9: {  	v0 =	vmul.f32 v0, v33;
	v6 =	vadd.f32 v37, v27;
	v13 =	vadd.f32 v15, v13;
	v15 =	vld [tilespmem:s13+$0x12AB0]  }
0x1aa: {  	v11 =	vmul.f32 v11, v55;
	(xrf2) =	vadd.scan.msk.f32 $0xffff, v12;
	v5 =	vadd.f32 v20, v24;
	v12 =	vld [tilespmem:s13+$0x12D90];
	v3 =	vadd.f32 v25, v3  }
0x1ab: {  	v9 =	vmul.f32 v9, v34;
	v24 =	vld [tilespmem:s13+$0x12A50];
	(xrf2) =	vadd.scan.msk.f32 $0xffff, v4;
	v4 =	vadd.f32 v41, v6;
	v1 =	vadd.f32 v61, v1  }
0x1ac: {  	v6 =	vld [tilespmem:s13+$0x12D80];
	v2 =	vadd.f32 v26, v2;
	v7 =	vmul.f32 v7, v32;
	v57 =	vmul.f32 v57, v33  }
0x1ad: {  	v10 =	vadd.f32 v39, v10;
	v59 =	vmul.f32 v59, v31;
	v61 =	vld [tilespmem:s13+$0x12EA0];
	v26 =	vmul.f32 v42, v28  }
0x1ae: {  	v9 =	vadd.f32 v9, v13;
	v41 =	vld [tilespmem:s13+$0x12B10];
	(xrf2) =	vadd.scan.msk.f32 $0xffff, v5;
	v46, _, _ =	vpop (xrf2);
	v62 =	vmul.f32 v43, v30;
	v19 =	vmul.f32 v19, v29  }
0x1af: {  	v5 =	vld [tilespmem:s13+$0x129F0];
	(xrf2) =	vadd.scan.msk.f32 $0xffff, v3;
	v3 =	vmul.f32 v50, v56;
	(v2sf) =	vpush v46, $0xF;
	v0 =	vadd.f32 v0, v1  }
0x1b0: {  	v43 =	vld [tilespmem:s13+$0x12B20];
	v47, _, _ =	vpop (xrf2);
	v1 =	vmul.f32 v18, v56;
	v2 =	vadd.f32 v11, v2;
	v14 =	vmul.f32 v14, v33  }
0x1b1: {  	v11 =	vld [tilespmem:s13+$0x12A80];
	(v2sf) =	vpush v47, $0xF;
	v42 =	vmul.f32 v21, v55;
	v19 =	vadd.f32 v19, v26  }
0x1b2: {  	v18 =	vld [tilespmem:s13+$0x12A90];
	v22 =	vmul.f32 v22, v56;
	v15 =	vmul.f32 v15, v33;
	v3 =	vadd.f32 v3, v4  }
0x1b3: {  	v46 =	vld [tilespmem:s13+$0x12AC0];
	v1 =	vadd.f32 v1, v2;
	v2 =	vmul.f32 v17, v31;
	v45 =	vmul.f32 v12, v29;
	v49, _, _ =	vpop (xrf2)  }
0x1b4: {  	v47 =	vld [tilespmem:s13+$0x12AD0];
	v17 =	vmul.f32 v44, v34;
	v6 =	vmul.f32 v6, v28;
	(v2sf) =	vpush v49, $0xF;
	v50, _, _ =	vpop (xrf2)  }
0x1b5: {  	s4 =	spop (v2sf);
	v4 =	vld [tilespmem:s13+$0x12DA0];
	(xrf2) =	vadd.scan.msk.f32 $0xffff, v3;
	v2 =	vadd.f32 v7, v2;
	v5 =	vmul.f32 v5, v48;
	(v2sf) =	vpush v50, $0xF  }
0x1b6: {  	v44 =	vld [tilespmem:s13+$0x12B30];
	v6 =	vadd.f32 v45, v6;
	v50 =	vmul.f32 v52, v35;
	v52 =	vmul.f32 v16, v56  }
0x1b7: {  	v3 =	vld [tilespmem:s13+$0x12A00];
	v51, _, _ =	vpop (xrf2);
	v11 =	vmul.f32 v11, v36;
	v18 =	vmul.f32 v18, v35;
	v16 =	vadd.f32 v42, v19  }
0x1b8: {  	s12 =	spop (v2sf);
	v49 =	vld [tilespmem:s13+$0x12AE0];
	v12 =	vmul.f32 v46, v31;
	(v2sf) =	vpush v51, $0xF;
	v53, _, _ =	vpop (xrf2);
	v2 =	vadd.f32 v8, v2  }
0x1b9: {  	s15 =	spop (v2sf);
	v45 =	vld [tilespmem:s13+$0x12B40];
	v8 =	vadd.f32 v14, v9;
	v13 =	vmul.f32 v47, v32;
	(v2sf) =	vpush v53, $0xF;
	v54, _, _ =	vpop (xrf2)  }
0x1ba: {  	s22 =	spop (v2sf);
	v51 =	vld [tilespmem:s13+$0x12AF0];
	v4 =	vmul.f32 v4, v55;
	v11 =	vadd.f32 v18, v11;
	(v2sf) =	vpush v54, $0xF  }
0x1bb: {  	v53 =	vld [tilespmem:s13+$0x12E80];
	v21 =	vmul.f32 v44, v33;
	v58, _, _ =	vpop (xrf2);
	v2 =	vadd.f32 v5, v2;
	v12 =	vadd.f32 v13, v12  }
0x1bc: {  	s21 =	spop (v2sf);
	v46 =	vld [tilespmem:s13+$0x12B50];
	v54 =	vmul.f32 v23, v34;
	(v2sf) =	vpush v58, $0xF;
	v63, _, _ =	vpop (xrf2);
	v4 =	vadd.f32 v4, v6  }
0x1bd: {  	s18 =	spop (v2sf);
	v3 =	vmul.f32 v3, v36;
	v58 =	vld [tilespmem:s13+$0x12E90];
	v11 =	vadd.f32 v17, v11;
	(v2sf) =	vpush v63, $0xF;
	v60, _, _ =	vpop (xrf2)  }
0x1be: {  	v47 =	vld [tilespmem:s13+$0x12F00];
	v7 =	vmul.f32 v49, v30;
	(xrf2) =	vadd.scan.msk.f32 $0xffff, v0;
	v0 =	vadd.f32 v22, v16;
	(v2sf) =	vpush v60, $0xF  }
0x1bf: {  	v63 =	vld [tilespmem:s13+$0x12A70];
	v3 =	vadd.f32 v50, v3;
	v4 =	vadd.f32 v52, v4;
	v60 =	vmul.f32 v24, v32;
	(xrf2) =	vadd.scan.msk.f32 $0xffff, v10;
	v27, _, _ =	vpop (xrf2)  }
0x1c0: {  	s17 =	spop (v2sf);
	v6 =	vmul.f32 v53, v28;
	(xrf2) =	vadd.scan.msk.f32 $0xffff, v1;
	v1 =	vmul.f32 v51, v48;
	(v2sf) =	vpush v27, $0xF;
	v27 =	vld [tilespmem:s13+$0x12B00]  }
0x1c1: {  	v49 =	vadd.f32 v15, v11;
	v50 =	vld [tilespmem:s13+$0x12F10];
	v51 =	vmul.f32 v61, v55;
	v61 =	vmul.f32 v45, v31  }
0x1c2: {  	v24 =	vld [tilespmem:s13+$0x12EB0];
	v3 =	vadd.f32 v54, v3;
	v5 =	vadd.f32 v60, v59;
	(xrf2) =	vadd.scan.msk.f32 $0xffff, v8;
	v9 =	vmul.f32 v58, v29  }
0x1c3: {  	v7 =	vadd.f32 v7, v12;
	v52 =	vld [tilespmem:s13+$0x12B60];
	(xrf2) =	vadd.scan.msk.f32 $0xffff, v2;
	v2 =	vmul.f32 v41, v35;
	v58 =	vmul.f32 v43, v34  }
0x1c4: {  	v63 =	vmul.f32 v63, v48;
	v3 =	vadd.f32 v57, v3;
	v5 =	vadd.f32 v62, v5;
	v57 =	vld [tilespmem:s13+$0x12F20]  }
0x1c5: {  	v59 =	vld [tilespmem:s13+$0x12B70];
	(xrf2) =	vadd.scan.msk.f32 $0xffff, v4;
	v62 =	vmul.f32 v46, v32;
	v6 =	vadd.f32 v9, v6;
	v54 =	vmul.f32 v27, v36  }
0x1c6: {  	v20 =	vmul.f32 v50, v29;
	v5 =	vadd.f32 v63, v5;
	v63 =	vld [tilespmem:s13+$0x12F30];
	(xrf2) =	vadd.scan.msk.f32 $0xffff, v3;
	v3 =	vmul.f32 v47, v28  }
0x1c7: {  	v53 =	vmul.f32 v24, v56;
	v60 =	vadd.f32 v51, v6;
	v2 =	vadd.f32 v2, v54  }
0x1c8: {  	s23 =	spop (v2sf);
	v22 =	vmul.f32 v52, v30;
	v6 =	vadd.f32 v62, v61;
	(xrf2) =	vadd.scan.msk.f32 $0xffff, v5;
	v3 =	vadd.f32 v20, v3  }
0x1c9: {  	s6 =	spop (v2sf);
	v1 =	vadd.f32 v1, v7;
	(xrf2) =	vadd.scan.msk.f32 $0xffff, v0;
	v0 =	vadd.f32 v58, v2;
	v2 =	vmul.f32 v57, v55  }
0x1ca: {  	s1 =	spop (v2sf);
	v23 =	vmul.f32 v59, v48;
	v4 =	vadd.f32 v53, v60;
	v6 =	vadd.f32 v22, v6;
	(xrf2) =	vadd.scan.msk.f32 $0xffff, v49  }
0x1cb: {  	s7 =	spop (v2sf);
	v24, _, _ =	vpop (xrf2);
	(xrf2) =	vadd.scan.msk.f32 $0xffff, v1;
	v1 =	vmul.f32 v63, v56;
	v0 =	vadd.f32 v21, v0;
	v2 =	vadd.f32 v2, v3  }
0x1cc: {  	s5 =	spop (v2sf);
	(v2sf) =	vpush v24, $0xF;
	v25 =	vadd.f32 v23, v6;
	v3, _, _ =	vpop (xrf2);
	(xrf2) =	vadd.scan.msk.f32 $0xffff, v4  }
0x1cd: {  	s3 =	spop (v2sf);
	(v2sf) =	vpush v3, $0xF;
	v3, _, _ =	vpop (xrf2);
	(xrf2) =	vadd.scan.msk.f32 $0xffff, v0;
	v0 =	vadd.f32 v1, v2  }
0x1ce: {  	s2 =	spop (v2sf)  }
0x1cf: {  	s19 =	spop (v2sf);
	(v2sf) =	vpush v3, $0xF;
	v1, _, _ =	vpop (xrf2);
	(xrf2) =	vadd.scan.msk.f32 $0xffff, v25  }
0x1d0: {  	s20 =	spop (v2sf);
	(v2sf) =	vpush v1, $0xF;
	v1, _, _ =	vpop (xrf2);
	(xrf2) =	vadd.scan.msk.f32 $0xffff, v0  }
0x1d1: {  	s24 =	spop (v2sf);
	(v2sf) =	vpush v1, $0xF;
	v0, _, _ =	vpop (xrf2)  }
0x1d2: {  	[dreg:$0x14] =	wrdreg s12;
	s12 =	spop (v2sf);
	(v2sf) =	vpush v0, $0xF;
	v0, _, _ =	vpop (xrf2)  }
0x1d3: {  	s10 =	spop (v2sf);
	(v2sf) =	vpush v0, $0xF;
	v0, _, _ =	vpop (xrf2)  }
0x1d4: {  	s11 =	spop (v2sf);
	(v2sf) =	vpush v0, $0xF;
	v0, _, _ =	vpop (xrf2)  }
0x1d5: {  	s9 =	spop (v2sf);
	(v2sf) =	vpush v0, $0xF;
	v0, _, _ =	vpop (xrf2)  }
0x1d6: {  	[dreg:$0x15] =	wrdreg s15;
	s15 =	spop (v2sf);
	(v2sf) =	vpush v0, $0xF;
	v0, _, _ =	vpop (xrf2)  }
0x1d7: {  	s25 =	spop (v2sf);
	(v2sf) =	vpush v0, $0xF;
	v0, _, _ =	vpop (xrf2)  }
0x1d8: {  	s26 =	spop (v2sf);
	(v2sf) =	vpush v0, $0xF;
	v0, _, _ =	vpop (xrf2)  }
0x1d9: {  	s31 =	spop (v2sf);
	(v2sf) =	vpush v0, $0xF;
	v0, _, _ =	vpop (xrf2)  }
0x1da: {  	s30 =	spop (v2sf);
	(v2sf) =	vpush v0, $0xF;
	v0, _, _ =	vpop (xrf2)  }
0x1db: {  	s29 =	spop (v2sf);
	(v2sf) =	vpush v0, $0xF  }
0x1dc: {  	s28 =	spop (v2sf)  }
0x1dd: {  	s16 =	spop (v2sf)  }
0x1de: {  	[smem:$0x7E8] =	sst s16;
	s16 =	spop (v2sf)  }
0x1df: {  	[smem:$0x7E9] =	sst s16;
	s16 =	spop (v2sf)  }
0x1e0: {  	[smem:$0x7F2] =	sst s16;
	s16 =	spop (v2sf)  }
0x1e1: {  	[smem:$0x7F8] =	sst s16;
	s16 =	spop (v2sf)  }
0x1e2: {  	[dreg:$0x1f] =	wrdreg s16;
	s16 =	spop (v2sf)  }
0x1e3: {  	[dreg:$0x1e] =	wrdreg s16;
	s16 =	spop (v2sf)  }
0x1e4: {  	[dreg:$0x1d] =	wrdreg s16;
	s16 =	spop (v2sf)  }
0x1e5: {  	[dreg:$0x1c] =	wrdreg s16;
	s16 =	spop (v2sf)  }
0x1e6: {  	[dreg:$0x1b] =	wrdreg s16;
	s16 =	spop (v2sf)  }
0x1e7: {  	[dreg:$0x1a] =	wrdreg s16;
	s16 =	spop (v2sf)  }
0x1e8: {  	[dreg:$0x19] =	wrdreg s16;
	s16 =	spop (v2sf)  }
0x1e9: {  	[dreg:$0x18] =	wrdreg s16;
	s16 =	spop (v2sf)  }
0x1ea: {  	[dreg:$0x17] =	wrdreg s16;
	s16 =	spop (v2sf)  }
0x1eb: {  	[dreg:$0x16] =	wrdreg s16  }
0x1ec: {  	s22 =	smul.f32 s4, s22;
	v40 =	vld [tilespmem:s13+$0x12C50];
	s16 =	ssub.f32 $1.000000000e+00, s4  }
0x1ed: {  	s21 =	smul.f32 s4, s21;
	v37 =	vld [tilespmem:s13+$0x12C60]  }
0x1ee: {  	[dreg:$0x13] =	wrdreg s0;
	v39 =	vld [tilespmem:s13+$0x12C40];
	s0 =	smul.f32 s17, s16  }
0x1ef: {  	v42 =	vld [tilespmem:s13+$0x13020];
	s17 =	smul.f32 s18, s4  }
0x1f0: {  	v14 =	vld [tilespmem:s13+$0x12F90];
	s1 =	smul.f32 s1, s16;
	s18 =	sadd.f32 s0, s22  }
0x1f1: {  	v18 =	vld [tilespmem:s13+$0x12C20];
	s4 =	smul.f32 s23, s16  }
0x1f2: {  	v44 =	vld [tilespmem:s13+$0x13010];
	s6 =	smul.f32 s6, s16;
	p0 =	sgt.f32 s18, $-Inf  }
0x1f3: {  	v13 =	vld [tilespmem:s13+$0x12F80];
	s3 =	smul.f32 s3, s16;
	s0 =	sadd.f32 s1, s22  }
0x1f4: {  	v17 =	vld [tilespmem:s13+$0x12C10];
	s2 =	smul.f32 s2, s16;
	s18 =	simm.s32 @!p0 $0xFF800000  }
0x1f5: {  	v16 =	vld [tilespmem:s13+$0x12C00];
	s23 =	sadd.f32 s4, s21;
	p1 =	sgt.f32 s0, s18  }
0x1f6: {  	v10 =	vld [tilespmem:s13+$0x12BD0];
	s4 =	sadd.f32 s6, s17;
	s6 =	smul.f32 s7, s16  }
0x1f7: {  	v11 =	vld [tilespmem:s13+$0x12BE0];
	s7 =	smul.f32 s5, s16;
	p0 =	sgt.f32 s23, $-Inf;
	s1 =	simm.s32 @!p1 $0x0  }
0x1f8: {  	v12 =	vld [tilespmem:s13+$0x12BF0];
	s18 =	smov.u32 @p1 s0;
	s0 =	sadd.f32 s6, s21;
	s1 =	simm.s32 @p1 $0x1  }
0x1f9: {  	v15 =	vld [tilespmem:s13+$0x12FA0];
	s23 =	simm.s32 @!p0 $0xFF800000;
	p1 =	sgt.f32 s4, $-Inf;
	[smem:$0x7EA] =	sst s1  }
0x1fa: {  	v45 =	vld [tilespmem:s13+$0x13030];
	s1 =	sadd.f32 s7, s17;
	p0 =	sgt.f32 s0, s23  }
0x1fb: {  	v8 =	vld [tilespmem:s13+$0x12BC0];
	s3 =	sadd.f32 s3, s22;
	s4 =	simm.s32 @!p1 $0xFF800000  }
0x1fc: {  	v41 =	vld [tilespmem:s13+$0x13000];
	s2 =	sadd.f32 s2, s21;
	s5 =	simm.s32 @!p0 $0x0;
	p1 =	sgt.f32 s1, s4  }
0x1fd: {  	v43 =	vld [tilespmem:s13+$0x12CA0];
	s23 =	smov.u32 @p0 s0;
	s5 =	simm.s32 @p0 $0x1;
	p0 =	sgt.f32 s3, s18  }
0x1fe: {  	v7 =	vld [tilespmem:s13+$0x13090];
	s11 =	smul.f32 s11, s16;
	[smem:$0x7EB] =	sst s5;
	s5 =	simm.s32 @!p1 $0x0  }
0x1ff: {  	v46 =	vld [tilespmem:s13+$0x12CB0];
	s4 =	smov.u32 @p1 s1;
	s5 =	simm.s32 @p1 $0x1;
	s0 =	simm.s32 @!p0 $0x0  }
0x200: {  	v9 =	vld [tilespmem:s13+$0x12C90];
	p1 =	sgt.f32 s2, s23;
	s18 =	smov.u32 @p0 s3;
	s3 =	smul.f32 s19, s16  }
0x201: {  	v50 =	vld [tilespmem:s13+$0x12CD0];
	[smem:$0x7EC] =	sst s5;
	s0 =	simm.s32 @p0 $0x1;
	s5 =	smul.f32 s20, s16  }
0x202: {  	v52 =	vld [tilespmem:s13+$0x130A0];
	s20 =	smul.f32 s26, s16;
	[smem:$0x7ED] =	sst s0;
	s0 =	simm.s32 @!p1 $0x0  }
0x203: {  	v38 =	vmul.f32 v11, v30;
	v11 =	vld [tilespmem:s13+$0x135A0];
	s26 =	smul.f32 s29, s16;
	s29 =	sld [smem:$0x7E8];
	s0 =	simm.s32 @p1 $0x1  }
0x204: {  	v47 =	vld [tilespmem:s13+$0x12CE0];
	s6 =	smul.f32 s24, s16;
	[smem:$0x7EE] =	sst s0  }
0x205: {  	v51 =	vld [tilespmem:s13+$0x12CF0];
	s7 =	smul.f32 s12, s16;
	s0 =	sadd.f32 s3, s17  }
0x206: {  	v59 =	vld [tilespmem:s13+$0x12D60];
	s12 =	smul.f32 s9, s16;
	s23 =	smov.u32 @p1 s2;
	s2 =	sadd.f32 s6, s21  }
0x207: {  	v61 =	vld [tilespmem:s13+$0x12D70];
	s1 =	sadd.f32 s5, s22;
	p0 =	sgt.f32 s0, s4  }
0x208: {  	v62 =	vld [tilespmem:s13+$0x13100];
	s3 =	sadd.f32 s7, s17;
	p2 =	sgt.f32 s2, s23  }
0x209: {  	v5 =	vld [tilespmem:s13+$0x12BA0];
	p1 =	sgt.f32 s1, s18;
	s5 =	simm.s32 @!p0 $0x0;
	s4 =	smov.u32 @p0 s0  }
0x20a: {  	v20 =	vmul.f32 v12, v48;
	v12 =	vld [tilespmem:s13+$0x131C0];
	s0 =	simm.s32 @!p2 $0x0;
	s5 =	simm.s32 @p0 $0x1;
	p0 =	sgt.f32 s3, s4  }
0x20b: {  	v22 =	vld [tilespmem:s13+$0x130B0];
	s23 =	smov.u32 @p2 s2;
	s2 =	sadd.f32 s12, s17;
	s0 =	simm.s32 @p2 $0x1  }
0x20c: {  	v27 =	vld [tilespmem:s13+$0x12D00];
	s10 =	smul.f32 s10, s16;
	[smem:$0x7F1] =	sst s0;
	s0 =	simm.s32 @!p0 $0x0  }
0x20d: {  	v10 =	vmul.f32 v10, v32;
	v8 =	vmul.f32 v8, v31;
	v53 =	vld [tilespmem:s13+$0x12D20];
	s18 =	smov.u32 @p1 s1;
	s1 =	sadd.f32 s11, s21;
	s0 =	simm.s32 @p0 $0x1  }
0x20e: {  	v60 =	vld [tilespmem:s13+$0x12D40];
	[smem:$0x7F3] =	sst s0  }
0x20f: {  	v8 =	vadd.f32 v10, v8;
	v10 =	vld [tilespmem:s13+$0x131A0];
	s0 =	sadd.f32 s10, s22  }
0x210: {  	v3 =	vld [tilespmem:s13+$0x12B90];
	s15 =	smul.f32 s15, s16;
	[smem:$0x7EF] =	sst s5  }
0x211: {  	v0 =	vld [tilespmem:s13+$0x12B80];
	s5 =	simm.s32 @!p1 $0x0;
	s4 =	smov.u32 @p0 s3;
	p0 =	sgt.f32 s0, s18  }
0x212: {  	v49 =	vmul.f32 v13, v28;
	v13 =	vld [tilespmem:s13+$0x13180];
	s5 =	simm.s32 @p1 $0x1;
	s3 =	sadd.f32 s15, s22  }
0x213: {  	v24 =	vmul.f32 v15, v55;
	v15 =	vld [tilespmem:s13+$0x13190];
	p1 =	sgt.f32 s1, s23;
	[smem:$0x7F0] =	sst s5;
	s5 =	simm.s32 @!p0 $0x0  }
0x214: {  	v6 =	vld [tilespmem:s13+$0x12BB0];
	s18 =	smov.u32 @p0 s0;
	s5 =	simm.s32 @p0 $0x1;
	p0 =	sgt.f32 s2, s4  }
0x215: {  	v23 =	vld [tilespmem:s13+$0x12C80];
	s23 =	smov.u32 @p1 s1;
	[smem:$0x7F4] =	sst s5;
	s5 =	simm.s32 @!p1 $0x0  }
0x216: {  	v54 =	vld [tilespmem:s13+$0x12D30];
	v26 =	vmul.f32 v3, v35;
	v0 =	vmul.f32 v0, v36;
	s5 =	simm.s32 @p1 $0x1;
	s0 =	simm.s32 @!p0 $0x0;
	p1 =	sgt.f32 s3, s18  }
0x217: {  	v8 =	vadd.f32 v38, v8;
	v63 =	vld [tilespmem:s13+$0x13120];
	s24 =	smul.f32 s31, s16;
	s1 =	sadd.f32 s20, s17;
	s0 =	simm.s32 @p0 $0x1  }
0x218: {  	v38 =	vmul.f32 v17, v35;
	v17 =	vld [tilespmem:s13+$0x13590];
	v5 =	vmul.f32 v5, v34;
	v0 =	vadd.f32 v26, v0;
	s19 =	smul.f32 s25, s16;
	[smem:$0x7F6] =	sst s0;
	s0 =	simm.s32 @!p1 $0x0  }
0x219: {  	v57 =	vld [tilespmem:s13+$0x12D10];
	s4 =	smov.u32 @p0 s2;
	s2 =	sadd.f32 s24, s22;
	s0 =	simm.s32 @p1 $0x1  }
0x21a: {  	v58 =	vmul.f32 v14, v29;
	v14 =	vld [tilespmem:s13+$0x131D0];
	v6 =	vmul.f32 v6, v33;
	v5 =	vadd.f32 v5, v0;
	[smem:$0x7F7] =	sst s0  }
0x21b: {  	v2 =	vld [tilespmem:s13+$0x12FB0];
	s28 =	smul.f32 s28, s16;
	s0 =	sadd.f32 s19, s21  }
0x21c: {  	v4 =	vld [tilespmem:s13+$0x12C70];
	v5 =	vadd.f32 v6, v5;
	s25 =	smul.f32 s30, s16;
	[smem:$0x7F5] =	sst s5  }
0x21d: {  	v21 =	vld [tilespmem:s13+$0x12CC0];
	p2 =	sgt.f32 s1, s4;
	s18 =	smov.u32 @p1 s3;
	p3 =	sgt.f32 s0, s23  }
0x21e: {  	v19 =	vadd.f32 v58, v49;
	v49 =	vld [tilespmem:s13+$0x13130];
	(xrf2) =	vadd.scan.msk.f32 $0xffff, v5;
	s3 =	sadd.f32 s25, s21;
	p4 =	sgt.f32 s2, s18  }
0x21f: {  	v1 =	vld [tilespmem:s13+$0x12C30];
	s4 =	smov.u32 @p2 s1;
	s23 =	smov.u32 @p3 s0;
	s0 =	sadd.f32 s26, s17  }
0x220: {  	v58 =	vadd.f32 v24, v19;
	v25 =	vld [tilespmem:s13+$0x13080];
	v2 =	vmul.f32 v2, v56;
	v26 =	vmul.f32 v16, v36;
	s1 =	sadd.f32 s28, s22;
	s18 =	smov.u32 @p4 s2;
	s2 =	smul.f32 s29, s16  }
0x221: {  	v3 =	vld [tilespmem:s13+$0x12D50];
	p5 =	sgt.f32 s3, s23;
	p1 =	sgt.f32 s0, s4  }
0x222: {  	v18 =	vmul.f32 v18, v34;
	v2 =	vadd.f32 v2, v58;
	v58 =	vld [tilespmem:s13+$0x131B0];
	v6 =	vadd.f32 v38, v26;
	s2 =	sadd.f32 s2, s21  }
0x223: {  	v8 =	vadd.f32 v20, v8;
	v16 =	vld [tilespmem:s13+$0x13580];
	p0 =	sgt.f32 s1, s18;
	s23 =	smov.u32 @p5 s3;
	s5 =	simm.s32 @!p1 $0x0  }
0x224: {  	v1 =	vmul.f32 v1, v33;
	v0 =	vld [tilespmem:s13+$0x13110];
	v19 =	vadd.f32 v18, v6;
	s4 =	smov.u32 @p1 s0;
	s5 =	simm.s32 @p1 $0x1;
	p1 =	sgt.f32 s2, s23  }
0x225: {  	v38 =	vld [tilespmem:s13+$0x13200];
	(xrf2) =	vadd.scan.msk.f32 $0xffff, v8;
	[smem:$0x7F9] =	sst s5;
	s5 =	simm.s32 @!p0 $0x0  }
0x226: {  	v8 =	vld [tilespmem:s13+$0x131E0];
	v1 =	vadd.f32 v1, v19;
	s30 =	sld [smem:$0x7E9];
	s5 =	simm.s32 @p0 $0x1;
	s0 =	simm.s32 @!p1 $0x0  }
0x227: {  	v24 =	vmul.f32 v40, v32;
	v5 =	vmul.f32 v39, v31;
	(xrf2) =	vadd.scan.msk.f32 $0xffff, v2;
	v2 =	vld [tilespmem:s13+$0x135B0];
	[smem:$0x7FA] =	sst s5;
	s0 =	simm.s32 @p1 $0x1  }
0x228: {  	(xrf2) =	vadd.scan.msk.f32 $0xffff, v1;
	v1 =	vld [tilespmem:s13+$0x131F0];
	v20, _, _ =	vpop (xrf2);
	[smem:$0x7FB] =	sst s0  }
0x229: {  	v6 =	vmul.f32 v37, v30;
	v5 =	vadd.f32 v24, v5;
	v40 =	vld [tilespmem:s13+$0x13210]  }
0x22a: {  	v9 =	vmul.f32 v9, v35;
	v39 =	vld [tilespmem:s13+$0x13220]  }
0x22b: {  	v4 =	vmul.f32 v4, v48;
	v5 =	vadd.f32 v6, v5;
	v6 =	vmul.f32 v23, v36;
	v37 =	vld [tilespmem:s13+$0x13230]  }
0x22c: {  	v18 =	vmul.f32 v41, v28;
	v41 =	vld [tilespmem:s13+$0x13240]  }
0x22d: {  	v4 =	vadd.f32 v4, v5;
	v5 =	vadd.f32 v9, v6;
	v6 =	vmul.f32 v43, v34;
	v43 =	vld [tilespmem:s13+$0x13270]  }
0x22e: {  	v23 =	vmul.f32 v50, v32;
	v50 =	vld [tilespmem:s13+$0x13610]  }
0x22f: {  	(v2sf) =	vpush v20, $0xF;
	v26, _, _ =	vpop (xrf2);
	v20 =	vmul.f32 v47, v30;
	v47 =	vld [tilespmem:s13+$0x13620]  }
0x230: {  	v19 =	vmul.f32 v45, v56;
	v45 =	vld [tilespmem:s13+$0x13630];
	(v2sf) =	vpush v26, $0xF;
	v26 =	vmul.f32 v44, v29  }
0x231: {  	v7 =	vmul.f32 v7, v29;
	v62 =	vmul.f32 v62, v28;
	(xrf2) =	vadd.scan.msk.f32 $0xffff, v4;
	v4 =	vld [tilespmem:s13+$0x136A0]  }
0x232: {  	v27 =	vmul.f32 v27, v36;
	v24, _, _ =	vpop (xrf2);
	v44 =	vld [tilespmem:s13+$0x13250];
	v18 =	vadd.f32 v26, v18;
	v26 =	vmul.f32 v42, v55  }
0x233: {  	v57 =	vmul.f32 v57, v35;
	v21 =	vmul.f32 v21, v31;
	(v2sf) =	vpush v24, $0xF;
	v24, _, _ =	vpop (xrf2);
	v42 =	vld [tilespmem:s13+$0x13260]  }
0x234: {  	v0 =	vmul.f32 v0, v29;
	(v2sf) =	vpush v24, $0xF;
	v24 =	vld [tilespmem:s13+$0x13600];
	v9 =	vadd.f32 v26, v18  }
0x235: {  	v26 =	vmul.f32 v25, v28;
	v18 =	vadd.f32 v23, v21;
	v23 =	vmul.f32 v51, v48;
	v51 =	vld [tilespmem:s13+$0x132A0]  }
0x236: {  	v25 =	vmul.f32 v46, v33;
	v21 =	vmul.f32 v54, v33;
	v54 =	vld [tilespmem:s13+$0x132C0]  }
0x237: {  	v46 =	vmul.f32 v22, v56;
	v22 =	vmul.f32 v61, v48;
	v61 =	vadd.f32 v0, v62;
	v0 =	vld [tilespmem:s13+$0x13680]  }
0x238: {  	v5 =	vadd.f32 v6, v5;
	s3 =	smul.f32 s30, s16;
	v6 =	vadd.f32 v7, v26;
	v26 =	vmul.f32 v52, v55;
	v52 =	vld [tilespmem:s13+$0x13280]  }
0x239: {  	v9 =	vadd.f32 v19, v9;
	v19 =	vadd.f32 v57, v27;
	v57 =	vld [tilespmem:s13+$0x132D0]  }
0x23a: {  	s3 =	sadd.f32 s3, s17;
	v62 =	vmul.f32 v63, v55;
	v27 =	vmul.f32 v53, v34;
	v53 =	vld [tilespmem:s13+$0x132E0]  }
0x23b: {  	s31 =	sld [smem:$0x7EA];
	v7 =	vld [tilespmem:s13+$0x13690]  }
0x23c: {  	s18 =	smov.u32 @p0 s1;
	p0 =	sgt.f32 s3, s4;
	s1 =	sld [smem:$0x7EB];
	v63 =	vadd.f32 v62, v61;
	v61 =	vmul.f32 v11, v55;
	v11 =	vld [tilespmem:s13+$0x13310]  }
0x23d: {  	v3 =	vmul.f32 v3, v32;
	s23 =	smov.u32 @p1 s2;
	s2 =	sld [smem:$0x7EC];
	v62 =	vmul.f32 v1, v48;
	v1 =	vld [tilespmem:s13+$0x13330]  }
0x23e: {  	s4 =	smov.u32 @p0 s3;
	s3 =	sld [smem:$0x7ED];
	v5 =	vadd.f32 v25, v5;
	v25 =	vmul.f32 v60, v31;
	v6 =	vadd.f32 v26, v6;
	v26 =	vld [tilespmem:s13+$0x13290]  }
0x23f: {  	s9 =	sld [smem:$0x7EE];
	v18 =	vadd.f32 v20, v18;
	v19 =	vadd.f32 v27, v19;
	v27 =	vld [tilespmem:s13+$0x132F0]  }
0x240: {  	s10 =	sld [smem:$0x7EF];
	v3 =	vadd.f32 v3, v25;
	v25 =	vmul.f32 v49, v56;
	v49 =	vmul.f32 v8, v30;
	v8 =	vld [tilespmem:s13+$0x13300]  }
0x241: {  	s11 =	sld [smem:$0x7F0];
	v60 =	vmul.f32 v59, v30;
	(xrf2) =	vadd.scan.msk.f32 $0xffff, v9;
	v9 =	vld [tilespmem:s13+$0x13320]  }
0x242: {  	s12 =	sld [smem:$0x7F1];
	v18 =	vadd.f32 v23, v18;
	v23 =	vmul.f32 v17, v29;
	v17 =	vld [tilespmem:s13+$0x13700]  }
0x243: {  	s15 =	sld [smem:$0x7F2];
	v6 =	vadd.f32 v46, v6;
	v46 =	vld [tilespmem:s13+$0x132B0];
	v3 =	vadd.f32 v60, v3  }
0x244: {  	s19 =	sld [smem:$0x7F3];
	v60 =	vmul.f32 v15, v35;
	v15 =	vadd.f32 v21, v19;
	v19 =	vmul.f32 v14, v32;
	v14 =	vld [tilespmem:s13+$0x13360]  }
0x245: {  	s6 =	simm.s32 $0x1;
	s7 =	simm.s32 $0x1;
	s20 =	sld [smem:$0x7F4];
	v59 =	vmul.f32 v13, v36;
	(xrf2) =	vadd.scan.msk.f32 $0xffff, v5;
	v13 =	vadd.f32 v25, v63;
	v25 =	vld [tilespmem:s13+$0x13720]  }
0x246: {  	v12 =	vmul.f32 v12, v31;
	s5 =	simm.s32 $0x1;
	s0 =	simm.s32 @!p0 $0x0;
	s24 =	sld [smem:$0x7F5];
	(xrf2) =	vadd.scan.msk.f32 $0xffff, v18;
	v18 =	vld [tilespmem:s13+$0x133C0];
	v21 =	vadd.f32 v22, v3;
	v22 =	vmul.f32 v16, v28  }
0x247: {  	v10 =	vmul.f32 v10, v34;
	s0 =	simm.s32 @p0 $0x1;
	s25 =	sld [smem:$0x7F6];
	p0 =	seq.s32 s1, $0x1;
	v3 =	vadd.f32 v60, v59;
	v16 =	vld [tilespmem:s13+$0x13350]  }
0x248: {  	p6 =	seq.s32 s31, $0x1;
	s7 =	simm.s32 @!p0 $0x0;
	p0 =	seq.s32 s2, $0x1;
	v12 =	vadd.f32 v19, v12;
	v60 =	vmul.f32 v58, v33;
	v58 =	vld [tilespmem:s13+$0x13380];
	v59 =	vadd.f32 v23, v22  }
0x249: {  	s5 =	simm.s32 @!p6 $0x0;
	s6 =	simm.s32 @!p0 $0x0;
	p0 =	seq.s32 s3, $0x1;
	v0 =	vmul.f32 v0, v28;
	v7 =	vmul.f32 v7, v29;
	(xrf2) =	vadd.scan.msk.f32 $0xffff, v6;
	v19 =	vld [tilespmem:s13+$0x133D0];
	v20 =	vadd.f32 v10, v3  }
0x24a: {  	v2 =	vmul.f32 v2, v56;
	s26 =	sld [smem:$0x7F7];
	s5 =	simm.s32 @p0 $0x2;
	p0 =	seq.s32 s9, $0x1;
	(xrf2) =	vadd.scan.msk.f32 $0xffff, v15;
	v15 =	vld [tilespmem:s13+$0x133B0];
	v12 =	vadd.f32 v49, v12;
	v6 =	vadd.f32 v61, v59  }
0x24b: {  	s28 =	sld [smem:$0x7F8];
	s7 =	simm.s32 @p0 $0x2;
	p0 =	seq.s32 s10, $0x1;
	v7 =	vadd.f32 v7, v0;
	v0 =	vld [tilespmem:s13+$0x13440];
	(xrf2) =	vadd.scan.msk.f32 $0xffff, v21;
	v5 =	vadd.f32 v60, v20  }
0x24c: {  	s29 =	rddreg [dreg:$0x1f];
	s6 =	simm.s32 @p0 $0x2;
	p0 =	seq.s32 s11, $0x1;
	v3 =	vld [tilespmem:s13+$0x136B0];
	(xrf2) =	vadd.scan.msk.f32 $0xffff, v13;
	v63 =	vadd.f32 v62, v12;
	v2 =	vadd.f32 v2, v6  }
0x24d: {  	s30 =	rddreg [dreg:$0x1e];
	s5 =	simm.s32 @p0 $0x3;
	p0 =	seq.s32 s12, $0x1;
	v23 =	vld [tilespmem:s13+$0x13710];
	(xrf2) =	vadd.scan.msk.f32 $0xffff, v5  }
0x24e: {  	[smem:$0x7FC] =	sst s0;
	s7 =	simm.s32 @p0 $0x3;
	p0 =	seq.s32 s19, $0x1;
	v10 =	vld [tilespmem:s13+$0x13730];
	(xrf2) =	vadd.scan.msk.f32 $0xffff, v63  }
0x24f: {  	s0 =	smul.f32 s15, s16;
	s6 =	simm.s32 @p0 $0x3;
	p0 =	seq.s32 s20, $0x1;
	v11 =	vmul.f32 v11, v35;
	v8 =	vmul.f32 v8, v36;
	v49 =	vld [tilespmem:s13+$0x133A0];
	v20, _, _ =	vpop (xrf2)  }
0x250: {  	s31 =	rddreg [dreg:$0x1d];
	v41 =	vmul.f32 v41, v31;
	v44 =	vmul.f32 v44, v32;
	s5 =	simm.s32 @p0 $0x4;
	p0 =	seq.s32 s24, $0x1;
	v13 =	vld [tilespmem:s13+$0x13370];
	(v2sf) =	vpush v20, $0xF;
	(xrf2) =	vadd.scan.msk.f32 $0xffff, v2;
	v2, _, _ =	vpop (xrf2)  }
0x251: {  	s0 =	sadd.f32 s0, s22;
	s7 =	simm.s32 @p0 $0x4;
	p0 =	seq.s32 s25, $0x1;
	v8 =	vadd.f32 v11, v8;
	v11 =	vld [tilespmem:s13+$0x13810];
	(v2sf) =	vpush v2, $0xF;
	v2, _, _ =	vpop (xrf2)  }
0x252: {  	s15 =	rddreg [dreg:$0x1a];
	s6 =	simm.s32 @p0 $0x4;
	p0 =	seq.s32 s26, $0x1;
	v12 =	vld [tilespmem:s13+$0x13340];
	v62 =	vmul.f32 v42, v30;
	v6 =	vadd.f32 v44, v41;
	(v2sf) =	vpush v2, $0xF;
	v2, _, _ =	vpop (xrf2)  }
0x253: {  	s9 =	sld [smem:$0x7F9];
	s5 =	simm.s32 @p0 $0x5;
	p0 =	sgt.f32 s0, s18;
	v59 =	vld [tilespmem:s13+$0x13390];
	(v2sf) =	vpush v2, $0xF;
	v2, _, _ =	vpop (xrf2)  }
0x254: {  	s2 =	smul.f32 s30, s16;
	s10 =	sld [smem:$0x7FA];
	v60 =	vld [tilespmem:s13+$0x133E0];
	v63 =	vmul.f32 v43, v48;
	v6 =	vadd.f32 v62, v6;
	(v2sf) =	vpush v2, $0xF;
	v2, _, _ =	vpop (xrf2)  }
0x255: {  	s3 =	smul.f32 s31, s16;
	v39 =	vmul.f32 v39, v34;
	s11 =	rddreg [dreg:$0x1c];
	v21 =	vmul.f32 v40, v35;
	s1 =	simm.s32 @!p0 $0x0;
	v42 =	vld [tilespmem:s13+$0x13780];
	(v2sf) =	vpush v2, $0xF;
	v2, _, _ =	vpop (xrf2)  }
0x256: {  	s18 =	smov.u32 @p0 s0;
	s0 =	smul.f32 s29, s16;
	v61 =	vmul.f32 v37, v33;
	v37 =	vld [tilespmem:s13+$0x137B0];
	s1 =	simm.s32 @p0 $0x1;
	v6 =	vadd.f32 v63, v6;
	(v2sf) =	vpush v2, $0xF;
	v2, _, _ =	vpop (xrf2)  }
0x257: {  	[smem:$0x7FD] =	sst s1;
	s1 =	smul.f32 s28, s16;
	v44 =	vld [tilespmem:s13+$0x13790];
	v63 =	vmul.f32 v51, v34;
	v51 =	vmul.f32 v53, v30;
	(v2sf) =	vpush v2, $0xF;
	v22, _, _ =	vpop (xrf2)  }
0x258: {  	s30 =	spop (v2sf);
	s0 =	sadd.f32 s0, s17;
	v41 =	vld [tilespmem:s13+$0x13430];
	v53 =	vmul.f32 v4, v55;
	v2 =	vmul.f32 v38, v36;
	(v2sf) =	vpush v22, $0xF;
	v38, _, _ =	vpop (xrf2)  }
0x259: {  	s31 =	spop (v2sf);
	v43 =	vld [tilespmem:s13+$0x137A0];
	s1 =	sadd.f32 s1, s21;
	(v2sf) =	vpush v38, $0xF;
	v38 =	vmul.f32 v24, v28;
	v24 =	vmul.f32 v47, v55  }
0x25a: {  	s12 =	rddreg [dreg:$0x1b];
	p1 =	sgt.f32 s0, s4;
	v4 =	vld [tilespmem:s13+$0x13450];
	v2 =	vadd.f32 v21, v2;
	v47 =	vmul.f32 v52, v36;
	v52 =	vmul.f32 v26, v35  }
0x25b: {  	s19 =	sld [smem:$0x7FB];
	p0 =	sgt.f32 s1, s23;
	v40, _, _ =	vpop (xrf2);
	v26 =	vmul.f32 v46, v33;
	v46 =	vmul.f32 v25, v55;
	v25 =	vld [tilespmem:s13+$0x134A0]  }
0x25c: {  	s4 =	smov.u32 @p1 s0;
	s0 =	sadd.f32 s3, s21;
	(v2sf) =	vpush v40, $0xF;
	v40 =	vld [tilespmem:s13+$0x13410];
	v2 =	vadd.f32 v39, v2;
	v39 =	vmul.f32 v50, v29  }
0x25d: {  	s20 =	sld [smem:$0x7FC];
	s23 =	smov.u32 @p0 s1;
	v50 =	vld [tilespmem:s13+$0x133F0];
	v62 =	vadd.f32 v52, v47  }
0x25e: {  	s25 =	rddreg [dreg:$0x19];
	p6 =	sgt.f32 s0, s23;
	v52 =	vmul.f32 v27, v48;
	v27 =	vmul.f32 v23, v29;
	v23 =	vld [tilespmem:s13+$0x13480];
	v5 =	vadd.f32 v39, v38  }
0x25f: {  	v1 =	vmul.f32 v1, v33;
	v9 =	vmul.f32 v9, v34;
	s1 =	sadd.f32 s2, s22;
	v38 =	vld [tilespmem:s13+$0x13400]  }
0x260: {  	s7 =	simm.s32 @p3 $0x5;
	s23 =	smov.u32 @p6 s0;
	s0 =	smul.f32 s12, s16;
	v20 =	vadd.f32 v61, v2;
	v61 =	vmul.f32 v45, v56;
	v39 =	vld [tilespmem:s13+$0x13420];
	v2 =	vadd.f32 v24, v5  }
0x261: {  	s6 =	simm.s32 @p2 $0x5;
	s7 =	simm.s32 @p5 $0x6;
	v7 =	vadd.f32 v53, v7;
	p5 =	sgt.f32 s1, s18;
	v24 =	vmul.f32 v57, v32;
	v57 =	vadd.f32 v9, v8;
	v9 =	vld [tilespmem:s13+$0x13820]  }
0x262: {  	p2 =	seq.s32 s9, $0x1;
	s5 =	simm.s32 @p4 $0x6;
	s0 =	sadd.f32 s0, s22;
	(xrf2) =	vadd.scan.msk.f32 $0xffff, v20;
	v5 =	vadd.f32 v61, v2;
	v2 =	vmul.f32 v54, v31;
	v54 =	vmul.f32 v3, v56;
	v3 =	vld [tilespmem:s13+$0x13470]  }
0x263: {  	s6 =	simm.s32 @p2 $0x6;
	v16 =	vmul.f32 v16, v32;
	s18 =	smov.u32 @p5 s1;
	s1 =	smul.f32 s11, s16;
	v21 =	vadd.f32 v63, v62;
	(xrf2) =	vadd.scan.msk.f32 $0xffff, v6;
	v6 =	vadd.f32 v1, v57;
	v1 =	vld [tilespmem:s13+$0x13830]  }
0x264: {  	p2 =	seq.s32 s10, $0x1;
	s24 =	sld [smem:$0x7FD];
	v12 =	vmul.f32 v12, v31;
	p3 =	sgt.f32 s0, s18;
	v57 =	vmul.f32 v49, v34;
	v49 =	vld [tilespmem:s13+$0x13510]  }
0x265: {  	s5 =	simm.s32 @p2 $0x7;
	s1 =	sadd.f32 s1, s17;
	v21 =	vadd.f32 v26, v21;
	v26 =	vmul.f32 v17, v28;
	v20 =	vadd.f32 v54, v7;
	v7 =	vld [tilespmem:s13+$0x13800]  }
0x266: {  	p2 =	seq.s32 s19, $0x1;
	s18 =	smov.u32 @p3 s0;
	s0 =	smul.f32 s25, s16;
	v62 =	vadd.f32 v16, v12;
	v61 =	vmul.f32 v14, v30;
	v2 =	vadd.f32 v24, v2;
	v24 =	vld [tilespmem:s13+$0x13490]  }
0x267: {  	s7 =	simm.s32 @p2 $0x7;
	p2 =	seq.s32 s20, $0x1;
	p4 =	sgt.f32 s1, s4;
	v63 =	vmul.f32 v13, v48;
	v13 =	vadd.f32 v27, v26;
	v54 =	vmul.f32 v10, v56;
	v10 =	vld [tilespmem:s13+$0x134B0]  }
0x268: {  	s6 =	simm.s32 @p2 $0x7;
	p2 =	seq.s32 s24, $0x1;
	s0 =	sadd.f32 s0, s17;
	(xrf2) =	vadd.scan.msk.f32 $0xffff, v5;
	v5 =	vadd.f32 v61, v62;
	v61 =	vmul.f32 v50, v48;
	v50 =	vld [tilespmem:s13+$0x134E0]  }
0x269: {  	s29 =	rddreg [dreg:$0x16];
	s5 =	simm.s32 @p2 $0x8;
	s4 =	smov.u32 @p4 s1;
	v13 =	vadd.f32 v46, v13;
	v46 =	vld [tilespmem:s13+$0x13520]  }
0x26a: {  	s3 =	smul.f32 s29, s16;
	s5 =	simm.s32 @p5 $0x9;
	v47 =	vmul.f32 v58, v36;
	p5 =	sgt.f32 s0, s4;
	v45 =	vadd.f32 v51, v2;
	v2 =	vld [tilespmem:s13+$0x13460];
	v51 =	vmul.f32 v59, v35  }
0x26b: {  	s2 =	smul.f32 s15, s16;
	v58 =	vmul.f32 v60, v30;
	v60 =	vadd.f32 v54, v13;
	v13 =	vld [tilespmem:s13+$0x13540]  }
0x26c: {  	s4 =	smov.u32 @p5 s0;
	s0 =	sadd.f32 s3, s17;
	s3 =	spop (v2sf);
	v8 =	vadd.f32 v51, v47;
	v51 =	vld [tilespmem:s13+$0x134C0]  }
0x26d: {  	v53 =	vmul.f32 v19, v32;
	s9 =	spop (v2sf);
	v45 =	vadd.f32 v52, v45;
	v52 =	vmul.f32 v18, v31;
	v47 =	vld [tilespmem:s13+$0x134F0]  }
0x26e: {  	s2 =	sadd.f32 s2, s21;
	s11 =	spop (v2sf);
	v18 =	vld [tilespmem:s13+$0x138A0]  }
0x26f: {  	s15 =	spop (v2sf);
	v14 =	vadd.f32 v53, v52;
	v53 =	vld [tilespmem:s13+$0x134D0]  }
0x270: {  	p2 =	sgt.f32 s2, s23;
	(xrf2) =	vadd.scan.msk.f32 $0xffff, v21;
	s20 =	spop (v2sf);
	v52 =	vld [tilespmem:s13+$0x138B0]  }
0x271: {  	s28 =	rddreg [dreg:$0x17];
	s25 =	spop (v2sf);
	(xrf2) =	vadd.scan.msk.f32 $0xffff, v45;
	v62, _, _ =	vpop (xrf2);
	v45 =	vld [tilespmem:s13+$0x13500]  }
0x272: {  	s23 =	smov.u32 @p2 s2;
	s2 =	smul.f32 s28, s16;
	s28 =	spop (v2sf);
	(xrf2) =	vadd.scan.msk.f32 $0xffff, v20;
	(v2sf) =	vpush v62, $0xF;
	v62 =	vmul.f32 v41, v33;
	v41 =	vmul.f32 v24, v35;
	v24 =	vld [tilespmem:s13+$0x13AC0]  }
0x273: {  	v59 =	vmul.f32 v15, v33;
	v8 =	vadd.f32 v57, v8;
	v12, _, _ =	vpop (xrf2);
	(xrf2) =	vadd.scan.msk.f32 $0xffff, v6;
	v6 =	vld [tilespmem:s13+$0x13890]  }
0x274: {  	(v2sf) =	vpush v12, $0xF;
	v12 =	vld [tilespmem:s13+$0x13560]  }
0x275: {  	v5 =	vadd.f32 v63, v5;
	v63 =	vadd.f32 v59, v8;
	v8 =	vld [tilespmem:s13+$0x13570]  }
0x276: {  	v59 =	vmul.f32 v40, v35;
	v40 =	vmul.f32 v23, v36;
	v23 =	vld [tilespmem:s13+$0x139C0]  }
0x277: {  	s26 =	rddreg [dreg:$0x18];
	v14 =	vadd.f32 v58, v14;
	v58 =	vmul.f32 v38, v36;
	v38 =	vld [tilespmem:s13+$0x13A50]  }
0x278: {  	v22 =	vmul.f32 v42, v28;
	s1 =	smul.f32 s26, s16;
	v26 =	vmul.f32 v44, v29;
	(xrf2) =	vadd.scan.msk.f32 $0xffff, v5;
	v5 =	vld [tilespmem:s13+$0x13880]  }
0x279: {  	s2 =	sadd.f32 s2, s21;
	(xrf2) =	vadd.scan.msk.f32 $0xffff, v60;
	v60 =	vmul.f32 v4, v32;
	v4 =	vld [tilespmem:s13+$0x13920]  }
0x27a: {  	s7 =	simm.s32 @p0 $0x8;
	s1 =	sadd.f32 s1, s22;
	v15 =	vadd.f32 v61, v14;
	v14 =	vadd.f32 v26, v22;
	v26 =	vmul.f32 v3, v48;
	v3 =	vld [tilespmem:s13+$0x13980]  }
0x27b: {  	s7 =	simm.s32 @p6 $0x9;
	p6 =	sgt.f32 s2, s23;
	v16, _, _ =	vpop (xrf2);
	v61 =	vmul.f32 v39, v34;
	v39 =	vld [tilespmem:s13+$0x13A20]  }
0x27c: {  	p0 =	sgt.f32 s1, s18;
	(v2sf) =	vpush v16, $0xF;
	v16 =	vld [tilespmem:s13+$0x13530]  }
0x27d: {  	v0 =	vmul.f32 v0, v31;
	s23 =	smov.u32 @p6 s2;
	s2 =	smul.f32 s31, s16;
	(xrf2) =	vadd.scan.msk.f32 $0xffff, v63;
	v63 =	vmul.f32 v2, v30;
	v2 =	vld [tilespmem:s13+$0x13930]  }
0x27e: {  	s6 =	simm.s32 @p1 $0x8;
	v43 =	vmul.f32 v43, v55;
	s18 =	smov.u32 @p0 s1;
	s1 =	smul.f32 s30, s16;
	v22 =	vadd.f32 v41, v40;
	v17, _, _ =	vpop (xrf2);
	v41 =	vmul.f32 v45, v36;
	v45 =	vld [tilespmem:s13+$0x13A40]  }
0x27f: {  	s5 =	simm.s32 @p3 $0xA;
	v25 =	vmul.f32 v25, v34;
	p1 =	sgt.f32 s0, s4;
	s29 =	spop (v2sf);
	(xrf2) =	vadd.scan.msk.f32 $0xffff, v15;
	(v2sf) =	vpush v17, $0xF;
	v15 =	vld [tilespmem:s13+$0x13550]  }
0x280: {  	s6 =	simm.s32 @p4 $0x9;
	s10 =	smul.f32 s9, s16;
	s1 =	sadd.f32 s1, s22;
	v17 =	vadd.f32 v43, v14;
	v14 =	vld [tilespmem:s13+$0x13900];
	v0 =	vadd.f32 v60, v0  }
0x281: {  	s2 =	sadd.f32 s2, s21;
	s4 =	smov.u32 @p1 s0;
	s0 =	smul.f32 s3, s16;
	v10 =	vmul.f32 v10, v33;
	v22 =	vadd.f32 v25, v22;
	v25 =	vld [tilespmem:s13+$0x139D0]  }
0x282: {  	v11 =	vmul.f32 v11, v29;
	s5 =	simm.s32 @p0 $0xB;
	s12 =	smul.f32 s11, s16;
	p0 =	sgt.f32 s1, s18;
	v0 =	vadd.f32 v63, v0;
	v63 =	vld [tilespmem:s13+$0x13D90]  }
0x283: {  	s6 =	simm.s32 @p5 $0xA;
	s19 =	smul.f32 s15, s16;
	s0 =	sadd.f32 s0, s17;
	v57 =	vmul.f32 v37, v56;
	v13 =	vmul.f32 v13, v31;
	v10 =	vadd.f32 v10, v22;
	v22 =	vld [tilespmem:s13+$0x13C20]  }
0x284: {  	s18 =	smov.u32 @p0 s1;
	s1 =	sadd.f32 s10, s22;
	s31 =	spop (v2sf);
	v6 =	vmul.f32 v6, v29;
	v5 =	vmul.f32 v5, v28;
	v19, _, _ =	vpop (xrf2);
	v43 =	vadd.f32 v26, v0;
	v0 =	vld [tilespmem:s13+$0x139B0]  }
0x285: {  	s5 =	simm.s32 @p0 $0xC;
	p0 =	sgt.f32 s0, s4;
	s10 =	spop (v2sf);
	v18 =	vmul.f32 v18, v55;
	(v2sf) =	vpush v19, $0xF;
	v19 =	vadd.f32 v57, v17;
	v17 =	vld [tilespmem:s13+$0x13910]  }
0x286: {  	s6 =	simm.s32 @p1 $0xB;
	p1 =	sgt.f32 s2, s23;
	s24 =	smul.f32 s20, s16;
	v5 =	vadd.f32 v6, v5;
	v20, _, _ =	vpop (xrf2);
	v57 =	vmul.f32 v1, v56;
	v1 =	vld [tilespmem:s13+$0x139F0];
	v15 =	vmul.f32 v15, v32  }
0x287: {  	s4 =	smov.u32 @p0 s0;
	s6 =	simm.s32 @p0 $0xC;
	p0 =	sgt.f32 s1, s18;
	(v2sf) =	vpush v20, $0xF;
	v21, _, _ =	vpop (xrf2);
	v20 =	vadd.f32 v59, v58;
	v58 =	vmul.f32 v50, v30;
	v50 =	vld [tilespmem:s13+$0x13E00]  }
0x288: {  	s7 =	simm.s32 @p2 $0xA;
	s0 =	sadd.f32 s12, s21;
	s12 =	spop (v2sf);
	v51 =	vmul.f32 v51, v31;
	v5 =	vadd.f32 v18, v5;
	v18 =	vld [tilespmem:s13+$0x13F30];
	(v2sf) =	vpush v21, $0xF;
	v27, _, _ =	vpop (xrf2)  }
0x289: {  	s7 =	simm.s32 @p6 $0xB;
	s23 =	smov.u32 @p1 s2;
	s26 =	smul.f32 s25, s16;
	v12 =	vmul.f32 v12, v30;
	(xrf2) =	vadd.scan.msk.f32 $0xffff, v19;
	v19 =	vld [tilespmem:s13+$0x13DA0];
	v13 =	vadd.f32 v15, v13;
	(v2sf) =	vpush v27, $0xF;
	v42, _, _ =	vpop (xrf2)  }
0x28a: {  	s2 =	smul.f32 s28, s16;
	s15 =	spop (v2sf);
	s18 =	smov.u32 @p0 s1;
	v21 =	vld [tilespmem:s13+$0x13A00];
	v20 =	vadd.f32 v61, v20;
	v27 =	vmul.f32 v7, v28;
	(v2sf) =	vpush v42, $0xF;
	v44, _, _ =	vpop (xrf2)  }
0x28b: {  	s5 =	simm.s32 @p0 $0xD;
	p0 =	sgt.f32 s0, s23;
	s1 =	sadd.f32 s19, s17;
	v8 =	vmul.f32 v8, v48;
	v7 =	vld [tilespmem:s13+$0x13990];
	v12 =	vadd.f32 v12, v13;
	(v2sf) =	vpush v44, $0xF  }
0x28c: {  	s7 =	simm.s32 @p1 $0xC;
	s30 =	smul.f32 s29, s16;
	s20 =	spop (v2sf);
	v42 =	vmul.f32 v9, v55;
	v9 =	vld [tilespmem:s13+$0x139A0];
	v54, _, _ =	vpop (xrf2);
	v20 =	vadd.f32 v62, v20;
	v11 =	vadd.f32 v11, v27  }
0x28d: {  	s23 =	smov.u32 @p0 s0;
	s7 =	simm.s32 @p0 $0xD;
	p0 =	sgt.f32 s1, s4;
	v62 =	vmul.f32 v52, v56;
	v52 =	vld [tilespmem:s13+$0x13E10];
	(v2sf) =	vpush v54, $0xF;
	v54 =	vmul.f32 v53, v32  }
0x28e: {  	s9 =	smul.f32 s31, s16;
	s0 =	sadd.f32 s24, s22;
	v27 =	vld [tilespmem:s13+$0x13AD0];
	v44 =	vadd.f32 v42, v11  }
0x28f: {  	s2 =	sadd.f32 s2, s17;
	s11 =	smul.f32 s10, s16;
	v60 =	vmul.f32 v47, v48;
	s4 =	smov.u32 @p0 s1;
	v8 =	vadd.f32 v8, v12;
	v12 =	vld [tilespmem:s13+$0x13A90];
	v37 =	vadd.f32 v54, v51  }
0x290: {  	s6 =	simm.s32 @p0 $0xD;
	p0 =	sgt.f32 s0, s18;
	s1 =	sadd.f32 s26, s21;
	v14 =	vmul.f32 v14, v28;
	v17 =	vmul.f32 v17, v29;
	v11 =	vld [tilespmem:s13+$0x139E0];
	(xrf2) =	vadd.scan.msk.f32 $0xffff, v20;
	v59 =	vadd.f32 v57, v44  }
0x291: {  	s3 =	smul.f32 s20, s16;
	p3 =	sgt.f32 s2, s4;
	v4 =	vmul.f32 v4, v55;
	v3 =	vmul.f32 v3, v36;
	v20 =	vld [tilespmem:s13+$0x13DB0];
	(xrf2) =	vadd.scan.msk.f32 $0xffff, v43;
	v61 =	vadd.f32 v58, v37  }
0x292: {  	s18 =	smov.u32 @p0 s0;
	p1 =	sgt.f32 s1, s23;
	s0 =	sadd.f32 s30, s22;
	v16 =	vmul.f32 v16, v33;
	v42 =	vmul.f32 v49, v35;
	v14 =	vadd.f32 v17, v14;
	v17 =	vld [tilespmem:s13+$0x13F10];
	(xrf2) =	vadd.scan.msk.f32 $0xffff, v59  }
0x293: {  	s3 =	sadd.f32 s3, s17;
	v2 =	vmul.f32 v2, v56;
	v45 =	vmul.f32 v45, v31;
	s4 =	smov.u32 @p3 s2;
	s2 =	smul.f32 s12, s16;
	v54 =	vld [tilespmem:s13+$0x13E20];
	v40 =	vadd.f32 v60, v61  }
0x294: {  	s23 =	smov.u32 @p1 s1;
	p2 =	sgt.f32 s0, s18;
	s1 =	sadd.f32 s9, s21;
	v5 =	vadd.f32 v62, v5;
	v44 =	vmul.f32 v46, v34;
	v6 =	vadd.f32 v42, v41;
	v37 =	vld [tilespmem:s13+$0x13D80];
	(xrf2) =	vadd.scan.msk.f32 $0xffff, v10  }
0x295: {  	s19 =	smul.f32 s15, s16;
	s5 =	simm.s32 @p0 $0xE;
	s2 =	sadd.f32 s2, s22;
	v63 =	vmul.f32 v63, v29;
	v7 =	vmul.f32 v7, v35;
	v41 =	vld [tilespmem:s13+$0x13A70];
	(xrf2) =	vadd.scan.msk.f32 $0xffff, v40  }
0x296: {  	s18 =	smov.u32 @p2 s0;
	p4 =	sgt.f32 s1, s23;
	s0 =	sadd.f32 s11, s17;
	v0 =	vmul.f32 v0, v33;
	v4 =	vadd.f32 v4, v14;
	v14 =	vld [tilespmem:s13+$0x13AA0];
	v6 =	vadd.f32 v44, v6;
	(xrf2) =	vadd.scan.msk.f32 $0xffff, v5  }
0x297: {  	s6 =	simm.s32 @p3 $0xE;
	p6 =	sgt.f32 s2, s18;
	s24 =	spop (v2sf);
	v1 =	vmul.f32 v1, v48;
	v9 =	vmul.f32 v9, v34;
	v42 =	vld [tilespmem:s13+$0x13BB0];
	v3 =	vadd.f32 v7, v3  }
0x298: {  	s23 =	smov.u32 @p4 s1;
	s1 =	sadd.f32 s19, s21;
	s25 =	spop (v2sf);
	v58 =	vld [tilespmem:s13+$0x13E30];
	v60 =	vmul.f32 v23, v31;
	v61 =	vmul.f32 v25, v32;
	v6 =	vadd.f32 v16, v6  }
0x299: {  	s7 =	simm.s32 @p1 $0xE;
	p5 =	sgt.f32 s0, s4;
	s26 =	spop (v2sf);
	v2 =	vadd.f32 v2, v4;
	v43, _, _ =	vpop (xrf2);
	v3 =	vadd.f32 v9, v3;
	v5 =	vld [tilespmem:s13+$0x13A10];
	v62 =	vmul.f32 v37, v28  }
0x29a: {  	s7 =	simm.s32 @p4 $0xF;
	p0 =	sgt.f32 s1, s23;
	s28 =	spop (v2sf);
	v59 =	vld [tilespmem:s13+$0x13A80];
	v26 =	vmul.f32 v11, v30;
	(v2sf) =	vpush v43, $0xF;
	v7 =	vadd.f32 v61, v60;
	(xrf2) =	vadd.scan.msk.f32 $0xffff, v6;
	v46, _, _ =	vpop (xrf2)  }
0x29b: {  	s4 =	smov.u32 @p5 s0;
	s0 =	smul.f32 s24, s16;
	v19 =	vmul.f32 v19, v55;
	v44 =	vld [tilespmem:s13+$0x13E90];
	s30 =	spop (v2sf);
	v4 =	vadd.f32 v63, v62;
	(v2sf) =	vpush v46, $0xF;
	v47, _, _ =	vpop (xrf2);
	(xrf2) =	vadd.scan.msk.f32 $0xffff, v8  }
0x29c: {  	s18 =	smov.u32 @p6 s2;
	s2 =	smul.f32 s25, s16;
	v15 =	vmul.f32 v52, v29;
	v16 =	vld [tilespmem:s13+$0x13A60];
	s31 =	spop (v2sf);
	(v2sf) =	vpush v47, $0xF;
	v49, _, _ =	vpop (xrf2);
	(xrf2) =	vadd.scan.msk.f32 $0xffff, v2;
	v2 =	vadd.f32 v26, v7  }
0x29d: {  	s6 =	simm.s32 @p5 $0xF;
	p1 =	sgt.f32 s3, s4;
	s0 =	sadd.f32 s0, s22;
	v10 =	vld [tilespmem:s13+$0x13A30];
	v0 =	vadd.f32 v0, v3;
	v3 =	vmul.f32 v20, v56;
	v4 =	vadd.f32 v19, v4  }
0x29e: {  	s23 =	smov.u32 @p0 s1;
	s2 =	sadd.f32 s2, s21;
	s1 =	smul.f32 s26, s16;
	v25 =	vld [tilespmem:s13+$0x13AB0];
	v5 =	vmul.f32 v5, v35;
	v51, _, _ =	vpop (xrf2);
	v1 =	vadd.f32 v1, v2;
	v2 =	vmul.f32 v21, v36  }
0x29f: {  	s4 =	smov.u32 @p1 s3;
	s6 =	simm.s32 @p1 $0x10;
	p1 =	sgt.f32 s0, s18;
	v9 =	vld [tilespmem:s13+$0x13E80];
	v11 =	vmul.f32 v27, v32;
	v46 =	vmul.f32 v38, v32;
	v53, _, _ =	vpop (xrf2)  }
0x2a0: {  	s7 =	simm.s32 @p0 $0x10;
	p0 =	sgt.f32 s2, s23;
	s1 =	sadd.f32 s1, s17;
	v27 =	vld [tilespmem:s13+$0x13C50];
	v3 =	vadd.f32 v3, v4;
	v57, _, _ =	vpop (xrf2);
	(xrf2) =	vadd.scan.msk.f32 $0xffff, v0;
	v0 =	vmul.f32 v39, v34;
	v2 =	vadd.f32 v5, v2  }
0x2a1: {  	s29 =	smul.f32 s28, s16;
	v43 =	vld [tilespmem:s13+$0x13AF0];
	s9 =	spop (v2sf);
	v4 =	vadd.f32 v46, v45;
	(v2sf) =	vpush v49, $0xF;
	v49 =	vmul.f32 v16, v30  }
0x2a2: {  	s5 =	simm.s32 @p2 $0xF;
	v52 =	vmul.f32 v54, v55;
	v54 =	vld [tilespmem:s13+$0x13B40];
	p2 =	sgt.f32 s1, s4;
	s10 =	spop (v2sf);
	(xrf2) =	vadd.scan.msk.f32 $0xffff, v1;
	v1 =	vmul.f32 v10, v33;
	v0 =	vadd.f32 v0, v2  }
0x2a3: {  	s18 =	smov.u32 @p1 s0;
	v40 =	vld [tilespmem:s13+$0x13AE0];
	s3 =	smul.f32 s31, s16;
	s11 =	spop (v2sf);
	(v2sf) =	vpush v51, $0xF;
	v4 =	vadd.f32 v49, v4;
	v2 =	vmul.f32 v41, v48  }
0x2a4: {  	s23 =	smov.u32 @p0 s2;
	s0 =	sadd.f32 s29, s22;
	v60 =	vmul.f32 v14, v34;
	v14 =	vld [tilespmem:s13+$0x13F20];
	s2 =	smul.f32 s30, s16;
	v6 =	vmul.f32 v50, v28;
	v37, _, _ =	vpop (xrf2);
	v0 =	vadd.f32 v1, v0  }
0x2a5: {  	v20 =	vld [tilespmem:s13+$0x13D20];
	s4 =	smov.u32 @p2 s1;
	s1 =	sadd.f32 s3, s17;
	s12 =	spop (v2sf);
	(v2sf) =	vpush v53, $0xF;
	v51, _, _ =	vpop (xrf2);
	(xrf2) =	vadd.scan.msk.f32 $0xffff, v3;
	v2 =	vadd.f32 v2, v4  }
0x2a6: {  	p3 =	sgt.f32 s0, s18;
	v50 =	vld [tilespmem:s13+$0x13B00];
	s2 =	sadd.f32 s2, s21;
	v6 =	vadd.f32 v15, v6;
	(v2sf) =	vpush v57, $0xF;
	v57, _, _ =	vpop (xrf2);
	(xrf2) =	vadd.scan.msk.f32 $0xffff, v0  }
0x2a7: {  	v12 =	vmul.f32 v12, v35;
	v62 =	vmul.f32 v24, v31;
	v15 =	vld [tilespmem:s13+$0x13B20];
	s3 =	smul.f32 s9, s16;
	p5 =	sgt.f32 s1, s4;
	(xrf2) =	vadd.scan.msk.f32 $0xffff, v2  }
0x2a8: {  	v59 =	vmul.f32 v59, v36;
	v47 =	vld [tilespmem:s13+$0x13EA0];
	p4 =	sgt.f32 s2, s23;
	s15 =	spop (v2sf);
	v53 =	vadd.f32 v52, v6;
	v3 =	vmul.f32 v58, v56  }
0x2a9: {  	v63 =	vmul.f32 v25, v33;
	v9 =	vmul.f32 v9, v28;
	v11 =	vadd.f32 v11, v62;
	v16 =	vld [tilespmem:s13+$0x13EB0];
	s4 =	smov.u32 @p5 s1;
	s1 =	smul.f32 s10, s16;
	s19 =	spop (v2sf)  }
0x2aa: {  	s18 =	smov.u32 @p3 s0;
	v8 =	vmul.f32 v40, v30;
	s0 =	sadd.f32 s3, s22;
	v10 =	vld [tilespmem:s13+$0x13B10];
	(v2sf) =	vpush v37, $0xF;
	v2 =	vadd.f32 v3, v53;
	s24 =	spop (v2sf)  }
0x2ab: {  	v12 =	vadd.f32 v12, v59;
	v19 =	vmul.f32 v44, v29;
	s1 =	sadd.f32 s1, s21;
	v39 =	vld [tilespmem:s13+$0x13B90];
	s25 =	spop (v2sf);
	(v2sf) =	vpush v51, $0xF  }
0x2ac: {  	s5 =	simm.s32 @p6 $0x10;
	v62 =	vmul.f32 v14, v55;
	v8 =	vadd.f32 v8, v11;
	s23 =	smov.u32 @p4 s2;
	p6 =	sgt.f32 s0, s18;
	v1 =	vld [tilespmem:s13+$0x13B30];
	(xrf2) =	vadd.scan.msk.f32 $0xffff, v2;
	(v2sf) =	vpush v57, $0xF;
	v58, _, _ =	vpop (xrf2)  }
0x2ad: {  	s7 =	simm.s32 @p0 $0x11;
	v7 =	vmul.f32 v43, v48;
	s2 =	smul.f32 s11, s16;
	v6 =	vadd.f32 v60, v12;
	p0 =	sgt.f32 s1, s23;
	v0 =	vld [tilespmem:s13+$0x13B50];
	(v2sf) =	vpush v58, $0xF  }
0x2ae: {  	s5 =	simm.s32 @p1 $0x11;
	s3 =	smul.f32 s12, s16;
	v9 =	vadd.f32 v19, v9;
	v50 =	vmul.f32 v50, v36;
	v15 =	vmul.f32 v15, v34;
	s18 =	smov.u32 @p6 s0;
	v3 =	vld [tilespmem:s13+$0x13B60];
	v61, _, _ =	vpop (xrf2)  }
0x2af: {  	v46 =	vmul.f32 v47, v55;
	s0 =	smul.f32 s15, s16;
	v6 =	vadd.f32 v63, v6;
	s23 =	smov.u32 @p0 s1;
	s1 =	sadd.f32 s2, s17;
	v10 =	vmul.f32 v10, v35;
	v2 =	vld [tilespmem:s13+$0x13F00];
	v38, _, _ =	vpop (xrf2)  }
0x2b0: {  	s7 =	simm.s32 @p4 $0x12;
	s3 =	sadd.f32 s3, s22;
	v45 =	vadd.f32 v7, v8;
	v5 =	vmul.f32 v54, v31;
	v60 =	vmul.f32 v17, v29;
	v37 =	vld [tilespmem:s13+$0x13B80];
	s20 =	smul.f32 s19, s16;
	v41, _, _ =	vpop (xrf2)  }
0x2b1: {  	v54 =	vmul.f32 v16, v56;
	s7 =	simm.s32 @p0 $0x13;
	v4 =	vld [tilespmem:s13+$0x13B70];
	p0 =	sgt.f32 s1, s4;
	v57 =	vadd.f32 v10, v50;
	s28 =	spop (v2sf);
	(v2sf) =	vpush v61, $0xF;
	v43, _, _ =	vpop (xrf2);
	(xrf2) =	vadd.scan.msk.f32 $0xffff, v6  }
0x2b2: {  	s6 =	simm.s32 @p2 $0x11;
	v24 =	vld [tilespmem:s13+$0x13C30];
	s0 =	sadd.f32 s0, s21;
	v53 =	vadd.f32 v46, v9;
	v0 =	vmul.f32 v0, v32;
	s29 =	spop (v2sf);
	(v2sf) =	vpush v38, $0xF  }
0x2b3: {  	s5 =	simm.s32 @p3 $0x12;
	v40 =	vld [tilespmem:s13+$0x13BA0];
	s4 =	smov.u32 @p0 s1;
	s1 =	sadd.f32 s20, s17;
	v1 =	vmul.f32 v1, v33;
	v3 =	vmul.f32 v3, v30;
	v9 =	vadd.f32 v15, v57  }
0x2b4: {  	v59 =	vld [tilespmem:s13+$0x13F90];
	s6 =	simm.s32 @p5 $0x12;
	p1 =	sgt.f32 s3, s18;
	p3 =	sgt.f32 s0, s23;
	v0 =	vadd.f32 v0, v5;
	v2 =	vmul.f32 v2, v28;
	v6 =	vadd.f32 v54, v53  }
0x2b5: {  	v44 =	vld [tilespmem:s13+$0x13BC0];
	v12 =	vmul.f32 v39, v35;
	v17 =	vmul.f32 v37, v36;
	s6 =	simm.s32 @p0 $0x13;
	s2 =	smul.f32 s24, s16;
	p0 =	sgt.f32 s1, s4;
	v1 =	vadd.f32 v1, v9;
	(xrf2) =	vadd.scan.msk.f32 $0xffff, v45  }
0x2b6: {  	v47 =	vld [tilespmem:s13+$0x13BD0];
	v4 =	vmul.f32 v4, v48;
	s26 =	smul.f32 s25, s16;
	s30 =	spop (v2sf);
	v0 =	vadd.f32 v3, v0;
	v2 =	vadd.f32 v60, v2;
	v49, _, _ =	vpop (xrf2);
	(xrf2) =	vadd.scan.msk.f32 $0xffff, v6  }
0x2b7: {  	v23 =	vmul.f32 v18, v56;
	v19 =	vld [tilespmem:s13+$0x13C10];
	s4 =	smov.u32 @p0 s1;
	s1 =	sadd.f32 s2, s22;
	v9 =	vadd.f32 v12, v17;
	s31 =	spop (v2sf);
	(v2sf) =	vpush v41, $0xF  }
0x2b8: {  	v13 =	vmul.f32 v40, v34;
	s18 =	smov.u32 @p1 s3;
	s23 =	smov.u32 @p3 s0;
	v58 =	vld [tilespmem:s13+$0x13F80];
	s0 =	sadd.f32 s26, s21;
	v0 =	vadd.f32 v4, v0;
	v2 =	vadd.f32 v62, v2  }
0x2b9: {  	v51 =	vld [tilespmem:s13+$0x13BE0];
	p4 =	sgt.f32 s1, s18;
	s9 =	spop (v2sf);
	(v2sf) =	vpush v43, $0xF;
	(xrf2) =	vadd.scan.msk.f32 $0xffff, v1  }
0x2ba: {  	v11 =	vmul.f32 v42, v33;
	v61 =	vld [tilespmem:s13+$0x13FA0];
	s3 =	smul.f32 s29, s16;
	(xrf2) =	vadd.scan.msk.f32 $0xffff, v0;
	v0 =	vadd.f32 v23, v2;
	v2 =	vadd.f32 v13, v9;
	s10 =	spop (v2sf)  }
0x2bb: {  	v52 =	vld [tilespmem:s13+$0x13BF0];
	v8 =	vmul.f32 v47, v32;
	s2 =	smul.f32 s28, s16;
	(v2sf) =	vpush v49, $0xF;
	s12 =	spop (v2sf);
	v1, _, _ =	vpop (xrf2)  }
0x2bc: {  	v3 =	vld [tilespmem:s13+$0x13FB0];
	s18 =	smov.u32 @p4 s1;
	s1 =	sadd.f32 s3, s22;
	s15 =	spop (v2sf);
	(xrf2) =	vadd.scan.msk.f32 $0xffff, v0;
	v0 =	vadd.f32 v11, v2;
	(v2sf) =	vpush v1, $0xF;
	v1 =	vmul.f32 v44, v31  }
0x2bd: {  	v63 =	vld [tilespmem:s13+$0x13C00];
	v5 =	vmul.f32 v59, v29;
	p5 =	sgt.f32 s0, s23;
	s2 =	sadd.f32 s2, s17;
	v40 =	vmul.f32 v58, v28  }
0x2be: {  	v26 =	vld [tilespmem:s13+$0x13C40];
	s5 =	simm.s32 @p6 $0x13;
	v38 =	vmul.f32 v51, v30;
	s3 =	smul.f32 s31, s16;
	p2 =	sgt.f32 s1, s18;
	v1 =	vadd.f32 v8, v1  }
0x2bf: {  	v42 =	vld [tilespmem:s13+$0x14000];
	s23 =	smov.u32 @p5 s0;
	s0 =	smul.f32 s30, s16;
	p6 =	sgt.f32 s2, s4;
	v43 =	vmul.f32 v61, v55;
	v5 =	vadd.f32 v5, v40;
	v37, _, _ =	vpop (xrf2)  }
0x2c0: {  	v39 =	vld [tilespmem:s13+$0x13C60];
	s18 =	smov.u32 @p2 s1;
	s1 =	sadd.f32 s3, s17;
	s19 =	spop (v2sf);
	v2 =	vmul.f32 v52, v48;
	(v2sf) =	vpush v37, $0xF;
	(xrf2) =	vadd.scan.msk.f32 $0xffff, v0;
	v0, _, _ =	vpop (xrf2);
	v1 =	vadd.f32 v38, v1  }
0x2c1: {  	v47 =	vld [tilespmem:s13+$0x14030];
	s0 =	sadd.f32 s0, s21;
	s4 =	smov.u32 @p6 s2;
	s20 =	spop (v2sf);
	(v2sf) =	vpush v0, $0xF;
	v0 =	vmul.f32 v3, v56;
	v3 =	vadd.f32 v43, v5  }
0x2c2: {  	s7 =	simm.s32 @p3 $0x14;
	v46 =	vld [tilespmem:s13+$0x14020];
	s11 =	smul.f32 s9, s16;
	v45 =	vmul.f32 v19, v35;
	p3 =	sgt.f32 s1, s4;
	v1 =	vadd.f32 v2, v1;
	v2 =	vmul.f32 v63, v36  }
0x2c3: {  	s5 =	simm.s32 @p1 $0x14;
	v41 =	vld [tilespmem:s13+$0x13C70];
	v6 =	vmul.f32 v27, v32;
	p1 =	sgt.f32 s0, s23;
	v0 =	vadd.f32 v0, v3  }
0x2c4: {  	v51 =	vld [tilespmem:s13+$0x13C90];
	s4 =	smov.u32 @p3 s1;
	s1 =	sadd.f32 s11, s22;
	v3 =	vmul.f32 v26, v31;
	(xrf2) =	vadd.scan.msk.f32 $0xffff, v1;
	v1 =	vmul.f32 v22, v34;
	v2 =	vadd.f32 v45, v2  }
0x2c5: {  	s23 =	smov.u32 @p1 s0;
	s0 =	smul.f32 s10, s16;
	v44 =	vld [tilespmem:s13+$0x14010];
	v8 =	vmul.f32 v39, v30  }
0x2c6: {  	s7 =	simm.s32 @p5 $0x15;
	v49 =	vld [tilespmem:s13+$0x13C80];
	p5 =	sgt.f32 s1, s18;
	s2 =	smul.f32 s12, s16;
	v50, _, _ =	vpop (xrf2);
	v3 =	vadd.f32 v6, v3;
	(xrf2) =	vadd.scan.msk.f32 $0xffff, v0;
	v0 =	vmul.f32 v24, v33;
	v1 =	vadd.f32 v1, v2  }
0x2c7: {  	v57 =	vld [tilespmem:s13+$0x13CC0];
	s0 =	sadd.f32 s0, s21  }
0x2c8: {  	v10 =	vmul.f32 v41, v48;
	s18 =	smov.u32 @p5 s1;
	s1 =	sadd.f32 s2, s17;
	v2 =	vld [tilespmem:s13+$0x13CA0];
	v0 =	vadd.f32 v0, v1;
	v1 =	vadd.f32 v8, v3  }
0x2c9: {  	v59 =	vmul.f32 v46, v55;
	s5 =	simm.s32 @p4 $0x15;
	v54 =	vmul.f32 v42, v28;
	s2 =	smul.f32 s15, s16;
	p4 =	sgt.f32 s0, s23;
	v3 =	vld [tilespmem:s13+$0x13CD0]  }
0x2ca: {  	v53 =	vld [tilespmem:s13+$0x13CB0];
	s5 =	simm.s32 @p2 $0x16;
	p2 =	sgt.f32 s1, s4;
	s24 =	spop (v2sf);
	(v2sf) =	vpush v50, $0xF;
	v52, _, _ =	vpop (xrf2);
	v9 =	vmul.f32 v44, v29;
	(xrf2) =	vadd.scan.msk.f32 $0xffff, v0;
	v0 =	vadd.f32 v10, v1  }
0x2cb: {  	v60 =	vld [tilespmem:s13+$0x13CE0];
	v61 =	vmul.f32 v51, v35;
	v4 =	vmul.f32 v49, v36;
	s23 =	smov.u32 @p4 s0;
	s0 =	sadd.f32 s2, s22;
	s25 =	spop (v2sf);
	(v2sf) =	vpush v52, $0xF;
	v58, _, _ =	vpop (xrf2)  }
0x2cc: {  	v12 =	vld [tilespmem:s13+$0x14090];
	v14 =	vmul.f32 v57, v31;
	s2 =	smul.f32 s19, s16;
	s26 =	spop (v2sf);
	v7 =	vadd.f32 v9, v54;
	(v2sf) =	vpush v58, $0xF;
	v1, _, _ =	vpop (xrf2)  }
0x2cd: {  	s6 =	simm.s32 @p0 $0x14;
	v62 =	vld [tilespmem:s13+$0x13CF0];
	s29 =	spop (v2sf);
	(v2sf) =	vpush v1, $0xF;
	v1 =	vmul.f32 v2, v34;
	v2 =	vadd.f32 v61, v4  }
0x2ce: {  	s4 =	smov.u32 @p2 s1;
	v5 =	vmul.f32 v47, v56;
	p0 =	sgt.f32 s0, s18;
	s1 =	sadd.f32 s2, s21;
	v63 =	vld [tilespmem:s13+$0x14080];
	v7 =	vadd.f32 v59, v7;
	(xrf2) =	vadd.scan.msk.f32 $0xffff, v0;
	v3 =	vmul.f32 v3, v32;
	v0, _, _ =	vpop (xrf2)  }
0x2cf: {  	v15 =	vld [tilespmem:s13+$0x140A0];
	s2 =	smul.f32 s20, s16;
	s30 =	spop (v2sf);
	(v2sf) =	vpush v0, $0xF;
	v0 =	vmul.f32 v53, v33;
	v1 =	vadd.f32 v1, v2  }
0x2d0: {  	v17 =	vld [tilespmem:s13+$0x13D00];
	v16 =	vmul.f32 v60, v30;
	s7 =	simm.s32 @p1 $0x16;
	v5 =	vadd.f32 v5, v7;
	v3 =	vadd.f32 v3, v14  }
0x2d1: {  	s18 =	smov.u32 @p0 s0;
	p1 =	sgt.f32 s1, s23;
	s0 =	sadd.f32 s2, s17;
	v18, _, _ =	vpop (xrf2);
	v0 =	vadd.f32 v0, v1;
	v1 =	vld [tilespmem:s13+$0x13D10]  }
0x2d2: {  	s6 =	simm.s32 @p6 $0x15;
	v19 =	vmul.f32 v62, v48;
	s2 =	smul.f32 s24, s16;
	(xrf2) =	vadd.scan.msk.f32 $0xffff, v5;
	v2 =	vld [tilespmem:s13+$0x140B0];
	s31 =	spop (v2sf);
	(v2sf) =	vpush v18, $0xF;
	v3 =	vadd.f32 v16, v3  }
0x2d3: {  	v21 =	vld [tilespmem:s13+$0x13D30];
	s6 =	simm.s32 @p3 $0x16;
	p3 =	sgt.f32 s0, s4;
	v4 =	vmul.f32 v12, v29;
	(xrf2) =	vadd.scan.msk.f32 $0xffff, v0;
	v0 =	vmul.f32 v63, v28  }
0x2d4: {  	v23 =	vld [tilespmem:s13+$0x13D50];
	s23 =	smov.u32 @p1 s1;
	s1 =	sadd.f32 s2, s22;
	s2 =	smul.f32 s25, s16;
	v3 =	vadd.f32 v19, v3  }
0x2d5: {  	v22 =	vld [tilespmem:s13+$0x13D40];
	v8 =	vmul.f32 v15, v55;
	v0 =	vadd.f32 v4, v0  }
0x2d6: {  	v25 =	vld [tilespmem:s13+$0x13D60];
	s4 =	smov.u32 @p3 s0;
	s0 =	sadd.f32 s2, s21;
	(xrf2) =	vadd.scan.msk.f32 $0xffff, v3;
	v3 =	vmul.f32 v17, v36;
	v1 =	vmul.f32 v1, v35  }
0x2d7: {  	s7 =	simm.s32 @p4 $0x17;
	v26 =	vld [tilespmem:s13+$0x14100];
	p4 =	sgt.f32 s1, s18;
	v2 =	vmul.f32 v2, v56;
	v0 =	vadd.f32 v8, v0  }
0x2d8: {  	s5 =	simm.s32 @p5 $0x17;
	s28 =	smul.f32 s26, s16;
	p5 =	sgt.f32 s0, s23;
	v5 =	vmul.f32 v20, v34;
	v24, _, _ =	vpop (xrf2);
	v1 =	vadd.f32 v1, v3;
	v3 =	vld [tilespmem:s13+$0x14110]  }
0x2d9: {  	s18 =	smov.u32 @p4 s1;
	s2 =	smul.f32 s29, s16;
	s3 =	spop (v2sf);
	(v2sf) =	vpush v24, $0xF;
	v0 =	vadd.f32 v2, v0;
	v2 =	vmul.f32 v21, v33;
	v33 =	vld [tilespmem:s13+$0x13D70]  }
0x2da: {  	s1 =	sadd.f32 s28, s17;
	s23 =	smov.u32 @p5 s0;
	s0 =	smul.f32 s30, s16;
	v4 =	vmul.f32 v23, v32;
	v36 =	vld [tilespmem:s13+$0x14120];
	v27, _, _ =	vpop (xrf2);
	v35 =	vmul.f32 v22, v31;
	v1 =	vadd.f32 v5, v1  }
0x2db: {  	s2 =	sadd.f32 s2, s22;
	s9 =	spop (v2sf);
	(v2sf) =	vpush v27, $0xF;
	(xrf2) =	vadd.scan.msk.f32 $0xffff, v0  }
0x2dc: {  	p6 =	sgt.f32 s1, s4;
	v4 =	vadd.f32 v4, v35;
	v0 =	vld [tilespmem:s13+$0x14130];
	v1 =	vadd.f32 v2, v1;
	v2 =	vmul.f32 v25, v30  }
0x2dd: {  	s6 =	simm.s32 @p2 $0x17;
	v38 =	vmul.f32 v26, v28;
	s0 =	sadd.f32 s0, s21;
	p2 =	sgt.f32 s2, s18;
	v34, _, _ =	vpop (xrf2);
	v3 =	vmul.f32 v3, v29  }
0x2de: {  	s4 =	smov.u32 @p6 s1;
	s1 =	smul.f32 s31, s16;
	s10 =	spop (v2sf);
	(v2sf) =	vpush v34, $0xF;
	(xrf2) =	vadd.scan.msk.f32 $0xffff, v1;
	v1 =	vmul.f32 v33, v48;
	v2 =	vadd.f32 v2, v4  }
0x2df: {  	s5 =	simm.s32 @p0 $0x18;
	p0 =	sgt.f32 s0, s23;
	v39 =	vmul.f32 v36, v55;
	s11 =	spop (v2sf);
	v37, _, _ =	vpop (xrf2);
	v3 =	vadd.f32 v3, v38  }
0x2e0: {  	s18 =	smov.u32 @p2 s2;
	s2 =	smul.f32 s3, s16;
	s13 =	spop (v2sf);
	(v2sf) =	vpush v37, $0xF;
	v40, _, _ =	vpop (xrf2);
	v1 =	vadd.f32 v1, v2  }
0x2e1: {  	s1 =	sadd.f32 s1, s17;
	s19 =	spop (v2sf);
	(v2sf) =	vpush v40, $0xF;
	v0 =	vmul.f32 v0, v56;
	v2 =	vadd.f32 v39, v3  }
0x2e2: {  	s23 =	smov.u32 @p0 s0;
	s0 =	sadd.f32 s2, s22;
	(xrf2) =	vadd.scan.msk.f32 $0xffff, v1  }
0x2e3: {  	s7 =	simm.s32 @p1 $0x18;
	p1 =	sgt.f32 s1, s4;
	s2 =	smul.f32 s9, s16;
	v0 =	vadd.f32 v0, v2  }
0x2e4: {  	s6 =	simm.s32 @p3 $0x18;
	p3 =	sgt.f32 s0, s18;
	s12 =	smul.f32 s10, s16  }
0x2e5: {  	s4 =	smov.u32 @p1 s1;
	s1 =	sadd.f32 s2, s21;
	v1, _, _ =	vpop (xrf2);
	(xrf2) =	vadd.scan.msk.f32 $0xffff, v0  }
0x2e6: {  	s18 =	smov.u32 @p3 s0;
	s0 =	sadd.f32 s12, s17  }
0x2e7: {  	s5 =	simm.s32 @p4 $0x19;
	p4 =	sgt.f32 s1, s23;
	s15 =	smul.f32 s11, s16  }
0x2e8: {  	s5 =	simm.s32 @p2 $0x1A;
	p2 =	sgt.f32 s0, s4  }
0x2e9: {  	s23 =	smov.u32 @p4 s1;
	s1 =	sadd.f32 s15, s22;
	s24 =	spop (v2sf);
	(v2sf) =	vpush v1, $0xF;
	v0, _, _ =	vpop (xrf2)  }
0x2ea: {  	s2 =	smul.f32 s13, s16;
	s26 =	spop (v2sf);
	(v2sf) =	vpush v0, $0xF  }
0x2eb: {  	s15 =	rddreg [dreg:$0x13]  }
0x2ec: {  	s4 =	smov.u32 @p2 s0;
	s0 =	sadd.f32 s2, s21;
	v0, _, _ =	vpop (xrf2)  }
0x2ed: {  	s7 =	simm.s32 @p5 $0x19;
	s20 =	smul.f32 s19, s16;
	s28 =	spop (v2sf);
	(v2sf) =	vpush v0, $0xF  }
0x2ee: {  	s7 =	simm.s32 @p0 $0x1A;
	p0 =	sgt.f32 s1, s18;
	p5 =	sgt.f32 s0, s23  }
0x2ef: {  	s6 =	simm.s32 @p6 $0x19;
	s25 =	smul.f32 s24, s16;
	s29 =	spop (v2sf);
	v0, _, _ =	vpop (xrf2)  }
0x2f0: {  	s18 =	smov.u32 @p0 s1;
	s1 =	sadd.f32 s20, s17;
	s30 =	spop (v2sf);
	(v2sf) =	vpush v0, $0xF  }
0x2f1: {  	s6 =	simm.s32 @p1 $0x1A;
	s2 =	sadd.f32 s25, s22  }
0x2f2: {  	s23 =	smov.u32 @p5 s0;
	p6 =	sgt.f32 s1, s4;
	s0 =	smul.f32 s26, s16  }
0x2f3: {  	s5 =	simm.s32 @p3 $0x1B;
	s3 =	smul.f32 s28, s16;
	p1 =	sgt.f32 s2, s18  }
0x2f4: {  	s7 =	simm.s32 @p4 $0x1B;
	s4 =	smov.u32 @p6 s1;
	s0 =	sadd.f32 s0, s21  }
0x2f5: {  	s18 =	smov.u32 @p1 s2;
	s2 =	sadd.f32 s3, s17;
	s1 =	smul.f32 s29, s16  }
0x2f6: {  	s6 =	simm.s32 @p2 $0x1B;
	p4 =	sgt.f32 s0, s23;
	s31 =	smul.f32 s30, s16  }
0x2f7: {  	s5 =	simm.s32 @p0 $0x1C;
	p3 =	sgt.f32 s2, s4;
	s1 =	sadd.f32 s1, s22  }
0x2f8: {  	s23 =	smov.u32 @p4 s0;
	s0 =	sadd.f32 s31, s21;
	s3 =	spop (v2sf)  }
0x2f9: {  	s4 =	smov.u32 @p3 s2;
	s2 =	smul.f32 s3, s16;
	s9 =	spop (v2sf)  }
0x2fa: {  	s7 =	simm.s32 @p5 $0x1C;
	p0 =	sgt.f32 s0, s23;
	s10 =	smul.f32 s9, s16  }
0x2fb: {  	s5 =	simm.s32 @p1 $0x1D;
	p2 =	sgt.f32 s1, s18;
	s2 =	sadd.f32 s2, s17  }
0x2fc: {  	s23 =	smov.u32 @p0 s0;
	s0 =	sadd.f32 s10, s22;
	s11 =	spop (v2sf)  }
0x2fd: {  	s7 =	simm.s32 @p4 $0x1D;
	s18 =	smov.u32 @p2 s1;
	s1 =	smul.f32 s11, s16  }
0x2fe: {  	s7 =	simm.s32 @p0 $0x1E;
	p0 =	sgt.f32 s2, s4;
	p1 =	sgt.f32 s0, s18  }
0x2ff: {  	s6 =	simm.s32 @p6 $0x1C;
	s1 =	sadd.f32 s1, s21;
	s12 =	spop (v2sf)  }
0x300: {  	s6 =	simm.s32 @p3 $0x1D;
	s5 =	simm.s32 @p2 $0x1E;
	s3 =	smul.f32 s12, s16  }
0x301: {  	s4 =	smov.u32 @p0 s2;
	s5 =	simm.s32 @p1 $0x1F;
	p2 =	sgt.f32 s1, s23  }
0x302: {  	s6 =	simm.s32 @p0 $0x1E;
	s18 =	sshll.u32 s5, $0x7;
	s13 =	sadd.f32 s3, s17  }
0x303: {  	s1 =	sand.u32 $0x380, s18;
	s17 =	sadd.s32 s15, s5;
	s7 =	simm.s32 @p2 $0x1F  }
0x304: {  	s0 =	sshll.u32 s17, $0x8;
	p1 =	sgt.f32 s13, s4;
	s19 =	sadd.s32 s15, s7  }
0x305: {  	v42 =	vld [tilespmem:$0x1FE90];
	s0 =	sand.u32 $0x7FFFF800, s0;
	s21 =	sshll.u32 s7, $0x7;
	s20 =	sshll.u32 s19, $0x8  }
0x306: {  	v2 =	vld [tilespmem:$0x1FE80];
	s0 =	sor.u32 s1, s0;
	s2 =	sand.u32 $0x380, s21;
	s1 =	sand.u32 $0x7FFFF800, s20  }
0x307: {  	v44 =	vld [tilespmem:$0x1FEA0];
	s6 =	simm.s32 @p1 $0x1F;
	s1 =	sor.u32 s2, s1  }
0x308: {  	v0 =	vld [tilespmem:s0+$0x12180];
	s3 =	sadd.s32 s15, s6;
	s1 =	sadd.s32 $0x12180, s1  }
0x309: {  	s24 =	sshll.u32 s6, $0x7;
	s23 =	sshll.u32 s3, $0x8;
	v1 =	vld [tilespmem:s1+$0x40]  }
0x30a: {  	v46 =	vld [tilespmem:$0x1FEB0];
	s3 =	sand.u32 $0x380, s24;
	s2 =	sand.u32 $0x7FFFF800, s23  }
0x30b: {  	v57 =	vld [tilespmem:$0x1FF20];
	v2 =	vbroadcast v2, $0x0;
	s2 =	sor.u32 s3, s2  }
0x30c: {  	v51 =	vld [tilespmem:$0x1FEE0];
	s2 =	sadd.s32 $0x12180, s2  }
0x30d: {  	v5 =	vmul.f32 v2, v42;
	v7 =	vmul.f32 v2, v44;
	v3 =	vld [tilespmem:s2+$0x400]  }
0x30e: {  	v54 =	vld [tilespmem:$0x1FF00];
	v0 =	vmul.f32 s16, v0;
	v1 =	vmul.f32 s16, v1  }
0x30f: {  	v48 =	vld [tilespmem:$0x1FEC0];
	s0 =	sadd.s32 $0x12180, s0  }
0x310: {  	v41 =	vld [tilespmem:s0+$0x10];
	v0 =	vadd.f32 v0, v5;
	v1 =	vadd.f32 v1, v7  }
0x311: {  	v43 =	vld [tilespmem:s1+$0x50]  }
0x312: {  	v7 =	vmul.f32 v2, v46;
	v3 =	vmul.f32 s16, v3;
	v0 =	vadd.f32 v1, v0;
	v1 =	vld [tilespmem:$0x1FED0]  }
0x313: {  	v47 =	vld [tilespmem:s0+$0x20]  }
0x314: {  	v49 =	vld [tilespmem:s1+$0x60];
	v3 =	vadd.f32 v3, v7  }
0x315: {  	v45 =	vld [tilespmem:s2+$0x410]  }
0x316: {  	v9 =	vmul.f32 v2, v48;
	v4 =	vmul.f32 s16, v41;
	v0 =	vadd.f32 v3, v0;
	v3 =	vld [tilespmem:$0x1FEF0]  }
0x317: {  	v58 =	vld [tilespmem:$0x1FF30];
	v6 =	vmul.f32 s16, v43;
	v1 =	vmul.f32 v2, v1  }
0x318: {  	v52 =	vld [tilespmem:s0+$0x30];
	v8 =	vmul.f32 s16, v47  }
0x319: {  	v53 =	vld [tilespmem:s1+$0x70];
	v4 =	vadd.f32 v4, v9;
	v10 =	vmul.f32 s16, v49;
	v1 =	vadd.f32 v6, v1  }
0x31a: {  	v56 =	vld [tilespmem:$0x1FF10];
	v5 =	vmul.f32 s16, v45;
	v6 =	vmul.f32 v2, v51  }
0x31b: {  	v55 =	vld [tilespmem:s2+$0x430];
	v3 =	vmul.f32 v2, v3;
	v1 =	vadd.f32 v1, v4;
	v4 =	vmul.f32 v2, v54  }
0x31c: {  	v60 =	vld [tilespmem:$0x1FF40];
	v5 =	vadd.f32 v5, v6  }
0x31d: {  	v50 =	vld [tilespmem:s2+$0x420];
	v3 =	vadd.f32 v8, v3;
	v4 =	vadd.f32 v10, v4  }
0x31e: {  	v9 =	vmul.f32 s16, v52;
	v59 =	vmul.f32 s16, v53;
	v1 =	vadd.f32 v5, v1  }
0x31f: {  	v62 =	vld [tilespmem:$0x1FF60];
	v5 =	vmul.f32 v2, v57;
	v3 =	vadd.f32 v4, v3;
	v4 =	vmul.f32 v2, v58  }
0x320: {  	v61 =	vld [tilespmem:$0x1FF50];
	v6 =	vmul.f32 s16, v55;
	v8 =	vmul.f32 v2, v56  }
0x321: {  	v5 =	vadd.f32 v9, v5;
	v2 =	vmul.f32 v2, v60;
	v4 =	vadd.f32 v59, v4  }
0x322: {  	v7 =	vmul.f32 s16, v50;
	v1 =	vmul.f32 $3.333333430e-01, v1  }
0x323: {  	v0 =	vmul.f32 $3.333333430e-01, v0;
	v2 =	vadd.f32 v6, v2;
	v4 =	vadd.f32 v4, v5  }
0x324: {  	v7 =	vadd.f32 v7, v8;
	v5 =	vmul.f32 v1, v62;
	v1 =	vmul.f32 v1, v1  }
0x325: {  	v63 =	vld [tilespmem:$0x1FF70];
	v2 =	vadd.f32 v2, v4;
	v4 =	vmul.f32 v0, v61;
	v0 =	vmul.f32 v0, v0  }
0x326: {  	v3 =	vadd.f32 v7, v3  }
0x327: {  	v0 =	vadd.f32 v1, v0;
	v1 =	vld [tilespmem:$0x1FF80]  }
0x328: {  	v3 =	vmul.f32 $3.333333430e-01, v3;
	_ =	sdelay $0x1  }
0x329: {  	v6 =	vmul.f32 v3, v63;
	v2 =	vmul.f32 $3.333333430e-01, v2;
	v4 =	vadd.f32 v5, v4  }
0x32a: {  	v3 =	vmul.f32 v3, v3  }
0x32b: {  	v4 =	vadd.f32 v6, v4;
	v1 =	vmul.f32 v2, v1  }
0x32c: {  	v0 =	vadd.f32 v3, v0;
	v2 =	vmul.f32 v2, v2  }
0x32d: {  	v1 =	vadd.f32 v1, v4  }
0x32e: {  	v0 =	vadd.f32 v2, v0  }
0x32f: {  	(xrf2) =	vadd.scan.msk.f32 $0xffff, v1  }
0x330: {  	(xrf2) =	vadd.scan.msk.f32 $0xffff, v0;
	_ =	sdelay $0x8  }
0x331: {  	v0, _, _ =	vpop (xrf2)  }
0x332: {  	v1, _, _ =	vpop (xrf2)  }
0x333: {  	(v2sf) =	vpush v1, $0xF;
	_ =	sdelay $0x2  }
0x334: {  	s26 =	rddreg [dreg:$0x12]  }
0x335: {  	s28 =	sand.u32 $0xF, s26;
	v2 =	vld [tilespmem:$0x1FF90]  }
0x336: {  	v3 =	vlaneseq.u32;
	v1 =	vmov s28  }
0x337: {  	vm1 =	veq.s32 v1, v3;
	v3 =	vld [tilespmem:$0x1FFB0]  }
0x338: {  	v1 =	vld [tilespmem:$0x1FFA0];
	_ =	sdelay $0x1  }
0x339: {  	v2 =	vbroadcast v2, $0xF  }
0x33a: {  	v0 =	vbroadcast v0, $0xF  }
0x33b: {  	v3 =	vsel vm1, v2, v3  }
0x33c: {  	s29 =	rddreg [dreg:$0x14];
	v1 =	vsel vm1, v0, v1;
	v0 =	vld [tilespmem:$0x1FFC0];
	[tilespmem:$0x1FFB0] =	vst v3  }
0x33d: {  	s30 =	rddreg [dreg:$0x15];
	v2 =	vld [tilespmem:$0x1FFB0]  }
0x33e: {  	s1 =	sadd.f32 s30, s29  }
0x33f: {  	s31 =	spop (v2sf)  }
0x340: {  	s1 =	sadd.f32 s31, s1  }
0x341: {  	p0 =	sne.s32 s28, $0xF;
	s0 =	rddreg [dreg:$0xe]  }
0x342: {  	[tilespmem:s0+$0x0] =	vst @!p0 v2;
	v0 =	vsel vm1, s1, v0;
	s1 =	rddreg [dreg:$0xf]  }
0x343: {  	s3 =	sadd.s32 $0x1, s26;
	s2 =	rddreg [dreg:$0x10];
	[tilespmem:s1+$0x0] =	vst @!p0 v1  }
0x344: {  	[tilespmem:s2+$0x0] =	vst @!p0 v0;
	p0 =	sne.s32 s3, $0x80  }
.Ltmp0:
0x345: {  	_ = 	snop;
	(pc) =	sbr.rel @p0 .LBB2_2-.Ltmp0, $4  }
0x346: {  	s25 =	rddreg [dreg:$0xd]  }
0x347: {  	s22 =	rddreg [dreg:$0x11]  }
0x348: {  	s8 =	sadd.s32 $0x80, s8;
	s7 =	sadd.s32 $0x100, s22;
	s6 =	sadd.s32 $0x1, s25  }
0x349: {  	s0 =	sadd.s32 $0x1, s0;
	s1 =	sadd.s32 $0x1, s1;
	s2 =	sadd.s32 $0x1, s2  }
0x34a: {  	s8 =	simm.s32 $0x0;
	s0 =	rddreg [dreg:$0x8];
	s1 =	simm.s32 $0x1A180  }
0x34b: {  	[hbm4b:s0+s8] =	stream.linear.scatter [tilespmem:s1], [sflag:$0x5], $0x80, $0x38;
	[tilespmem:$0x1A300] =	vst v63  }
0x34c: {  	s1 =	simm.s32 $0x5  }
0x34d: {  	_ =	swait.ge [sflag:s1], $0x80  }
0x34e: {  	[sflag:s1] =	ssyncset.done $0x0  }
0x34f: {  	s2 =	simm.s32 $0x1A200;
	s26 =	rddreg [dreg:$0x9];
	[sflag:s1] =	ssyncadd.s32 $0xFFFFFF80  }
0x350: {  	[hbm4b:s26+s8] =	stream.linear.scatter [tilespmem:s2], [sflag:$0x5], $0x80, $0x38;
	[tilespmem:$0x1A300] =	vst v63  }
0x351: {  	_ =	swait.ge [sflag:s1], $0x80  }
0x352: {  	[sflag:s1] =	ssyncset.done $0x0  }
0x353: {  	s29 =	simm.s32 $0x1A280;
	s28 =	rddreg [dreg:$0xa];
	[sflag:s1] =	ssyncadd.s32 $0xFFFFFF80  }
0x354: {  	[hbm4b:s28+s8] =	stream.linear.scatter [tilespmem:s29], [sflag:$0x5], $0x80, $0x38;
	[tilespmem:$0x1A300] =	vst v63  }
0x355: {  	_ =	swait.ge [sflag:s1], $0x80  }
0x356: {  	s30 =	rddreg [dreg:$0xc]  }
0x357: {  	s31 =	rddreg [dreg:$0xb];
	s2 =	sadd.s32 $0x1, s30  }
0x358: {  	p0 =	sne.s32 s2, s31  }
.Ltmp1:
0x359: {  	_ = 	snop;
	(pc) =	sbr.rel @p0 .LBB2_1-.Ltmp1, $3  }
0x35a: {  	_ =	sdelay $0x1  }
0x35b: {  	[sflag:s1] =	ssyncset.done $0x0  }
0x35c: {  	[sflag:s1] =	ssyncadd.s32 $0xFFFFFF80  }
0x35d: {  	_ =	sfence.sel $0x180000  }
0x35e: {  	[bflag:$0x0] =	sbarrier.arrive $0xFFFF  }
0x35f: {  	_ =	strace $0x9000004A  }
0x360: {  	s0 =	stileid.u32;
	[bflag:$0x2] =	sbarrier.arrive $0xFFFF  }
0x361: {  	p0 =	sne.s32 s0, $0x0;
	s0 =	rddreg [dreg:$0x3]  }
0x362: {  	s0 =	sadd.s32 @!p0 $0x100000, s0  }
0x363: {  	[sflag:s0] =	ssyncadd.tile.s32 @!p0 $0x1;
	_ =	shalt  }
.Lfunc_end2:
_tile_overlayer_lowered:
.L_overlay_start_2:
0x364: {  	(tag) =	ssettag $0x2  }
0x365: {  	s0 =	rddreg [dreg:$0x0];
	s2 =	stileid.u32  }
0x366: {  	s1 =	rddreg [dreg:$0x1];
	p0 =	sne.s32 s2, $0x0  }
0x367: {  	s3 =	rddreg [dreg:$0x2];
	[bflag:$0x3] =	sbarrier.arrive $0xFFFF;
	s2 =	simm.s32 @!p0 $0x1C05  }
0x368: {  	[timem:s3], [sflag:s2] =	dma.local @!p0 [hbm:s0], s1  }
0x369: {  	s0 =	simm.s32 @!p0 $0x5  }
0x36a: {  	_ =	swait.ge @!p0 [sflag:s0], s1  }
0x36b: {  	s1 =	ssub.s32 @!p0 $0x0, s1;
	[sflag:s0] =	ssyncset.done @!p0 $0x0  }
0x36c: {  	[sflag:s0] =	ssyncadd.s32 @!p0 s1  }
0x36d: {  	[bflag:$0x3] =	sbarrier.arrive $0xFFFF  }
0x36e: {  	_ =	shalt  }

</sc_bundles>
